<compile_context>
chip_gen: v7x
topology: tpu7x:2x2x1
jax: 0.10.2.dev20260603
libtpu: 0.0.44.dev20260713+nightly
codegen_flags: <defaults>
</compile_context>

<pallas_src>
import functools

import jax
import jax.numpy as jnp
from jax import lax
from jax.experimental import pallas as pl
from jax.experimental.pallas import tpu as pltpu
from jax.experimental.pallas import tpu_sc as plsc

NC, NS = 2, 16
NW = NC * NS

V = 1000000
E = 64
B, H = 4096, 200
VT2 = 3906
BPW = 123
RROWS = 500032
U2 = (H * 16)
UPW = U2 // NW


def _wid():
    return lax.axis_index("s") * NC + lax.axis_index("c")


def _mesh():
    return plsc.VectorSubcoreMesh(
        core_axis_name="c", subcore_axis_name="s", num_cores=NC, num_subcores=NS
    )


@functools.partial(
    pl.kernel,
    out_type=jax.ShapeDtypeStruct((RROWS, 128), jnp.float32),
    mesh=_mesh(),
    compiler_params=pltpu.CompilerParams(
        use_tc_tiling_on_sc=True, needs_layout_passes=False
    ),
    scratch_types=[
        pltpu.VMEM((2, 64, 256), jnp.float32),
        pltpu.VMEM((2, 128, 128), jnp.float32),
        pltpu.VMEM((64, 64), jnp.float32),
        pltpu.SemaphoreType.DMA((2,)),
        pltpu.SemaphoreType.DMA((2,)),
    ],
)
def _transpose_sc(tT, r_out, src_v, dst_v, tail_v, rsem, wsem):
    wid = _wid()
    lo = wid * BPW
    hi = jnp.minimum(lo + BPW, VT2)

    iot = lax.iota(jnp.int32, 16)

    def read(tc, p):
        pltpu.async_copy(tT.at[:, pl.ds(tc * 256, 256)], src_v.at[p], rsem.at[p])

    def wait_read(p):
        pltpu.make_async_copy(tT.at[:, pl.ds(0, 256)], src_v.at[p], rsem.at[p]).wait()

    def write(tc, p):
        pltpu.async_copy(dst_v.at[p], r_out.at[pl.ds(tc * 128, 128)], wsem.at[p])

    def wait_write(p):
        pltpu.make_async_copy(
            r_out.at[pl.ds(0, 128)], dst_v.at[p], wsem.at[p]
        ).wait()

    read(lo, 0)
    read(lo + 1, 1)

    @pl.loop(lo, hi)
    def _(tc):
        i = tc - lo
        p = i & 1
        wait_read(p)

        @pl.when(i >= 2)
        def _():
            wait_write(p)

        @plsc.parallel_loop(0, 64, unroll=8)
        def _(e0):
            ev = (e0 + iot) & 63
            for kc in range(16):
                cv = iot + kc * 16
                vals = plsc.load_gather(src_v.at[p], [ev, cv])
                plsc.store_scatter(
                    dst_v.at[p],
                    [lax.shift_right_logical(cv, 1), (cv & 1) * 64 + ev],
                    vals,
                )

        @pl.when(tc + 2 < hi)
        def _():
            read(tc + 2, p)

        write(tc, p)

    n = hi - lo
    wait_write(n & 1)
    wait_write((n + 1) & 1)

    @pl.when(wid == NW - 1)
    def _():
        pltpu.sync_copy(tT.at[:, pl.ds(VT2 * 256, 64)], tail_v)

        @plsc.parallel_loop(0, 64, unroll=8)
        def _(e0):
            ev = (e0 + iot) & 63
            for kc in range(4):
                cv = iot + kc * 16
                vals = plsc.load_gather(tail_v, [ev, cv])
                plsc.store_scatter(
                    dst_v.at[0],
                    [lax.shift_right_logical(cv, 1), (cv & 1) * 64 + ev],
                    vals,
                )

        pltpu.sync_copy(dst_v.at[0, pl.ds(0, 32)], r_out.at[pl.ds(VT2 * 128, 32)])


@functools.partial(
    pl.kernel,
    out_type=jax.ShapeDtypeStruct((H, 8, 32, 8, 128), jnp.float32),
    mesh=_mesh(),
    compiler_params=pltpu.CompilerParams(
        use_tc_tiling_on_sc=False, needs_layout_passes=False
    ),
    scratch_types=[
        pltpu.VMEM((2, 256), jnp.int32),
        pltpu.VMEM((2, 256, 64), jnp.float32),
        pltpu.VMEM((2, 8, 2, 8, 128), jnp.float32),
        pltpu.SemaphoreType.DMA((2,)),
        pltpu.SemaphoreType.DMA((2,)),
    ],
)
def _gather_sc(xT, r_in, out5, xbuf, gbuf, dst_v, gsem, osem):
    wid = _wid()
    base = wid * UPW

    iot = lax.iota(jnp.int32, 16)

    def xload(u):
        h = u // 16
        b2 = (u % 16) * 256
        pltpu.sync_copy(xT.at[h, pl.ds(b2, 256)], xbuf.at[u & 1])

    def gather(u):
        pltpu.async_copy(r_in.at[xbuf.at[u & 1]], gbuf.at[u & 1], gsem.at[u & 1])

    def wait_gather(p):
        pltpu.make_async_copy(r_in.at[pl.ds(0, 256)], gbuf.at[p], gsem.at[p]).wait()

    def owrite(u):
        h = u // 16
        btc = (u % 16) * 2
        pltpu.async_copy(
            dst_v.at[u & 1], out5.at[h, :, pl.ds(btc, 2)], osem.at[u & 1]
        )

    def wait_owrite(p):
        pltpu.make_async_copy(
            out5.at[0, :, pl.ds(0, 2)], dst_v.at[p], osem.at[p]
        ).wait()

    xload(base)
    gather(base)
    xload(base + 1)

    @pl.loop(base, base + UPW)
    def _(u):
        i = u - base
        p = i & 1

        @pl.when(i + 1 < UPW)
        def _():
            gather(u + 1)

        wait_gather(p)

        @pl.when(i >= 2)
        def _():
            wait_owrite(p)

        @plsc.parallel_loop(0, 64, unroll=8)
        def _(e0):
            ev = (e0 + iot) & 63
            d0 = lax.shift_right_logical(ev, 3)
            d2 = ev & 7
            for kc in range(16):
                cv = iot + kc * 16
                vals = plsc.load_gather(gbuf.at[p], [cv, ev])
                plsc.store_scatter(
                    dst_v.at[p],
                    [d0, lax.shift_right_logical(cv, 7), d2, cv & 127],
                    vals,
                )

        @pl.when(i + 2 < UPW)
        def _():
            xload(u + 2)

        owrite(u)

    wait_owrite(UPW & 1)
    wait_owrite((UPW + 1) & 1)


def kernel(x, table):
    r = _transpose_sc(table.T)
    out5 = _gather_sc(x.T.astype(jnp.int32), r.reshape(1000064, 64))
    return out5.transpose(2, 4, 0, 1, 3).reshape(B, H, E)

# --- scband reference (transcript-rebuilt; emitter-appended) ---
"""Pipeline reference for scband-embedding-42502996361418 (READ-ONLY COPY).

The authoritative reference and input builder live on the scoring server;
editing this copy changes nothing except your own understanding.
"""

import jax, jax.numpy as jnp
import numpy as np

VOCAB = 1000000
EMBD = 64
BATCH = 4096
HIST = 200

def setup_inputs(seed: int = 0) -> dict:
    key = jax.random.key(seed)
    k1, k2 = jax.random.split(key)
    x = jax.random.randint(k1, (BATCH, HIST), 0, VOCAB, dtype=jnp.int64 if jax.config.jax_enable_x64 else jnp.int32)
    table = jax.random.normal(k2, (VOCAB, EMBD), dtype=jnp.float32) * 0.02
    return {"x": x, "table": table}

def reference(x, table):
    # nn.Embedding forward: gather rows of the embedding table
    return jnp.take(table, x, axis=0)

if __name__ == "__main__":
    import jax
    _d = setup_inputs()
    print(jax.jit(kernel)(*tuple(_d.values())))

</pallas_src>

<mosaic_0001>
#map = affine_map<(d0, d1) -> (0, 0)>
module attributes {stable_mosaic.version = 14 : i64} {
  func.func @_transpose_sc(%arg0: i32, %arg1: i32, %arg2: memref<64x1000000xf32, #tpu.memory_space<hbm>>, %arg3: memref<500032x128xf32, #tpu.memory_space<hbm>>, %arg4: memref<2x64x256xf32, #tpu.memory_space<vmem>>, %arg5: memref<2x128x128xf32, #tpu.memory_space<vmem>>, %arg6: memref<64x64xf32, #tpu.memory_space<vmem>>, %arg7: memref<2x!tpu.dma_semaphore, #tpu.memory_space<semaphore_mem>>, %arg8: memref<2x!tpu.dma_semaphore, #tpu.memory_space<semaphore_mem>>) attributes {dimension_semantics = [#tpu.dimension_semantics<core_parallel>, #tpu.dimension_semantics<subcore_parallel>], iteration_bounds = array<i64: 2, 16>, scalar_prefetch = 0 : i64, scratch_operands = 5 : i64, tpu.core_type = #tpu.core_type<sc_vector_subcore>, window_params = [{transform_indices = #map}, {transform_indices = #map}]} {
    %mul3A = arith.constant 2 : i32
    %mul3A_0 = arith.muli %arg1, %mul3A : i32
    %add3A = arith.addi %mul3A_0, %arg0 : i32
    %mul3A_1 = arith.constant 123 : i32
    %mul3A_2 = arith.muli %add3A, %mul3A_1 : i32
    %add3A_3 = arith.constant 123 : i32
    %add3A_4 = arith.addi %mul3A_2, %add3A_3 : i32
    %min3A = arith.constant 3906 : i32
    %min3A_5 = arith.minsi %add3A_4, %min3A : i32
    %iota3A = tpu.iota {dimensions = array<i32: 0>} : vector<16xi32>
    %mul3A_6 = arith.constant 256 : i32
    %mul3A_7 = arith.muli %mul3A_2, %mul3A_6 : i32
    %dma_start3A = arith.constant 0 : i32
    %dma_start3A_8 = arith.constant 0 : i32
    %dma_start3A_9 = arith.constant 0 : i32
    %dma_start3A_10 = arith.constant 0 : i32
    %dma_start3A_11 = tpu.memref_slice %arg4[%dma_start3A, %dma_start3A_9, %dma_start3A_10] : memref<2x64x256xf32, #tpu.memory_space<vmem>> -> memref<1x64x256xf32, #tpu.memory_space<vmem>>
    %dma_start3A_12 = tpu.memref_squeeze %dma_start3A_11 : memref<1x64x256xf32, #tpu.memory_space<vmem>> -> memref<64x256xf32, #tpu.memory_space<vmem>>
    %dma_start3A_13 = arith.constant 0 : i32
    %dma_start3A_14 = tpu.memref_slice %arg2[%dma_start3A_13, %mul3A_7] : memref<64x1000000xf32, #tpu.memory_space<hbm>> -> memref<64x256xf32, #tpu.memory_space<hbm>>
    %dma_start3A_15 = tpu.memref_slice %arg7[%dma_start3A_8] : memref<2x!tpu.dma_semaphore, #tpu.memory_space<semaphore_mem>> -> memref<1x!tpu.dma_semaphore, #tpu.memory_space<semaphore_mem>>
    %dma_start3A_16 = tpu.memref_squeeze %dma_start3A_15 : memref<1x!tpu.dma_semaphore, #tpu.memory_space<semaphore_mem>> -> memref<!tpu.dma_semaphore, #tpu.memory_space<semaphore_mem>>
    %dma_start3A_17 = arith.constant 0 : i32
    %dma_start3A_18 = arith.constant 0 : i32
    %dma_start3A_19 = tpu.memref_slice %arg4[%dma_start3A, %dma_start3A_17, %dma_start3A_18] : memref<2x64x256xf32, #tpu.memory_space<vmem>> -> memref<1x64x256xf32, #tpu.memory_space<vmem>>
    %dma_start3A_20 = tpu.memref_squeeze %dma_start3A_19 : memref<1x64x256xf32, #tpu.memory_space<vmem>> -> memref<64x256xf32, #tpu.memory_space<vmem>>
    %dma_start3A_21 = arith.constant 0 : i32
    %dma_start3A_22 = tpu.memref_slice %arg2[%dma_start3A_21, %mul3A_7] : memref<64x1000000xf32, #tpu.memory_space<hbm>> -> memref<64x256xf32, #tpu.memory_space<hbm>>
    tpu.enqueue_dma source(%dma_start3A_22 : memref<64x256xf32, #tpu.memory_space<hbm>>) target(%dma_start3A_20 : memref<64x256xf32, #tpu.memory_space<vmem>>) target_semaphore(%dma_start3A_16 : memref<!tpu.dma_semaphore, #tpu.memory_space<semaphore_mem>>)
    %add3A_23 = arith.constant 1 : i32
    %add3A_24 = arith.addi %mul3A_2, %add3A_23 : i32
    %mul3A_25 = arith.constant 256 : i32
    %mul3A_26 = arith.muli %add3A_24, %mul3A_25 : i32
    %dma_start3A_27 = arith.constant 1 : i32
    %dma_start3A_28 = arith.constant 1 : i32
    %dma_start3A_29 = arith.constant 0 : i32
    %dma_start3A_30 = arith.constant 0 : i32
    %dma_start3A_31 = tpu.memref_slice %arg4[%dma_start3A_27, %dma_start3A_29, %dma_start3A_30] : memref<2x64x256xf32, #tpu.memory_space<vmem>> -> memref<1x64x256xf32, #tpu.memory_space<vmem>>
    %dma_start3A_32 = tpu.memref_squeeze %dma_start3A_31 : memref<1x64x256xf32, #tpu.memory_space<vmem>> -> memref<64x256xf32, #tpu.memory_space<vmem>>
    %dma_start3A_33 = arith.constant 0 : i32
    %dma_start3A_34 = tpu.memref_slice %arg2[%dma_start3A_33, %mul3A_26] : memref<64x1000000xf32, #tpu.memory_space<hbm>> -> memref<64x256xf32, #tpu.memory_space<hbm>>
    %dma_start3A_35 = tpu.memref_slice %arg7[%dma_start3A_28] : memref<2x!tpu.dma_semaphore, #tpu.memory_space<semaphore_mem>> -> memref<1x!tpu.dma_semaphore, #tpu.memory_space<semaphore_mem>>
    %dma_start3A_36 = tpu.memref_squeeze %dma_start3A_35 : memref<1x!tpu.dma_semaphore, #tpu.memory_space<semaphore_mem>> -> memref<!tpu.dma_semaphore, #tpu.memory_space<semaphore_mem>>
    %dma_start3A_37 = arith.constant 0 : i32
    %dma_start3A_38 = arith.constant 0 : i32
    %dma_start3A_39 = tpu.memref_slice %arg4[%dma_start3A_27, %dma_start3A_37, %dma_start3A_38] : memref<2x64x256xf32, #tpu.memory_space<vmem>> -> memref<1x64x256xf32, #tpu.memory_space<vmem>>
    %dma_start3A_40 = tpu.memref_squeeze %dma_start3A_39 : memref<1x64x256xf32, #tpu.memory_space<vmem>> -> memref<64x256xf32, #tpu.memory_space<vmem>>
    %dma_start3A_41 = arith.constant 0 : i32
    %dma_start3A_42 = tpu.memref_slice %arg2[%dma_start3A_41, %mul3A_26] : memref<64x1000000xf32, #tpu.memory_space<hbm>> -> memref<64x256xf32, #tpu.memory_space<hbm>>
    tpu.enqueue_dma source(%dma_start3A_42 : memref<64x256xf32, #tpu.memory_space<hbm>>) target(%dma_start3A_40 : memref<64x256xf32, #tpu.memory_space<vmem>>) target_semaphore(%dma_start3A_36 : memref<!tpu.dma_semaphore, #tpu.memory_space<semaphore_mem>>)
    %sub3A = arith.subi %min3A_5, %mul3A_2 : i32
    %sub3A_43 = arith.constant 1 : i32
    %sub3A_44 = arith.constant 1 : i32
    %sub3A_45 = arith.subi %sub3A_43, %sub3A_44 : i32
    %add3A_46 = arith.addi %sub3A, %sub3A_45 : i32
    %div3A = arith.constant 1 : i32
    %div3A_47 = arith.divsi %add3A_46, %div3A : i32
    %while3A = arith.constant 1 : i32
    %while3A_48 = arith.constant 0 : i32
    %while3A_49 = arith.subi %div3A_47, %while3A_48 : i32
    %while3A_50 = arith.addi %while3A_48, %while3A_49 : i32
    %while3A_51 = arith.constant 1 : i32
    %while3A_52 = arith.divsi %while3A_49, %while3A_51 : i32
    %while3A_53 = arith.muli %while3A_52, %while3A_51 : i32
    %while3A_54 = arith.addi %while3A_48, %while3A_53 : i32
    %while3A_55 = arith.constant 1 : i32
    scf.for %while3A_96 = %while3A_48 to %while3A_54 step %while3A_55  : i32 {
      %mul3A_97 = arith.muli %while3A_96, %while3A : i32
      %add3A_98 = arith.addi %mul3A_2, %mul3A_97 : i32
      %sub3A_99 = arith.subi %add3A_98, %mul3A_2 : i32
      %and3A_100 = arith.constant 1 : i32
      %and3A_101 = arith.andi %sub3A_99, %and3A_100 : i32
      %dma_wait3A_102 = arith.constant 0 : i32
      %dma_wait3A_103 = arith.constant 0 : i32
      %dma_wait3A_104 = tpu.memref_slice %arg4[%and3A_101, %dma_wait3A_102, %dma_wait3A_103] : memref<2x64x256xf32, #tpu.memory_space<vmem>> -> memref<1x64x256xf32, #tpu.memory_space<vmem>>
      %dma_wait3A_105 = tpu.memref_squeeze %dma_wait3A_104 : memref<1x64x256xf32, #tpu.memory_space<vmem>> -> memref<64x256xf32, #tpu.memory_space<vmem>>
      %dma_wait3A_106 = arith.constant 0 : i32
      %dma_wait3A_107 = arith.constant 0 : i32
      %dma_wait3A_108 = tpu.memref_slice %arg2[%dma_wait3A_106, %dma_wait3A_107] : memref<64x1000000xf32, #tpu.memory_space<hbm>> -> memref<64x256xf32, #tpu.memory_space<hbm>>
      %dma_wait3A_109 = tpu.memref_slice %arg7[%and3A_101] : memref<2x!tpu.dma_semaphore, #tpu.memory_space<semaphore_mem>> -> memref<1x!tpu.dma_semaphore, #tpu.memory_space<semaphore_mem>>
      %dma_wait3A_110 = tpu.memref_squeeze %dma_wait3A_109 : memref<1x!tpu.dma_semaphore, #tpu.memory_space<semaphore_mem>> -> memref<!tpu.dma_semaphore, #tpu.memory_space<semaphore_mem>>
      %dma_wait3A_111 = arith.constant 0 : i32
      %dma_wait3A_112 = arith.constant 0 : i32
      %dma_wait3A_113 = tpu.memref_slice %arg4[%and3A_101, %dma_wait3A_111, %dma_wait3A_112] : memref<2x64x256xf32, #tpu.memory_space<vmem>> -> memref<1x64x256xf32, #tpu.memory_space<vmem>>
      %dma_wait3A_114 = tpu.memref_squeeze %dma_wait3A_113 : memref<1x64x256xf32, #tpu.memory_space<vmem>> -> memref<64x256xf32, #tpu.memory_space<vmem>>
      %dma_wait3A_115 = arith.constant 0 : i32
      %dma_wait3A_116 = arith.constant 0 : i32
      %dma_wait3A_117 = tpu.memref_slice %arg2[%dma_wait3A_115, %dma_wait3A_116] : memref<64x1000000xf32, #tpu.memory_space<hbm>> -> memref<64x256xf32, #tpu.memory_space<hbm>>
      tpu.wait_dma2 semaphore(%dma_wait3A_110 : memref<!tpu.dma_semaphore, #tpu.memory_space<semaphore_mem>>) src(%dma_wait3A_117 : memref<64x256xf32, #tpu.memory_space<hbm>>) dst(%dma_wait3A_114 : memref<64x256xf32, #tpu.memory_space<vmem>>)
      %ge3A = arith.constant 2 : i32
      %ge3A_118 = arith.cmpi sge, %sub3A_99, %ge3A : i32
      %convert_element_type3A_119 = arith.extui %ge3A_118 : i1 to i32
      %cond3A_120 = arith.constant 0 : i32
      %cond3A_121 = arith.cmpi ne, %convert_element_type3A_119, %cond3A_120 : i32
      scf.if %cond3A_121 {
        %dma_wait3A_145 = arith.constant 0 : i32
        %dma_wait3A_146 = arith.constant 0 : i32
        %dma_wait3A_147 = tpu.memref_slice %arg5[%and3A_101, %dma_wait3A_145, %dma_wait3A_146] : memref<2x128x128xf32, #tpu.memory_space<vmem>> -> memref<1x128x128xf32, #tpu.memory_space<vmem>>
        %dma_wait3A_148 = tpu.memref_squeeze %dma_wait3A_147 : memref<1x128x128xf32, #tpu.memory_space<vmem>> -> memref<128x128xf32, #tpu.memory_space<vmem>>
        %dma_wait3A_149 = arith.constant 0 : i32
        %dma_wait3A_150 = arith.constant 0 : i32
        %dma_wait3A_151 = tpu.memref_slice %arg3[%dma_wait3A_149, %dma_wait3A_150] : memref<500032x128xf32, #tpu.memory_space<hbm>> -> memref<128x128xf32, #tpu.memory_space<hbm>>
        %dma_wait3A_152 = tpu.memref_slice %arg8[%and3A_101] : memref<2x!tpu.dma_semaphore, #tpu.memory_space<semaphore_mem>> -> memref<1x!tpu.dma_semaphore, #tpu.memory_space<semaphore_mem>>
        %dma_wait3A_153 = tpu.memref_squeeze %dma_wait3A_152 : memref<1x!tpu.dma_semaphore, #tpu.memory_space<semaphore_mem>> -> memref<!tpu.dma_semaphore, #tpu.memory_space<semaphore_mem>>
        %dma_wait3A_154 = arith.constant 0 : i32
        %dma_wait3A_155 = arith.constant 0 : i32
        %dma_wait3A_156 = tpu.memref_slice %arg5[%and3A_101, %dma_wait3A_154, %dma_wait3A_155] : memref<2x128x128xf32, #tpu.memory_space<vmem>> -> memref<1x128x128xf32, #tpu.memory_space<vmem>>
        %dma_wait3A_157 = tpu.memref_squeeze %dma_wait3A_156 : memref<1x128x128xf32, #tpu.memory_space<vmem>> -> memref<128x128xf32, #tpu.memory_space<vmem>>
        %dma_wait3A_158 = arith.constant 0 : i32
        %dma_wait3A_159 = arith.constant 0 : i32
        %dma_wait3A_160 = tpu.memref_slice %arg3[%dma_wait3A_158, %dma_wait3A_159] : memref<500032x128xf32, #tpu.memory_space<hbm>> -> memref<128x128xf32, #tpu.memory_space<hbm>>
        tpu.wait_dma2 semaphore(%dma_wait3A_153 : memref<!tpu.dma_semaphore, #tpu.memory_space<semaphore_mem>>) src(%dma_wait3A_160 : memref<128x128xf32, #tpu.memory_space<hbm>>) dst(%dma_wait3A_157 : memref<128x128xf32, #tpu.memory_space<vmem>>)
      } else {
      }
      %parallel_loop3A = arith.constant 0 : i32
      %parallel_loop3A_122 = arith.constant 64 : i32
      %parallel_loop3A_123 = arith.constant 1 : i32
      scf.for %parallel_loop3A_145 = %parallel_loop3A to %parallel_loop3A_122 step %parallel_loop3A_123  : i32 {
        %parallel_loop3A_146 = vector.broadcast %parallel_loop3A_145 : i32 to vector<16xi32>
        %parallel_loop3A_147 = arith.addi %parallel_loop3A_146, %iota3A : vector<16xi32>
        %parallel_loop3A_148 = arith.constant 63 : i32
        %parallel_loop3A_149 = vector.broadcast %parallel_loop3A_148 : i32 to vector<16xi32>
        %parallel_loop3A_150 = arith.andi %parallel_loop3A_147, %parallel_loop3A_149 : vector<16xi32>
        %parallel_loop3A_151 = arith.constant 0 : i32
        %parallel_loop3A_152 = vector.broadcast %parallel_loop3A_151 : i32 to vector<16xi32>
        %parallel_loop3A_153 = arith.addi %iota3A, %parallel_loop3A_152 : vector<16xi32>
        %parallel_loop3A_154 = arith.constant 0 : i32
        %parallel_loop3A_155 = arith.constant 0 : i32
        %parallel_loop3A_156 = tpu.memref_slice %arg4[%and3A_101, %parallel_loop3A_154, %parallel_loop3A_155] : memref<2x64x256xf32, #tpu.memory_space<vmem>> -> memref<1x64x256xf32, #tpu.memory_space<vmem>>
        %parallel_loop3A_157 = tpu.memref_squeeze %parallel_loop3A_156 : memref<1x64x256xf32, #tpu.memory_space<vmem>> -> memref<64x256xf32, #tpu.memory_space<vmem>>
        %parallel_loop3A_158 = tpu.vector_load_idx %parallel_loop3A_157[%parallel_loop3A_150, %parallel_loop3A_153] : memref<64x256xf32, #tpu.memory_space<vmem>>[vector<16xi32>, vector<16xi32>], vector<16xf32>,
        %parallel_loop3A_159 = arith.constant 1 : i32
        %parallel_loop3A_160 = vector.broadcast %parallel_loop3A_159 : i32 to vector<16xi32>
        %parallel_loop3A_161 = arith.shrui %parallel_loop3A_153, %parallel_loop3A_160 : vector<16xi32>
        %parallel_loop3A_162 = arith.constant 1 : i32
        %parallel_loop3A_163 = vector.broadcast %parallel_loop3A_162 : i32 to vector<16xi32>
        %parallel_loop3A_164 = arith.andi %parallel_loop3A_153, %parallel_loop3A_163 : vector<16xi32>
        %parallel_loop3A_165 = arith.constant 64 : i32
        %parallel_loop3A_166 = vector.broadcast %parallel_loop3A_165 : i32 to vector<16xi32>
        %parallel_loop3A_167 = arith.muli %parallel_loop3A_164, %parallel_loop3A_166 : vector<16xi32>
        %parallel_loop3A_168 = arith.addi %parallel_loop3A_167, %parallel_loop3A_150 : vector<16xi32>
        %parallel_loop3A_169 = arith.constant 0 : i32
        %parallel_loop3A_170 = arith.constant 0 : i32
        %parallel_loop3A_171 = tpu.memref_slice %arg5[%and3A_101, %parallel_loop3A_169, %parallel_loop3A_170] : memref<2x128x128xf32, #tpu.memory_space<vmem>> -> memref<1x128x128xf32, #tpu.memory_space<vmem>>
        %parallel_loop3A_172 = tpu.memref_squeeze %parallel_loop3A_171 : memref<1x128x128xf32, #tpu.memory_space<vmem>> -> memref<128x128xf32, #tpu.memory_space<vmem>>
        tpu.vector_store_idx %parallel_loop3A_172[%parallel_loop3A_161, %parallel_loop3A_168], %parallel_loop3A_158 : memref<128x128xf32, #tpu.memory_space<vmem>>[vector<16xi32>, vector<16xi32>], vector<16xf32>,
        %parallel_loop3A_173 = arith.constant 16 : i32
        %parallel_loop3A_174 = vector.broadcast %parallel_loop3A_173 : i32 to vector<16xi32>
        %parallel_loop3A_175 = arith.addi %iota3A, %parallel_loop3A_174 : vector<16xi32>
        %parallel_loop3A_176 = arith.constant 0 : i32
        %parallel_loop3A_177 = arith.constant 0 : i32
        %parallel_loop3A_178 = tpu.memref_slice %arg4[%and3A_101, %parallel_loop3A_176, %parallel_loop3A_177] : memref<2x64x256xf32, #tpu.memory_space<vmem>> -> memref<1x64x256xf32, #tpu.memory_space<vmem>>
        %parallel_loop3A_179 = tpu.memref_squeeze %parallel_loop3A_178 : memref<1x64x256xf32, #tpu.memory_space<vmem>> -> memref<64x256xf32, #tpu.memory_space<vmem>>
        %parallel_loop3A_180 = tpu.vector_load_idx %parallel_loop3A_179[%parallel_loop3A_150, %parallel_loop3A_175] : memref<64x256xf32, #tpu.memory_space<vmem>>[vector<16xi32>, vector<16xi32>], vector<16xf32>,
        %parallel_loop3A_181 = arith.constant 1 : i32
        %parallel_loop3A_182 = vector.broadcast %parallel_loop3A_181 : i32 to vector<16xi32>
        %parallel_loop3A_183 = arith.shrui %parallel_loop3A_175, %parallel_loop3A_182 : vector<16xi32>
        %parallel_loop3A_184 = arith.constant 1 : i32
        %parallel_loop3A_185 = vector.broadcast %parallel_loop3A_184 : i32 to vector<16xi32>
        %parallel_loop3A_186 = arith.andi %parallel_loop3A_175, %parallel_loop3A_185 : vector<16xi32>
        %parallel_loop3A_187 = arith.constant 64 : i32
        %parallel_loop3A_188 = vector.broadcast %parallel_loop3A_187 : i32 to vector<16xi32>
        %parallel_loop3A_189 = arith.muli %parallel_loop3A_186, %parallel_loop3A_188 : vector<16xi32>
        %parallel_loop3A_190 = arith.addi %parallel_loop3A_189, %parallel_loop3A_150 : vector<16xi32>
        %parallel_loop3A_191 = arith.constant 0 : i32
        %parallel_loop3A_192 = arith.constant 0 : i32
        %parallel_loop3A_193 = tpu.memref_slice %arg5[%and3A_101, %parallel_loop3A_191, %parallel_loop3A_192] : memref<2x128x128xf32, #tpu.memory_space<vmem>> -> memref<1x128x128xf32, #tpu.memory_space<vmem>>
        %parallel_loop3A_194 = tpu.memref_squeeze %parallel_loop3A_193 : memref<1x128x128xf32, #tpu.memory_space<vmem>> -> memref<128x128xf32, #tpu.memory_space<vmem>>
        tpu.vector_store_idx %parallel_loop3A_194[%parallel_loop3A_183, %parallel_loop3A_190], %parallel_loop3A_180 : memref<128x128xf32, #tpu.memory_space<vmem>>[vector<16xi32>, vector<16xi32>], vector<16xf32>,
        %parallel_loop3A_195 = arith.constant 32 : i32
        %parallel_loop3A_196 = vector.broadcast %parallel_loop3A_195 : i32 to vector<16xi32>
        %parallel_loop3A_197 = arith.addi %iota3A, %parallel_loop3A_196 : vector<16xi32>
        %parallel_loop3A_198 = arith.constant 0 : i32
        %parallel_loop3A_199 = arith.constant 0 : i32
        %parallel_loop3A_200 = tpu.memref_slice %arg4[%and3A_101, %parallel_loop3A_198, %parallel_loop3A_199] : memref<2x64x256xf32, #tpu.memory_space<vmem>> -> memref<1x64x256xf32, #tpu.memory_space<vmem>>
        %parallel_loop3A_201 = tpu.memref_squeeze %parallel_loop3A_200 : memref<1x64x256xf32, #tpu.memory_space<vmem>> -> memref<64x256xf32, #tpu.memory_space<vmem>>
        %parallel_loop3A_202 = tpu.vector_load_idx %parallel_loop3A_201[%parallel_loop3A_150, %parallel_loop3A_197] : memref<64x256xf32, #tpu.memory_space<vmem>>[vector<16xi32>, vector<16xi32>], vector<16xf32>,
        %parallel_loop3A_203 = arith.constant 1 : i32
        %parallel_loop3A_204 = vector.broadcast %parallel_loop3A_203 : i32 to vector<16xi32>
        %parallel_loop3A_205 = arith.shrui %parallel_loop3A_197, %parallel_loop3A_204 : vector<16xi32>
        %parallel_loop3A_206 = arith.constant 1 : i32
        %parallel_loop3A_207 = vector.broadcast %parallel_loop3A_206 : i32 to vector<16xi32>
        %parallel_loop3A_208 = arith.andi %parallel_loop3A_197, %parallel_loop3A_207 : vector<16xi32>
        %parallel_loop3A_209 = arith.constant 64 : i32
        %parallel_loop3A_210 = vector.broadcast %parallel_loop3A_209 : i32 to vector<16xi32>
        %parallel_loop3A_211 = arith.muli %parallel_loop3A_208, %parallel_loop3A_210 : vector<16xi32>
        %parallel_loop3A_212 = arith.addi %parallel_loop3A_211, %parallel_loop3A_150 : vector<16xi32>
        %parallel_loop3A_213 = arith.constant 0 : i32
        %parallel_loop3A_214 = arith.constant 0 : i32
        %parallel_loop3A_215 = tpu.memref_slice %arg5[%and3A_101, %parallel_loop3A_213, %parallel_loop3A_214] : memref<2x128x128xf32, #tpu.memory_space<vmem>> -> memref<1x128x128xf32, #tpu.memory_space<vmem>>
        %parallel_loop3A_216 = tpu.memref_squeeze %parallel_loop3A_215 : memref<1x128x128xf32, #tpu.memory_space<vmem>> -> memref<128x128xf32, #tpu.memory_space<vmem>>
        tpu.vector_store_idx %parallel_loop3A_216[%parallel_loop3A_205, %parallel_loop3A_212], %parallel_loop3A_202 : memref<128x128xf32, #tpu.memory_space<vmem>>[vector<16xi32>, vector<16xi32>], vector<16xf32>,
        %parallel_loop3A_217 = arith.constant 48 : i32
        %parallel_loop3A_218 = vector.broadcast %parallel_loop3A_217 : i32 to vector<16xi32>
        %parallel_loop3A_219 = arith.addi %iota3A, %parallel_loop3A_218 : vector<16xi32>
        %parallel_loop3A_220 = arith.constant 0 : i32
        %parallel_loop3A_221 = arith.constant 0 : i32
        %parallel_loop3A_222 = tpu.memref_slice %arg4[%and3A_101, %parallel_loop3A_220, %parallel_loop3A_221] : memref<2x64x256xf32, #tpu.memory_space<vmem>> -> memref<1x64x256xf32, #tpu.memory_space<vmem>>
        %parallel_loop3A_223 = tpu.memref_squeeze %parallel_loop3A_222 : memref<1x64x256xf32, #tpu.memory_space<vmem>> -> memref<64x256xf32, #tpu.memory_space<vmem>>
        %parallel_loop3A_224 = tpu.vector_load_idx %parallel_loop3A_223[%parallel_loop3A_150, %parallel_loop3A_219] : memref<64x256xf32, #tpu.memory_space<vmem>>[vector<16xi32>, vector<16xi32>], vector<16xf32>,
        %parallel_loop3A_225 = arith.constant 1 : i32
        %parallel_loop3A_226 = vector.broadcast %parallel_loop3A_225 : i32 to vector<16xi32>
        %parallel_loop3A_227 = arith.shrui %parallel_loop3A_219, %parallel_loop3A_226 : vector<16xi32>
        %parallel_loop3A_228 = arith.constant 1 : i32
        %parallel_loop3A_229 = vector.broadcast %parallel_loop3A_228 : i32 to vector<16xi32>
        %parallel_loop3A_230 = arith.andi %parallel_loop3A_219, %parallel_loop3A_229 : vector<16xi32>
        %parallel_loop3A_231 = arith.constant 64 : i32
        %parallel_loop3A_232 = vector.broadcast %parallel_loop3A_231 : i32 to vector<16xi32>
        %parallel_loop3A_233 = arith.muli %parallel_loop3A_230, %parallel_loop3A_232 : vector<16xi32>
        %parallel_loop3A_234 = arith.addi %parallel_loop3A_233, %parallel_loop3A_150 : vector<16xi32>
        %parallel_loop3A_235 = arith.constant 0 : i32
        %parallel_loop3A_236 = arith.constant 0 : i32
        %parallel_loop3A_237 = tpu.memref_slice %arg5[%and3A_101, %parallel_loop3A_235, %parallel_loop3A_236] : memref<2x128x128xf32, #tpu.memory_space<vmem>> -> memref<1x128x128xf32, #tpu.memory_space<vmem>>
        %parallel_loop3A_238 = tpu.memref_squeeze %parallel_loop3A_237 : memref<1x128x128xf32, #tpu.memory_space<vmem>> -> memref<128x128xf32, #tpu.memory_space<vmem>>
        tpu.vector_store_idx %parallel_loop3A_238[%parallel_loop3A_227, %parallel_loop3A_234], %parallel_loop3A_224 : memref<128x128xf32, #tpu.memory_space<vmem>>[vector<16xi32>, vector<16xi32>], vector<16xf32>,
        %parallel_loop3A_239 = arith.constant 64 : i32
        %parallel_loop3A_240 = vector.broadcast %parallel_loop3A_239 : i32 to vector<16xi32>
        %parallel_loop3A_241 = arith.addi %iota3A, %parallel_loop3A_240 : vector<16xi32>
        %parallel_loop3A_242 = arith.constant 0 : i32
        %parallel_loop3A_243 = arith.constant 0 : i32
        %parallel_loop3A_244 = tpu.memref_slice %arg4[%and3A_101, %parallel_loop3A_242, %parallel_loop3A_243] : memref<2x64x256xf32, #tpu.memory_space<vmem>> -> memref<1x64x256xf32, #tpu.memory_space<vmem>>
        %parallel_loop3A_245 = tpu.memref_squeeze %parallel_loop3A_244 : memref<1x64x256xf32, #tpu.memory_space<vmem>> -> memref<64x256xf32, #tpu.memory_space<vmem>>
        %parallel_loop3A_246 = tpu.vector_load_idx %parallel_loop3A_245[%parallel_loop3A_150, %parallel_loop3A_241] : memref<64x256xf32, #tpu.memory_space<vmem>>[vector<16xi32>, vector<16xi32>], vector<16xf32>,
        %parallel_loop3A_247 = arith.constant 1 : i32
        %parallel_loop3A_248 = vector.broadcast %parallel_loop3A_247 : i32 to vector<16xi32>
        %parallel_loop3A_249 = arith.shrui %parallel_loop3A_241, %parallel_loop3A_248 : vector<16xi32>
        %parallel_loop3A_250 = arith.constant 1 : i32
        %parallel_loop3A_251 = vector.broadcast %parallel_loop3A_250 : i32 to vector<16xi32>
        %parallel_loop3A_252 = arith.andi %parallel_loop3A_241, %parallel_loop3A_251 : vector<16xi32>
        %parallel_loop3A_253 = arith.constant 64 : i32
        %parallel_loop3A_254 = vector.broadcast %parallel_loop3A_253 : i32 to vector<16xi32>
        %parallel_loop3A_255 = arith.muli %parallel_loop3A_252, %parallel_loop3A_254 : vector<16xi32>
        %parallel_loop3A_256 = arith.addi %parallel_loop3A_255, %parallel_loop3A_150 : vector<16xi32>
        %parallel_loop3A_257 = arith.constant 0 : i32
        %parallel_loop3A_258 = arith.constant 0 : i32
        %parallel_loop3A_259 = tpu.memref_slice %arg5[%and3A_101, %parallel_loop3A_257, %parallel_loop3A_258] : memref<2x128x128xf32, #tpu.memory_space<vmem>> -> memref<1x128x128xf32, #tpu.memory_space<vmem>>
        %parallel_loop3A_260 = tpu.memref_squeeze %parallel_loop3A_259 : memref<1x128x128xf32, #tpu.memory_space<vmem>> -> memref<128x128xf32, #tpu.memory_space<vmem>>
        tpu.vector_store_idx %parallel_loop3A_260[%parallel_loop3A_249, %parallel_loop3A_256], %parallel_loop3A_246 : memref<128x128xf32, #tpu.memory_space<vmem>>[vector<16xi32>, vector<16xi32>], vector<16xf32>,
        %parallel_loop3A_261 = arith.constant 80 : i32
        %parallel_loop3A_262 = vector.broadcast %parallel_loop3A_261 : i32 to vector<16xi32>
        %parallel_loop3A_263 = arith.addi %iota3A, %parallel_loop3A_262 : vector<16xi32>
        %parallel_loop3A_264 = arith.constant 0 : i32
        %parallel_loop3A_265 = arith.constant 0 : i32
        %parallel_loop3A_266 = tpu.memref_slice %arg4[%and3A_101, %parallel_loop3A_264, %parallel_loop3A_265] : memref<2x64x256xf32, #tpu.memory_space<vmem>> -> memref<1x64x256xf32, #tpu.memory_space<vmem>>
        %parallel_loop3A_267 = tpu.memref_squeeze %parallel_loop3A_266 : memref<1x64x256xf32, #tpu.memory_space<vmem>> -> memref<64x256xf32, #tpu.memory_space<vmem>>
        %parallel_loop3A_268 = tpu.vector_load_idx %parallel_loop3A_267[%parallel_loop3A_150, %parallel_loop3A_263] : memref<64x256xf32, #tpu.memory_space<vmem>>[vector<16xi32>, vector<16xi32>], vector<16xf32>,
        %parallel_loop3A_269 = arith.constant 1 : i32
        %parallel_loop3A_270 = vector.broadcast %parallel_loop3A_269 : i32 to vector<16xi32>
        %parallel_loop3A_271 = arith.shrui %parallel_loop3A_263, %parallel_loop3A_270 : vector<16xi32>
        %parallel_loop3A_272 = arith.constant 1 : i32
        %parallel_loop3A_273 = vector.broadcast %parallel_loop3A_272 : i32 to vector<16xi32>
        %parallel_loop3A_274 = arith.andi %parallel_loop3A_263, %parallel_loop3A_273 : vector<16xi32>
        %parallel_loop3A_275 = arith.constant 64 : i32
        %parallel_loop3A_276 = vector.broadcast %parallel_loop3A_275 : i32 to vector<16xi32>
        %parallel_loop3A_277 = arith.muli %parallel_loop3A_274, %parallel_loop3A_276 : vector<16xi32>
        %parallel_loop3A_278 = arith.addi %parallel_loop3A_277, %parallel_loop3A_150 : vector<16xi32>
        %parallel_loop3A_279 = arith.constant 0 : i32
        %parallel_loop3A_280 = arith.constant 0 : i32
        %parallel_loop3A_281 = tpu.memref_slice %arg5[%and3A_101, %parallel_loop3A_279, %parallel_loop3A_280] : memref<2x128x128xf32, #tpu.memory_space<vmem>> -> memref<1x128x128xf32, #tpu.memory_space<vmem>>
        %parallel_loop3A_282 = tpu.memref_squeeze %parallel_loop3A_281 : memref<1x128x128xf32, #tpu.memory_space<vmem>> -> memref<128x128xf32, #tpu.memory_space<vmem>>
        tpu.vector_store_idx %parallel_loop3A_282[%parallel_loop3A_271, %parallel_loop3A_278], %parallel_loop3A_268 : memref<128x128xf32, #tpu.memory_space<vmem>>[vector<16xi32>, vector<16xi32>], vector<16xf32>,
        %parallel_loop3A_283 = arith.constant 96 : i32
        %parallel_loop3A_284 = vector.broadcast %parallel_loop3A_283 : i32 to vector<16xi32>
        %parallel_loop3A_285 = arith.addi %iota3A, %parallel_loop3A_284 : vector<16xi32>
        %parallel_loop3A_286 = arith.constant 0 : i32
        %parallel_loop3A_287 = arith.constant 0 : i32
        %parallel_loop3A_288 = tpu.memref_slice %arg4[%and3A_101, %parallel_loop3A_286, %parallel_loop3A_287] : memref<2x64x256xf32, #tpu.memory_space<vmem>> -> memref<1x64x256xf32, #tpu.memory_space<vmem>>
        %parallel_loop3A_289 = tpu.memref_squeeze %parallel_loop3A_288 : memref<1x64x256xf32, #tpu.memory_space<vmem>> -> memref<64x256xf32, #tpu.memory_space<vmem>>
        %parallel_loop3A_290 = tpu.vector_load_idx %parallel_loop3A_289[%parallel_loop3A_150, %parallel_loop3A_285] : memref<64x256xf32, #tpu.memory_space<vmem>>[vector<16xi32>, vector<16xi32>], vector<16xf32>,
        %parallel_loop3A_291 = arith.constant 1 : i32
        %parallel_loop3A_292 = vector.broadcast %parallel_loop3A_291 : i32 to vector<16xi32>
        %parallel_loop3A_293 = arith.shrui %parallel_loop3A_285, %parallel_loop3A_292 : vector<16xi32>
        %parallel_loop3A_294 = arith.constant 1 : i32
        %parallel_loop3A_295 = vector.broadcast %parallel_loop3A_294 : i32 to vector<16xi32>
        %parallel_loop3A_296 = arith.andi %parallel_loop3A_285, %parallel_loop3A_295 : vector<16xi32>
        %parallel_loop3A_297 = arith.constant 64 : i32
        %parallel_loop3A_298 = vector.broadcast %parallel_loop3A_297 : i32 to vector<16xi32>
        %parallel_loop3A_299 = arith.muli %parallel_loop3A_296, %parallel_loop3A_298 : vector<16xi32>
        %parallel_loop3A_300 = arith.addi %parallel_loop3A_299, %parallel_loop3A_150 : vector<16xi32>
        %parallel_loop3A_301 = arith.constant 0 : i32
        %parallel_loop3A_302 = arith.constant 0 : i32
        %parallel_loop3A_303 = tpu.memref_slice %arg5[%and3A_101, %parallel_loop3A_301, %parallel_loop3A_302] : memref<2x128x128xf32, #tpu.memory_space<vmem>> -> memref<1x128x128xf32, #tpu.memory_space<vmem>>
        %parallel_loop3A_304 = tpu.memref_squeeze %parallel_loop3A_303 : memref<1x128x128xf32, #tpu.memory_space<vmem>> -> memref<128x128xf32, #tpu.memory_space<vmem>>
        tpu.vector_store_idx %parallel_loop3A_304[%parallel_loop3A_293, %parallel_loop3A_300], %parallel_loop3A_290 : memref<128x128xf32, #tpu.memory_space<vmem>>[vector<16xi32>, vector<16xi32>], vector<16xf32>,
        %parallel_loop3A_305 = arith.constant 112 : i32
        %parallel_loop3A_306 = vector.broadcast %parallel_loop3A_305 : i32 to vector<16xi32>
        %parallel_loop3A_307 = arith.addi %iota3A, %parallel_loop3A_306 : vector<16xi32>
        %parallel_loop3A_308 = arith.constant 0 : i32
        %parallel_loop3A_309 = arith.constant 0 : i32
        %parallel_loop3A_310 = tpu.memref_slice %arg4[%and3A_101, %parallel_loop3A_308, %parallel_loop3A_309] : memref<2x64x256xf32, #tpu.memory_space<vmem>> -> memref<1x64x256xf32, #tpu.memory_space<vmem>>
        %parallel_loop3A_311 = tpu.memref_squeeze %parallel_loop3A_310 : memref<1x64x256xf32, #tpu.memory_space<vmem>> -> memref<64x256xf32, #tpu.memory_space<vmem>>
        %parallel_loop3A_312 = tpu.vector_load_idx %parallel_loop3A_311[%parallel_loop3A_150, %parallel_loop3A_307] : memref<64x256xf32, #tpu.memory_space<vmem>>[vector<16xi32>, vector<16xi32>], vector<16xf32>,
        %parallel_loop3A_313 = arith.constant 1 : i32
        %parallel_loop3A_314 = vector.broadcast %parallel_loop3A_313 : i32 to vector<16xi32>
        %parallel_loop3A_315 = arith.shrui %parallel_loop3A_307, %parallel_loop3A_314 : vector<16xi32>
        %parallel_loop3A_316 = arith.constant 1 : i32
        %parallel_loop3A_317 = vector.broadcast %parallel_loop3A_316 : i32 to vector<16xi32>
        %parallel_loop3A_318 = arith.andi %parallel_loop3A_307, %parallel_loop3A_317 : vector<16xi32>
        %parallel_loop3A_319 = arith.constant 64 : i32
        %parallel_loop3A_320 = vector.broadcast %parallel_loop3A_319 : i32 to vector<16xi32>
        %parallel_loop3A_321 = arith.muli %parallel_loop3A_318, %parallel_loop3A_320 : vector<16xi32>
        %parallel_loop3A_322 = arith.addi %parallel_loop3A_321, %parallel_loop3A_150 : vector<16xi32>
        %parallel_loop3A_323 = arith.constant 0 : i32
        %parallel_loop3A_324 = arith.constant 0 : i32
        %parallel_loop3A_325 = tpu.memref_slice %arg5[%and3A_101, %parallel_loop3A_323, %parallel_loop3A_324] : memref<2x128x128xf32, #tpu.memory_space<vmem>> -> memref<1x128x128xf32, #tpu.memory_space<vmem>>
        %parallel_loop3A_326 = tpu.memref_squeeze %parallel_loop3A_325 : memref<1x128x128xf32, #tpu.memory_space<vmem>> -> memref<128x128xf32, #tpu.memory_space<vmem>>
        tpu.vector_store_idx %parallel_loop3A_326[%parallel_loop3A_315, %parallel_loop3A_322], %parallel_loop3A_312 : memref<128x128xf32, #tpu.memory_space<vmem>>[vector<16xi32>, vector<16xi32>], vector<16xf32>,
        %parallel_loop3A_327 = arith.constant 128 : i32
        %parallel_loop3A_328 = vector.broadcast %parallel_loop3A_327 : i32 to vector<16xi32>
        %parallel_loop3A_329 = arith.addi %iota3A, %parallel_loop3A_328 : vector<16xi32>
        %parallel_loop3A_330 = arith.constant 0 : i32
        %parallel_loop3A_331 = arith.constant 0 : i32
        %parallel_loop3A_332 = tpu.memref_slice %arg4[%and3A_101, %parallel_loop3A_330, %parallel_loop3A_331] : memref<2x64x256xf32, #tpu.memory_space<vmem>> -> memref<1x64x256xf32, #tpu.memory_space<vmem>>
        %parallel_loop3A_333 = tpu.memref_squeeze %parallel_loop3A_332 : memref<1x64x256xf32, #tpu.memory_space<vmem>> -> memref<64x256xf32, #tpu.memory_space<vmem>>
        %parallel_loop3A_334 = tpu.vector_load_idx %parallel_loop3A_333[%parallel_loop3A_150, %parallel_loop3A_329] : memref<64x256xf32, #tpu.memory_space<vmem>>[vector<16xi32>, vector<16xi32>], vector<16xf32>,
        %parallel_loop3A_335 = arith.constant 1 : i32
        %parallel_loop3A_336 = vector.broadcast %parallel_loop3A_335 : i32 to vector<16xi32>
        %parallel_loop3A_337 = arith.shrui %parallel_loop3A_329, %parallel_loop3A_336 : vector<16xi32>
        %parallel_loop3A_338 = arith.constant 1 : i32
        %parallel_loop3A_339 = vector.broadcast %parallel_loop3A_338 : i32 to vector<16xi32>
        %parallel_loop3A_340 = arith.andi %parallel_loop3A_329, %parallel_loop3A_339 : vector<16xi32>
        %parallel_loop3A_341 = arith.constant 64 : i32
        %parallel_loop3A_342 = vector.broadcast %parallel_loop3A_341 : i32 to vector<16xi32>
        %parallel_loop3A_343 = arith.muli %parallel_loop3A_340, %parallel_loop3A_342 : vector<16xi32>
        %parallel_loop3A_344 = arith.addi %parallel_loop3A_343, %parallel_loop3A_150 : vector<16xi32>
        %parallel_loop3A_345 = arith.constant 0 : i32
        %parallel_loop3A_346 = arith.constant 0 : i32
        %parallel_loop3A_347 = tpu.memref_slice %arg5[%and3A_101, %parallel_loop3A_345, %parallel_loop3A_346] : memref<2x128x128xf32, #tpu.memory_space<vmem>> -> memref<1x128x128xf32, #tpu.memory_space<vmem>>
        %parallel_loop3A_348 = tpu.memref_squeeze %parallel_loop3A_347 : memref<1x128x128xf32, #tpu.memory_space<vmem>> -> memref<128x128xf32, #tpu.memory_space<vmem>>
        tpu.vector_store_idx %parallel_loop3A_348[%parallel_loop3A_337, %parallel_loop3A_344], %parallel_loop3A_334 : memref<128x128xf32, #tpu.memory_space<vmem>>[vector<16xi32>, vector<16xi32>], vector<16xf32>,
        %parallel_loop3A_349 = arith.constant 144 : i32
        %parallel_loop3A_350 = vector.broadcast %parallel_loop3A_349 : i32 to vector<16xi32>
        %parallel_loop3A_351 = arith.addi %iota3A, %parallel_loop3A_350 : vector<16xi32>
        %parallel_loop3A_352 = arith.constant 0 : i32
        %parallel_loop3A_353 = arith.constant 0 : i32
        %parallel_loop3A_354 = tpu.memref_slice %arg4[%and3A_101, %parallel_loop3A_352, %parallel_loop3A_353] : memref<2x64x256xf32, #tpu.memory_space<vmem>> -> memref<1x64x256xf32, #tpu.memory_space<vmem>>
        %parallel_loop3A_355 = tpu.memref_squeeze %parallel_loop3A_354 : memref<1x64x256xf32, #tpu.memory_space<vmem>> -> memref<64x256xf32, #tpu.memory_space<vmem>>
        %parallel_loop3A_356 = tpu.vector_load_idx %parallel_loop3A_355[%parallel_loop3A_150, %parallel_loop3A_351] : memref<64x256xf32, #tpu.memory_space<vmem>>[vector<16xi32>, vector<16xi32>], vector<16xf32>,
        %parallel_loop3A_357 = arith.constant 1 : i32
        %parallel_loop3A_358 = vector.broadcast %parallel_loop3A_357 : i32 to vector<16xi32>
        %parallel_loop3A_359 = arith.shrui %parallel_loop3A_351, %parallel_loop3A_358 : vector<16xi32>
        %parallel_loop3A_360 = arith.constant 1 : i32
        %parallel_loop3A_361 = vector.broadcast %parallel_loop3A_360 : i32 to vector<16xi32>
        %parallel_loop3A_362 = arith.andi %parallel_loop3A_351, %parallel_loop3A_361 : vector<16xi32>
        %parallel_loop3A_363 = arith.constant 64 : i32
        %parallel_loop3A_364 = vector.broadcast %parallel_loop3A_363 : i32 to vector<16xi32>
        %parallel_loop3A_365 = arith.muli %parallel_loop3A_362, %parallel_loop3A_364 : vector<16xi32>
        %parallel_loop3A_366 = arith.addi %parallel_loop3A_365, %parallel_loop3A_150 : vector<16xi32>
        %parallel_loop3A_367 = arith.constant 0 : i32
        %parallel_loop3A_368 = arith.constant 0 : i32
        %parallel_loop3A_369 = tpu.memref_slice %arg5[%and3A_101, %parallel_loop3A_367, %parallel_loop3A_368] : memref<2x128x128xf32, #tpu.memory_space<vmem>> -> memref<1x128x128xf32, #tpu.memory_space<vmem>>
        %parallel_loop3A_370 = tpu.memref_squeeze %parallel_loop3A_369 : memref<1x128x128xf32, #tpu.memory_space<vmem>> -> memref<128x128xf32, #tpu.memory_space<vmem>>
        tpu.vector_store_idx %parallel_loop3A_370[%parallel_loop3A_359, %parallel_loop3A_366], %parallel_loop3A_356 : memref<128x128xf32, #tpu.memory_space<vmem>>[vector<16xi32>, vector<16xi32>], vector<16xf32>,
        %parallel_loop3A_371 = arith.constant 160 : i32
        %parallel_loop3A_372 = vector.broadcast %parallel_loop3A_371 : i32 to vector<16xi32>
        %parallel_loop3A_373 = arith.addi %iota3A, %parallel_loop3A_372 : vector<16xi32>
        %parallel_loop3A_374 = arith.constant 0 : i32
        %parallel_loop3A_375 = arith.constant 0 : i32
        %parallel_loop3A_376 = tpu.memref_slice %arg4[%and3A_101, %parallel_loop3A_374, %parallel_loop3A_375] : memref<2x64x256xf32, #tpu.memory_space<vmem>> -> memref<1x64x256xf32, #tpu.memory_space<vmem>>
        %parallel_loop3A_377 = tpu.memref_squeeze %parallel_loop3A_376 : memref<1x64x256xf32, #tpu.memory_space<vmem>> -> memref<64x256xf32, #tpu.memory_space<vmem>>
        %parallel_loop3A_378 = tpu.vector_load_idx %parallel_loop3A_377[%parallel_loop3A_150, %parallel_loop3A_373] : memref<64x256xf32, #tpu.memory_space<vmem>>[vector<16xi32>, vector<16xi32>], vector<16xf32>,
        %parallel_loop3A_379 = arith.constant 1 : i32
        %parallel_loop3A_380 = vector.broadcast %parallel_loop3A_379 : i32 to vector<16xi32>
        %parallel_loop3A_381 = arith.shrui %parallel_loop3A_373, %parallel_loop3A_380 : vector<16xi32>
        %parallel_loop3A_382 = arith.constant 1 : i32
        %parallel_loop3A_383 = vector.broadcast %parallel_loop3A_382 : i32 to vector<16xi32>
        %parallel_loop3A_384 = arith.andi %parallel_loop3A_373, %parallel_loop3A_383 : vector<16xi32>
        %parallel_loop3A_385 = arith.constant 64 : i32
        %parallel_loop3A_386 = vector.broadcast %parallel_loop3A_385 : i32 to vector<16xi32>
        %parallel_loop3A_387 = arith.muli %parallel_loop3A_384, %parallel_loop3A_386 : vector<16xi32>
        %parallel_loop3A_388 = arith.addi %parallel_loop3A_387, %parallel_loop3A_150 : vector<16xi32>
        %parallel_loop3A_389 = arith.constant 0 : i32
        %parallel_loop3A_390 = arith.constant 0 : i32
        %parallel_loop3A_391 = tpu.memref_slice %arg5[%and3A_101, %parallel_loop3A_389, %parallel_loop3A_390] : memref<2x128x128xf32, #tpu.memory_space<vmem>> -> memref<1x128x128xf32, #tpu.memory_space<vmem>>
        %parallel_loop3A_392 = tpu.memref_squeeze %parallel_loop3A_391 : memref<1x128x128xf32, #tpu.memory_space<vmem>> -> memref<128x128xf32, #tpu.memory_space<vmem>>
        tpu.vector_store_idx %parallel_loop3A_392[%parallel_loop3A_381, %parallel_loop3A_388], %parallel_loop3A_378 : memref<128x128xf32, #tpu.memory_space<vmem>>[vector<16xi32>, vector<16xi32>], vector<16xf32>,
        %parallel_loop3A_393 = arith.constant 176 : i32
        %parallel_loop3A_394 = vector.broadcast %parallel_loop3A_393 : i32 to vector<16xi32>
        %parallel_loop3A_395 = arith.addi %iota3A, %parallel_loop3A_394 : vector<16xi32>
        %parallel_loop3A_396 = arith.constant 0 : i32
        %parallel_loop3A_397 = arith.constant 0 : i32
        %parallel_loop3A_398 = tpu.memref_slice %arg4[%and3A_101, %parallel_loop3A_396, %parallel_loop3A_397] : memref<2x64x256xf32, #tpu.memory_space<vmem>> -> memref<1x64x256xf32, #tpu.memory_space<vmem>>
        %parallel_loop3A_399 = tpu.memref_squeeze %parallel_loop3A_398 : memref<1x64x256xf32, #tpu.memory_space<vmem>> -> memref<64x256xf32, #tpu.memory_space<vmem>>
        %parallel_loop3A_400 = tpu.vector_load_idx %parallel_loop3A_399[%parallel_loop3A_150, %parallel_loop3A_395] : memref<64x256xf32, #tpu.memory_space<vmem>>[vector<16xi32>, vector<16xi32>], vector<16xf32>,
        %parallel_loop3A_401 = arith.constant 1 : i32
        %parallel_loop3A_402 = vector.broadcast %parallel_loop3A_401 : i32 to vector<16xi32>
        %parallel_loop3A_403 = arith.shrui %parallel_loop3A_395, %parallel_loop3A_402 : vector<16xi32>
        %parallel_loop3A_404 = arith.constant 1 : i32
        %parallel_loop3A_405 = vector.broadcast %parallel_loop3A_404 : i32 to vector<16xi32>
        %parallel_loop3A_406 = arith.andi %parallel_loop3A_395, %parallel_loop3A_405 : vector<16xi32>
        %parallel_loop3A_407 = arith.constant 64 : i32
        %parallel_loop3A_408 = vector.broadcast %parallel_loop3A_407 : i32 to vector<16xi32>
        %parallel_loop3A_409 = arith.muli %parallel_loop3A_406, %parallel_loop3A_408 : vector<16xi32>
        %parallel_loop3A_410 = arith.addi %parallel_loop3A_409, %parallel_loop3A_150 : vector<16xi32>
        %parallel_loop3A_411 = arith.constant 0 : i32
        %parallel_loop3A_412 = arith.constant 0 : i32
        %parallel_loop3A_413 = tpu.memref_slice %arg5[%and3A_101, %parallel_loop3A_411, %parallel_loop3A_412] : memref<2x128x128xf32, #tpu.memory_space<vmem>> -> memref<1x128x128xf32, #tpu.memory_space<vmem>>
        %parallel_loop3A_414 = tpu.memref_squeeze %parallel_loop3A_413 : memref<1x128x128xf32, #tpu.memory_space<vmem>> -> memref<128x128xf32, #tpu.memory_space<vmem>>
        tpu.vector_store_idx %parallel_loop3A_414[%parallel_loop3A_403, %parallel_loop3A_410], %parallel_loop3A_400 : memref<128x128xf32, #tpu.memory_space<vmem>>[vector<16xi32>, vector<16xi32>], vector<16xf32>,
        %parallel_loop3A_415 = arith.constant 192 : i32
        %parallel_loop3A_416 = vector.broadcast %parallel_loop3A_415 : i32 to vector<16xi32>
        %parallel_loop3A_417 = arith.addi %iota3A, %parallel_loop3A_416 : vector<16xi32>
        %parallel_loop3A_418 = arith.constant 0 : i32
        %parallel_loop3A_419 = arith.constant 0 : i32
        %parallel_loop3A_420 = tpu.memref_slice %arg4[%and3A_101, %parallel_loop3A_418, %parallel_loop3A_419] : memref<2x64x256xf32, #tpu.memory_space<vmem>> -> memref<1x64x256xf32, #tpu.memory_space<vmem>>
        %parallel_loop3A_421 = tpu.memref_squeeze %parallel_loop3A_420 : memref<1x64x256xf32, #tpu.memory_space<vmem>> -> memref<64x256xf32, #tpu.memory_space<vmem>>
        %parallel_loop3A_422 = tpu.vector_load_idx %parallel_loop3A_421[%parallel_loop3A_150, %parallel_loop3A_417] : memref<64x256xf32, #tpu.memory_space<vmem>>[vector<16xi32>, vector<16xi32>], vector<16xf32>,
        %parallel_loop3A_423 = arith.constant 1 : i32
        %parallel_loop3A_424 = vector.broadcast %parallel_loop3A_423 : i32 to vector<16xi32>
        %parallel_loop3A_425 = arith.shrui %parallel_loop3A_417, %parallel_loop3A_424 : vector<16xi32>
        %parallel_loop3A_426 = arith.constant 1 : i32
        %parallel_loop3A_427 = vector.broadcast %parallel_loop3A_426 : i32 to vector<16xi32>
        %parallel_loop3A_428 = arith.andi %parallel_loop3A_417, %parallel_loop3A_427 : vector<16xi32>
        %parallel_loop3A_429 = arith.constant 64 : i32
        %parallel_loop3A_430 = vector.broadcast %parallel_loop3A_429 : i32 to vector<16xi32>
        %parallel_loop3A_431 = arith.muli %parallel_loop3A_428, %parallel_loop3A_430 : vector<16xi32>
        %parallel_loop3A_432 = arith.addi %parallel_loop3A_431, %parallel_loop3A_150 : vector<16xi32>
        %parallel_loop3A_433 = arith.constant 0 : i32
        %parallel_loop3A_434 = arith.constant 0 : i32
        %parallel_loop3A_435 = tpu.memref_slice %arg5[%and3A_101, %parallel_loop3A_433, %parallel_loop3A_434] : memref<2x128x128xf32, #tpu.memory_space<vmem>> -> memref<1x128x128xf32, #tpu.memory_space<vmem>>
        %parallel_loop3A_436 = tpu.memref_squeeze %parallel_loop3A_435 : memref<1x128x128xf32, #tpu.memory_space<vmem>> -> memref<128x128xf32, #tpu.memory_space<vmem>>
        tpu.vector_store_idx %parallel_loop3A_436[%parallel_loop3A_425, %parallel_loop3A_432], %parallel_loop3A_422 : memref<128x128xf32, #tpu.memory_space<vmem>>[vector<16xi32>, vector<16xi32>], vector<16xf32>,
        %parallel_loop3A_437 = arith.constant 208 : i32
        %parallel_loop3A_438 = vector.broadcast %parallel_loop3A_437 : i32 to vector<16xi32>
        %parallel_loop3A_439 = arith.addi %iota3A, %parallel_loop3A_438 : vector<16xi32>
        %parallel_loop3A_440 = arith.constant 0 : i32
        %parallel_loop3A_441 = arith.constant 0 : i32
        %parallel_loop3A_442 = tpu.memref_slice %arg4[%and3A_101, %parallel_loop3A_440, %parallel_loop3A_441] : memref<2x64x256xf32, #tpu.memory_space<vmem>> -> memref<1x64x256xf32, #tpu.memory_space<vmem>>
        %parallel_loop3A_443 = tpu.memref_squeeze %parallel_loop3A_442 : memref<1x64x256xf32, #tpu.memory_space<vmem>> -> memref<64x256xf32, #tpu.memory_space<vmem>>
        %parallel_loop3A_444 = tpu.vector_load_idx %parallel_loop3A_443[%parallel_loop3A_150, %parallel_loop3A_439] : memref<64x256xf32, #tpu.memory_space<vmem>>[vector<16xi32>, vector<16xi32>], vector<16xf32>,
        %parallel_loop3A_445 = arith.constant 1 : i32
        %parallel_loop3A_446 = vector.broadcast %parallel_loop3A_445 : i32 to vector<16xi32>
        %parallel_loop3A_447 = arith.shrui %parallel_loop3A_439, %parallel_loop3A_446 : vector<16xi32>
        %parallel_loop3A_448 = arith.constant 1 : i32
        %parallel_loop3A_449 = vector.broadcast %parallel_loop3A_448 : i32 to vector<16xi32>
        %parallel_loop3A_450 = arith.andi %parallel_loop3A_439, %parallel_loop3A_449 : vector<16xi32>
        %parallel_loop3A_451 = arith.constant 64 : i32
        %parallel_loop3A_452 = vector.broadcast %parallel_loop3A_451 : i32 to vector<16xi32>
        %parallel_loop3A_453 = arith.muli %parallel_loop3A_450, %parallel_loop3A_452 : vector<16xi32>
        %parallel_loop3A_454 = arith.addi %parallel_loop3A_453, %parallel_loop3A_150 : vector<16xi32>
        %parallel_loop3A_455 = arith.constant 0 : i32
        %parallel_loop3A_456 = arith.constant 0 : i32
        %parallel_loop3A_457 = tpu.memref_slice %arg5[%and3A_101, %parallel_loop3A_455, %parallel_loop3A_456] : memref<2x128x128xf32, #tpu.memory_space<vmem>> -> memref<1x128x128xf32, #tpu.memory_space<vmem>>
        %parallel_loop3A_458 = tpu.memref_squeeze %parallel_loop3A_457 : memref<1x128x128xf32, #tpu.memory_space<vmem>> -> memref<128x128xf32, #tpu.memory_space<vmem>>
        tpu.vector_store_idx %parallel_loop3A_458[%parallel_loop3A_447, %parallel_loop3A_454], %parallel_loop3A_444 : memref<128x128xf32, #tpu.memory_space<vmem>>[vector<16xi32>, vector<16xi32>], vector<16xf32>,
        %parallel_loop3A_459 = arith.constant 224 : i32
        %parallel_loop3A_460 = vector.broadcast %parallel_loop3A_459 : i32 to vector<16xi32>
        %parallel_loop3A_461 = arith.addi %iota3A, %parallel_loop3A_460 : vector<16xi32>
        %parallel_loop3A_462 = arith.constant 0 : i32
        %parallel_loop3A_463 = arith.constant 0 : i32
        %parallel_loop3A_464 = tpu.memref_slice %arg4[%and3A_101, %parallel_loop3A_462, %parallel_loop3A_463] : memref<2x64x256xf32, #tpu.memory_space<vmem>> -> memref<1x64x256xf32, #tpu.memory_space<vmem>>
        %parallel_loop3A_465 = tpu.memref_squeeze %parallel_loop3A_464 : memref<1x64x256xf32, #tpu.memory_space<vmem>> -> memref<64x256xf32, #tpu.memory_space<vmem>>
        %parallel_loop3A_466 = tpu.vector_load_idx %parallel_loop3A_465[%parallel_loop3A_150, %parallel_loop3A_461] : memref<64x256xf32, #tpu.memory_space<vmem>>[vector<16xi32>, vector<16xi32>], vector<16xf32>,
        %parallel_loop3A_467 = arith.constant 1 : i32
        %parallel_loop3A_468 = vector.broadcast %parallel_loop3A_467 : i32 to vector<16xi32>
        %parallel_loop3A_469 = arith.shrui %parallel_loop3A_461, %parallel_loop3A_468 : vector<16xi32>
        %parallel_loop3A_470 = arith.constant 1 : i32
        %parallel_loop3A_471 = vector.broadcast %parallel_loop3A_470 : i32 to vector<16xi32>
        %parallel_loop3A_472 = arith.andi %parallel_loop3A_461, %parallel_loop3A_471 : vector<16xi32>
        %parallel_loop3A_473 = arith.constant 64 : i32
        %parallel_loop3A_474 = vector.broadcast %parallel_loop3A_473 : i32 to vector<16xi32>
        %parallel_loop3A_475 = arith.muli %parallel_loop3A_472, %parallel_loop3A_474 : vector<16xi32>
        %parallel_loop3A_476 = arith.addi %parallel_loop3A_475, %parallel_loop3A_150 : vector<16xi32>
        %parallel_loop3A_477 = arith.constant 0 : i32
        %parallel_loop3A_478 = arith.constant 0 : i32
        %parallel_loop3A_479 = tpu.memref_slice %arg5[%and3A_101, %parallel_loop3A_477, %parallel_loop3A_478] : memref<2x128x128xf32, #tpu.memory_space<vmem>> -> memref<1x128x128xf32, #tpu.memory_space<vmem>>
        %parallel_loop3A_480 = tpu.memref_squeeze %parallel_loop3A_479 : memref<1x128x128xf32, #tpu.memory_space<vmem>> -> memref<128x128xf32, #tpu.memory_space<vmem>>
        tpu.vector_store_idx %parallel_loop3A_480[%parallel_loop3A_469, %parallel_loop3A_476], %parallel_loop3A_466 : memref<128x128xf32, #tpu.memory_space<vmem>>[vector<16xi32>, vector<16xi32>], vector<16xf32>,
        %parallel_loop3A_481 = arith.constant 240 : i32
        %parallel_loop3A_482 = vector.broadcast %parallel_loop3A_481 : i32 to vector<16xi32>
        %parallel_loop3A_483 = arith.addi %iota3A, %parallel_loop3A_482 : vector<16xi32>
        %parallel_loop3A_484 = arith.constant 0 : i32
        %parallel_loop3A_485 = arith.constant 0 : i32
        %parallel_loop3A_486 = tpu.memref_slice %arg4[%and3A_101, %parallel_loop3A_484, %parallel_loop3A_485] : memref<2x64x256xf32, #tpu.memory_space<vmem>> -> memref<1x64x256xf32, #tpu.memory_space<vmem>>
        %parallel_loop3A_487 = tpu.memref_squeeze %parallel_loop3A_486 : memref<1x64x256xf32, #tpu.memory_space<vmem>> -> memref<64x256xf32, #tpu.memory_space<vmem>>
        %parallel_loop3A_488 = tpu.vector_load_idx %parallel_loop3A_487[%parallel_loop3A_150, %parallel_loop3A_483] : memref<64x256xf32, #tpu.memory_space<vmem>>[vector<16xi32>, vector<16xi32>], vector<16xf32>,
        %parallel_loop3A_489 = arith.constant 1 : i32
        %parallel_loop3A_490 = vector.broadcast %parallel_loop3A_489 : i32 to vector<16xi32>
        %parallel_loop3A_491 = arith.shrui %parallel_loop3A_483, %parallel_loop3A_490 : vector<16xi32>
        %parallel_loop3A_492 = arith.constant 1 : i32
        %parallel_loop3A_493 = vector.broadcast %parallel_loop3A_492 : i32 to vector<16xi32>
        %parallel_loop3A_494 = arith.andi %parallel_loop3A_483, %parallel_loop3A_493 : vector<16xi32>
        %parallel_loop3A_495 = arith.constant 64 : i32
        %parallel_loop3A_496 = vector.broadcast %parallel_loop3A_495 : i32 to vector<16xi32>
        %parallel_loop3A_497 = arith.muli %parallel_loop3A_494, %parallel_loop3A_496 : vector<16xi32>
        %parallel_loop3A_498 = arith.addi %parallel_loop3A_497, %parallel_loop3A_150 : vector<16xi32>
        %parallel_loop3A_499 = arith.constant 0 : i32
        %parallel_loop3A_500 = arith.constant 0 : i32
        %parallel_loop3A_501 = tpu.memref_slice %arg5[%and3A_101, %parallel_loop3A_499, %parallel_loop3A_500] : memref<2x128x128xf32, #tpu.memory_space<vmem>> -> memref<1x128x128xf32, #tpu.memory_space<vmem>>
        %parallel_loop3A_502 = tpu.memref_squeeze %parallel_loop3A_501 : memref<1x128x128xf32, #tpu.memory_space<vmem>> -> memref<128x128xf32, #tpu.memory_space<vmem>>
        tpu.vector_store_idx %parallel_loop3A_502[%parallel_loop3A_491, %parallel_loop3A_498], %parallel_loop3A_488 : memref<128x128xf32, #tpu.memory_space<vmem>>[vector<16xi32>, vector<16xi32>], vector<16xf32>,
      } {sc.loop_unroll_factor = 8 : i64, sc.parallel_access}
      %add3A_124 = arith.constant 2 : i32
      %add3A_125 = arith.addi %add3A_98, %add3A_124 : i32
      %lt3A = arith.cmpi slt, %add3A_125, %min3A_5 : i32
      %convert_element_type3A_126 = arith.extui %lt3A : i1 to i32
      %cond3A_127 = arith.constant 0 : i32
      %cond3A_128 = arith.cmpi ne, %convert_element_type3A_126, %cond3A_127 : i32
      scf.if %cond3A_128 {
        %add3A_145 = arith.constant 2 : i32
        %add3A_146 = arith.addi %add3A_98, %add3A_145 : i32
        %mul3A_147 = arith.constant 256 : i32
        %mul3A_148 = arith.muli %add3A_146, %mul3A_147 : i32
        %dma_start3A_149 = arith.constant 0 : i32
        %dma_start3A_150 = arith.constant 0 : i32
        %dma_start3A_151 = tpu.memref_slice %arg4[%and3A_101, %dma_start3A_149, %dma_start3A_150] : memref<2x64x256xf32, #tpu.memory_space<vmem>> -> memref<1x64x256xf32, #tpu.memory_space<vmem>>
        %dma_start3A_152 = tpu.memref_squeeze %dma_start3A_151 : memref<1x64x256xf32, #tpu.memory_space<vmem>> -> memref<64x256xf32, #tpu.memory_space<vmem>>
        %dma_start3A_153 = arith.constant 0 : i32
        %dma_start3A_154 = tpu.memref_slice %arg2[%dma_start3A_153, %mul3A_148] : memref<64x1000000xf32, #tpu.memory_space<hbm>> -> memref<64x256xf32, #tpu.memory_space<hbm>>
        %dma_start3A_155 = tpu.memref_slice %arg7[%and3A_101] : memref<2x!tpu.dma_semaphore, #tpu.memory_space<semaphore_mem>> -> memref<1x!tpu.dma_semaphore, #tpu.memory_space<semaphore_mem>>
        %dma_start3A_156 = tpu.memref_squeeze %dma_start3A_155 : memref<1x!tpu.dma_semaphore, #tpu.memory_space<semaphore_mem>> -> memref<!tpu.dma_semaphore, #tpu.memory_space<semaphore_mem>>
        %dma_start3A_157 = arith.constant 0 : i32
        %dma_start3A_158 = arith.constant 0 : i32
        %dma_start3A_159 = tpu.memref_slice %arg4[%and3A_101, %dma_start3A_157, %dma_start3A_158] : memref<2x64x256xf32, #tpu.memory_space<vmem>> -> memref<1x64x256xf32, #tpu.memory_space<vmem>>
        %dma_start3A_160 = tpu.memref_squeeze %dma_start3A_159 : memref<1x64x256xf32, #tpu.memory_space<vmem>> -> memref<64x256xf32, #tpu.memory_space<vmem>>
        %dma_start3A_161 = arith.constant 0 : i32
        %dma_start3A_162 = tpu.memref_slice %arg2[%dma_start3A_161, %mul3A_148] : memref<64x1000000xf32, #tpu.memory_space<hbm>> -> memref<64x256xf32, #tpu.memory_space<hbm>>
        tpu.enqueue_dma source(%dma_start3A_162 : memref<64x256xf32, #tpu.memory_space<hbm>>) target(%dma_start3A_160 : memref<64x256xf32, #tpu.memory_space<vmem>>) target_semaphore(%dma_start3A_156 : memref<!tpu.dma_semaphore, #tpu.memory_space<semaphore_mem>>)
      } else {
      }
      %mul3A_129 = arith.constant 128 : i32
      %mul3A_130 = arith.muli %add3A_98, %mul3A_129 : i32
      %dma_start3A_131 = arith.constant 0 : i32
      %dma_start3A_132 = arith.constant 0 : i32
      %dma_start3A_133 = tpu.memref_slice %arg5[%and3A_101, %dma_start3A_131, %dma_start3A_132] : memref<2x128x128xf32, #tpu.memory_space<vmem>> -> memref<1x128x128xf32, #tpu.memory_space<vmem>>
      %dma_start3A_134 = tpu.memref_squeeze %dma_start3A_133 : memref<1x128x128xf32, #tpu.memory_space<vmem>> -> memref<128x128xf32, #tpu.memory_space<vmem>>
      %dma_start3A_135 = arith.constant 0 : i32
      %dma_start3A_136 = tpu.memref_slice %arg3[%mul3A_130, %dma_start3A_135] : memref<500032x128xf32, #tpu.memory_space<hbm>> -> memref<128x128xf32, #tpu.memory_space<hbm>>
      %dma_start3A_137 = tpu.memref_slice %arg8[%and3A_101] : memref<2x!tpu.dma_semaphore, #tpu.memory_space<semaphore_mem>> -> memref<1x!tpu.dma_semaphore, #tpu.memory_space<semaphore_mem>>
      %dma_start3A_138 = tpu.memref_squeeze %dma_start3A_137 : memref<1x!tpu.dma_semaphore, #tpu.memory_space<semaphore_mem>> -> memref<!tpu.dma_semaphore, #tpu.memory_space<semaphore_mem>>
      %dma_start3A_139 = arith.constant 0 : i32
      %dma_start3A_140 = tpu.memref_slice %arg3[%mul3A_130, %dma_start3A_139] : memref<500032x128xf32, #tpu.memory_space<hbm>> -> memref<128x128xf32, #tpu.memory_space<hbm>>
      %dma_start3A_141 = arith.constant 0 : i32
      %dma_start3A_142 = arith.constant 0 : i32
      %dma_start3A_143 = tpu.memref_slice %arg5[%and3A_101, %dma_start3A_141, %dma_start3A_142] : memref<2x128x128xf32, #tpu.memory_space<vmem>> -> memref<1x128x128xf32, #tpu.memory_space<vmem>>
      %dma_start3A_144 = tpu.memref_squeeze %dma_start3A_143 : memref<1x128x128xf32, #tpu.memory_space<vmem>> -> memref<128x128xf32, #tpu.memory_space<vmem>>
      tpu.enqueue_dma source(%dma_start3A_144 : memref<128x128xf32, #tpu.memory_space<vmem>>) target(%dma_start3A_140 : memref<128x128xf32, #tpu.memory_space<hbm>>) target_semaphore(%dma_start3A_138 : memref<!tpu.dma_semaphore, #tpu.memory_space<semaphore_mem>>)
    }
    %while3A_56 = arith.constant 1 : i32
    scf.for %while3A_96 = %while3A_54 to %while3A_50 step %while3A_56  : i32 {
      %mul3A_97 = arith.muli %while3A_96, %while3A : i32
      %add3A_98 = arith.addi %mul3A_2, %mul3A_97 : i32
      %sub3A_99 = arith.subi %add3A_98, %mul3A_2 : i32
      %and3A_100 = arith.constant 1 : i32
      %and3A_101 = arith.andi %sub3A_99, %and3A_100 : i32
      %dma_wait3A_102 = arith.constant 0 : i32
      %dma_wait3A_103 = arith.constant 0 : i32
      %dma_wait3A_104 = tpu.memref_slice %arg4[%and3A_101, %dma_wait3A_102, %dma_wait3A_103] : memref<2x64x256xf32, #tpu.memory_space<vmem>> -> memref<1x64x256xf32, #tpu.memory_space<vmem>>
      %dma_wait3A_105 = tpu.memref_squeeze %dma_wait3A_104 : memref<1x64x256xf32, #tpu.memory_space<vmem>> -> memref<64x256xf32, #tpu.memory_space<vmem>>
      %dma_wait3A_106 = arith.constant 0 : i32
      %dma_wait3A_107 = arith.constant 0 : i32
      %dma_wait3A_108 = tpu.memref_slice %arg2[%dma_wait3A_106, %dma_wait3A_107] : memref<64x1000000xf32, #tpu.memory_space<hbm>> -> memref<64x256xf32, #tpu.memory_space<hbm>>
      %dma_wait3A_109 = tpu.memref_slice %arg7[%and3A_101] : memref<2x!tpu.dma_semaphore, #tpu.memory_space<semaphore_mem>> -> memref<1x!tpu.dma_semaphore, #tpu.memory_space<semaphore_mem>>
      %dma_wait3A_110 = tpu.memref_squeeze %dma_wait3A_109 : memref<1x!tpu.dma_semaphore, #tpu.memory_space<semaphore_mem>> -> memref<!tpu.dma_semaphore, #tpu.memory_space<semaphore_mem>>
      %dma_wait3A_111 = arith.constant 0 : i32
      %dma_wait3A_112 = arith.constant 0 : i32
      %dma_wait3A_113 = tpu.memref_slice %arg4[%and3A_101, %dma_wait3A_111, %dma_wait3A_112] : memref<2x64x256xf32, #tpu.memory_space<vmem>> -> memref<1x64x256xf32, #tpu.memory_space<vmem>>
      %dma_wait3A_114 = tpu.memref_squeeze %dma_wait3A_113 : memref<1x64x256xf32, #tpu.memory_space<vmem>> -> memref<64x256xf32, #tpu.memory_space<vmem>>
      %dma_wait3A_115 = arith.constant 0 : i32
      %dma_wait3A_116 = arith.constant 0 : i32
      %dma_wait3A_117 = tpu.memref_slice %arg2[%dma_wait3A_115, %dma_wait3A_116] : memref<64x1000000xf32, #tpu.memory_space<hbm>> -> memref<64x256xf32, #tpu.memory_space<hbm>>
      tpu.wait_dma2 semaphore(%dma_wait3A_110 : memref<!tpu.dma_semaphore, #tpu.memory_space<semaphore_mem>>) src(%dma_wait3A_117 : memref<64x256xf32, #tpu.memory_space<hbm>>) dst(%dma_wait3A_114 : memref<64x256xf32, #tpu.memory_space<vmem>>)
      %ge3A = arith.constant 2 : i32
      %ge3A_118 = arith.cmpi sge, %sub3A_99, %ge3A : i32
      %convert_element_type3A_119 = arith.extui %ge3A_118 : i1 to i32
      %cond3A_120 = arith.constant 0 : i32
      %cond3A_121 = arith.cmpi ne, %convert_element_type3A_119, %cond3A_120 : i32
      scf.if %cond3A_121 {
        %dma_wait3A_145 = arith.constant 0 : i32
        %dma_wait3A_146 = arith.constant 0 : i32
        %dma_wait3A_147 = tpu.memref_slice %arg5[%and3A_101, %dma_wait3A_145, %dma_wait3A_146] : memref<2x128x128xf32, #tpu.memory_space<vmem>> -> memref<1x128x128xf32, #tpu.memory_space<vmem>>
        %dma_wait3A_148 = tpu.memref_squeeze %dma_wait3A_147 : memref<1x128x128xf32, #tpu.memory_space<vmem>> -> memref<128x128xf32, #tpu.memory_space<vmem>>
        %dma_wait3A_149 = arith.constant 0 : i32
        %dma_wait3A_150 = arith.constant 0 : i32
        %dma_wait3A_151 = tpu.memref_slice %arg3[%dma_wait3A_149, %dma_wait3A_150] : memref<500032x128xf32, #tpu.memory_space<hbm>> -> memref<128x128xf32, #tpu.memory_space<hbm>>
        %dma_wait3A_152 = tpu.memref_slice %arg8[%and3A_101] : memref<2x!tpu.dma_semaphore, #tpu.memory_space<semaphore_mem>> -> memref<1x!tpu.dma_semaphore, #tpu.memory_space<semaphore_mem>>
        %dma_wait3A_153 = tpu.memref_squeeze %dma_wait3A_152 : memref<1x!tpu.dma_semaphore, #tpu.memory_space<semaphore_mem>> -> memref<!tpu.dma_semaphore, #tpu.memory_space<semaphore_mem>>
        %dma_wait3A_154 = arith.constant 0 : i32
        %dma_wait3A_155 = arith.constant 0 : i32
        %dma_wait3A_156 = tpu.memref_slice %arg5[%and3A_101, %dma_wait3A_154, %dma_wait3A_155] : memref<2x128x128xf32, #tpu.memory_space<vmem>> -> memref<1x128x128xf32, #tpu.memory_space<vmem>>
        %dma_wait3A_157 = tpu.memref_squeeze %dma_wait3A_156 : memref<1x128x128xf32, #tpu.memory_space<vmem>> -> memref<128x128xf32, #tpu.memory_space<vmem>>
        %dma_wait3A_158 = arith.constant 0 : i32
        %dma_wait3A_159 = arith.constant 0 : i32
        %dma_wait3A_160 = tpu.memref_slice %arg3[%dma_wait3A_158, %dma_wait3A_159] : memref<500032x128xf32, #tpu.memory_space<hbm>> -> memref<128x128xf32, #tpu.memory_space<hbm>>
        tpu.wait_dma2 semaphore(%dma_wait3A_153 : memref<!tpu.dma_semaphore, #tpu.memory_space<semaphore_mem>>) src(%dma_wait3A_160 : memref<128x128xf32, #tpu.memory_space<hbm>>) dst(%dma_wait3A_157 : memref<128x128xf32, #tpu.memory_space<vmem>>)
      } else {
      }
      %parallel_loop3A = arith.constant 0 : i32
      %parallel_loop3A_122 = arith.constant 64 : i32
      %parallel_loop3A_123 = arith.constant 1 : i32
      scf.for %parallel_loop3A_145 = %parallel_loop3A to %parallel_loop3A_122 step %parallel_loop3A_123  : i32 {
        %parallel_loop3A_146 = vector.broadcast %parallel_loop3A_145 : i32 to vector<16xi32>
        %parallel_loop3A_147 = arith.addi %parallel_loop3A_146, %iota3A : vector<16xi32>
        %parallel_loop3A_148 = arith.constant 63 : i32
        %parallel_loop3A_149 = vector.broadcast %parallel_loop3A_148 : i32 to vector<16xi32>
        %parallel_loop3A_150 = arith.andi %parallel_loop3A_147, %parallel_loop3A_149 : vector<16xi32>
        %parallel_loop3A_151 = arith.constant 0 : i32
        %parallel_loop3A_152 = vector.broadcast %parallel_loop3A_151 : i32 to vector<16xi32>
        %parallel_loop3A_153 = arith.addi %iota3A, %parallel_loop3A_152 : vector<16xi32>
        %parallel_loop3A_154 = arith.constant 0 : i32
        %parallel_loop3A_155 = arith.constant 0 : i32
        %parallel_loop3A_156 = tpu.memref_slice %arg4[%and3A_101, %parallel_loop3A_154, %parallel_loop3A_155] : memref<2x64x256xf32, #tpu.memory_space<vmem>> -> memref<1x64x256xf32, #tpu.memory_space<vmem>>
        %parallel_loop3A_157 = tpu.memref_squeeze %parallel_loop3A_156 : memref<1x64x256xf32, #tpu.memory_space<vmem>> -> memref<64x256xf32, #tpu.memory_space<vmem>>
        %parallel_loop3A_158 = tpu.vector_load_idx %parallel_loop3A_157[%parallel_loop3A_150, %parallel_loop3A_153] : memref<64x256xf32, #tpu.memory_space<vmem>>[vector<16xi32>, vector<16xi32>], vector<16xf32>,
        %parallel_loop3A_159 = arith.constant 1 : i32
        %parallel_loop3A_160 = vector.broadcast %parallel_loop3A_159 : i32 to vector<16xi32>
        %parallel_loop3A_161 = arith.shrui %parallel_loop3A_153, %parallel_loop3A_160 : vector<16xi32>
        %parallel_loop3A_162 = arith.constant 1 : i32
        %parallel_loop3A_163 = vector.broadcast %parallel_loop3A_162 : i32 to vector<16xi32>
        %parallel_loop3A_164 = arith.andi %parallel_loop3A_153, %parallel_loop3A_163 : vector<16xi32>
        %parallel_loop3A_165 = arith.constant 64 : i32
        %parallel_loop3A_166 = vector.broadcast %parallel_loop3A_165 : i32 to vector<16xi32>
        %parallel_loop3A_167 = arith.muli %parallel_loop3A_164, %parallel_loop3A_166 : vector<16xi32>
        %parallel_loop3A_168 = arith.addi %parallel_loop3A_167, %parallel_loop3A_150 : vector<16xi32>
        %parallel_loop3A_169 = arith.constant 0 : i32
        %parallel_loop3A_170 = arith.constant 0 : i32
        %parallel_loop3A_171 = tpu.memref_slice %arg5[%and3A_101, %parallel_loop3A_169, %parallel_loop3A_170] : memref<2x128x128xf32, #tpu.memory_space<vmem>> -> memref<1x128x128xf32, #tpu.memory_space<vmem>>
        %parallel_loop3A_172 = tpu.memref_squeeze %parallel_loop3A_171 : memref<1x128x128xf32, #tpu.memory_space<vmem>> -> memref<128x128xf32, #tpu.memory_space<vmem>>
        tpu.vector_store_idx %parallel_loop3A_172[%parallel_loop3A_161, %parallel_loop3A_168], %parallel_loop3A_158 : memref<128x128xf32, #tpu.memory_space<vmem>>[vector<16xi32>, vector<16xi32>], vector<16xf32>,
        %parallel_loop3A_173 = arith.constant 16 : i32
        %parallel_loop3A_174 = vector.broadcast %parallel_loop3A_173 : i32 to vector<16xi32>
        %parallel_loop3A_175 = arith.addi %iota3A, %parallel_loop3A_174 : vector<16xi32>
        %parallel_loop3A_176 = arith.constant 0 : i32
        %parallel_loop3A_177 = arith.constant 0 : i32
        %parallel_loop3A_178 = tpu.memref_slice %arg4[%and3A_101, %parallel_loop3A_176, %parallel_loop3A_177] : memref<2x64x256xf32, #tpu.memory_space<vmem>> -> memref<1x64x256xf32, #tpu.memory_space<vmem>>
        %parallel_loop3A_179 = tpu.memref_squeeze %parallel_loop3A_178 : memref<1x64x256xf32, #tpu.memory_space<vmem>> -> memref<64x256xf32, #tpu.memory_space<vmem>>
        %parallel_loop3A_180 = tpu.vector_load_idx %parallel_loop3A_179[%parallel_loop3A_150, %parallel_loop3A_175] : memref<64x256xf32, #tpu.memory_space<vmem>>[vector<16xi32>, vector<16xi32>], vector<16xf32>,
        %parallel_loop3A_181 = arith.constant 1 : i32
        %parallel_loop3A_182 = vector.broadcast %parallel_loop3A_181 : i32 to vector<16xi32>
        %parallel_loop3A_183 = arith.shrui %parallel_loop3A_175, %parallel_loop3A_182 : vector<16xi32>
        %parallel_loop3A_184 = arith.constant 1 : i32
        %parallel_loop3A_185 = vector.broadcast %parallel_loop3A_184 : i32 to vector<16xi32>
        %parallel_loop3A_186 = arith.andi %parallel_loop3A_175, %parallel_loop3A_185 : vector<16xi32>
        %parallel_loop3A_187 = arith.constant 64 : i32
        %parallel_loop3A_188 = vector.broadcast %parallel_loop3A_187 : i32 to vector<16xi32>
        %parallel_loop3A_189 = arith.muli %parallel_loop3A_186, %parallel_loop3A_188 : vector<16xi32>
        %parallel_loop3A_190 = arith.addi %parallel_loop3A_189, %parallel_loop3A_150 : vector<16xi32>
        %parallel_loop3A_191 = arith.constant 0 : i32
        %parallel_loop3A_192 = arith.constant 0 : i32
        %parallel_loop3A_193 = tpu.memref_slice %arg5[%and3A_101, %parallel_loop3A_191, %parallel_loop3A_192] : memref<2x128x128xf32, #tpu.memory_space<vmem>> -> memref<1x128x128xf32, #tpu.memory_space<vmem>>
        %parallel_loop3A_194 = tpu.memref_squeeze %parallel_loop3A_193 : memref<1x128x128xf32, #tpu.memory_space<vmem>> -> memref<128x128xf32, #tpu.memory_space<vmem>>
        tpu.vector_store_idx %parallel_loop3A_194[%parallel_loop3A_183, %parallel_loop3A_190], %parallel_loop3A_180 : memref<128x128xf32, #tpu.memory_space<vmem>>[vector<16xi32>, vector<16xi32>], vector<16xf32>,
        %parallel_loop3A_195 = arith.constant 32 : i32
        %parallel_loop3A_196 = vector.broadcast %parallel_loop3A_195 : i32 to vector<16xi32>
        %parallel_loop3A_197 = arith.addi %iota3A, %parallel_loop3A_196 : vector<16xi32>
        %parallel_loop3A_198 = arith.constant 0 : i32
        %parallel_loop3A_199 = arith.constant 0 : i32
        %parallel_loop3A_200 = tpu.memref_slice %arg4[%and3A_101, %parallel_loop3A_198, %parallel_loop3A_199] : memref<2x64x256xf32, #tpu.memory_space<vmem>> -> memref<1x64x256xf32, #tpu.memory_space<vmem>>
        %parallel_loop3A_201 = tpu.memref_squeeze %parallel_loop3A_200 : memref<1x64x256xf32, #tpu.memory_space<vmem>> -> memref<64x256xf32, #tpu.memory_space<vmem>>
        %parallel_loop3A_202 = tpu.vector_load_idx %parallel_loop3A_201[%parallel_loop3A_150, %parallel_loop3A_197] : memref<64x256xf32, #tpu.memory_space<vmem>>[vector<16xi32>, vector<16xi32>], vector<16xf32>,
        %parallel_loop3A_203 = arith.constant 1 : i32
        %parallel_loop3A_204 = vector.broadcast %parallel_loop3A_203 : i32 to vector<16xi32>
        %parallel_loop3A_205 = arith.shrui %parallel_loop3A_197, %parallel_loop3A_204 : vector<16xi32>
        %parallel_loop3A_206 = arith.constant 1 : i32
        %parallel_loop3A_207 = vector.broadcast %parallel_loop3A_206 : i32 to vector<16xi32>
        %parallel_loop3A_208 = arith.andi %parallel_loop3A_197, %parallel_loop3A_207 : vector<16xi32>
        %parallel_loop3A_209 = arith.constant 64 : i32
        %parallel_loop3A_210 = vector.broadcast %parallel_loop3A_209 : i32 to vector<16xi32>
        %parallel_loop3A_211 = arith.muli %parallel_loop3A_208, %parallel_loop3A_210 : vector<16xi32>
        %parallel_loop3A_212 = arith.addi %parallel_loop3A_211, %parallel_loop3A_150 : vector<16xi32>
        %parallel_loop3A_213 = arith.constant 0 : i32
        %parallel_loop3A_214 = arith.constant 0 : i32
        %parallel_loop3A_215 = tpu.memref_slice %arg5[%and3A_101, %parallel_loop3A_213, %parallel_loop3A_214] : memref<2x128x128xf32, #tpu.memory_space<vmem>> -> memref<1x128x128xf32, #tpu.memory_space<vmem>>
        %parallel_loop3A_216 = tpu.memref_squeeze %parallel_loop3A_215 : memref<1x128x128xf32, #tpu.memory_space<vmem>> -> memref<128x128xf32, #tpu.memory_space<vmem>>
        tpu.vector_store_idx %parallel_loop3A_216[%parallel_loop3A_205, %parallel_loop3A_212], %parallel_loop3A_202 : memref<128x128xf32, #tpu.memory_space<vmem>>[vector<16xi32>, vector<16xi32>], vector<16xf32>,
        %parallel_loop3A_217 = arith.constant 48 : i32
        %parallel_loop3A_218 = vector.broadcast %parallel_loop3A_217 : i32 to vector<16xi32>
        %parallel_loop3A_219 = arith.addi %iota3A, %parallel_loop3A_218 : vector<16xi32>
        %parallel_loop3A_220 = arith.constant 0 : i32
        %parallel_loop3A_221 = arith.constant 0 : i32
        %parallel_loop3A_222 = tpu.memref_slice %arg4[%and3A_101, %parallel_loop3A_220, %parallel_loop3A_221] : memref<2x64x256xf32, #tpu.memory_space<vmem>> -> memref<1x64x256xf32, #tpu.memory_space<vmem>>
        %parallel_loop3A_223 = tpu.memref_squeeze %parallel_loop3A_222 : memref<1x64x256xf32, #tpu.memory_space<vmem>> -> memref<64x256xf32, #tpu.memory_space<vmem>>
        %parallel_loop3A_224 = tpu.vector_load_idx %parallel_loop3A_223[%parallel_loop3A_150, %parallel_loop3A_219] : memref<64x256xf32, #tpu.memory_space<vmem>>[vector<16xi32>, vector<16xi32>], vector<16xf32>,
        %parallel_loop3A_225 = arith.constant 1 : i32
        %parallel_loop3A_226 = vector.broadcast %parallel_loop3A_225 : i32 to vector<16xi32>
        %parallel_loop3A_227 = arith.shrui %parallel_loop3A_219, %parallel_loop3A_226 : vector<16xi32>
        %parallel_loop3A_228 = arith.constant 1 : i32
        %parallel_loop3A_229 = vector.broadcast %parallel_loop3A_228 : i32 to vector<16xi32>
        %parallel_loop3A_230 = arith.andi %parallel_loop3A_219, %parallel_loop3A_229 : vector<16xi32>
        %parallel_loop3A_231 = arith.constant 64 : i32
        %parallel_loop3A_232 = vector.broadcast %parallel_loop3A_231 : i32 to vector<16xi32>
        %parallel_loop3A_233 = arith.muli %parallel_loop3A_230, %parallel_loop3A_232 : vector<16xi32>
        %parallel_loop3A_234 = arith.addi %parallel_loop3A_233, %parallel_loop3A_150 : vector<16xi32>
        %parallel_loop3A_235 = arith.constant 0 : i32
        %parallel_loop3A_236 = arith.constant 0 : i32
        %parallel_loop3A_237 = tpu.memref_slice %arg5[%and3A_101, %parallel_loop3A_235, %parallel_loop3A_236] : memref<2x128x128xf32, #tpu.memory_space<vmem>> -> memref<1x128x128xf32, #tpu.memory_space<vmem>>
        %parallel_loop3A_238 = tpu.memref_squeeze %parallel_loop3A_237 : memref<1x128x128xf32, #tpu.memory_space<vmem>> -> memref<128x128xf32, #tpu.memory_space<vmem>>
        tpu.vector_store_idx %parallel_loop3A_238[%parallel_loop3A_227, %parallel_loop3A_234], %parallel_loop3A_224 : memref<128x128xf32, #tpu.memory_space<vmem>>[vector<16xi32>, vector<16xi32>], vector<16xf32>,
        %parallel_loop3A_239 = arith.constant 64 : i32
        %parallel_loop3A_240 = vector.broadcast %parallel_loop3A_239 : i32 to vector<16xi32>
        %parallel_loop3A_241 = arith.addi %iota3A, %parallel_loop3A_240 : vector<16xi32>
        %parallel_loop3A_242 = arith.constant 0 : i32
        %parallel_loop3A_243 = arith.constant 0 : i32
        %parallel_loop3A_244 = tpu.memref_slice %arg4[%and3A_101, %parallel_loop3A_242, %parallel_loop3A_243] : memref<2x64x256xf32, #tpu.memory_space<vmem>> -> memref<1x64x256xf32, #tpu.memory_space<vmem>>
        %parallel_loop3A_245 = tpu.memref_squeeze %parallel_loop3A_244 : memref<1x64x256xf32, #tpu.memory_space<vmem>> -> memref<64x256xf32, #tpu.memory_space<vmem>>
        %parallel_loop3A_246 = tpu.vector_load_idx %parallel_loop3A_245[%parallel_loop3A_150, %parallel_loop3A_241] : memref<64x256xf32, #tpu.memory_space<vmem>>[vector<16xi32>, vector<16xi32>], vector<16xf32>,
        %parallel_loop3A_247 = arith.constant 1 : i32
        %parallel_loop3A_248 = vector.broadcast %parallel_loop3A_247 : i32 to vector<16xi32>
        %parallel_loop3A_249 = arith.shrui %parallel_loop3A_241, %parallel_loop3A_248 : vector<16xi32>
        %parallel_loop3A_250 = arith.constant 1 : i32
        %parallel_loop3A_251 = vector.broadcast %parallel_loop3A_250 : i32 to vector<16xi32>
        %parallel_loop3A_252 = arith.andi %parallel_loop3A_241, %parallel_loop3A_251 : vector<16xi32>
        %parallel_loop3A_253 = arith.constant 64 : i32
        %parallel_loop3A_254 = vector.broadcast %parallel_loop3A_253 : i32 to vector<16xi32>
        %parallel_loop3A_255 = arith.muli %parallel_loop3A_252, %parallel_loop3A_254 : vector<16xi32>
        %parallel_loop3A_256 = arith.addi %parallel_loop3A_255, %parallel_loop3A_150 : vector<16xi32>
        %parallel_loop3A_257 = arith.constant 0 : i32
        %parallel_loop3A_258 = arith.constant 0 : i32
        %parallel_loop3A_259 = tpu.memref_slice %arg5[%and3A_101, %parallel_loop3A_257, %parallel_loop3A_258] : memref<2x128x128xf32, #tpu.memory_space<vmem>> -> memref<1x128x128xf32, #tpu.memory_space<vmem>>
        %parallel_loop3A_260 = tpu.memref_squeeze %parallel_loop3A_259 : memref<1x128x128xf32, #tpu.memory_space<vmem>> -> memref<128x128xf32, #tpu.memory_space<vmem>>
        tpu.vector_store_idx %parallel_loop3A_260[%parallel_loop3A_249, %parallel_loop3A_256], %parallel_loop3A_246 : memref<128x128xf32, #tpu.memory_space<vmem>>[vector<16xi32>, vector<16xi32>], vector<16xf32>,
        %parallel_loop3A_261 = arith.constant 80 : i32
        %parallel_loop3A_262 = vector.broadcast %parallel_loop3A_261 : i32 to vector<16xi32>
        %parallel_loop3A_263 = arith.addi %iota3A, %parallel_loop3A_262 : vector<16xi32>
        %parallel_loop3A_264 = arith.constant 0 : i32
        %parallel_loop3A_265 = arith.constant 0 : i32
        %parallel_loop3A_266 = tpu.memref_slice %arg4[%and3A_101, %parallel_loop3A_264, %parallel_loop3A_265] : memref<2x64x256xf32, #tpu.memory_space<vmem>> -> memref<1x64x256xf32, #tpu.memory_space<vmem>>
        %parallel_loop3A_267 = tpu.memref_squeeze %parallel_loop3A_266 : memref<1x64x256xf32, #tpu.memory_space<vmem>> -> memref<64x256xf32, #tpu.memory_space<vmem>>
        %parallel_loop3A_268 = tpu.vector_load_idx %parallel_loop3A_267[%parallel_loop3A_150, %parallel_loop3A_263] : memref<64x256xf32, #tpu.memory_space<vmem>>[vector<16xi32>, vector<16xi32>], vector<16xf32>,
        %parallel_loop3A_269 = arith.constant 1 : i32
        %parallel_loop3A_270 = vector.broadcast %parallel_loop3A_269 : i32 to vector<16xi32>
        %parallel_loop3A_271 = arith.shrui %parallel_loop3A_263, %parallel_loop3A_270 : vector<16xi32>
        %parallel_loop3A_272 = arith.constant 1 : i32
        %parallel_loop3A_273 = vector.broadcast %parallel_loop3A_272 : i32 to vector<16xi32>
        %parallel_loop3A_274 = arith.andi %parallel_loop3A_263, %parallel_loop3A_273 : vector<16xi32>
        %parallel_loop3A_275 = arith.constant 64 : i32
        %parallel_loop3A_276 = vector.broadcast %parallel_loop3A_275 : i32 to vector<16xi32>
        %parallel_loop3A_277 = arith.muli %parallel_loop3A_274, %parallel_loop3A_276 : vector<16xi32>
        %parallel_loop3A_278 = arith.addi %parallel_loop3A_277, %parallel_loop3A_150 : vector<16xi32>
        %parallel_loop3A_279 = arith.constant 0 : i32
        %parallel_loop3A_280 = arith.constant 0 : i32
        %parallel_loop3A_281 = tpu.memref_slice %arg5[%and3A_101, %parallel_loop3A_279, %parallel_loop3A_280] : memref<2x128x128xf32, #tpu.memory_space<vmem>> -> memref<1x128x128xf32, #tpu.memory_space<vmem>>
        %parallel_loop3A_282 = tpu.memref_squeeze %parallel_loop3A_281 : memref<1x128x128xf32, #tpu.memory_space<vmem>> -> memref<128x128xf32, #tpu.memory_space<vmem>>
        tpu.vector_store_idx %parallel_loop3A_282[%parallel_loop3A_271, %parallel_loop3A_278], %parallel_loop3A_268 : memref<128x128xf32, #tpu.memory_space<vmem>>[vector<16xi32>, vector<16xi32>], vector<16xf32>,
        %parallel_loop3A_283 = arith.constant 96 : i32
        %parallel_loop3A_284 = vector.broadcast %parallel_loop3A_283 : i32 to vector<16xi32>
        %parallel_loop3A_285 = arith.addi %iota3A, %parallel_loop3A_284 : vector<16xi32>
        %parallel_loop3A_286 = arith.constant 0 : i32
        %parallel_loop3A_287 = arith.constant 0 : i32
        %parallel_loop3A_288 = tpu.memref_slice %arg4[%and3A_101, %parallel_loop3A_286, %parallel_loop3A_287] : memref<2x64x256xf32, #tpu.memory_space<vmem>> -> memref<1x64x256xf32, #tpu.memory_space<vmem>>
        %parallel_loop3A_289 = tpu.memref_squeeze %parallel_loop3A_288 : memref<1x64x256xf32, #tpu.memory_space<vmem>> -> memref<64x256xf32, #tpu.memory_space<vmem>>
        %parallel_loop3A_290 = tpu.vector_load_idx %parallel_loop3A_289[%parallel_loop3A_150, %parallel_loop3A_285] : memref<64x256xf32, #tpu.memory_space<vmem>>[vector<16xi32>, vector<16xi32>], vector<16xf32>,
        %parallel_loop3A_291 = arith.constant 1 : i32
        %parallel_loop3A_292 = vector.broadcast %parallel_loop3A_291 : i32 to vector<16xi32>
        %parallel_loop3A_293 = arith.shrui %parallel_loop3A_285, %parallel_loop3A_292 : vector<16xi32>
        %parallel_loop3A_294 = arith.constant 1 : i32
        %parallel_loop3A_295 = vector.broadcast %parallel_loop3A_294 : i32 to vector<16xi32>
        %parallel_loop3A_296 = arith.andi %parallel_loop3A_285, %parallel_loop3A_295 : vector<16xi32>
        %parallel_loop3A_297 = arith.constant 64 : i32
        %parallel_loop3A_298 = vector.broadcast %parallel_loop3A_297 : i32 to vector<16xi32>
        %parallel_loop3A_299 = arith.muli %parallel_loop3A_296, %parallel_loop3A_298 : vector<16xi32>
        %parallel_loop3A_300 = arith.addi %parallel_loop3A_299, %parallel_loop3A_150 : vector<16xi32>
        %parallel_loop3A_301 = arith.constant 0 : i32
        %parallel_loop3A_302 = arith.constant 0 : i32
        %parallel_loop3A_303 = tpu.memref_slice %arg5[%and3A_101, %parallel_loop3A_301, %parallel_loop3A_302] : memref<2x128x128xf32, #tpu.memory_space<vmem>> -> memref<1x128x128xf32, #tpu.memory_space<vmem>>
        %parallel_loop3A_304 = tpu.memref_squeeze %parallel_loop3A_303 : memref<1x128x128xf32, #tpu.memory_space<vmem>> -> memref<128x128xf32, #tpu.memory_space<vmem>>
        tpu.vector_store_idx %parallel_loop3A_304[%parallel_loop3A_293, %parallel_loop3A_300], %parallel_loop3A_290 : memref<128x128xf32, #tpu.memory_space<vmem>>[vector<16xi32>, vector<16xi32>], vector<16xf32>,
        %parallel_loop3A_305 = arith.constant 112 : i32
        %parallel_loop3A_306 = vector.broadcast %parallel_loop3A_305 : i32 to vector<16xi32>
        %parallel_loop3A_307 = arith.addi %iota3A, %parallel_loop3A_306 : vector<16xi32>
        %parallel_loop3A_308 = arith.constant 0 : i32
        %parallel_loop3A_309 = arith.constant 0 : i32
        %parallel_loop3A_310 = tpu.memref_slice %arg4[%and3A_101, %parallel_loop3A_308, %parallel_loop3A_309] : memref<2x64x256xf32, #tpu.memory_space<vmem>> -> memref<1x64x256xf32, #tpu.memory_space<vmem>>
        %parallel_loop3A_311 = tpu.memref_squeeze %parallel_loop3A_310 : memref<1x64x256xf32, #tpu.memory_space<vmem>> -> memref<64x256xf32, #tpu.memory_space<vmem>>
        %parallel_loop3A_312 = tpu.vector_load_idx %parallel_loop3A_311[%parallel_loop3A_150, %parallel_loop3A_307] : memref<64x256xf32, #tpu.memory_space<vmem>>[vector<16xi32>, vector<16xi32>], vector<16xf32>,
        %parallel_loop3A_313 = arith.constant 1 : i32
        %parallel_loop3A_314 = vector.broadcast %parallel_loop3A_313 : i32 to vector<16xi32>
        %parallel_loop3A_315 = arith.shrui %parallel_loop3A_307, %parallel_loop3A_314 : vector<16xi32>
        %parallel_loop3A_316 = arith.constant 1 : i32
        %parallel_loop3A_317 = vector.broadcast %parallel_loop3A_316 : i32 to vector<16xi32>
        %parallel_loop3A_318 = arith.andi %parallel_loop3A_307, %parallel_loop3A_317 : vector<16xi32>
        %parallel_loop3A_319 = arith.constant 64 : i32
        %parallel_loop3A_320 = vector.broadcast %parallel_loop3A_319 : i32 to vector<16xi32>
        %parallel_loop3A_321 = arith.muli %parallel_loop3A_318, %parallel_loop3A_320 : vector<16xi32>
        %parallel_loop3A_322 = arith.addi %parallel_loop3A_321, %parallel_loop3A_150 : vector<16xi32>
        %parallel_loop3A_323 = arith.constant 0 : i32
        %parallel_loop3A_324 = arith.constant 0 : i32
        %parallel_loop3A_325 = tpu.memref_slice %arg5[%and3A_101, %parallel_loop3A_323, %parallel_loop3A_324] : memref<2x128x128xf32, #tpu.memory_space<vmem>> -> memref<1x128x128xf32, #tpu.memory_space<vmem>>
        %parallel_loop3A_326 = tpu.memref_squeeze %parallel_loop3A_325 : memref<1x128x128xf32, #tpu.memory_space<vmem>> -> memref<128x128xf32, #tpu.memory_space<vmem>>
        tpu.vector_store_idx %parallel_loop3A_326[%parallel_loop3A_315, %parallel_loop3A_322], %parallel_loop3A_312 : memref<128x128xf32, #tpu.memory_space<vmem>>[vector<16xi32>, vector<16xi32>], vector<16xf32>,
        %parallel_loop3A_327 = arith.constant 128 : i32
        %parallel_loop3A_328 = vector.broadcast %parallel_loop3A_327 : i32 to vector<16xi32>
        %parallel_loop3A_329 = arith.addi %iota3A, %parallel_loop3A_328 : vector<16xi32>
        %parallel_loop3A_330 = arith.constant 0 : i32
        %parallel_loop3A_331 = arith.constant 0 : i32
        %parallel_loop3A_332 = tpu.memref_slice %arg4[%and3A_101, %parallel_loop3A_330, %parallel_loop3A_331] : memref<2x64x256xf32, #tpu.memory_space<vmem>> -> memref<1x64x256xf32, #tpu.memory_space<vmem>>
        %parallel_loop3A_333 = tpu.memref_squeeze %parallel_loop3A_332 : memref<1x64x256xf32, #tpu.memory_space<vmem>> -> memref<64x256xf32, #tpu.memory_space<vmem>>
        %parallel_loop3A_334 = tpu.vector_load_idx %parallel_loop3A_333[%parallel_loop3A_150, %parallel_loop3A_329] : memref<64x256xf32, #tpu.memory_space<vmem>>[vector<16xi32>, vector<16xi32>], vector<16xf32>,
        %parallel_loop3A_335 = arith.constant 1 : i32
        %parallel_loop3A_336 = vector.broadcast %parallel_loop3A_335 : i32 to vector<16xi32>
        %parallel_loop3A_337 = arith.shrui %parallel_loop3A_329, %parallel_loop3A_336 : vector<16xi32>
        %parallel_loop3A_338 = arith.constant 1 : i32
        %parallel_loop3A_339 = vector.broadcast %parallel_loop3A_338 : i32 to vector<16xi32>
        %parallel_loop3A_340 = arith.andi %parallel_loop3A_329, %parallel_loop3A_339 : vector<16xi32>
        %parallel_loop3A_341 = arith.constant 64 : i32
        %parallel_loop3A_342 = vector.broadcast %parallel_loop3A_341 : i32 to vector<16xi32>
        %parallel_loop3A_343 = arith.muli %parallel_loop3A_340, %parallel_loop3A_342 : vector<16xi32>
        %parallel_loop3A_344 = arith.addi %parallel_loop3A_343, %parallel_loop3A_150 : vector<16xi32>
        %parallel_loop3A_345 = arith.constant 0 : i32
        %parallel_loop3A_346 = arith.constant 0 : i32
        %parallel_loop3A_347 = tpu.memref_slice %arg5[%and3A_101, %parallel_loop3A_345, %parallel_loop3A_346] : memref<2x128x128xf32, #tpu.memory_space<vmem>> -> memref<1x128x128xf32, #tpu.memory_space<vmem>>
        %parallel_loop3A_348 = tpu.memref_squeeze %parallel_loop3A_347 : memref<1x128x128xf32, #tpu.memory_space<vmem>> -> memref<128x128xf32, #tpu.memory_space<vmem>>
        tpu.vector_store_idx %parallel_loop3A_348[%parallel_loop3A_337, %parallel_loop3A_344], %parallel_loop3A_334 : memref<128x128xf32, #tpu.memory_space<vmem>>[vector<16xi32>, vector<16xi32>], vector<16xf32>,
        %parallel_loop3A_349 = arith.constant 144 : i32
        %parallel_loop3A_350 = vector.broadcast %parallel_loop3A_349 : i32 to vector<16xi32>
        %parallel_loop3A_351 = arith.addi %iota3A, %parallel_loop3A_350 : vector<16xi32>
        %parallel_loop3A_352 = arith.constant 0 : i32
        %parallel_loop3A_353 = arith.constant 0 : i32
        %parallel_loop3A_354 = tpu.memref_slice %arg4[%and3A_101, %parallel_loop3A_352, %parallel_loop3A_353] : memref<2x64x256xf32, #tpu.memory_space<vmem>> -> memref<1x64x256xf32, #tpu.memory_space<vmem>>
        %parallel_loop3A_355 = tpu.memref_squeeze %parallel_loop3A_354 : memref<1x64x256xf32, #tpu.memory_space<vmem>> -> memref<64x256xf32, #tpu.memory_space<vmem>>
        %parallel_loop3A_356 = tpu.vector_load_idx %parallel_loop3A_355[%parallel_loop3A_150, %parallel_loop3A_351] : memref<64x256xf32, #tpu.memory_space<vmem>>[vector<16xi32>, vector<16xi32>], vector<16xf32>,
        %parallel_loop3A_357 = arith.constant 1 : i32
        %parallel_loop3A_358 = vector.broadcast %parallel_loop3A_357 : i32 to vector<16xi32>
        %parallel_loop3A_359 = arith.shrui %parallel_loop3A_351, %parallel_loop3A_358 : vector<16xi32>
        %parallel_loop3A_360 = arith.constant 1 : i32
        %parallel_loop3A_361 = vector.broadcast %parallel_loop3A_360 : i32 to vector<16xi32>
        %parallel_loop3A_362 = arith.andi %parallel_loop3A_351, %parallel_loop3A_361 : vector<16xi32>
        %parallel_loop3A_363 = arith.constant 64 : i32
        %parallel_loop3A_364 = vector.broadcast %parallel_loop3A_363 : i32 to vector<16xi32>
        %parallel_loop3A_365 = arith.muli %parallel_loop3A_362, %parallel_loop3A_364 : vector<16xi32>
        %parallel_loop3A_366 = arith.addi %parallel_loop3A_365, %parallel_loop3A_150 : vector<16xi32>
        %parallel_loop3A_367 = arith.constant 0 : i32
        %parallel_loop3A_368 = arith.constant 0 : i32
        %parallel_loop3A_369 = tpu.memref_slice %arg5[%and3A_101, %parallel_loop3A_367, %parallel_loop3A_368] : memref<2x128x128xf32, #tpu.memory_space<vmem>> -> memref<1x128x128xf32, #tpu.memory_space<vmem>>
        %parallel_loop3A_370 = tpu.memref_squeeze %parallel_loop3A_369 : memref<1x128x128xf32, #tpu.memory_space<vmem>> -> memref<128x128xf32, #tpu.memory_space<vmem>>
        tpu.vector_store_idx %parallel_loop3A_370[%parallel_loop3A_359, %parallel_loop3A_366], %parallel_loop3A_356 : memref<128x128xf32, #tpu.memory_space<vmem>>[vector<16xi32>, vector<16xi32>], vector<16xf32>,
        %parallel_loop3A_371 = arith.constant 160 : i32
        %parallel_loop3A_372 = vector.broadcast %parallel_loop3A_371 : i32 to vector<16xi32>
        %parallel_loop3A_373 = arith.addi %iota3A, %parallel_loop3A_372 : vector<16xi32>
        %parallel_loop3A_374 = arith.constant 0 : i32
        %parallel_loop3A_375 = arith.constant 0 : i32
        %parallel_loop3A_376 = tpu.memref_slice %arg4[%and3A_101, %parallel_loop3A_374, %parallel_loop3A_375] : memref<2x64x256xf32, #tpu.memory_space<vmem>> -> memref<1x64x256xf32, #tpu.memory_space<vmem>>
        %parallel_loop3A_377 = tpu.memref_squeeze %parallel_loop3A_376 : memref<1x64x256xf32, #tpu.memory_space<vmem>> -> memref<64x256xf32, #tpu.memory_space<vmem>>
        %parallel_loop3A_378 = tpu.vector_load_idx %parallel_loop3A_377[%parallel_loop3A_150, %parallel_loop3A_373] : memref<64x256xf32, #tpu.memory_space<vmem>>[vector<16xi32>, vector<16xi32>], vector<16xf32>,
        %parallel_loop3A_379 = arith.constant 1 : i32
        %parallel_loop3A_380 = vector.broadcast %parallel_loop3A_379 : i32 to vector<16xi32>
        %parallel_loop3A_381 = arith.shrui %parallel_loop3A_373, %parallel_loop3A_380 : vector<16xi32>
        %parallel_loop3A_382 = arith.constant 1 : i32
        %parallel_loop3A_383 = vector.broadcast %parallel_loop3A_382 : i32 to vector<16xi32>
        %parallel_loop3A_384 = arith.andi %parallel_loop3A_373, %parallel_loop3A_383 : vector<16xi32>
        %parallel_loop3A_385 = arith.constant 64 : i32
        %parallel_loop3A_386 = vector.broadcast %parallel_loop3A_385 : i32 to vector<16xi32>
        %parallel_loop3A_387 = arith.muli %parallel_loop3A_384, %parallel_loop3A_386 : vector<16xi32>
        %parallel_loop3A_388 = arith.addi %parallel_loop3A_387, %parallel_loop3A_150 : vector<16xi32>
        %parallel_loop3A_389 = arith.constant 0 : i32
        %parallel_loop3A_390 = arith.constant 0 : i32
        %parallel_loop3A_391 = tpu.memref_slice %arg5[%and3A_101, %parallel_loop3A_389, %parallel_loop3A_390] : memref<2x128x128xf32, #tpu.memory_space<vmem>> -> memref<1x128x128xf32, #tpu.memory_space<vmem>>
        %parallel_loop3A_392 = tpu.memref_squeeze %parallel_loop3A_391 : memref<1x128x128xf32, #tpu.memory_space<vmem>> -> memref<128x128xf32, #tpu.memory_space<vmem>>
        tpu.vector_store_idx %parallel_loop3A_392[%parallel_loop3A_381, %parallel_loop3A_388], %parallel_loop3A_378 : memref<128x128xf32, #tpu.memory_space<vmem>>[vector<16xi32>, vector<16xi32>], vector<16xf32>,
        %parallel_loop3A_393 = arith.constant 176 : i32
        %parallel_loop3A_394 = vector.broadcast %parallel_loop3A_393 : i32 to vector<16xi32>
        %parallel_loop3A_395 = arith.addi %iota3A, %parallel_loop3A_394 : vector<16xi32>
        %parallel_loop3A_396 = arith.constant 0 : i32
        %parallel_loop3A_397 = arith.constant 0 : i32
        %parallel_loop3A_398 = tpu.memref_slice %arg4[%and3A_101, %parallel_loop3A_396, %parallel_loop3A_397] : memref<2x64x256xf32, #tpu.memory_space<vmem>> -> memref<1x64x256xf32, #tpu.memory_space<vmem>>
        %parallel_loop3A_399 = tpu.memref_squeeze %parallel_loop3A_398 : memref<1x64x256xf32, #tpu.memory_space<vmem>> -> memref<64x256xf32, #tpu.memory_space<vmem>>
        %parallel_loop3A_400 = tpu.vector_load_idx %parallel_loop3A_399[%parallel_loop3A_150, %parallel_loop3A_395] : memref<64x256xf32, #tpu.memory_space<vmem>>[vector<16xi32>, vector<16xi32>], vector<16xf32>,
        %parallel_loop3A_401 = arith.constant 1 : i32
        %parallel_loop3A_402 = vector.broadcast %parallel_loop3A_401 : i32 to vector<16xi32>
        %parallel_loop3A_403 = arith.shrui %parallel_loop3A_395, %parallel_loop3A_402 : vector<16xi32>
        %parallel_loop3A_404 = arith.constant 1 : i32
        %parallel_loop3A_405 = vector.broadcast %parallel_loop3A_404 : i32 to vector<16xi32>
        %parallel_loop3A_406 = arith.andi %parallel_loop3A_395, %parallel_loop3A_405 : vector<16xi32>
        %parallel_loop3A_407 = arith.constant 64 : i32
        %parallel_loop3A_408 = vector.broadcast %parallel_loop3A_407 : i32 to vector<16xi32>
        %parallel_loop3A_409 = arith.muli %parallel_loop3A_406, %parallel_loop3A_408 : vector<16xi32>
        %parallel_loop3A_410 = arith.addi %parallel_loop3A_409, %parallel_loop3A_150 : vector<16xi32>
        %parallel_loop3A_411 = arith.constant 0 : i32
        %parallel_loop3A_412 = arith.constant 0 : i32
        %parallel_loop3A_413 = tpu.memref_slice %arg5[%and3A_101, %parallel_loop3A_411, %parallel_loop3A_412] : memref<2x128x128xf32, #tpu.memory_space<vmem>> -> memref<1x128x128xf32, #tpu.memory_space<vmem>>
        %parallel_loop3A_414 = tpu.memref_squeeze %parallel_loop3A_413 : memref<1x128x128xf32, #tpu.memory_space<vmem>> -> memref<128x128xf32, #tpu.memory_space<vmem>>
        tpu.vector_store_idx %parallel_loop3A_414[%parallel_loop3A_403, %parallel_loop3A_410], %parallel_loop3A_400 : memref<128x128xf32, #tpu.memory_space<vmem>>[vector<16xi32>, vector<16xi32>], vector<16xf32>,
        %parallel_loop3A_415 = arith.constant 192 : i32
        %parallel_loop3A_416 = vector.broadcast %parallel_loop3A_415 : i32 to vector<16xi32>
        %parallel_loop3A_417 = arith.addi %iota3A, %parallel_loop3A_416 : vector<16xi32>
        %parallel_loop3A_418 = arith.constant 0 : i32
        %parallel_loop3A_419 = arith.constant 0 : i32
        %parallel_loop3A_420 = tpu.memref_slice %arg4[%and3A_101, %parallel_loop3A_418, %parallel_loop3A_419] : memref<2x64x256xf32, #tpu.memory_space<vmem>> -> memref<1x64x256xf32, #tpu.memory_space<vmem>>
        %parallel_loop3A_421 = tpu.memref_squeeze %parallel_loop3A_420 : memref<1x64x256xf32, #tpu.memory_space<vmem>> -> memref<64x256xf32, #tpu.memory_space<vmem>>
        %parallel_loop3A_422 = tpu.vector_load_idx %parallel_loop3A_421[%parallel_loop3A_150, %parallel_loop3A_417] : memref<64x256xf32, #tpu.memory_space<vmem>>[vector<16xi32>, vector<16xi32>], vector<16xf32>,
        %parallel_loop3A_423 = arith.constant 1 : i32
        %parallel_loop3A_424 = vector.broadcast %parallel_loop3A_423 : i32 to vector<16xi32>
        %parallel_loop3A_425 = arith.shrui %parallel_loop3A_417, %parallel_loop3A_424 : vector<16xi32>
        %parallel_loop3A_426 = arith.constant 1 : i32
        %parallel_loop3A_427 = vector.broadcast %parallel_loop3A_426 : i32 to vector<16xi32>
        %parallel_loop3A_428 = arith.andi %parallel_loop3A_417, %parallel_loop3A_427 : vector<16xi32>
        %parallel_loop3A_429 = arith.constant 64 : i32
        %parallel_loop3A_430 = vector.broadcast %parallel_loop3A_429 : i32 to vector<16xi32>
        %parallel_loop3A_431 = arith.muli %parallel_loop3A_428, %parallel_loop3A_430 : vector<16xi32>
        %parallel_loop3A_432 = arith.addi %parallel_loop3A_431, %parallel_loop3A_150 : vector<16xi32>
        %parallel_loop3A_433 = arith.constant 0 : i32
        %parallel_loop3A_434 = arith.constant 0 : i32
        %parallel_loop3A_435 = tpu.memref_slice %arg5[%and3A_101, %parallel_loop3A_433, %parallel_loop3A_434] : memref<2x128x128xf32, #tpu.memory_space<vmem>> -> memref<1x128x128xf32, #tpu.memory_space<vmem>>
        %parallel_loop3A_436 = tpu.memref_squeeze %parallel_loop3A_435 : memref<1x128x128xf32, #tpu.memory_space<vmem>> -> memref<128x128xf32, #tpu.memory_space<vmem>>
        tpu.vector_store_idx %parallel_loop3A_436[%parallel_loop3A_425, %parallel_loop3A_432], %parallel_loop3A_422 : memref<128x128xf32, #tpu.memory_space<vmem>>[vector<16xi32>, vector<16xi32>], vector<16xf32>,
        %parallel_loop3A_437 = arith.constant 208 : i32
        %parallel_loop3A_438 = vector.broadcast %parallel_loop3A_437 : i32 to vector<16xi32>
        %parallel_loop3A_439 = arith.addi %iota3A, %parallel_loop3A_438 : vector<16xi32>
        %parallel_loop3A_440 = arith.constant 0 : i32
        %parallel_loop3A_441 = arith.constant 0 : i32
        %parallel_loop3A_442 = tpu.memref_slice %arg4[%and3A_101, %parallel_loop3A_440, %parallel_loop3A_441] : memref<2x64x256xf32, #tpu.memory_space<vmem>> -> memref<1x64x256xf32, #tpu.memory_space<vmem>>
        %parallel_loop3A_443 = tpu.memref_squeeze %parallel_loop3A_442 : memref<1x64x256xf32, #tpu.memory_space<vmem>> -> memref<64x256xf32, #tpu.memory_space<vmem>>
        %parallel_loop3A_444 = tpu.vector_load_idx %parallel_loop3A_443[%parallel_loop3A_150, %parallel_loop3A_439] : memref<64x256xf32, #tpu.memory_space<vmem>>[vector<16xi32>, vector<16xi32>], vector<16xf32>,
        %parallel_loop3A_445 = arith.constant 1 : i32
        %parallel_loop3A_446 = vector.broadcast %parallel_loop3A_445 : i32 to vector<16xi32>
        %parallel_loop3A_447 = arith.shrui %parallel_loop3A_439, %parallel_loop3A_446 : vector<16xi32>
        %parallel_loop3A_448 = arith.constant 1 : i32
        %parallel_loop3A_449 = vector.broadcast %parallel_loop3A_448 : i32 to vector<16xi32>
        %parallel_loop3A_450 = arith.andi %parallel_loop3A_439, %parallel_loop3A_449 : vector<16xi32>
        %parallel_loop3A_451 = arith.constant 64 : i32
        %parallel_loop3A_452 = vector.broadcast %parallel_loop3A_451 : i32 to vector<16xi32>
        %parallel_loop3A_453 = arith.muli %parallel_loop3A_450, %parallel_loop3A_452 : vector<16xi32>
        %parallel_loop3A_454 = arith.addi %parallel_loop3A_453, %parallel_loop3A_150 : vector<16xi32>
        %parallel_loop3A_455 = arith.constant 0 : i32
        %parallel_loop3A_456 = arith.constant 0 : i32
        %parallel_loop3A_457 = tpu.memref_slice %arg5[%and3A_101, %parallel_loop3A_455, %parallel_loop3A_456] : memref<2x128x128xf32, #tpu.memory_space<vmem>> -> memref<1x128x128xf32, #tpu.memory_space<vmem>>
        %parallel_loop3A_458 = tpu.memref_squeeze %parallel_loop3A_457 : memref<1x128x128xf32, #tpu.memory_space<vmem>> -> memref<128x128xf32, #tpu.memory_space<vmem>>
        tpu.vector_store_idx %parallel_loop3A_458[%parallel_loop3A_447, %parallel_loop3A_454], %parallel_loop3A_444 : memref<128x128xf32, #tpu.memory_space<vmem>>[vector<16xi32>, vector<16xi32>], vector<16xf32>,
        %parallel_loop3A_459 = arith.constant 224 : i32
        %parallel_loop3A_460 = vector.broadcast %parallel_loop3A_459 : i32 to vector<16xi32>
        %parallel_loop3A_461 = arith.addi %iota3A, %parallel_loop3A_460 : vector<16xi32>
        %parallel_loop3A_462 = arith.constant 0 : i32
        %parallel_loop3A_463 = arith.constant 0 : i32
        %parallel_loop3A_464 = tpu.memref_slice %arg4[%and3A_101, %parallel_loop3A_462, %parallel_loop3A_463] : memref<2x64x256xf32, #tpu.memory_space<vmem>> -> memref<1x64x256xf32, #tpu.memory_space<vmem>>
        %parallel_loop3A_465 = tpu.memref_squeeze %parallel_loop3A_464 : memref<1x64x256xf32, #tpu.memory_space<vmem>> -> memref<64x256xf32, #tpu.memory_space<vmem>>
        %parallel_loop3A_466 = tpu.vector_load_idx %parallel_loop3A_465[%parallel_loop3A_150, %parallel_loop3A_461] : memref<64x256xf32, #tpu.memory_space<vmem>>[vector<16xi32>, vector<16xi32>], vector<16xf32>,
        %parallel_loop3A_467 = arith.constant 1 : i32
        %parallel_loop3A_468 = vector.broadcast %parallel_loop3A_467 : i32 to vector<16xi32>
        %parallel_loop3A_469 = arith.shrui %parallel_loop3A_461, %parallel_loop3A_468 : vector<16xi32>
        %parallel_loop3A_470 = arith.constant 1 : i32
        %parallel_loop3A_471 = vector.broadcast %parallel_loop3A_470 : i32 to vector<16xi32>
        %parallel_loop3A_472 = arith.andi %parallel_loop3A_461, %parallel_loop3A_471 : vector<16xi32>
        %parallel_loop3A_473 = arith.constant 64 : i32
        %parallel_loop3A_474 = vector.broadcast %parallel_loop3A_473 : i32 to vector<16xi32>
        %parallel_loop3A_475 = arith.muli %parallel_loop3A_472, %parallel_loop3A_474 : vector<16xi32>
        %parallel_loop3A_476 = arith.addi %parallel_loop3A_475, %parallel_loop3A_150 : vector<16xi32>
        %parallel_loop3A_477 = arith.constant 0 : i32
        %parallel_loop3A_478 = arith.constant 0 : i32
        %parallel_loop3A_479 = tpu.memref_slice %arg5[%and3A_101, %parallel_loop3A_477, %parallel_loop3A_478] : memref<2x128x128xf32, #tpu.memory_space<vmem>> -> memref<1x128x128xf32, #tpu.memory_space<vmem>>
        %parallel_loop3A_480 = tpu.memref_squeeze %parallel_loop3A_479 : memref<1x128x128xf32, #tpu.memory_space<vmem>> -> memref<128x128xf32, #tpu.memory_space<vmem>>
        tpu.vector_store_idx %parallel_loop3A_480[%parallel_loop3A_469, %parallel_loop3A_476], %parallel_loop3A_466 : memref<128x128xf32, #tpu.memory_space<vmem>>[vector<16xi32>, vector<16xi32>], vector<16xf32>,
        %parallel_loop3A_481 = arith.constant 240 : i32
        %parallel_loop3A_482 = vector.broadcast %parallel_loop3A_481 : i32 to vector<16xi32>
        %parallel_loop3A_483 = arith.addi %iota3A, %parallel_loop3A_482 : vector<16xi32>
        %parallel_loop3A_484 = arith.constant 0 : i32
        %parallel_loop3A_485 = arith.constant 0 : i32
        %parallel_loop3A_486 = tpu.memref_slice %arg4[%and3A_101, %parallel_loop3A_484, %parallel_loop3A_485] : memref<2x64x256xf32, #tpu.memory_space<vmem>> -> memref<1x64x256xf32, #tpu.memory_space<vmem>>
        %parallel_loop3A_487 = tpu.memref_squeeze %parallel_loop3A_486 : memref<1x64x256xf32, #tpu.memory_space<vmem>> -> memref<64x256xf32, #tpu.memory_space<vmem>>
        %parallel_loop3A_488 = tpu.vector_load_idx %parallel_loop3A_487[%parallel_loop3A_150, %parallel_loop3A_483] : memref<64x256xf32, #tpu.memory_space<vmem>>[vector<16xi32>, vector<16xi32>], vector<16xf32>,
        %parallel_loop3A_489 = arith.constant 1 : i32
        %parallel_loop3A_490 = vector.broadcast %parallel_loop3A_489 : i32 to vector<16xi32>
        %parallel_loop3A_491 = arith.shrui %parallel_loop3A_483, %parallel_loop3A_490 : vector<16xi32>
        %parallel_loop3A_492 = arith.constant 1 : i32
        %parallel_loop3A_493 = vector.broadcast %parallel_loop3A_492 : i32 to vector<16xi32>
        %parallel_loop3A_494 = arith.andi %parallel_loop3A_483, %parallel_loop3A_493 : vector<16xi32>
        %parallel_loop3A_495 = arith.constant 64 : i32
        %parallel_loop3A_496 = vector.broadcast %parallel_loop3A_495 : i32 to vector<16xi32>
        %parallel_loop3A_497 = arith.muli %parallel_loop3A_494, %parallel_loop3A_496 : vector<16xi32>
        %parallel_loop3A_498 = arith.addi %parallel_loop3A_497, %parallel_loop3A_150 : vector<16xi32>
        %parallel_loop3A_499 = arith.constant 0 : i32
        %parallel_loop3A_500 = arith.constant 0 : i32
        %parallel_loop3A_501 = tpu.memref_slice %arg5[%and3A_101, %parallel_loop3A_499, %parallel_loop3A_500] : memref<2x128x128xf32, #tpu.memory_space<vmem>> -> memref<1x128x128xf32, #tpu.memory_space<vmem>>
        %parallel_loop3A_502 = tpu.memref_squeeze %parallel_loop3A_501 : memref<1x128x128xf32, #tpu.memory_space<vmem>> -> memref<128x128xf32, #tpu.memory_space<vmem>>
        tpu.vector_store_idx %parallel_loop3A_502[%parallel_loop3A_491, %parallel_loop3A_498], %parallel_loop3A_488 : memref<128x128xf32, #tpu.memory_space<vmem>>[vector<16xi32>, vector<16xi32>], vector<16xf32>,
      } {sc.loop_unroll_factor = 8 : i64, sc.parallel_access}
      %add3A_124 = arith.constant 2 : i32
      %add3A_125 = arith.addi %add3A_98, %add3A_124 : i32
      %lt3A = arith.cmpi slt, %add3A_125, %min3A_5 : i32
      %convert_element_type3A_126 = arith.extui %lt3A : i1 to i32
      %cond3A_127 = arith.constant 0 : i32
      %cond3A_128 = arith.cmpi ne, %convert_element_type3A_126, %cond3A_127 : i32
      scf.if %cond3A_128 {
        %add3A_145 = arith.constant 2 : i32
        %add3A_146 = arith.addi %add3A_98, %add3A_145 : i32
        %mul3A_147 = arith.constant 256 : i32
        %mul3A_148 = arith.muli %add3A_146, %mul3A_147 : i32
        %dma_start3A_149 = arith.constant 0 : i32
        %dma_start3A_150 = arith.constant 0 : i32
        %dma_start3A_151 = tpu.memref_slice %arg4[%and3A_101, %dma_start3A_149, %dma_start3A_150] : memref<2x64x256xf32, #tpu.memory_space<vmem>> -> memref<1x64x256xf32, #tpu.memory_space<vmem>>
        %dma_start3A_152 = tpu.memref_squeeze %dma_start3A_151 : memref<1x64x256xf32, #tpu.memory_space<vmem>> -> memref<64x256xf32, #tpu.memory_space<vmem>>
        %dma_start3A_153 = arith.constant 0 : i32
        %dma_start3A_154 = tpu.memref_slice %arg2[%dma_start3A_153, %mul3A_148] : memref<64x1000000xf32, #tpu.memory_space<hbm>> -> memref<64x256xf32, #tpu.memory_space<hbm>>
        %dma_start3A_155 = tpu.memref_slice %arg7[%and3A_101] : memref<2x!tpu.dma_semaphore, #tpu.memory_space<semaphore_mem>> -> memref<1x!tpu.dma_semaphore, #tpu.memory_space<semaphore_mem>>
        %dma_start3A_156 = tpu.memref_squeeze %dma_start3A_155 : memref<1x!tpu.dma_semaphore, #tpu.memory_space<semaphore_mem>> -> memref<!tpu.dma_semaphore, #tpu.memory_space<semaphore_mem>>
        %dma_start3A_157 = arith.constant 0 : i32
        %dma_start3A_158 = arith.constant 0 : i32
        %dma_start3A_159 = tpu.memref_slice %arg4[%and3A_101, %dma_start3A_157, %dma_start3A_158] : memref<2x64x256xf32, #tpu.memory_space<vmem>> -> memref<1x64x256xf32, #tpu.memory_space<vmem>>
        %dma_start3A_160 = tpu.memref_squeeze %dma_start3A_159 : memref<1x64x256xf32, #tpu.memory_space<vmem>> -> memref<64x256xf32, #tpu.memory_space<vmem>>
        %dma_start3A_161 = arith.constant 0 : i32
        %dma_start3A_162 = tpu.memref_slice %arg2[%dma_start3A_161, %mul3A_148] : memref<64x1000000xf32, #tpu.memory_space<hbm>> -> memref<64x256xf32, #tpu.memory_space<hbm>>
        tpu.enqueue_dma source(%dma_start3A_162 : memref<64x256xf32, #tpu.memory_space<hbm>>) target(%dma_start3A_160 : memref<64x256xf32, #tpu.memory_space<vmem>>) target_semaphore(%dma_start3A_156 : memref<!tpu.dma_semaphore, #tpu.memory_space<semaphore_mem>>)
      } else {
      }
      %mul3A_129 = arith.constant 128 : i32
      %mul3A_130 = arith.muli %add3A_98, %mul3A_129 : i32
      %dma_start3A_131 = arith.constant 0 : i32
      %dma_start3A_132 = arith.constant 0 : i32
      %dma_start3A_133 = tpu.memref_slice %arg5[%and3A_101, %dma_start3A_131, %dma_start3A_132] : memref<2x128x128xf32, #tpu.memory_space<vmem>> -> memref<1x128x128xf32, #tpu.memory_space<vmem>>
      %dma_start3A_134 = tpu.memref_squeeze %dma_start3A_133 : memref<1x128x128xf32, #tpu.memory_space<vmem>> -> memref<128x128xf32, #tpu.memory_space<vmem>>
      %dma_start3A_135 = arith.constant 0 : i32
      %dma_start3A_136 = tpu.memref_slice %arg3[%mul3A_130, %dma_start3A_135] : memref<500032x128xf32, #tpu.memory_space<hbm>> -> memref<128x128xf32, #tpu.memory_space<hbm>>
      %dma_start3A_137 = tpu.memref_slice %arg8[%and3A_101] : memref<2x!tpu.dma_semaphore, #tpu.memory_space<semaphore_mem>> -> memref<1x!tpu.dma_semaphore, #tpu.memory_space<semaphore_mem>>
      %dma_start3A_138 = tpu.memref_squeeze %dma_start3A_137 : memref<1x!tpu.dma_semaphore, #tpu.memory_space<semaphore_mem>> -> memref<!tpu.dma_semaphore, #tpu.memory_space<semaphore_mem>>
      %dma_start3A_139 = arith.constant 0 : i32
      %dma_start3A_140 = tpu.memref_slice %arg3[%mul3A_130, %dma_start3A_139] : memref<500032x128xf32, #tpu.memory_space<hbm>> -> memref<128x128xf32, #tpu.memory_space<hbm>>
      %dma_start3A_141 = arith.constant 0 : i32
      %dma_start3A_142 = arith.constant 0 : i32
      %dma_start3A_143 = tpu.memref_slice %arg5[%and3A_101, %dma_start3A_141, %dma_start3A_142] : memref<2x128x128xf32, #tpu.memory_space<vmem>> -> memref<1x128x128xf32, #tpu.memory_space<vmem>>
      %dma_start3A_144 = tpu.memref_squeeze %dma_start3A_143 : memref<1x128x128xf32, #tpu.memory_space<vmem>> -> memref<128x128xf32, #tpu.memory_space<vmem>>
      tpu.enqueue_dma source(%dma_start3A_144 : memref<128x128xf32, #tpu.memory_space<vmem>>) target(%dma_start3A_140 : memref<128x128xf32, #tpu.memory_space<hbm>>) target_semaphore(%dma_start3A_138 : memref<!tpu.dma_semaphore, #tpu.memory_space<semaphore_mem>>)
    }
    %sub3A_57 = arith.subi %min3A_5, %mul3A_2 : i32
    %and3A = arith.constant 1 : i32
    %and3A_58 = arith.andi %sub3A_57, %and3A : i32
    %dma_wait3A = arith.constant 0 : i32
    %dma_wait3A_59 = arith.constant 0 : i32
    %dma_wait3A_60 = tpu.memref_slice %arg5[%and3A_58, %dma_wait3A, %dma_wait3A_59] : memref<2x128x128xf32, #tpu.memory_space<vmem>> -> memref<1x128x128xf32, #tpu.memory_space<vmem>>
    %dma_wait3A_61 = tpu.memref_squeeze %dma_wait3A_60 : memref<1x128x128xf32, #tpu.memory_space<vmem>> -> memref<128x128xf32, #tpu.memory_space<vmem>>
    %dma_wait3A_62 = arith.constant 0 : i32
    %dma_wait3A_63 = arith.constant 0 : i32
    %dma_wait3A_64 = tpu.memref_slice %arg3[%dma_wait3A_62, %dma_wait3A_63] : memref<500032x128xf32, #tpu.memory_space<hbm>> -> memref<128x128xf32, #tpu.memory_space<hbm>>
    %dma_wait3A_65 = tpu.memref_slice %arg8[%and3A_58] : memref<2x!tpu.dma_semaphore, #tpu.memory_space<semaphore_mem>> -> memref<1x!tpu.dma_semaphore, #tpu.memory_space<semaphore_mem>>
    %dma_wait3A_66 = tpu.memref_squeeze %dma_wait3A_65 : memref<1x!tpu.dma_semaphore, #tpu.memory_space<semaphore_mem>> -> memref<!tpu.dma_semaphore, #tpu.memory_space<semaphore_mem>>
    %dma_wait3A_67 = arith.constant 0 : i32
    %dma_wait3A_68 = arith.constant 0 : i32
    %dma_wait3A_69 = tpu.memref_slice %arg5[%and3A_58, %dma_wait3A_67, %dma_wait3A_68] : memref<2x128x128xf32, #tpu.memory_space<vmem>> -> memref<1x128x128xf32, #tpu.memory_space<vmem>>
    %dma_wait3A_70 = tpu.memref_squeeze %dma_wait3A_69 : memref<1x128x128xf32, #tpu.memory_space<vmem>> -> memref<128x128xf32, #tpu.memory_space<vmem>>
    %dma_wait3A_71 = arith.constant 0 : i32
    %dma_wait3A_72 = arith.constant 0 : i32
    %dma_wait3A_73 = tpu.memref_slice %arg3[%dma_wait3A_71, %dma_wait3A_72] : memref<500032x128xf32, #tpu.memory_space<hbm>> -> memref<128x128xf32, #tpu.memory_space<hbm>>
    tpu.wait_dma2 semaphore(%dma_wait3A_66 : memref<!tpu.dma_semaphore, #tpu.memory_space<semaphore_mem>>) src(%dma_wait3A_73 : memref<128x128xf32, #tpu.memory_space<hbm>>) dst(%dma_wait3A_70 : memref<128x128xf32, #tpu.memory_space<vmem>>)
    %add3A_74 = arith.constant 1 : i32
    %add3A_75 = arith.addi %sub3A_57, %add3A_74 : i32
    %and3A_76 = arith.constant 1 : i32
    %and3A_77 = arith.andi %add3A_75, %and3A_76 : i32
    %dma_wait3A_78 = arith.constant 0 : i32
    %dma_wait3A_79 = arith.constant 0 : i32
    %dma_wait3A_80 = tpu.memref_slice %arg5[%and3A_77, %dma_wait3A_78, %dma_wait3A_79] : memref<2x128x128xf32, #tpu.memory_space<vmem>> -> memref<1x128x128xf32, #tpu.memory_space<vmem>>
    %dma_wait3A_81 = tpu.memref_squeeze %dma_wait3A_80 : memref<1x128x128xf32, #tpu.memory_space<vmem>> -> memref<128x128xf32, #tpu.memory_space<vmem>>
    %dma_wait3A_82 = arith.constant 0 : i32
    %dma_wait3A_83 = arith.constant 0 : i32
    %dma_wait3A_84 = tpu.memref_slice %arg3[%dma_wait3A_82, %dma_wait3A_83] : memref<500032x128xf32, #tpu.memory_space<hbm>> -> memref<128x128xf32, #tpu.memory_space<hbm>>
    %dma_wait3A_85 = tpu.memref_slice %arg8[%and3A_77] : memref<2x!tpu.dma_semaphore, #tpu.memory_space<semaphore_mem>> -> memref<1x!tpu.dma_semaphore, #tpu.memory_space<semaphore_mem>>
    %dma_wait3A_86 = tpu.memref_squeeze %dma_wait3A_85 : memref<1x!tpu.dma_semaphore, #tpu.memory_space<semaphore_mem>> -> memref<!tpu.dma_semaphore, #tpu.memory_space<semaphore_mem>>
    %dma_wait3A_87 = arith.constant 0 : i32
    %dma_wait3A_88 = arith.constant 0 : i32
    %dma_wait3A_89 = tpu.memref_slice %arg5[%and3A_77, %dma_wait3A_87, %dma_wait3A_88] : memref<2x128x128xf32, #tpu.memory_space<vmem>> -> memref<1x128x128xf32, #tpu.memory_space<vmem>>
    %dma_wait3A_90 = tpu.memref_squeeze %dma_wait3A_89 : memref<1x128x128xf32, #tpu.memory_space<vmem>> -> memref<128x128xf32, #tpu.memory_space<vmem>>
    %dma_wait3A_91 = arith.constant 0 : i32
    %dma_wait3A_92 = arith.constant 0 : i32
    %dma_wait3A_93 = tpu.memref_slice %arg3[%dma_wait3A_91, %dma_wait3A_92] : memref<500032x128xf32, #tpu.memory_space<hbm>> -> memref<128x128xf32, #tpu.memory_space<hbm>>
    tpu.wait_dma2 semaphore(%dma_wait3A_86 : memref<!tpu.dma_semaphore, #tpu.memory_space<semaphore_mem>>) src(%dma_wait3A_93 : memref<128x128xf32, #tpu.memory_space<hbm>>) dst(%dma_wait3A_90 : memref<128x128xf32, #tpu.memory_space<vmem>>)
    %eq3A = arith.constant 31 : i32
    %eq3A_94 = arith.cmpi eq, %add3A, %eq3A : i32
    %convert_element_type3A = arith.extui %eq3A_94 : i1 to i32
    %cond3A = arith.constant 0 : i32
    %cond3A_95 = arith.cmpi ne, %convert_element_type3A, %cond3A : i32
    scf.if %cond3A_95 {
      "tpu.region"() ({
        %run_scoped3A_98 = tpu.sem_alloc : memref<!tpu.dma_semaphore, #tpu.memory_space<semaphore_mem>>
        %dma_start3A_99 = arith.constant 0 : i32
        %dma_start3A_100 = arith.constant 999936 : i32
        %dma_start3A_101 = tpu.memref_slice %arg2[%dma_start3A_99, %dma_start3A_100] : memref<64x1000000xf32, #tpu.memory_space<hbm>> -> memref<64x64xf32, #tpu.memory_space<hbm>>
        %dma_start3A_102 = arith.constant 0 : i32
        %dma_start3A_103 = arith.constant 999936 : i32
        %dma_start3A_104 = tpu.memref_slice %arg2[%dma_start3A_102, %dma_start3A_103] : memref<64x1000000xf32, #tpu.memory_space<hbm>> -> memref<64x64xf32, #tpu.memory_space<hbm>>
        tpu.enqueue_dma source(%dma_start3A_104 : memref<64x64xf32, #tpu.memory_space<hbm>>) target(%arg6 : memref<64x64xf32, #tpu.memory_space<vmem>>) target_semaphore(%run_scoped3A_98 : memref<!tpu.dma_semaphore, #tpu.memory_space<semaphore_mem>>)
        %dma_wait3A_105 = arith.constant 0 : i32
        %dma_wait3A_106 = arith.constant 999936 : i32
        %dma_wait3A_107 = tpu.memref_slice %arg2[%dma_wait3A_105, %dma_wait3A_106] : memref<64x1000000xf32, #tpu.memory_space<hbm>> -> memref<64x64xf32, #tpu.memory_space<hbm>>
        %dma_wait3A_108 = arith.constant 0 : i32
        %dma_wait3A_109 = arith.constant 999936 : i32
        %dma_wait3A_110 = tpu.memref_slice %arg2[%dma_wait3A_108, %dma_wait3A_109] : memref<64x1000000xf32, #tpu.memory_space<hbm>> -> memref<64x64xf32, #tpu.memory_space<hbm>>
        tpu.wait_dma2 semaphore(%run_scoped3A_98 : memref<!tpu.dma_semaphore, #tpu.memory_space<semaphore_mem>>) src(%dma_wait3A_110 : memref<64x64xf32, #tpu.memory_space<hbm>>) dst(%arg6 : memref<64x64xf32, #tpu.memory_space<vmem>>)
        tpu.yield
      }) : () -> ()
      %parallel_loop3A = arith.constant 0 : i32
      %parallel_loop3A_96 = arith.constant 64 : i32
      %parallel_loop3A_97 = arith.constant 1 : i32
      scf.for %parallel_loop3A_98 = %parallel_loop3A to %parallel_loop3A_96 step %parallel_loop3A_97  : i32 {
        %parallel_loop3A_99 = vector.broadcast %parallel_loop3A_98 : i32 to vector<16xi32>
        %parallel_loop3A_100 = arith.addi %parallel_loop3A_99, %iota3A : vector<16xi32>
        %parallel_loop3A_101 = arith.constant 63 : i32
        %parallel_loop3A_102 = vector.broadcast %parallel_loop3A_101 : i32 to vector<16xi32>
        %parallel_loop3A_103 = arith.andi %parallel_loop3A_100, %parallel_loop3A_102 : vector<16xi32>
        %parallel_loop3A_104 = arith.constant 0 : i32
        %parallel_loop3A_105 = vector.broadcast %parallel_loop3A_104 : i32 to vector<16xi32>
        %parallel_loop3A_106 = arith.addi %iota3A, %parallel_loop3A_105 : vector<16xi32>
        %parallel_loop3A_107 = tpu.vector_load_idx %arg6[%parallel_loop3A_103, %parallel_loop3A_106] : memref<64x64xf32, #tpu.memory_space<vmem>>[vector<16xi32>, vector<16xi32>], vector<16xf32>,
        %parallel_loop3A_108 = arith.constant 1 : i32
        %parallel_loop3A_109 = vector.broadcast %parallel_loop3A_108 : i32 to vector<16xi32>
        %parallel_loop3A_110 = arith.shrui %parallel_loop3A_106, %parallel_loop3A_109 : vector<16xi32>
        %parallel_loop3A_111 = arith.constant 1 : i32
        %parallel_loop3A_112 = vector.broadcast %parallel_loop3A_111 : i32 to vector<16xi32>
        %parallel_loop3A_113 = arith.andi %parallel_loop3A_106, %parallel_loop3A_112 : vector<16xi32>
        %parallel_loop3A_114 = arith.constant 64 : i32
        %parallel_loop3A_115 = vector.broadcast %parallel_loop3A_114 : i32 to vector<16xi32>
        %parallel_loop3A_116 = arith.muli %parallel_loop3A_113, %parallel_loop3A_115 : vector<16xi32>
        %parallel_loop3A_117 = arith.addi %parallel_loop3A_116, %parallel_loop3A_103 : vector<16xi32>
        %parallel_loop3A_118 = arith.constant 0 : i32
        %parallel_loop3A_119 = arith.constant 0 : i32
        %parallel_loop3A_120 = arith.constant 0 : i32
        %parallel_loop3A_121 = tpu.memref_slice %arg5[%parallel_loop3A_118, %parallel_loop3A_119, %parallel_loop3A_120] : memref<2x128x128xf32, #tpu.memory_space<vmem>> -> memref<1x128x128xf32, #tpu.memory_space<vmem>>
        %parallel_loop3A_122 = tpu.memref_squeeze %parallel_loop3A_121 : memref<1x128x128xf32, #tpu.memory_space<vmem>> -> memref<128x128xf32, #tpu.memory_space<vmem>>
        tpu.vector_store_idx %parallel_loop3A_122[%parallel_loop3A_110, %parallel_loop3A_117], %parallel_loop3A_107 : memref<128x128xf32, #tpu.memory_space<vmem>>[vector<16xi32>, vector<16xi32>], vector<16xf32>,
        %parallel_loop3A_123 = arith.constant 16 : i32
        %parallel_loop3A_124 = vector.broadcast %parallel_loop3A_123 : i32 to vector<16xi32>
        %parallel_loop3A_125 = arith.addi %iota3A, %parallel_loop3A_124 : vector<16xi32>
        %parallel_loop3A_126 = tpu.vector_load_idx %arg6[%parallel_loop3A_103, %parallel_loop3A_125] : memref<64x64xf32, #tpu.memory_space<vmem>>[vector<16xi32>, vector<16xi32>], vector<16xf32>,
        %parallel_loop3A_127 = arith.constant 1 : i32
        %parallel_loop3A_128 = vector.broadcast %parallel_loop3A_127 : i32 to vector<16xi32>
        %parallel_loop3A_129 = arith.shrui %parallel_loop3A_125, %parallel_loop3A_128 : vector<16xi32>
        %parallel_loop3A_130 = arith.constant 1 : i32
        %parallel_loop3A_131 = vector.broadcast %parallel_loop3A_130 : i32 to vector<16xi32>
        %parallel_loop3A_132 = arith.andi %parallel_loop3A_125, %parallel_loop3A_131 : vector<16xi32>
        %parallel_loop3A_133 = arith.constant 64 : i32
        %parallel_loop3A_134 = vector.broadcast %parallel_loop3A_133 : i32 to vector<16xi32>
        %parallel_loop3A_135 = arith.muli %parallel_loop3A_132, %parallel_loop3A_134 : vector<16xi32>
        %parallel_loop3A_136 = arith.addi %parallel_loop3A_135, %parallel_loop3A_103 : vector<16xi32>
        %parallel_loop3A_137 = arith.constant 0 : i32
        %parallel_loop3A_138 = arith.constant 0 : i32
        %parallel_loop3A_139 = arith.constant 0 : i32
        %parallel_loop3A_140 = tpu.memref_slice %arg5[%parallel_loop3A_137, %parallel_loop3A_138, %parallel_loop3A_139] : memref<2x128x128xf32, #tpu.memory_space<vmem>> -> memref<1x128x128xf32, #tpu.memory_space<vmem>>
        %parallel_loop3A_141 = tpu.memref_squeeze %parallel_loop3A_140 : memref<1x128x128xf32, #tpu.memory_space<vmem>> -> memref<128x128xf32, #tpu.memory_space<vmem>>
        tpu.vector_store_idx %parallel_loop3A_141[%parallel_loop3A_129, %parallel_loop3A_136], %parallel_loop3A_126 : memref<128x128xf32, #tpu.memory_space<vmem>>[vector<16xi32>, vector<16xi32>], vector<16xf32>,
        %parallel_loop3A_142 = arith.constant 32 : i32
        %parallel_loop3A_143 = vector.broadcast %parallel_loop3A_142 : i32 to vector<16xi32>
        %parallel_loop3A_144 = arith.addi %iota3A, %parallel_loop3A_143 : vector<16xi32>
        %parallel_loop3A_145 = tpu.vector_load_idx %arg6[%parallel_loop3A_103, %parallel_loop3A_144] : memref<64x64xf32, #tpu.memory_space<vmem>>[vector<16xi32>, vector<16xi32>], vector<16xf32>,
        %parallel_loop3A_146 = arith.constant 1 : i32
        %parallel_loop3A_147 = vector.broadcast %parallel_loop3A_146 : i32 to vector<16xi32>
        %parallel_loop3A_148 = arith.shrui %parallel_loop3A_144, %parallel_loop3A_147 : vector<16xi32>
        %parallel_loop3A_149 = arith.constant 1 : i32
        %parallel_loop3A_150 = vector.broadcast %parallel_loop3A_149 : i32 to vector<16xi32>
        %parallel_loop3A_151 = arith.andi %parallel_loop3A_144, %parallel_loop3A_150 : vector<16xi32>
        %parallel_loop3A_152 = arith.constant 64 : i32
        %parallel_loop3A_153 = vector.broadcast %parallel_loop3A_152 : i32 to vector<16xi32>
        %parallel_loop3A_154 = arith.muli %parallel_loop3A_151, %parallel_loop3A_153 : vector<16xi32>
        %parallel_loop3A_155 = arith.addi %parallel_loop3A_154, %parallel_loop3A_103 : vector<16xi32>
        %parallel_loop3A_156 = arith.constant 0 : i32
        %parallel_loop3A_157 = arith.constant 0 : i32
        %parallel_loop3A_158 = arith.constant 0 : i32
        %parallel_loop3A_159 = tpu.memref_slice %arg5[%parallel_loop3A_156, %parallel_loop3A_157, %parallel_loop3A_158] : memref<2x128x128xf32, #tpu.memory_space<vmem>> -> memref<1x128x128xf32, #tpu.memory_space<vmem>>
        %parallel_loop3A_160 = tpu.memref_squeeze %parallel_loop3A_159 : memref<1x128x128xf32, #tpu.memory_space<vmem>> -> memref<128x128xf32, #tpu.memory_space<vmem>>
        tpu.vector_store_idx %parallel_loop3A_160[%parallel_loop3A_148, %parallel_loop3A_155], %parallel_loop3A_145 : memref<128x128xf32, #tpu.memory_space<vmem>>[vector<16xi32>, vector<16xi32>], vector<16xf32>,
        %parallel_loop3A_161 = arith.constant 48 : i32
        %parallel_loop3A_162 = vector.broadcast %parallel_loop3A_161 : i32 to vector<16xi32>
        %parallel_loop3A_163 = arith.addi %iota3A, %parallel_loop3A_162 : vector<16xi32>
        %parallel_loop3A_164 = tpu.vector_load_idx %arg6[%parallel_loop3A_103, %parallel_loop3A_163] : memref<64x64xf32, #tpu.memory_space<vmem>>[vector<16xi32>, vector<16xi32>], vector<16xf32>,
        %parallel_loop3A_165 = arith.constant 1 : i32
        %parallel_loop3A_166 = vector.broadcast %parallel_loop3A_165 : i32 to vector<16xi32>
        %parallel_loop3A_167 = arith.shrui %parallel_loop3A_163, %parallel_loop3A_166 : vector<16xi32>
        %parallel_loop3A_168 = arith.constant 1 : i32
        %parallel_loop3A_169 = vector.broadcast %parallel_loop3A_168 : i32 to vector<16xi32>
        %parallel_loop3A_170 = arith.andi %parallel_loop3A_163, %parallel_loop3A_169 : vector<16xi32>
        %parallel_loop3A_171 = arith.constant 64 : i32
        %parallel_loop3A_172 = vector.broadcast %parallel_loop3A_171 : i32 to vector<16xi32>
        %parallel_loop3A_173 = arith.muli %parallel_loop3A_170, %parallel_loop3A_172 : vector<16xi32>
        %parallel_loop3A_174 = arith.addi %parallel_loop3A_173, %parallel_loop3A_103 : vector<16xi32>
        %parallel_loop3A_175 = arith.constant 0 : i32
        %parallel_loop3A_176 = arith.constant 0 : i32
        %parallel_loop3A_177 = arith.constant 0 : i32
        %parallel_loop3A_178 = tpu.memref_slice %arg5[%parallel_loop3A_175, %parallel_loop3A_176, %parallel_loop3A_177] : memref<2x128x128xf32, #tpu.memory_space<vmem>> -> memref<1x128x128xf32, #tpu.memory_space<vmem>>
        %parallel_loop3A_179 = tpu.memref_squeeze %parallel_loop3A_178 : memref<1x128x128xf32, #tpu.memory_space<vmem>> -> memref<128x128xf32, #tpu.memory_space<vmem>>
        tpu.vector_store_idx %parallel_loop3A_179[%parallel_loop3A_167, %parallel_loop3A_174], %parallel_loop3A_164 : memref<128x128xf32, #tpu.memory_space<vmem>>[vector<16xi32>, vector<16xi32>], vector<16xf32>,
      } {sc.loop_unroll_factor = 8 : i64, sc.parallel_access}
      %run_scoped3A = arith.constant 0 : i32
      "tpu.region"() ({
        %run_scoped3A_98 = tpu.sem_alloc : memref<!tpu.dma_semaphore, #tpu.memory_space<semaphore_mem>>
        %dma_start3A_99 = arith.constant 0 : i32
        %dma_start3A_100 = arith.constant 0 : i32
        %dma_start3A_101 = tpu.memref_slice %arg5[%run_scoped3A, %dma_start3A_99, %dma_start3A_100] : memref<2x128x128xf32, #tpu.memory_space<vmem>> -> memref<1x32x128xf32, #tpu.memory_space<vmem>>
        %dma_start3A_102 = tpu.memref_squeeze %dma_start3A_101 : memref<1x32x128xf32, #tpu.memory_space<vmem>> -> memref<32x128xf32, #tpu.memory_space<vmem>>
        %dma_start3A_103 = arith.constant 499968 : i32
        %dma_start3A_104 = arith.constant 0 : i32
        %dma_start3A_105 = tpu.memref_slice %arg3[%dma_start3A_103, %dma_start3A_104] : memref<500032x128xf32, #tpu.memory_space<hbm>> -> memref<32x128xf32, #tpu.memory_space<hbm>>
        %dma_start3A_106 = arith.constant 499968 : i32
        %dma_start3A_107 = arith.constant 0 : i32
        %dma_start3A_108 = tpu.memref_slice %arg3[%dma_start3A_106, %dma_start3A_107] : memref<500032x128xf32, #tpu.memory_space<hbm>> -> memref<32x128xf32, #tpu.memory_space<hbm>>
        %dma_start3A_109 = arith.constant 0 : i32
        %dma_start3A_110 = arith.constant 0 : i32
        %dma_start3A_111 = tpu.memref_slice %arg5[%run_scoped3A, %dma_start3A_109, %dma_start3A_110] : memref<2x128x128xf32, #tpu.memory_space<vmem>> -> memref<1x32x128xf32, #tpu.memory_space<vmem>>
        %dma_start3A_112 = tpu.memref_squeeze %dma_start3A_111 : memref<1x32x128xf32, #tpu.memory_space<vmem>> -> memref<32x128xf32, #tpu.memory_space<vmem>>
        tpu.enqueue_dma source(%dma_start3A_112 : memref<32x128xf32, #tpu.memory_space<vmem>>) target(%dma_start3A_108 : memref<32x128xf32, #tpu.memory_space<hbm>>) target_semaphore(%run_scoped3A_98 : memref<!tpu.dma_semaphore, #tpu.memory_space<semaphore_mem>>)
        %dma_wait3A_113 = arith.constant 0 : i32
        %dma_wait3A_114 = arith.constant 0 : i32
        %dma_wait3A_115 = tpu.memref_slice %arg5[%run_scoped3A, %dma_wait3A_113, %dma_wait3A_114] : memref<2x128x128xf32, #tpu.memory_space<vmem>> -> memref<1x32x128xf32, #tpu.memory_space<vmem>>
        %dma_wait3A_116 = tpu.memref_squeeze %dma_wait3A_115 : memref<1x32x128xf32, #tpu.memory_space<vmem>> -> memref<32x128xf32, #tpu.memory_space<vmem>>
        %dma_wait3A_117 = arith.constant 499968 : i32
        %dma_wait3A_118 = arith.constant 0 : i32
        %dma_wait3A_119 = tpu.memref_slice %arg3[%dma_wait3A_117, %dma_wait3A_118] : memref<500032x128xf32, #tpu.memory_space<hbm>> -> memref<32x128xf32, #tpu.memory_space<hbm>>
        %dma_wait3A_120 = arith.constant 499968 : i32
        %dma_wait3A_121 = arith.constant 0 : i32
        %dma_wait3A_122 = tpu.memref_slice %arg3[%dma_wait3A_120, %dma_wait3A_121] : memref<500032x128xf32, #tpu.memory_space<hbm>> -> memref<32x128xf32, #tpu.memory_space<hbm>>
        %dma_wait3A_123 = arith.constant 0 : i32
        %dma_wait3A_124 = arith.constant 0 : i32
        %dma_wait3A_125 = tpu.memref_slice %arg5[%run_scoped3A, %dma_wait3A_123, %dma_wait3A_124] : memref<2x128x128xf32, #tpu.memory_space<vmem>> -> memref<1x32x128xf32, #tpu.memory_space<vmem>>
        %dma_wait3A_126 = tpu.memref_squeeze %dma_wait3A_125 : memref<1x32x128xf32, #tpu.memory_space<vmem>> -> memref<32x128xf32, #tpu.memory_space<vmem>>
        tpu.wait_dma2 semaphore(%run_scoped3A_98 : memref<!tpu.dma_semaphore, #tpu.memory_space<semaphore_mem>>) src(%dma_wait3A_126 : memref<32x128xf32, #tpu.memory_space<vmem>>) dst(%dma_wait3A_122 : memref<32x128xf32, #tpu.memory_space<hbm>>)
        tpu.yield
      }) : () -> ()
    } else {
    }
    return
  }
}

#map = affine_map<(d0, d1) -> (0, 0)>
#map1 = affine_map<(d0, d1) -> (0, 0, 0, 0, 0)>
module attributes {stable_mosaic.version = 14 : i64} {
  func.func @_gather_sc(%arg0: i32, %arg1: i32, %arg2: memref<200x4096xi32, #tpu.memory_space<hbm>>, %arg3: memref<1000064x64xf32, #tpu.memory_space<hbm>>, %arg4: memref<200x8x32x8x128xf32, #tpu.memory_space<hbm>>, %arg5: memref<2x256xi32, #tpu.memory_space<vmem>>, %arg6: memref<2x256x64xf32, #tpu.memory_space<vmem>>, %arg7: memref<2x8x2x8x128xf32, #tpu.memory_space<vmem>>, %arg8: memref<2x!tpu.dma_semaphore, #tpu.memory_space<semaphore_mem>>, %arg9: memref<2x!tpu.dma_semaphore, #tpu.memory_space<semaphore_mem>>) attributes {dimension_semantics = [#tpu.dimension_semantics<core_parallel>, #tpu.dimension_semantics<subcore_parallel>], iteration_bounds = array<i64: 2, 16>, scalar_prefetch = 0 : i64, scratch_operands = 5 : i64, tpu.core_type = #tpu.core_type<sc_vector_subcore>, window_params = [{transform_indices = #map}, {transform_indices = #map}, {transform_indices = #map1}]} {
    %mul3A = arith.constant 2 : i32
    %mul3A_0 = arith.muli %arg1, %mul3A : i32
    %add3A = arith.addi %mul3A_0, %arg0 : i32
    %mul3A_1 = arith.constant 100 : i32
    %mul3A_2 = arith.muli %add3A, %mul3A_1 : i32
    %iota3A = tpu.iota {dimensions = array<i32: 0>} : vector<16xi32>
    %jit3A = arith.constant 16 : i32
    %div3A = arith.divsi %mul3A_2, %jit3A : i32
    %sign3A = arith.constant 0 : i32
    %sign3A_3 = arith.cmpi sgt, %mul3A_2, %sign3A : i32
    %sign3A_4 = arith.extui %sign3A_3 : i1 to i32
    %sign3A_5 = arith.constant 0 : i32
    %sign3A_6 = arith.cmpi slt, %mul3A_2, %sign3A_5 : i32
    %sign3A_7 = arith.extui %sign3A_6 : i1 to i32
    %sign3A_8 = arith.subi %sign3A_4, %sign3A_7 : i32
    %sign3A_9 = arith.constant 0 : i32
    %sign3A_10 = arith.cmpi sgt, %jit3A, %sign3A_9 : i32
    %sign3A_11 = arith.extui %sign3A_10 : i1 to i32
    %sign3A_12 = arith.constant 0 : i32
    %sign3A_13 = arith.cmpi slt, %jit3A, %sign3A_12 : i32
    %sign3A_14 = arith.extui %sign3A_13 : i1 to i32
    %sign3A_15 = arith.subi %sign3A_11, %sign3A_14 : i32
    %ne3A = arith.cmpi ne, %sign3A_8, %sign3A_15 : i32
    %rem3A = arith.remsi %mul3A_2, %jit3A : i32
    %ne3A_16 = arith.constant 0 : i32
    %ne3A_17 = arith.cmpi ne, %rem3A, %ne3A_16 : i32
    %and3A = arith.andi %ne3A, %ne3A_17 : i1
    %sub3A = arith.constant 1 : i32
    %sub3A_18 = arith.subi %div3A, %sub3A : i32
    %select_n3A = arith.select %and3A, %sub3A_18, %div3A : i32
    %jit3A_19 = arith.constant 16 : i32
    %eq3A = arith.constant 0 : i32
    %eq3A_20 = arith.cmpi eq, %jit3A_19, %eq3A : i32
    %jit3A_21 = arith.constant 1 : i32
    %select_n3A_22 = arith.select %eq3A_20, %jit3A_21, %jit3A_19 : i32
    %rem3A_23 = arith.remsi %mul3A_2, %select_n3A_22 : i32
    %ne3A_24 = arith.constant 0 : i32
    %ne3A_25 = arith.cmpi ne, %rem3A_23, %ne3A_24 : i32
    %lt3A = arith.constant 0 : i32
    %lt3A_26 = arith.cmpi slt, %rem3A_23, %lt3A : i32
    %lt3A_27 = arith.constant 0 : i32
    %lt3A_28 = arith.cmpi slt, %select_n3A_22, %lt3A_27 : i32
    %ne3A_29 = arith.xori %lt3A_26, %lt3A_28 : i1
    %and3A_30 = arith.andi %ne3A_29, %ne3A_25 : i1
    %add3A_31 = arith.addi %rem3A_23, %select_n3A_22 : i32
    %select_n3A_32 = arith.select %and3A_30, %add3A_31, %rem3A_23 : i32
    %mul3A_33 = arith.constant 256 : i32
    %mul3A_34 = arith.muli %select_n3A_32, %mul3A_33 : i32
    %and3A_35 = arith.constant 1 : i32
    %and3A_36 = arith.andi %mul3A_2, %and3A_35 : i32
    "tpu.region"() ({
      %run_scoped3A = tpu.sem_alloc : memref<!tpu.dma_semaphore, #tpu.memory_space<semaphore_mem>>
      %dma_start3A_175 = arith.constant 0 : i32
      %dma_start3A_176 = tpu.memref_slice %arg5[%and3A_36, %dma_start3A_175] : memref<2x256xi32, #tpu.memory_space<vmem>> -> memref<1x256xi32, #tpu.memory_space<vmem>>
      %dma_start3A_177 = tpu.memref_squeeze %dma_start3A_176 : memref<1x256xi32, #tpu.memory_space<vmem>> -> memref<256xi32, #tpu.memory_space<vmem>>
      %dma_start3A_178 = tpu.memref_slice %arg2[%select_n3A, %mul3A_34] : memref<200x4096xi32, #tpu.memory_space<hbm>> -> memref<1x256xi32, #tpu.memory_space<hbm>>
      %dma_start3A_179 = tpu.memref_squeeze %dma_start3A_178 : memref<1x256xi32, #tpu.memory_space<hbm>> -> memref<256xi32, #tpu.memory_space<hbm>>
      %dma_start3A_180 = arith.constant 0 : i32
      %dma_start3A_181 = tpu.memref_slice %arg5[%and3A_36, %dma_start3A_180] : memref<2x256xi32, #tpu.memory_space<vmem>> -> memref<1x256xi32, #tpu.memory_space<vmem>>
      %dma_start3A_182 = tpu.memref_squeeze %dma_start3A_181 : memref<1x256xi32, #tpu.memory_space<vmem>> -> memref<256xi32, #tpu.memory_space<vmem>>
      %dma_start3A_183 = tpu.memref_slice %arg2[%select_n3A, %mul3A_34] : memref<200x4096xi32, #tpu.memory_space<hbm>> -> memref<1x256xi32, #tpu.memory_space<hbm>>
      %dma_start3A_184 = tpu.memref_squeeze %dma_start3A_183 : memref<1x256xi32, #tpu.memory_space<hbm>> -> memref<256xi32, #tpu.memory_space<hbm>>
      tpu.enqueue_dma source(%dma_start3A_184 : memref<256xi32, #tpu.memory_space<hbm>>) target(%dma_start3A_182 : memref<256xi32, #tpu.memory_space<vmem>>) target_semaphore(%run_scoped3A : memref<!tpu.dma_semaphore, #tpu.memory_space<semaphore_mem>>)
      %dma_wait3A_185 = arith.constant 0 : i32
      %dma_wait3A_186 = tpu.memref_slice %arg5[%and3A_36, %dma_wait3A_185] : memref<2x256xi32, #tpu.memory_space<vmem>> -> memref<1x256xi32, #tpu.memory_space<vmem>>
      %dma_wait3A_187 = tpu.memref_squeeze %dma_wait3A_186 : memref<1x256xi32, #tpu.memory_space<vmem>> -> memref<256xi32, #tpu.memory_space<vmem>>
      %dma_wait3A_188 = tpu.memref_slice %arg2[%select_n3A, %mul3A_34] : memref<200x4096xi32, #tpu.memory_space<hbm>> -> memref<1x256xi32, #tpu.memory_space<hbm>>
      %dma_wait3A_189 = tpu.memref_squeeze %dma_wait3A_188 : memref<1x256xi32, #tpu.memory_space<hbm>> -> memref<256xi32, #tpu.memory_space<hbm>>
      %dma_wait3A_190 = arith.constant 0 : i32
      %dma_wait3A_191 = tpu.memref_slice %arg5[%and3A_36, %dma_wait3A_190] : memref<2x256xi32, #tpu.memory_space<vmem>> -> memref<1x256xi32, #tpu.memory_space<vmem>>
      %dma_wait3A_192 = tpu.memref_squeeze %dma_wait3A_191 : memref<1x256xi32, #tpu.memory_space<vmem>> -> memref<256xi32, #tpu.memory_space<vmem>>
      %dma_wait3A_193 = tpu.memref_slice %arg2[%select_n3A, %mul3A_34] : memref<200x4096xi32, #tpu.memory_space<hbm>> -> memref<1x256xi32, #tpu.memory_space<hbm>>
      %dma_wait3A_194 = tpu.memref_squeeze %dma_wait3A_193 : memref<1x256xi32, #tpu.memory_space<hbm>> -> memref<256xi32, #tpu.memory_space<hbm>>
      tpu.wait_dma2 semaphore(%run_scoped3A : memref<!tpu.dma_semaphore, #tpu.memory_space<semaphore_mem>>) src(%dma_wait3A_194 : memref<256xi32, #tpu.memory_space<hbm>>) dst(%dma_wait3A_192 : memref<256xi32, #tpu.memory_space<vmem>>)
      tpu.yield
    }) : () -> ()
    %and3A_37 = arith.constant 1 : i32
    %and3A_38 = arith.andi %mul3A_2, %and3A_37 : i32
    %and3A_39 = arith.constant 1 : i32
    %and3A_40 = arith.andi %mul3A_2, %and3A_39 : i32
    %and3A_41 = arith.constant 1 : i32
    %and3A_42 = arith.andi %mul3A_2, %and3A_41 : i32
    %dma_start3A = arith.constant 0 : i32
    %dma_start3A_43 = arith.constant 0 : i32
    %dma_start3A_44 = tpu.memref_slice %arg6[%and3A_40, %dma_start3A, %dma_start3A_43] : memref<2x256x64xf32, #tpu.memory_space<vmem>> -> memref<1x256x64xf32, #tpu.memory_space<vmem>>
    %dma_start3A_45 = tpu.memref_squeeze %dma_start3A_44 : memref<1x256x64xf32, #tpu.memory_space<vmem>> -> memref<256x64xf32, #tpu.memory_space<vmem>>
    %dma_start3A_46 = arith.constant 0 : i32
    %dma_start3A_47 = tpu.memref_slice %arg5[%and3A_38, %dma_start3A_46] : memref<2x256xi32, #tpu.memory_space<vmem>> -> memref<1x256xi32, #tpu.memory_space<vmem>>
    %dma_start3A_48 = tpu.memref_squeeze %dma_start3A_47 : memref<1x256xi32, #tpu.memory_space<vmem>> -> memref<256xi32, #tpu.memory_space<vmem>>
    %dma_start3A_49 = arith.constant 0 : i32
    %dma_start3A_50 = arith.constant 0 : i32
    %dma_start3A_51 = tpu.memref_slice %arg3[%dma_start3A_49, %dma_start3A_50] : memref<1000064x64xf32, #tpu.memory_space<hbm>> -> memref<1000064x64xf32, #tpu.memory_space<hbm>>
    %dma_start3A_52 = tpu.memref_slice %arg8[%and3A_42] : memref<2x!tpu.dma_semaphore, #tpu.memory_space<semaphore_mem>> -> memref<1x!tpu.dma_semaphore, #tpu.memory_space<semaphore_mem>>
    %dma_start3A_53 = tpu.memref_squeeze %dma_start3A_52 : memref<1x!tpu.dma_semaphore, #tpu.memory_space<semaphore_mem>> -> memref<!tpu.dma_semaphore, #tpu.memory_space<semaphore_mem>>
    tpu.enqueue_indirect_dma source(%dma_start3A_51 : memref<1000064x64xf32, #tpu.memory_space<hbm>>) target(%dma_start3A_45 : memref<256x64xf32, #tpu.memory_space<vmem>>) offsets(%dma_start3A_48 : memref<256xi32, #tpu.memory_space<vmem>>) semaphore(%dma_start3A_53 : memref<!tpu.dma_semaphore, #tpu.memory_space<semaphore_mem>>)
    %add3A_54 = arith.constant 1 : i32
    %add3A_55 = arith.addi %mul3A_2, %add3A_54 : i32
    %jit3A_56 = arith.constant 16 : i32
    %div3A_57 = arith.divsi %add3A_55, %jit3A_56 : i32
    %sign3A_58 = arith.constant 0 : i32
    %sign3A_59 = arith.cmpi sgt, %add3A_55, %sign3A_58 : i32
    %sign3A_60 = arith.extui %sign3A_59 : i1 to i32
    %sign3A_61 = arith.constant 0 : i32
    %sign3A_62 = arith.cmpi slt, %add3A_55, %sign3A_61 : i32
    %sign3A_63 = arith.extui %sign3A_62 : i1 to i32
    %sign3A_64 = arith.subi %sign3A_60, %sign3A_63 : i32
    %sign3A_65 = arith.constant 0 : i32
    %sign3A_66 = arith.cmpi sgt, %jit3A_56, %sign3A_65 : i32
    %sign3A_67 = arith.extui %sign3A_66 : i1 to i32
    %sign3A_68 = arith.constant 0 : i32
    %sign3A_69 = arith.cmpi slt, %jit3A_56, %sign3A_68 : i32
    %sign3A_70 = arith.extui %sign3A_69 : i1 to i32
    %sign3A_71 = arith.subi %sign3A_67, %sign3A_70 : i32
    %ne3A_72 = arith.cmpi ne, %sign3A_64, %sign3A_71 : i32
    %rem3A_73 = arith.remsi %add3A_55, %jit3A_56 : i32
    %ne3A_74 = arith.constant 0 : i32
    %ne3A_75 = arith.cmpi ne, %rem3A_73, %ne3A_74 : i32
    %and3A_76 = arith.andi %ne3A_72, %ne3A_75 : i1
    %sub3A_77 = arith.constant 1 : i32
    %sub3A_78 = arith.subi %div3A_57, %sub3A_77 : i32
    %select_n3A_79 = arith.select %and3A_76, %sub3A_78, %div3A_57 : i32
    %jit3A_80 = arith.constant 16 : i32
    %eq3A_81 = arith.constant 0 : i32
    %eq3A_82 = arith.cmpi eq, %jit3A_80, %eq3A_81 : i32
    %jit3A_83 = arith.constant 1 : i32
    %select_n3A_84 = arith.select %eq3A_82, %jit3A_83, %jit3A_80 : i32
    %rem3A_85 = arith.remsi %add3A_55, %select_n3A_84 : i32
    %ne3A_86 = arith.constant 0 : i32
    %ne3A_87 = arith.cmpi ne, %rem3A_85, %ne3A_86 : i32
    %lt3A_88 = arith.constant 0 : i32
    %lt3A_89 = arith.cmpi slt, %rem3A_85, %lt3A_88 : i32
    %lt3A_90 = arith.constant 0 : i32
    %lt3A_91 = arith.cmpi slt, %select_n3A_84, %lt3A_90 : i32
    %ne3A_92 = arith.xori %lt3A_89, %lt3A_91 : i1
    %and3A_93 = arith.andi %ne3A_92, %ne3A_87 : i1
    %add3A_94 = arith.addi %rem3A_85, %select_n3A_84 : i32
    %select_n3A_95 = arith.select %and3A_93, %add3A_94, %rem3A_85 : i32
    %mul3A_96 = arith.constant 256 : i32
    %mul3A_97 = arith.muli %select_n3A_95, %mul3A_96 : i32
    %and3A_98 = arith.constant 1 : i32
    %and3A_99 = arith.andi %add3A_55, %and3A_98 : i32
    "tpu.region"() ({
      %run_scoped3A = tpu.sem_alloc : memref<!tpu.dma_semaphore, #tpu.memory_space<semaphore_mem>>
      %dma_start3A_175 = arith.constant 0 : i32
      %dma_start3A_176 = tpu.memref_slice %arg5[%and3A_99, %dma_start3A_175] : memref<2x256xi32, #tpu.memory_space<vmem>> -> memref<1x256xi32, #tpu.memory_space<vmem>>
      %dma_start3A_177 = tpu.memref_squeeze %dma_start3A_176 : memref<1x256xi32, #tpu.memory_space<vmem>> -> memref<256xi32, #tpu.memory_space<vmem>>
      %dma_start3A_178 = tpu.memref_slice %arg2[%select_n3A_79, %mul3A_97] : memref<200x4096xi32, #tpu.memory_space<hbm>> -> memref<1x256xi32, #tpu.memory_space<hbm>>
      %dma_start3A_179 = tpu.memref_squeeze %dma_start3A_178 : memref<1x256xi32, #tpu.memory_space<hbm>> -> memref<256xi32, #tpu.memory_space<hbm>>
      %dma_start3A_180 = arith.constant 0 : i32
      %dma_start3A_181 = tpu.memref_slice %arg5[%and3A_99, %dma_start3A_180] : memref<2x256xi32, #tpu.memory_space<vmem>> -> memref<1x256xi32, #tpu.memory_space<vmem>>
      %dma_start3A_182 = tpu.memref_squeeze %dma_start3A_181 : memref<1x256xi32, #tpu.memory_space<vmem>> -> memref<256xi32, #tpu.memory_space<vmem>>
      %dma_start3A_183 = tpu.memref_slice %arg2[%select_n3A_79, %mul3A_97] : memref<200x4096xi32, #tpu.memory_space<hbm>> -> memref<1x256xi32, #tpu.memory_space<hbm>>
      %dma_start3A_184 = tpu.memref_squeeze %dma_start3A_183 : memref<1x256xi32, #tpu.memory_space<hbm>> -> memref<256xi32, #tpu.memory_space<hbm>>
      tpu.enqueue_dma source(%dma_start3A_184 : memref<256xi32, #tpu.memory_space<hbm>>) target(%dma_start3A_182 : memref<256xi32, #tpu.memory_space<vmem>>) target_semaphore(%run_scoped3A : memref<!tpu.dma_semaphore, #tpu.memory_space<semaphore_mem>>)
      %dma_wait3A_185 = arith.constant 0 : i32
      %dma_wait3A_186 = tpu.memref_slice %arg5[%and3A_99, %dma_wait3A_185] : memref<2x256xi32, #tpu.memory_space<vmem>> -> memref<1x256xi32, #tpu.memory_space<vmem>>
      %dma_wait3A_187 = tpu.memref_squeeze %dma_wait3A_186 : memref<1x256xi32, #tpu.memory_space<vmem>> -> memref<256xi32, #tpu.memory_space<vmem>>
      %dma_wait3A_188 = tpu.memref_slice %arg2[%select_n3A_79, %mul3A_97] : memref<200x4096xi32, #tpu.memory_space<hbm>> -> memref<1x256xi32, #tpu.memory_space<hbm>>
      %dma_wait3A_189 = tpu.memref_squeeze %dma_wait3A_188 : memref<1x256xi32, #tpu.memory_space<hbm>> -> memref<256xi32, #tpu.memory_space<hbm>>
      %dma_wait3A_190 = arith.constant 0 : i32
      %dma_wait3A_191 = tpu.memref_slice %arg5[%and3A_99, %dma_wait3A_190] : memref<2x256xi32, #tpu.memory_space<vmem>> -> memref<1x256xi32, #tpu.memory_space<vmem>>
      %dma_wait3A_192 = tpu.memref_squeeze %dma_wait3A_191 : memref<1x256xi32, #tpu.memory_space<vmem>> -> memref<256xi32, #tpu.memory_space<vmem>>
      %dma_wait3A_193 = tpu.memref_slice %arg2[%select_n3A_79, %mul3A_97] : memref<200x4096xi32, #tpu.memory_space<hbm>> -> memref<1x256xi32, #tpu.memory_space<hbm>>
      %dma_wait3A_194 = tpu.memref_squeeze %dma_wait3A_193 : memref<1x256xi32, #tpu.memory_space<hbm>> -> memref<256xi32, #tpu.memory_space<hbm>>
      tpu.wait_dma2 semaphore(%run_scoped3A : memref<!tpu.dma_semaphore, #tpu.memory_space<semaphore_mem>>) src(%dma_wait3A_194 : memref<256xi32, #tpu.memory_space<hbm>>) dst(%dma_wait3A_192 : memref<256xi32, #tpu.memory_space<vmem>>)
      tpu.yield
    }) : () -> ()
    %add3A_100 = arith.constant 100 : i32
    %add3A_101 = arith.addi %mul3A_2, %add3A_100 : i32
    %sub3A_102 = arith.subi %add3A_101, %mul3A_2 : i32
    %sub3A_103 = arith.constant 1 : i32
    %sub3A_104 = arith.constant 1 : i32
    %sub3A_105 = arith.subi %sub3A_103, %sub3A_104 : i32
    %add3A_106 = arith.addi %sub3A_102, %sub3A_105 : i32
    %div3A_107 = arith.constant 1 : i32
    %div3A_108 = arith.divsi %add3A_106, %div3A_107 : i32
    %while3A = arith.constant 1 : i32
    %while3A_109 = arith.constant 0 : i32
    %while3A_110 = arith.subi %div3A_108, %while3A_109 : i32
    %while3A_111 = arith.addi %while3A_109, %while3A_110 : i32
    %while3A_112 = arith.constant 1 : i32
    %while3A_113 = arith.divsi %while3A_110, %while3A_112 : i32
    %while3A_114 = arith.muli %while3A_113, %while3A_112 : i32
    %while3A_115 = arith.addi %while3A_109, %while3A_114 : i32
    %while3A_116 = arith.constant 1 : i32
    scf.for %while3A_175 = %while3A_109 to %while3A_115 step %while3A_116  : i32 {
      %mul3A_176 = arith.muli %while3A_175, %while3A : i32
      %add3A_177 = arith.addi %mul3A_2, %mul3A_176 : i32
      %sub3A_178 = arith.subi %add3A_177, %mul3A_2 : i32
      %and3A_179 = arith.constant 1 : i32
      %and3A_180 = arith.andi %sub3A_178, %and3A_179 : i32
      %add3A_181 = arith.constant 1 : i32
      %add3A_182 = arith.addi %sub3A_178, %add3A_181 : i32
      %lt3A_183 = arith.constant 100 : i32
      %lt3A_184 = arith.cmpi slt, %add3A_182, %lt3A_183 : i32
      %convert_element_type3A = arith.extui %lt3A_184 : i1 to i32
      %cond3A = arith.constant 0 : i32
      %cond3A_185 = arith.cmpi ne, %convert_element_type3A, %cond3A : i32
      scf.if %cond3A_185 {
        %add3A_285 = arith.constant 1 : i32
        %add3A_286 = arith.addi %add3A_177, %add3A_285 : i32
        %and3A_287 = arith.constant 1 : i32
        %and3A_288 = arith.andi %add3A_286, %and3A_287 : i32
        %and3A_289 = arith.constant 1 : i32
        %and3A_290 = arith.andi %add3A_286, %and3A_289 : i32
        %and3A_291 = arith.constant 1 : i32
        %and3A_292 = arith.andi %add3A_286, %and3A_291 : i32
        %dma_start3A_293 = arith.constant 0 : i32
        %dma_start3A_294 = arith.constant 0 : i32
        %dma_start3A_295 = tpu.memref_slice %arg6[%and3A_290, %dma_start3A_293, %dma_start3A_294] : memref<2x256x64xf32, #tpu.memory_space<vmem>> -> memref<1x256x64xf32, #tpu.memory_space<vmem>>
        %dma_start3A_296 = tpu.memref_squeeze %dma_start3A_295 : memref<1x256x64xf32, #tpu.memory_space<vmem>> -> memref<256x64xf32, #tpu.memory_space<vmem>>
        %dma_start3A_297 = arith.constant 0 : i32
        %dma_start3A_298 = tpu.memref_slice %arg5[%and3A_288, %dma_start3A_297] : memref<2x256xi32, #tpu.memory_space<vmem>> -> memref<1x256xi32, #tpu.memory_space<vmem>>
        %dma_start3A_299 = tpu.memref_squeeze %dma_start3A_298 : memref<1x256xi32, #tpu.memory_space<vmem>> -> memref<256xi32, #tpu.memory_space<vmem>>
        %dma_start3A_300 = arith.constant 0 : i32
        %dma_start3A_301 = arith.constant 0 : i32
        %dma_start3A_302 = tpu.memref_slice %arg3[%dma_start3A_300, %dma_start3A_301] : memref<1000064x64xf32, #tpu.memory_space<hbm>> -> memref<1000064x64xf32, #tpu.memory_space<hbm>>
        %dma_start3A_303 = tpu.memref_slice %arg8[%and3A_292] : memref<2x!tpu.dma_semaphore, #tpu.memory_space<semaphore_mem>> -> memref<1x!tpu.dma_semaphore, #tpu.memory_space<semaphore_mem>>
        %dma_start3A_304 = tpu.memref_squeeze %dma_start3A_303 : memref<1x!tpu.dma_semaphore, #tpu.memory_space<semaphore_mem>> -> memref<!tpu.dma_semaphore, #tpu.memory_space<semaphore_mem>>
        tpu.enqueue_indirect_dma source(%dma_start3A_302 : memref<1000064x64xf32, #tpu.memory_space<hbm>>) target(%dma_start3A_296 : memref<256x64xf32, #tpu.memory_space<vmem>>) offsets(%dma_start3A_299 : memref<256xi32, #tpu.memory_space<vmem>>) semaphore(%dma_start3A_304 : memref<!tpu.dma_semaphore, #tpu.memory_space<semaphore_mem>>)
      } else {
      }
      %dma_wait3A_186 = arith.constant 0 : i32
      %dma_wait3A_187 = arith.constant 0 : i32
      %dma_wait3A_188 = tpu.memref_slice %arg6[%and3A_180, %dma_wait3A_186, %dma_wait3A_187] : memref<2x256x64xf32, #tpu.memory_space<vmem>> -> memref<1x256x64xf32, #tpu.memory_space<vmem>>
      %dma_wait3A_189 = tpu.memref_squeeze %dma_wait3A_188 : memref<1x256x64xf32, #tpu.memory_space<vmem>> -> memref<256x64xf32, #tpu.memory_space<vmem>>
      %dma_wait3A_190 = arith.constant 0 : i32
      %dma_wait3A_191 = arith.constant 0 : i32
      %dma_wait3A_192 = tpu.memref_slice %arg3[%dma_wait3A_190, %dma_wait3A_191] : memref<1000064x64xf32, #tpu.memory_space<hbm>> -> memref<256x64xf32, #tpu.memory_space<hbm>>
      %dma_wait3A_193 = tpu.memref_slice %arg8[%and3A_180] : memref<2x!tpu.dma_semaphore, #tpu.memory_space<semaphore_mem>> -> memref<1x!tpu.dma_semaphore, #tpu.memory_space<semaphore_mem>>
      %dma_wait3A_194 = tpu.memref_squeeze %dma_wait3A_193 : memref<1x!tpu.dma_semaphore, #tpu.memory_space<semaphore_mem>> -> memref<!tpu.dma_semaphore, #tpu.memory_space<semaphore_mem>>
      %dma_wait3A_195 = arith.constant 0 : i32
      %dma_wait3A_196 = arith.constant 0 : i32
      %dma_wait3A_197 = tpu.memref_slice %arg6[%and3A_180, %dma_wait3A_195, %dma_wait3A_196] : memref<2x256x64xf32, #tpu.memory_space<vmem>> -> memref<1x256x64xf32, #tpu.memory_space<vmem>>
      %dma_wait3A_198 = tpu.memref_squeeze %dma_wait3A_197 : memref<1x256x64xf32, #tpu.memory_space<vmem>> -> memref<256x64xf32, #tpu.memory_space<vmem>>
      %dma_wait3A_199 = arith.constant 0 : i32
      %dma_wait3A_200 = arith.constant 0 : i32
      %dma_wait3A_201 = tpu.memref_slice %arg3[%dma_wait3A_199, %dma_wait3A_200] : memref<1000064x64xf32, #tpu.memory_space<hbm>> -> memref<256x64xf32, #tpu.memory_space<hbm>>
      tpu.wait_dma2 semaphore(%dma_wait3A_194 : memref<!tpu.dma_semaphore, #tpu.memory_space<semaphore_mem>>) src(%dma_wait3A_201 : memref<256x64xf32, #tpu.memory_space<hbm>>) dst(%dma_wait3A_198 : memref<256x64xf32, #tpu.memory_space<vmem>>)
      %ge3A = arith.constant 2 : i32
      %ge3A_202 = arith.cmpi sge, %sub3A_178, %ge3A : i32
      %convert_element_type3A_203 = arith.extui %ge3A_202 : i1 to i32
      %cond3A_204 = arith.constant 0 : i32
      %cond3A_205 = arith.cmpi ne, %convert_element_type3A_203, %cond3A_204 : i32
      scf.if %cond3A_205 {
        %dma_wait3A_285 = arith.constant 0 : i32
        %dma_wait3A_286 = arith.constant 0 : i32
        %dma_wait3A_287 = arith.constant 0 : i32
        %dma_wait3A_288 = arith.constant 0 : i32
        %dma_wait3A_289 = arith.constant 0 : i32
        %dma_wait3A_290 = tpu.memref_slice %arg7[%and3A_180, %dma_wait3A_286, %dma_wait3A_287, %dma_wait3A_288, %dma_wait3A_289] : memref<2x8x2x8x128xf32, #tpu.memory_space<vmem>> -> memref<1x8x2x8x128xf32, #tpu.memory_space<vmem>>
        %dma_wait3A_291 = tpu.memref_squeeze %dma_wait3A_290 : memref<1x8x2x8x128xf32, #tpu.memory_space<vmem>> -> memref<8x2x8x128xf32, #tpu.memory_space<vmem>>
        %dma_wait3A_292 = arith.constant 0 : i32
        %dma_wait3A_293 = arith.constant 0 : i32
        %dma_wait3A_294 = arith.constant 0 : i32
        %dma_wait3A_295 = arith.constant 0 : i32
        %dma_wait3A_296 = tpu.memref_slice %arg4[%dma_wait3A_285, %dma_wait3A_292, %dma_wait3A_293, %dma_wait3A_294, %dma_wait3A_295] : memref<200x8x32x8x128xf32, #tpu.memory_space<hbm>> -> memref<1x8x2x8x128xf32, #tpu.memory_space<hbm>>
        %dma_wait3A_297 = tpu.memref_squeeze %dma_wait3A_296 : memref<1x8x2x8x128xf32, #tpu.memory_space<hbm>> -> memref<8x2x8x128xf32, #tpu.memory_space<hbm>>
        %dma_wait3A_298 = tpu.memref_slice %arg9[%and3A_180] : memref<2x!tpu.dma_semaphore, #tpu.memory_space<semaphore_mem>> -> memref<1x!tpu.dma_semaphore, #tpu.memory_space<semaphore_mem>>
        %dma_wait3A_299 = tpu.memref_squeeze %dma_wait3A_298 : memref<1x!tpu.dma_semaphore, #tpu.memory_space<semaphore_mem>> -> memref<!tpu.dma_semaphore, #tpu.memory_space<semaphore_mem>>
        %dma_wait3A_300 = arith.constant 0 : i32
        %dma_wait3A_301 = arith.constant 0 : i32
        %dma_wait3A_302 = arith.constant 0 : i32
        %dma_wait3A_303 = arith.constant 0 : i32
        %dma_wait3A_304 = tpu.memref_slice %arg7[%and3A_180, %dma_wait3A_300, %dma_wait3A_301, %dma_wait3A_302, %dma_wait3A_303] : memref<2x8x2x8x128xf32, #tpu.memory_space<vmem>> -> memref<1x8x2x8x128xf32, #tpu.memory_space<vmem>>
        %dma_wait3A_305 = tpu.memref_squeeze %dma_wait3A_304 : memref<1x8x2x8x128xf32, #tpu.memory_space<vmem>> -> memref<8x2x8x128xf32, #tpu.memory_space<vmem>>
        %dma_wait3A_306 = arith.constant 0 : i32
        %dma_wait3A_307 = arith.constant 0 : i32
        %dma_wait3A_308 = arith.constant 0 : i32
        %dma_wait3A_309 = arith.constant 0 : i32
        %dma_wait3A_310 = tpu.memref_slice %arg4[%dma_wait3A_285, %dma_wait3A_306, %dma_wait3A_307, %dma_wait3A_308, %dma_wait3A_309] : memref<200x8x32x8x128xf32, #tpu.memory_space<hbm>> -> memref<1x8x2x8x128xf32, #tpu.memory_space<hbm>>
        %dma_wait3A_311 = tpu.memref_squeeze %dma_wait3A_310 : memref<1x8x2x8x128xf32, #tpu.memory_space<hbm>> -> memref<8x2x8x128xf32, #tpu.memory_space<hbm>>
        tpu.wait_dma2 semaphore(%dma_wait3A_299 : memref<!tpu.dma_semaphore, #tpu.memory_space<semaphore_mem>>) src(%dma_wait3A_311 : memref<8x2x8x128xf32, #tpu.memory_space<hbm>>) dst(%dma_wait3A_305 : memref<8x2x8x128xf32, #tpu.memory_space<vmem>>)
      } else {
      }
      %parallel_loop3A = arith.constant 0 : i32
      %parallel_loop3A_206 = arith.constant 64 : i32
      %parallel_loop3A_207 = arith.constant 1 : i32
      scf.for %parallel_loop3A_285 = %parallel_loop3A to %parallel_loop3A_206 step %parallel_loop3A_207  : i32 {
        %parallel_loop3A_286 = vector.broadcast %parallel_loop3A_285 : i32 to vector<16xi32>
        %parallel_loop3A_287 = arith.addi %parallel_loop3A_286, %iota3A : vector<16xi32>
        %parallel_loop3A_288 = arith.constant 63 : i32
        %parallel_loop3A_289 = vector.broadcast %parallel_loop3A_288 : i32 to vector<16xi32>
        %parallel_loop3A_290 = arith.andi %parallel_loop3A_287, %parallel_loop3A_289 : vector<16xi32>
        %parallel_loop3A_291 = arith.constant 3 : i32
        %parallel_loop3A_292 = vector.broadcast %parallel_loop3A_291 : i32 to vector<16xi32>
        %parallel_loop3A_293 = arith.shrui %parallel_loop3A_290, %parallel_loop3A_292 : vector<16xi32>
        %parallel_loop3A_294 = arith.constant 7 : i32
        %parallel_loop3A_295 = vector.broadcast %parallel_loop3A_294 : i32 to vector<16xi32>
        %parallel_loop3A_296 = arith.andi %parallel_loop3A_290, %parallel_loop3A_295 : vector<16xi32>
        %parallel_loop3A_297 = arith.constant 0 : i32
        %parallel_loop3A_298 = vector.broadcast %parallel_loop3A_297 : i32 to vector<16xi32>
        %parallel_loop3A_299 = arith.addi %iota3A, %parallel_loop3A_298 : vector<16xi32>
        %parallel_loop3A_300 = arith.constant 0 : i32
        %parallel_loop3A_301 = arith.constant 0 : i32
        %parallel_loop3A_302 = tpu.memref_slice %arg6[%and3A_180, %parallel_loop3A_300, %parallel_loop3A_301] : memref<2x256x64xf32, #tpu.memory_space<vmem>> -> memref<1x256x64xf32, #tpu.memory_space<vmem>>
        %parallel_loop3A_303 = tpu.memref_squeeze %parallel_loop3A_302 : memref<1x256x64xf32, #tpu.memory_space<vmem>> -> memref<256x64xf32, #tpu.memory_space<vmem>>
        %parallel_loop3A_304 = tpu.vector_load_idx %parallel_loop3A_303[%parallel_loop3A_299, %parallel_loop3A_290] : memref<256x64xf32, #tpu.memory_space<vmem>>[vector<16xi32>, vector<16xi32>], vector<16xf32>,
        %parallel_loop3A_305 = arith.constant 7 : i32
        %parallel_loop3A_306 = vector.broadcast %parallel_loop3A_305 : i32 to vector<16xi32>
        %parallel_loop3A_307 = arith.shrui %parallel_loop3A_299, %parallel_loop3A_306 : vector<16xi32>
        %parallel_loop3A_308 = arith.constant 127 : i32
        %parallel_loop3A_309 = vector.broadcast %parallel_loop3A_308 : i32 to vector<16xi32>
        %parallel_loop3A_310 = arith.andi %parallel_loop3A_299, %parallel_loop3A_309 : vector<16xi32>
        %parallel_loop3A_311 = arith.constant 0 : i32
        %parallel_loop3A_312 = arith.constant 0 : i32
        %parallel_loop3A_313 = arith.constant 0 : i32
        %parallel_loop3A_314 = arith.constant 0 : i32
        %parallel_loop3A_315 = tpu.memref_slice %arg7[%and3A_180, %parallel_loop3A_311, %parallel_loop3A_312, %parallel_loop3A_313, %parallel_loop3A_314] : memref<2x8x2x8x128xf32, #tpu.memory_space<vmem>> -> memref<1x8x2x8x128xf32, #tpu.memory_space<vmem>>
        %parallel_loop3A_316 = tpu.memref_squeeze %parallel_loop3A_315 : memref<1x8x2x8x128xf32, #tpu.memory_space<vmem>> -> memref<8x2x8x128xf32, #tpu.memory_space<vmem>>
        tpu.vector_store_idx %parallel_loop3A_316[%parallel_loop3A_293, %parallel_loop3A_307, %parallel_loop3A_296, %parallel_loop3A_310], %parallel_loop3A_304 : memref<8x2x8x128xf32, #tpu.memory_space<vmem>>[vector<16xi32>, vector<16xi32>, vector<16xi32>, vector<16xi32>], vector<16xf32>,
        %parallel_loop3A_317 = arith.constant 16 : i32
        %parallel_loop3A_318 = vector.broadcast %parallel_loop3A_317 : i32 to vector<16xi32>
        %parallel_loop3A_319 = arith.addi %iota3A, %parallel_loop3A_318 : vector<16xi32>
        %parallel_loop3A_320 = arith.constant 0 : i32
        %parallel_loop3A_321 = arith.constant 0 : i32
        %parallel_loop3A_322 = tpu.memref_slice %arg6[%and3A_180, %parallel_loop3A_320, %parallel_loop3A_321] : memref<2x256x64xf32, #tpu.memory_space<vmem>> -> memref<1x256x64xf32, #tpu.memory_space<vmem>>
        %parallel_loop3A_323 = tpu.memref_squeeze %parallel_loop3A_322 : memref<1x256x64xf32, #tpu.memory_space<vmem>> -> memref<256x64xf32, #tpu.memory_space<vmem>>
        %parallel_loop3A_324 = tpu.vector_load_idx %parallel_loop3A_323[%parallel_loop3A_319, %parallel_loop3A_290] : memref<256x64xf32, #tpu.memory_space<vmem>>[vector<16xi32>, vector<16xi32>], vector<16xf32>,
        %parallel_loop3A_325 = arith.constant 7 : i32
        %parallel_loop3A_326 = vector.broadcast %parallel_loop3A_325 : i32 to vector<16xi32>
        %parallel_loop3A_327 = arith.shrui %parallel_loop3A_319, %parallel_loop3A_326 : vector<16xi32>
        %parallel_loop3A_328 = arith.constant 127 : i32
        %parallel_loop3A_329 = vector.broadcast %parallel_loop3A_328 : i32 to vector<16xi32>
        %parallel_loop3A_330 = arith.andi %parallel_loop3A_319, %parallel_loop3A_329 : vector<16xi32>
        %parallel_loop3A_331 = arith.constant 0 : i32
        %parallel_loop3A_332 = arith.constant 0 : i32
        %parallel_loop3A_333 = arith.constant 0 : i32
        %parallel_loop3A_334 = arith.constant 0 : i32
        %parallel_loop3A_335 = tpu.memref_slice %arg7[%and3A_180, %parallel_loop3A_331, %parallel_loop3A_332, %parallel_loop3A_333, %parallel_loop3A_334] : memref<2x8x2x8x128xf32, #tpu.memory_space<vmem>> -> memref<1x8x2x8x128xf32, #tpu.memory_space<vmem>>
        %parallel_loop3A_336 = tpu.memref_squeeze %parallel_loop3A_335 : memref<1x8x2x8x128xf32, #tpu.memory_space<vmem>> -> memref<8x2x8x128xf32, #tpu.memory_space<vmem>>
        tpu.vector_store_idx %parallel_loop3A_336[%parallel_loop3A_293, %parallel_loop3A_327, %parallel_loop3A_296, %parallel_loop3A_330], %parallel_loop3A_324 : memref<8x2x8x128xf32, #tpu.memory_space<vmem>>[vector<16xi32>, vector<16xi32>, vector<16xi32>, vector<16xi32>], vector<16xf32>,
        %parallel_loop3A_337 = arith.constant 32 : i32
        %parallel_loop3A_338 = vector.broadcast %parallel_loop3A_337 : i32 to vector<16xi32>
        %parallel_loop3A_339 = arith.addi %iota3A, %parallel_loop3A_338 : vector<16xi32>
        %parallel_loop3A_340 = arith.constant 0 : i32
        %parallel_loop3A_341 = arith.constant 0 : i32
        %parallel_loop3A_342 = tpu.memref_slice %arg6[%and3A_180, %parallel_loop3A_340, %parallel_loop3A_341] : memref<2x256x64xf32, #tpu.memory_space<vmem>> -> memref<1x256x64xf32, #tpu.memory_space<vmem>>
        %parallel_loop3A_343 = tpu.memref_squeeze %parallel_loop3A_342 : memref<1x256x64xf32, #tpu.memory_space<vmem>> -> memref<256x64xf32, #tpu.memory_space<vmem>>
        %parallel_loop3A_344 = tpu.vector_load_idx %parallel_loop3A_343[%parallel_loop3A_339, %parallel_loop3A_290] : memref<256x64xf32, #tpu.memory_space<vmem>>[vector<16xi32>, vector<16xi32>], vector<16xf32>,
        %parallel_loop3A_345 = arith.constant 7 : i32
        %parallel_loop3A_346 = vector.broadcast %parallel_loop3A_345 : i32 to vector<16xi32>
        %parallel_loop3A_347 = arith.shrui %parallel_loop3A_339, %parallel_loop3A_346 : vector<16xi32>
        %parallel_loop3A_348 = arith.constant 127 : i32
        %parallel_loop3A_349 = vector.broadcast %parallel_loop3A_348 : i32 to vector<16xi32>
        %parallel_loop3A_350 = arith.andi %parallel_loop3A_339, %parallel_loop3A_349 : vector<16xi32>
        %parallel_loop3A_351 = arith.constant 0 : i32
        %parallel_loop3A_352 = arith.constant 0 : i32
        %parallel_loop3A_353 = arith.constant 0 : i32
        %parallel_loop3A_354 = arith.constant 0 : i32
        %parallel_loop3A_355 = tpu.memref_slice %arg7[%and3A_180, %parallel_loop3A_351, %parallel_loop3A_352, %parallel_loop3A_353, %parallel_loop3A_354] : memref<2x8x2x8x128xf32, #tpu.memory_space<vmem>> -> memref<1x8x2x8x128xf32, #tpu.memory_space<vmem>>
        %parallel_loop3A_356 = tpu.memref_squeeze %parallel_loop3A_355 : memref<1x8x2x8x128xf32, #tpu.memory_space<vmem>> -> memref<8x2x8x128xf32, #tpu.memory_space<vmem>>
        tpu.vector_store_idx %parallel_loop3A_356[%parallel_loop3A_293, %parallel_loop3A_347, %parallel_loop3A_296, %parallel_loop3A_350], %parallel_loop3A_344 : memref<8x2x8x128xf32, #tpu.memory_space<vmem>>[vector<16xi32>, vector<16xi32>, vector<16xi32>, vector<16xi32>], vector<16xf32>,
        %parallel_loop3A_357 = arith.constant 48 : i32
        %parallel_loop3A_358 = vector.broadcast %parallel_loop3A_357 : i32 to vector<16xi32>
        %parallel_loop3A_359 = arith.addi %iota3A, %parallel_loop3A_358 : vector<16xi32>
        %parallel_loop3A_360 = arith.constant 0 : i32
        %parallel_loop3A_361 = arith.constant 0 : i32
        %parallel_loop3A_362 = tpu.memref_slice %arg6[%and3A_180, %parallel_loop3A_360, %parallel_loop3A_361] : memref<2x256x64xf32, #tpu.memory_space<vmem>> -> memref<1x256x64xf32, #tpu.memory_space<vmem>>
        %parallel_loop3A_363 = tpu.memref_squeeze %parallel_loop3A_362 : memref<1x256x64xf32, #tpu.memory_space<vmem>> -> memref<256x64xf32, #tpu.memory_space<vmem>>
        %parallel_loop3A_364 = tpu.vector_load_idx %parallel_loop3A_363[%parallel_loop3A_359, %parallel_loop3A_290] : memref<256x64xf32, #tpu.memory_space<vmem>>[vector<16xi32>, vector<16xi32>], vector<16xf32>,
        %parallel_loop3A_365 = arith.constant 7 : i32
        %parallel_loop3A_366 = vector.broadcast %parallel_loop3A_365 : i32 to vector<16xi32>
        %parallel_loop3A_367 = arith.shrui %parallel_loop3A_359, %parallel_loop3A_366 : vector<16xi32>
        %parallel_loop3A_368 = arith.constant 127 : i32
        %parallel_loop3A_369 = vector.broadcast %parallel_loop3A_368 : i32 to vector<16xi32>
        %parallel_loop3A_370 = arith.andi %parallel_loop3A_359, %parallel_loop3A_369 : vector<16xi32>
        %parallel_loop3A_371 = arith.constant 0 : i32
        %parallel_loop3A_372 = arith.constant 0 : i32
        %parallel_loop3A_373 = arith.constant 0 : i32
        %parallel_loop3A_374 = arith.constant 0 : i32
        %parallel_loop3A_375 = tpu.memref_slice %arg7[%and3A_180, %parallel_loop3A_371, %parallel_loop3A_372, %parallel_loop3A_373, %parallel_loop3A_374] : memref<2x8x2x8x128xf32, #tpu.memory_space<vmem>> -> memref<1x8x2x8x128xf32, #tpu.memory_space<vmem>>
        %parallel_loop3A_376 = tpu.memref_squeeze %parallel_loop3A_375 : memref<1x8x2x8x128xf32, #tpu.memory_space<vmem>> -> memref<8x2x8x128xf32, #tpu.memory_space<vmem>>
        tpu.vector_store_idx %parallel_loop3A_376[%parallel_loop3A_293, %parallel_loop3A_367, %parallel_loop3A_296, %parallel_loop3A_370], %parallel_loop3A_364 : memref<8x2x8x128xf32, #tpu.memory_space<vmem>>[vector<16xi32>, vector<16xi32>, vector<16xi32>, vector<16xi32>], vector<16xf32>,
        %parallel_loop3A_377 = arith.constant 64 : i32
        %parallel_loop3A_378 = vector.broadcast %parallel_loop3A_377 : i32 to vector<16xi32>
        %parallel_loop3A_379 = arith.addi %iota3A, %parallel_loop3A_378 : vector<16xi32>
        %parallel_loop3A_380 = arith.constant 0 : i32
        %parallel_loop3A_381 = arith.constant 0 : i32
        %parallel_loop3A_382 = tpu.memref_slice %arg6[%and3A_180, %parallel_loop3A_380, %parallel_loop3A_381] : memref<2x256x64xf32, #tpu.memory_space<vmem>> -> memref<1x256x64xf32, #tpu.memory_space<vmem>>
        %parallel_loop3A_383 = tpu.memref_squeeze %parallel_loop3A_382 : memref<1x256x64xf32, #tpu.memory_space<vmem>> -> memref<256x64xf32, #tpu.memory_space<vmem>>
        %parallel_loop3A_384 = tpu.vector_load_idx %parallel_loop3A_383[%parallel_loop3A_379, %parallel_loop3A_290] : memref<256x64xf32, #tpu.memory_space<vmem>>[vector<16xi32>, vector<16xi32>], vector<16xf32>,
        %parallel_loop3A_385 = arith.constant 7 : i32
        %parallel_loop3A_386 = vector.broadcast %parallel_loop3A_385 : i32 to vector<16xi32>
        %parallel_loop3A_387 = arith.shrui %parallel_loop3A_379, %parallel_loop3A_386 : vector<16xi32>
        %parallel_loop3A_388 = arith.constant 127 : i32
        %parallel_loop3A_389 = vector.broadcast %parallel_loop3A_388 : i32 to vector<16xi32>
        %parallel_loop3A_390 = arith.andi %parallel_loop3A_379, %parallel_loop3A_389 : vector<16xi32>
        %parallel_loop3A_391 = arith.constant 0 : i32
        %parallel_loop3A_392 = arith.constant 0 : i32
        %parallel_loop3A_393 = arith.constant 0 : i32
        %parallel_loop3A_394 = arith.constant 0 : i32
        %parallel_loop3A_395 = tpu.memref_slice %arg7[%and3A_180, %parallel_loop3A_391, %parallel_loop3A_392, %parallel_loop3A_393, %parallel_loop3A_394] : memref<2x8x2x8x128xf32, #tpu.memory_space<vmem>> -> memref<1x8x2x8x128xf32, #tpu.memory_space<vmem>>
        %parallel_loop3A_396 = tpu.memref_squeeze %parallel_loop3A_395 : memref<1x8x2x8x128xf32, #tpu.memory_space<vmem>> -> memref<8x2x8x128xf32, #tpu.memory_space<vmem>>
        tpu.vector_store_idx %parallel_loop3A_396[%parallel_loop3A_293, %parallel_loop3A_387, %parallel_loop3A_296, %parallel_loop3A_390], %parallel_loop3A_384 : memref<8x2x8x128xf32, #tpu.memory_space<vmem>>[vector<16xi32>, vector<16xi32>, vector<16xi32>, vector<16xi32>], vector<16xf32>,
        %parallel_loop3A_397 = arith.constant 80 : i32
        %parallel_loop3A_398 = vector.broadcast %parallel_loop3A_397 : i32 to vector<16xi32>
        %parallel_loop3A_399 = arith.addi %iota3A, %parallel_loop3A_398 : vector<16xi32>
        %parallel_loop3A_400 = arith.constant 0 : i32
        %parallel_loop3A_401 = arith.constant 0 : i32
        %parallel_loop3A_402 = tpu.memref_slice %arg6[%and3A_180, %parallel_loop3A_400, %parallel_loop3A_401] : memref<2x256x64xf32, #tpu.memory_space<vmem>> -> memref<1x256x64xf32, #tpu.memory_space<vmem>>
        %parallel_loop3A_403 = tpu.memref_squeeze %parallel_loop3A_402 : memref<1x256x64xf32, #tpu.memory_space<vmem>> -> memref<256x64xf32, #tpu.memory_space<vmem>>
        %parallel_loop3A_404 = tpu.vector_load_idx %parallel_loop3A_403[%parallel_loop3A_399, %parallel_loop3A_290] : memref<256x64xf32, #tpu.memory_space<vmem>>[vector<16xi32>, vector<16xi32>], vector<16xf32>,
        %parallel_loop3A_405 = arith.constant 7 : i32
        %parallel_loop3A_406 = vector.broadcast %parallel_loop3A_405 : i32 to vector<16xi32>
        %parallel_loop3A_407 = arith.shrui %parallel_loop3A_399, %parallel_loop3A_406 : vector<16xi32>
        %parallel_loop3A_408 = arith.constant 127 : i32
        %parallel_loop3A_409 = vector.broadcast %parallel_loop3A_408 : i32 to vector<16xi32>
        %parallel_loop3A_410 = arith.andi %parallel_loop3A_399, %parallel_loop3A_409 : vector<16xi32>
        %parallel_loop3A_411 = arith.constant 0 : i32
        %parallel_loop3A_412 = arith.constant 0 : i32
        %parallel_loop3A_413 = arith.constant 0 : i32
        %parallel_loop3A_414 = arith.constant 0 : i32
        %parallel_loop3A_415 = tpu.memref_slice %arg7[%and3A_180, %parallel_loop3A_411, %parallel_loop3A_412, %parallel_loop3A_413, %parallel_loop3A_414] : memref<2x8x2x8x128xf32, #tpu.memory_space<vmem>> -> memref<1x8x2x8x128xf32, #tpu.memory_space<vmem>>
        %parallel_loop3A_416 = tpu.memref_squeeze %parallel_loop3A_415 : memref<1x8x2x8x128xf32, #tpu.memory_space<vmem>> -> memref<8x2x8x128xf32, #tpu.memory_space<vmem>>
        tpu.vector_store_idx %parallel_loop3A_416[%parallel_loop3A_293, %parallel_loop3A_407, %parallel_loop3A_296, %parallel_loop3A_410], %parallel_loop3A_404 : memref<8x2x8x128xf32, #tpu.memory_space<vmem>>[vector<16xi32>, vector<16xi32>, vector<16xi32>, vector<16xi32>], vector<16xf32>,
        %parallel_loop3A_417 = arith.constant 96 : i32
        %parallel_loop3A_418 = vector.broadcast %parallel_loop3A_417 : i32 to vector<16xi32>
        %parallel_loop3A_419 = arith.addi %iota3A, %parallel_loop3A_418 : vector<16xi32>
        %parallel_loop3A_420 = arith.constant 0 : i32
        %parallel_loop3A_421 = arith.constant 0 : i32
        %parallel_loop3A_422 = tpu.memref_slice %arg6[%and3A_180, %parallel_loop3A_420, %parallel_loop3A_421] : memref<2x256x64xf32, #tpu.memory_space<vmem>> -> memref<1x256x64xf32, #tpu.memory_space<vmem>>
        %parallel_loop3A_423 = tpu.memref_squeeze %parallel_loop3A_422 : memref<1x256x64xf32, #tpu.memory_space<vmem>> -> memref<256x64xf32, #tpu.memory_space<vmem>>
        %parallel_loop3A_424 = tpu.vector_load_idx %parallel_loop3A_423[%parallel_loop3A_419, %parallel_loop3A_290] : memref<256x64xf32, #tpu.memory_space<vmem>>[vector<16xi32>, vector<16xi32>], vector<16xf32>,
        %parallel_loop3A_425 = arith.constant 7 : i32
        %parallel_loop3A_426 = vector.broadcast %parallel_loop3A_425 : i32 to vector<16xi32>
        %parallel_loop3A_427 = arith.shrui %parallel_loop3A_419, %parallel_loop3A_426 : vector<16xi32>
        %parallel_loop3A_428 = arith.constant 127 : i32
        %parallel_loop3A_429 = vector.broadcast %parallel_loop3A_428 : i32 to vector<16xi32>
        %parallel_loop3A_430 = arith.andi %parallel_loop3A_419, %parallel_loop3A_429 : vector<16xi32>
        %parallel_loop3A_431 = arith.constant 0 : i32
        %parallel_loop3A_432 = arith.constant 0 : i32
        %parallel_loop3A_433 = arith.constant 0 : i32
        %parallel_loop3A_434 = arith.constant 0 : i32
        %parallel_loop3A_435 = tpu.memref_slice %arg7[%and3A_180, %parallel_loop3A_431, %parallel_loop3A_432, %parallel_loop3A_433, %parallel_loop3A_434] : memref<2x8x2x8x128xf32, #tpu.memory_space<vmem>> -> memref<1x8x2x8x128xf32, #tpu.memory_space<vmem>>
        %parallel_loop3A_436 = tpu.memref_squeeze %parallel_loop3A_435 : memref<1x8x2x8x128xf32, #tpu.memory_space<vmem>> -> memref<8x2x8x128xf32, #tpu.memory_space<vmem>>
        tpu.vector_store_idx %parallel_loop3A_436[%parallel_loop3A_293, %parallel_loop3A_427, %parallel_loop3A_296, %parallel_loop3A_430], %parallel_loop3A_424 : memref<8x2x8x128xf32, #tpu.memory_space<vmem>>[vector<16xi32>, vector<16xi32>, vector<16xi32>, vector<16xi32>], vector<16xf32>,
        %parallel_loop3A_437 = arith.constant 112 : i32
        %parallel_loop3A_438 = vector.broadcast %parallel_loop3A_437 : i32 to vector<16xi32>
        %parallel_loop3A_439 = arith.addi %iota3A, %parallel_loop3A_438 : vector<16xi32>
        %parallel_loop3A_440 = arith.constant 0 : i32
        %parallel_loop3A_441 = arith.constant 0 : i32
        %parallel_loop3A_442 = tpu.memref_slice %arg6[%and3A_180, %parallel_loop3A_440, %parallel_loop3A_441] : memref<2x256x64xf32, #tpu.memory_space<vmem>> -> memref<1x256x64xf32, #tpu.memory_space<vmem>>
        %parallel_loop3A_443 = tpu.memref_squeeze %parallel_loop3A_442 : memref<1x256x64xf32, #tpu.memory_space<vmem>> -> memref<256x64xf32, #tpu.memory_space<vmem>>
        %parallel_loop3A_444 = tpu.vector_load_idx %parallel_loop3A_443[%parallel_loop3A_439, %parallel_loop3A_290] : memref<256x64xf32, #tpu.memory_space<vmem>>[vector<16xi32>, vector<16xi32>], vector<16xf32>,
        %parallel_loop3A_445 = arith.constant 7 : i32
        %parallel_loop3A_446 = vector.broadcast %parallel_loop3A_445 : i32 to vector<16xi32>
        %parallel_loop3A_447 = arith.shrui %parallel_loop3A_439, %parallel_loop3A_446 : vector<16xi32>
        %parallel_loop3A_448 = arith.constant 127 : i32
        %parallel_loop3A_449 = vector.broadcast %parallel_loop3A_448 : i32 to vector<16xi32>
        %parallel_loop3A_450 = arith.andi %parallel_loop3A_439, %parallel_loop3A_449 : vector<16xi32>
        %parallel_loop3A_451 = arith.constant 0 : i32
        %parallel_loop3A_452 = arith.constant 0 : i32
        %parallel_loop3A_453 = arith.constant 0 : i32
        %parallel_loop3A_454 = arith.constant 0 : i32
        %parallel_loop3A_455 = tpu.memref_slice %arg7[%and3A_180, %parallel_loop3A_451, %parallel_loop3A_452, %parallel_loop3A_453, %parallel_loop3A_454] : memref<2x8x2x8x128xf32, #tpu.memory_space<vmem>> -> memref<1x8x2x8x128xf32, #tpu.memory_space<vmem>>
        %parallel_loop3A_456 = tpu.memref_squeeze %parallel_loop3A_455 : memref<1x8x2x8x128xf32, #tpu.memory_space<vmem>> -> memref<8x2x8x128xf32, #tpu.memory_space<vmem>>
        tpu.vector_store_idx %parallel_loop3A_456[%parallel_loop3A_293, %parallel_loop3A_447, %parallel_loop3A_296, %parallel_loop3A_450], %parallel_loop3A_444 : memref<8x2x8x128xf32, #tpu.memory_space<vmem>>[vector<16xi32>, vector<16xi32>, vector<16xi32>, vector<16xi32>], vector<16xf32>,
        %parallel_loop3A_457 = arith.constant 128 : i32
        %parallel_loop3A_458 = vector.broadcast %parallel_loop3A_457 : i32 to vector<16xi32>
        %parallel_loop3A_459 = arith.addi %iota3A, %parallel_loop3A_458 : vector<16xi32>
        %parallel_loop3A_460 = arith.constant 0 : i32
        %parallel_loop3A_461 = arith.constant 0 : i32
        %parallel_loop3A_462 = tpu.memref_slice %arg6[%and3A_180, %parallel_loop3A_460, %parallel_loop3A_461] : memref<2x256x64xf32, #tpu.memory_space<vmem>> -> memref<1x256x64xf32, #tpu.memory_space<vmem>>
        %parallel_loop3A_463 = tpu.memref_squeeze %parallel_loop3A_462 : memref<1x256x64xf32, #tpu.memory_space<vmem>> -> memref<256x64xf32, #tpu.memory_space<vmem>>
        %parallel_loop3A_464 = tpu.vector_load_idx %parallel_loop3A_463[%parallel_loop3A_459, %parallel_loop3A_290] : memref<256x64xf32, #tpu.memory_space<vmem>>[vector<16xi32>, vector<16xi32>], vector<16xf32>,
        %parallel_loop3A_465 = arith.constant 7 : i32
        %parallel_loop3A_466 = vector.broadcast %parallel_loop3A_465 : i32 to vector<16xi32>
        %parallel_loop3A_467 = arith.shrui %parallel_loop3A_459, %parallel_loop3A_466 : vector<16xi32>
        %parallel_loop3A_468 = arith.constant 127 : i32
        %parallel_loop3A_469 = vector.broadcast %parallel_loop3A_468 : i32 to vector<16xi32>
        %parallel_loop3A_470 = arith.andi %parallel_loop3A_459, %parallel_loop3A_469 : vector<16xi32>
        %parallel_loop3A_471 = arith.constant 0 : i32
        %parallel_loop3A_472 = arith.constant 0 : i32
        %parallel_loop3A_473 = arith.constant 0 : i32
        %parallel_loop3A_474 = arith.constant 0 : i32
        %parallel_loop3A_475 = tpu.memref_slice %arg7[%and3A_180, %parallel_loop3A_471, %parallel_loop3A_472, %parallel_loop3A_473, %parallel_loop3A_474] : memref<2x8x2x8x128xf32, #tpu.memory_space<vmem>> -> memref<1x8x2x8x128xf32, #tpu.memory_space<vmem>>
        %parallel_loop3A_476 = tpu.memref_squeeze %parallel_loop3A_475 : memref<1x8x2x8x128xf32, #tpu.memory_space<vmem>> -> memref<8x2x8x128xf32, #tpu.memory_space<vmem>>
        tpu.vector_store_idx %parallel_loop3A_476[%parallel_loop3A_293, %parallel_loop3A_467, %parallel_loop3A_296, %parallel_loop3A_470], %parallel_loop3A_464 : memref<8x2x8x128xf32, #tpu.memory_space<vmem>>[vector<16xi32>, vector<16xi32>, vector<16xi32>, vector<16xi32>], vector<16xf32>,
        %parallel_loop3A_477 = arith.constant 144 : i32
        %parallel_loop3A_478 = vector.broadcast %parallel_loop3A_477 : i32 to vector<16xi32>
        %parallel_loop3A_479 = arith.addi %iota3A, %parallel_loop3A_478 : vector<16xi32>
        %parallel_loop3A_480 = arith.constant 0 : i32
        %parallel_loop3A_481 = arith.constant 0 : i32
        %parallel_loop3A_482 = tpu.memref_slice %arg6[%and3A_180, %parallel_loop3A_480, %parallel_loop3A_481] : memref<2x256x64xf32, #tpu.memory_space<vmem>> -> memref<1x256x64xf32, #tpu.memory_space<vmem>>
        %parallel_loop3A_483 = tpu.memref_squeeze %parallel_loop3A_482 : memref<1x256x64xf32, #tpu.memory_space<vmem>> -> memref<256x64xf32, #tpu.memory_space<vmem>>
        %parallel_loop3A_484 = tpu.vector_load_idx %parallel_loop3A_483[%parallel_loop3A_479, %parallel_loop3A_290] : memref<256x64xf32, #tpu.memory_space<vmem>>[vector<16xi32>, vector<16xi32>], vector<16xf32>,
        %parallel_loop3A_485 = arith.constant 7 : i32
        %parallel_loop3A_486 = vector.broadcast %parallel_loop3A_485 : i32 to vector<16xi32>
        %parallel_loop3A_487 = arith.shrui %parallel_loop3A_479, %parallel_loop3A_486 : vector<16xi32>
        %parallel_loop3A_488 = arith.constant 127 : i32
        %parallel_loop3A_489 = vector.broadcast %parallel_loop3A_488 : i32 to vector<16xi32>
        %parallel_loop3A_490 = arith.andi %parallel_loop3A_479, %parallel_loop3A_489 : vector<16xi32>
        %parallel_loop3A_491 = arith.constant 0 : i32
        %parallel_loop3A_492 = arith.constant 0 : i32
        %parallel_loop3A_493 = arith.constant 0 : i32
        %parallel_loop3A_494 = arith.constant 0 : i32
        %parallel_loop3A_495 = tpu.memref_slice %arg7[%and3A_180, %parallel_loop3A_491, %parallel_loop3A_492, %parallel_loop3A_493, %parallel_loop3A_494] : memref<2x8x2x8x128xf32, #tpu.memory_space<vmem>> -> memref<1x8x2x8x128xf32, #tpu.memory_space<vmem>>
        %parallel_loop3A_496 = tpu.memref_squeeze %parallel_loop3A_495 : memref<1x8x2x8x128xf32, #tpu.memory_space<vmem>> -> memref<8x2x8x128xf32, #tpu.memory_space<vmem>>
        tpu.vector_store_idx %parallel_loop3A_496[%parallel_loop3A_293, %parallel_loop3A_487, %parallel_loop3A_296, %parallel_loop3A_490], %parallel_loop3A_484 : memref<8x2x8x128xf32, #tpu.memory_space<vmem>>[vector<16xi32>, vector<16xi32>, vector<16xi32>, vector<16xi32>], vector<16xf32>,
        %parallel_loop3A_497 = arith.constant 160 : i32
        %parallel_loop3A_498 = vector.broadcast %parallel_loop3A_497 : i32 to vector<16xi32>
        %parallel_loop3A_499 = arith.addi %iota3A, %parallel_loop3A_498 : vector<16xi32>
        %parallel_loop3A_500 = arith.constant 0 : i32
        %parallel_loop3A_501 = arith.constant 0 : i32
        %parallel_loop3A_502 = tpu.memref_slice %arg6[%and3A_180, %parallel_loop3A_500, %parallel_loop3A_501] : memref<2x256x64xf32, #tpu.memory_space<vmem>> -> memref<1x256x64xf32, #tpu.memory_space<vmem>>
        %parallel_loop3A_503 = tpu.memref_squeeze %parallel_loop3A_502 : memref<1x256x64xf32, #tpu.memory_space<vmem>> -> memref<256x64xf32, #tpu.memory_space<vmem>>
        %parallel_loop3A_504 = tpu.vector_load_idx %parallel_loop3A_503[%parallel_loop3A_499, %parallel_loop3A_290] : memref<256x64xf32, #tpu.memory_space<vmem>>[vector<16xi32>, vector<16xi32>], vector<16xf32>,
        %parallel_loop3A_505 = arith.constant 7 : i32
        %parallel_loop3A_506 = vector.broadcast %parallel_loop3A_505 : i32 to vector<16xi32>
        %parallel_loop3A_507 = arith.shrui %parallel_loop3A_499, %parallel_loop3A_506 : vector<16xi32>
        %parallel_loop3A_508 = arith.constant 127 : i32
        %parallel_loop3A_509 = vector.broadcast %parallel_loop3A_508 : i32 to vector<16xi32>
        %parallel_loop3A_510 = arith.andi %parallel_loop3A_499, %parallel_loop3A_509 : vector<16xi32>
        %parallel_loop3A_511 = arith.constant 0 : i32
        %parallel_loop3A_512 = arith.constant 0 : i32
        %parallel_loop3A_513 = arith.constant 0 : i32
        %parallel_loop3A_514 = arith.constant 0 : i32
        %parallel_loop3A_515 = tpu.memref_slice %arg7[%and3A_180, %parallel_loop3A_511, %parallel_loop3A_512, %parallel_loop3A_513, %parallel_loop3A_514] : memref<2x8x2x8x128xf32, #tpu.memory_space<vmem>> -> memref<1x8x2x8x128xf32, #tpu.memory_space<vmem>>
        %parallel_loop3A_516 = tpu.memref_squeeze %parallel_loop3A_515 : memref<1x8x2x8x128xf32, #tpu.memory_space<vmem>> -> memref<8x2x8x128xf32, #tpu.memory_space<vmem>>
        tpu.vector_store_idx %parallel_loop3A_516[%parallel_loop3A_293, %parallel_loop3A_507, %parallel_loop3A_296, %parallel_loop3A_510], %parallel_loop3A_504 : memref<8x2x8x128xf32, #tpu.memory_space<vmem>>[vector<16xi32>, vector<16xi32>, vector<16xi32>, vector<16xi32>], vector<16xf32>,
        %parallel_loop3A_517 = arith.constant 176 : i32
        %parallel_loop3A_518 = vector.broadcast %parallel_loop3A_517 : i32 to vector<16xi32>
        %parallel_loop3A_519 = arith.addi %iota3A, %parallel_loop3A_518 : vector<16xi32>
        %parallel_loop3A_520 = arith.constant 0 : i32
        %parallel_loop3A_521 = arith.constant 0 : i32
        %parallel_loop3A_522 = tpu.memref_slice %arg6[%and3A_180, %parallel_loop3A_520, %parallel_loop3A_521] : memref<2x256x64xf32, #tpu.memory_space<vmem>> -> memref<1x256x64xf32, #tpu.memory_space<vmem>>
        %parallel_loop3A_523 = tpu.memref_squeeze %parallel_loop3A_522 : memref<1x256x64xf32, #tpu.memory_space<vmem>> -> memref<256x64xf32, #tpu.memory_space<vmem>>
        %parallel_loop3A_524 = tpu.vector_load_idx %parallel_loop3A_523[%parallel_loop3A_519, %parallel_loop3A_290] : memref<256x64xf32, #tpu.memory_space<vmem>>[vector<16xi32>, vector<16xi32>], vector<16xf32>,
        %parallel_loop3A_525 = arith.constant 7 : i32
        %parallel_loop3A_526 = vector.broadcast %parallel_loop3A_525 : i32 to vector<16xi32>
        %parallel_loop3A_527 = arith.shrui %parallel_loop3A_519, %parallel_loop3A_526 : vector<16xi32>
        %parallel_loop3A_528 = arith.constant 127 : i32
        %parallel_loop3A_529 = vector.broadcast %parallel_loop3A_528 : i32 to vector<16xi32>
        %parallel_loop3A_530 = arith.andi %parallel_loop3A_519, %parallel_loop3A_529 : vector<16xi32>
        %parallel_loop3A_531 = arith.constant 0 : i32
        %parallel_loop3A_532 = arith.constant 0 : i32
        %parallel_loop3A_533 = arith.constant 0 : i32
        %parallel_loop3A_534 = arith.constant 0 : i32
        %parallel_loop3A_535 = tpu.memref_slice %arg7[%and3A_180, %parallel_loop3A_531, %parallel_loop3A_532, %parallel_loop3A_533, %parallel_loop3A_534] : memref<2x8x2x8x128xf32, #tpu.memory_space<vmem>> -> memref<1x8x2x8x128xf32, #tpu.memory_space<vmem>>
        %parallel_loop3A_536 = tpu.memref_squeeze %parallel_loop3A_535 : memref<1x8x2x8x128xf32, #tpu.memory_space<vmem>> -> memref<8x2x8x128xf32, #tpu.memory_space<vmem>>
        tpu.vector_store_idx %parallel_loop3A_536[%parallel_loop3A_293, %parallel_loop3A_527, %parallel_loop3A_296, %parallel_loop3A_530], %parallel_loop3A_524 : memref<8x2x8x128xf32, #tpu.memory_space<vmem>>[vector<16xi32>, vector<16xi32>, vector<16xi32>, vector<16xi32>], vector<16xf32>,
        %parallel_loop3A_537 = arith.constant 192 : i32
        %parallel_loop3A_538 = vector.broadcast %parallel_loop3A_537 : i32 to vector<16xi32>
        %parallel_loop3A_539 = arith.addi %iota3A, %parallel_loop3A_538 : vector<16xi32>
        %parallel_loop3A_540 = arith.constant 0 : i32
        %parallel_loop3A_541 = arith.constant 0 : i32
        %parallel_loop3A_542 = tpu.memref_slice %arg6[%and3A_180, %parallel_loop3A_540, %parallel_loop3A_541] : memref<2x256x64xf32, #tpu.memory_space<vmem>> -> memref<1x256x64xf32, #tpu.memory_space<vmem>>
        %parallel_loop3A_543 = tpu.memref_squeeze %parallel_loop3A_542 : memref<1x256x64xf32, #tpu.memory_space<vmem>> -> memref<256x64xf32, #tpu.memory_space<vmem>>
        %parallel_loop3A_544 = tpu.vector_load_idx %parallel_loop3A_543[%parallel_loop3A_539, %parallel_loop3A_290] : memref<256x64xf32, #tpu.memory_space<vmem>>[vector<16xi32>, vector<16xi32>], vector<16xf32>,
        %parallel_loop3A_545 = arith.constant 7 : i32
        %parallel_loop3A_546 = vector.broadcast %parallel_loop3A_545 : i32 to vector<16xi32>
        %parallel_loop3A_547 = arith.shrui %parallel_loop3A_539, %parallel_loop3A_546 : vector<16xi32>
        %parallel_loop3A_548 = arith.constant 127 : i32
        %parallel_loop3A_549 = vector.broadcast %parallel_loop3A_548 : i32 to vector<16xi32>
        %parallel_loop3A_550 = arith.andi %parallel_loop3A_539, %parallel_loop3A_549 : vector<16xi32>
        %parallel_loop3A_551 = arith.constant 0 : i32
        %parallel_loop3A_552 = arith.constant 0 : i32
        %parallel_loop3A_553 = arith.constant 0 : i32
        %parallel_loop3A_554 = arith.constant 0 : i32
        %parallel_loop3A_555 = tpu.memref_slice %arg7[%and3A_180, %parallel_loop3A_551, %parallel_loop3A_552, %parallel_loop3A_553, %parallel_loop3A_554] : memref<2x8x2x8x128xf32, #tpu.memory_space<vmem>> -> memref<1x8x2x8x128xf32, #tpu.memory_space<vmem>>
        %parallel_loop3A_556 = tpu.memref_squeeze %parallel_loop3A_555 : memref<1x8x2x8x128xf32, #tpu.memory_space<vmem>> -> memref<8x2x8x128xf32, #tpu.memory_space<vmem>>
        tpu.vector_store_idx %parallel_loop3A_556[%parallel_loop3A_293, %parallel_loop3A_547, %parallel_loop3A_296, %parallel_loop3A_550], %parallel_loop3A_544 : memref<8x2x8x128xf32, #tpu.memory_space<vmem>>[vector<16xi32>, vector<16xi32>, vector<16xi32>, vector<16xi32>], vector<16xf32>,
        %parallel_loop3A_557 = arith.constant 208 : i32
        %parallel_loop3A_558 = vector.broadcast %parallel_loop3A_557 : i32 to vector<16xi32>
        %parallel_loop3A_559 = arith.addi %iota3A, %parallel_loop3A_558 : vector<16xi32>
        %parallel_loop3A_560 = arith.constant 0 : i32
        %parallel_loop3A_561 = arith.constant 0 : i32
        %parallel_loop3A_562 = tpu.memref_slice %arg6[%and3A_180, %parallel_loop3A_560, %parallel_loop3A_561] : memref<2x256x64xf32, #tpu.memory_space<vmem>> -> memref<1x256x64xf32, #tpu.memory_space<vmem>>
        %parallel_loop3A_563 = tpu.memref_squeeze %parallel_loop3A_562 : memref<1x256x64xf32, #tpu.memory_space<vmem>> -> memref<256x64xf32, #tpu.memory_space<vmem>>
        %parallel_loop3A_564 = tpu.vector_load_idx %parallel_loop3A_563[%parallel_loop3A_559, %parallel_loop3A_290] : memref<256x64xf32, #tpu.memory_space<vmem>>[vector<16xi32>, vector<16xi32>], vector<16xf32>,
        %parallel_loop3A_565 = arith.constant 7 : i32
        %parallel_loop3A_566 = vector.broadcast %parallel_loop3A_565 : i32 to vector<16xi32>
        %parallel_loop3A_567 = arith.shrui %parallel_loop3A_559, %parallel_loop3A_566 : vector<16xi32>
        %parallel_loop3A_568 = arith.constant 127 : i32
        %parallel_loop3A_569 = vector.broadcast %parallel_loop3A_568 : i32 to vector<16xi32>
        %parallel_loop3A_570 = arith.andi %parallel_loop3A_559, %parallel_loop3A_569 : vector<16xi32>
        %parallel_loop3A_571 = arith.constant 0 : i32
        %parallel_loop3A_572 = arith.constant 0 : i32
        %parallel_loop3A_573 = arith.constant 0 : i32
        %parallel_loop3A_574 = arith.constant 0 : i32
        %parallel_loop3A_575 = tpu.memref_slice %arg7[%and3A_180, %parallel_loop3A_571, %parallel_loop3A_572, %parallel_loop3A_573, %parallel_loop3A_574] : memref<2x8x2x8x128xf32, #tpu.memory_space<vmem>> -> memref<1x8x2x8x128xf32, #tpu.memory_space<vmem>>
        %parallel_loop3A_576 = tpu.memref_squeeze %parallel_loop3A_575 : memref<1x8x2x8x128xf32, #tpu.memory_space<vmem>> -> memref<8x2x8x128xf32, #tpu.memory_space<vmem>>
        tpu.vector_store_idx %parallel_loop3A_576[%parallel_loop3A_293, %parallel_loop3A_567, %parallel_loop3A_296, %parallel_loop3A_570], %parallel_loop3A_564 : memref<8x2x8x128xf32, #tpu.memory_space<vmem>>[vector<16xi32>, vector<16xi32>, vector<16xi32>, vector<16xi32>], vector<16xf32>,
        %parallel_loop3A_577 = arith.constant 224 : i32
        %parallel_loop3A_578 = vector.broadcast %parallel_loop3A_577 : i32 to vector<16xi32>
        %parallel_loop3A_579 = arith.addi %iota3A, %parallel_loop3A_578 : vector<16xi32>
        %parallel_loop3A_580 = arith.constant 0 : i32
        %parallel_loop3A_581 = arith.constant 0 : i32
        %parallel_loop3A_582 = tpu.memref_slice %arg6[%and3A_180, %parallel_loop3A_580, %parallel_loop3A_581] : memref<2x256x64xf32, #tpu.memory_space<vmem>> -> memref<1x256x64xf32, #tpu.memory_space<vmem>>
        %parallel_loop3A_583 = tpu.memref_squeeze %parallel_loop3A_582 : memref<1x256x64xf32, #tpu.memory_space<vmem>> -> memref<256x64xf32, #tpu.memory_space<vmem>>
        %parallel_loop3A_584 = tpu.vector_load_idx %parallel_loop3A_583[%parallel_loop3A_579, %parallel_loop3A_290] : memref<256x64xf32, #tpu.memory_space<vmem>>[vector<16xi32>, vector<16xi32>], vector<16xf32>,
        %parallel_loop3A_585 = arith.constant 7 : i32
        %parallel_loop3A_586 = vector.broadcast %parallel_loop3A_585 : i32 to vector<16xi32>
        %parallel_loop3A_587 = arith.shrui %parallel_loop3A_579, %parallel_loop3A_586 : vector<16xi32>
        %parallel_loop3A_588 = arith.constant 127 : i32
        %parallel_loop3A_589 = vector.broadcast %parallel_loop3A_588 : i32 to vector<16xi32>
        %parallel_loop3A_590 = arith.andi %parallel_loop3A_579, %parallel_loop3A_589 : vector<16xi32>
        %parallel_loop3A_591 = arith.constant 0 : i32
        %parallel_loop3A_592 = arith.constant 0 : i32
        %parallel_loop3A_593 = arith.constant 0 : i32
        %parallel_loop3A_594 = arith.constant 0 : i32
        %parallel_loop3A_595 = tpu.memref_slice %arg7[%and3A_180, %parallel_loop3A_591, %parallel_loop3A_592, %parallel_loop3A_593, %parallel_loop3A_594] : memref<2x8x2x8x128xf32, #tpu.memory_space<vmem>> -> memref<1x8x2x8x128xf32, #tpu.memory_space<vmem>>
        %parallel_loop3A_596 = tpu.memref_squeeze %parallel_loop3A_595 : memref<1x8x2x8x128xf32, #tpu.memory_space<vmem>> -> memref<8x2x8x128xf32, #tpu.memory_space<vmem>>
        tpu.vector_store_idx %parallel_loop3A_596[%parallel_loop3A_293, %parallel_loop3A_587, %parallel_loop3A_296, %parallel_loop3A_590], %parallel_loop3A_584 : memref<8x2x8x128xf32, #tpu.memory_space<vmem>>[vector<16xi32>, vector<16xi32>, vector<16xi32>, vector<16xi32>], vector<16xf32>,
        %parallel_loop3A_597 = arith.constant 240 : i32
        %parallel_loop3A_598 = vector.broadcast %parallel_loop3A_597 : i32 to vector<16xi32>
        %parallel_loop3A_599 = arith.addi %iota3A, %parallel_loop3A_598 : vector<16xi32>
        %parallel_loop3A_600 = arith.constant 0 : i32
        %parallel_loop3A_601 = arith.constant 0 : i32
        %parallel_loop3A_602 = tpu.memref_slice %arg6[%and3A_180, %parallel_loop3A_600, %parallel_loop3A_601] : memref<2x256x64xf32, #tpu.memory_space<vmem>> -> memref<1x256x64xf32, #tpu.memory_space<vmem>>
        %parallel_loop3A_603 = tpu.memref_squeeze %parallel_loop3A_602 : memref<1x256x64xf32, #tpu.memory_space<vmem>> -> memref<256x64xf32, #tpu.memory_space<vmem>>
        %parallel_loop3A_604 = tpu.vector_load_idx %parallel_loop3A_603[%parallel_loop3A_599, %parallel_loop3A_290] : memref<256x64xf32, #tpu.memory_space<vmem>>[vector<16xi32>, vector<16xi32>], vector<16xf32>,
        %parallel_loop3A_605 = arith.constant 7 : i32
        %parallel_loop3A_606 = vector.broadcast %parallel_loop3A_605 : i32 to vector<16xi32>
        %parallel_loop3A_607 = arith.shrui %parallel_loop3A_599, %parallel_loop3A_606 : vector<16xi32>
        %parallel_loop3A_608 = arith.constant 127 : i32
        %parallel_loop3A_609 = vector.broadcast %parallel_loop3A_608 : i32 to vector<16xi32>
        %parallel_loop3A_610 = arith.andi %parallel_loop3A_599, %parallel_loop3A_609 : vector<16xi32>
        %parallel_loop3A_611 = arith.constant 0 : i32
        %parallel_loop3A_612 = arith.constant 0 : i32
        %parallel_loop3A_613 = arith.constant 0 : i32
        %parallel_loop3A_614 = arith.constant 0 : i32
        %parallel_loop3A_615 = tpu.memref_slice %arg7[%and3A_180, %parallel_loop3A_611, %parallel_loop3A_612, %parallel_loop3A_613, %parallel_loop3A_614] : memref<2x8x2x8x128xf32, #tpu.memory_space<vmem>> -> memref<1x8x2x8x128xf32, #tpu.memory_space<vmem>>
        %parallel_loop3A_616 = tpu.memref_squeeze %parallel_loop3A_615 : memref<1x8x2x8x128xf32, #tpu.memory_space<vmem>> -> memref<8x2x8x128xf32, #tpu.memory_space<vmem>>
        tpu.vector_store_idx %parallel_loop3A_616[%parallel_loop3A_293, %parallel_loop3A_607, %parallel_loop3A_296, %parallel_loop3A_610], %parallel_loop3A_604 : memref<8x2x8x128xf32, #tpu.memory_space<vmem>>[vector<16xi32>, vector<16xi32>, vector<16xi32>, vector<16xi32>], vector<16xf32>,
      } {sc.loop_unroll_factor = 8 : i64, sc.parallel_access}
      %add3A_208 = arith.constant 2 : i32
      %add3A_209 = arith.addi %sub3A_178, %add3A_208 : i32
      %lt3A_210 = arith.constant 100 : i32
      %lt3A_211 = arith.cmpi slt, %add3A_209, %lt3A_210 : i32
      %convert_element_type3A_212 = arith.extui %lt3A_211 : i1 to i32
      %cond3A_213 = arith.constant 0 : i32
      %cond3A_214 = arith.cmpi ne, %convert_element_type3A_212, %cond3A_213 : i32
      scf.if %cond3A_214 {
        %add3A_285 = arith.constant 2 : i32
        %add3A_286 = arith.addi %add3A_177, %add3A_285 : i32
        %jit3A_287 = arith.constant 16 : i32
        %div3A_288 = arith.divsi %add3A_286, %jit3A_287 : i32
        %sign3A_289 = arith.constant 0 : i32
        %sign3A_290 = arith.cmpi sgt, %add3A_286, %sign3A_289 : i32
        %sign3A_291 = arith.extui %sign3A_290 : i1 to i32
        %sign3A_292 = arith.constant 0 : i32
        %sign3A_293 = arith.cmpi slt, %add3A_286, %sign3A_292 : i32
        %sign3A_294 = arith.extui %sign3A_293 : i1 to i32
        %sign3A_295 = arith.subi %sign3A_291, %sign3A_294 : i32
        %sign3A_296 = arith.constant 0 : i32
        %sign3A_297 = arith.cmpi sgt, %jit3A_287, %sign3A_296 : i32
        %sign3A_298 = arith.extui %sign3A_297 : i1 to i32
        %sign3A_299 = arith.constant 0 : i32
        %sign3A_300 = arith.cmpi slt, %jit3A_287, %sign3A_299 : i32
        %sign3A_301 = arith.extui %sign3A_300 : i1 to i32
        %sign3A_302 = arith.subi %sign3A_298, %sign3A_301 : i32
        %ne3A_303 = arith.cmpi ne, %sign3A_295, %sign3A_302 : i32
        %rem3A_304 = arith.remsi %add3A_286, %jit3A_287 : i32
        %ne3A_305 = arith.constant 0 : i32
        %ne3A_306 = arith.cmpi ne, %rem3A_304, %ne3A_305 : i32
        %and3A_307 = arith.andi %ne3A_303, %ne3A_306 : i1
        %sub3A_308 = arith.constant 1 : i32
        %sub3A_309 = arith.subi %div3A_288, %sub3A_308 : i32
        %select_n3A_310 = arith.select %and3A_307, %sub3A_309, %div3A_288 : i32
        %jit3A_311 = arith.constant 16 : i32
        %eq3A_312 = arith.constant 0 : i32
        %eq3A_313 = arith.cmpi eq, %jit3A_311, %eq3A_312 : i32
        %jit3A_314 = arith.constant 1 : i32
        %select_n3A_315 = arith.select %eq3A_313, %jit3A_314, %jit3A_311 : i32
        %rem3A_316 = arith.remsi %add3A_286, %select_n3A_315 : i32
        %ne3A_317 = arith.constant 0 : i32
        %ne3A_318 = arith.cmpi ne, %rem3A_316, %ne3A_317 : i32
        %lt3A_319 = arith.constant 0 : i32
        %lt3A_320 = arith.cmpi slt, %rem3A_316, %lt3A_319 : i32
        %lt3A_321 = arith.constant 0 : i32
        %lt3A_322 = arith.cmpi slt, %select_n3A_315, %lt3A_321 : i32
        %ne3A_323 = arith.xori %lt3A_320, %lt3A_322 : i1
        %and3A_324 = arith.andi %ne3A_323, %ne3A_318 : i1
        %add3A_325 = arith.addi %rem3A_316, %select_n3A_315 : i32
        %select_n3A_326 = arith.select %and3A_324, %add3A_325, %rem3A_316 : i32
        %mul3A_327 = arith.constant 256 : i32
        %mul3A_328 = arith.muli %select_n3A_326, %mul3A_327 : i32
        %and3A_329 = arith.constant 1 : i32
        %and3A_330 = arith.andi %add3A_286, %and3A_329 : i32
        "tpu.region"() ({
          %run_scoped3A = tpu.sem_alloc : memref<!tpu.dma_semaphore, #tpu.memory_space<semaphore_mem>>
          %dma_start3A_331 = arith.constant 0 : i32
          %dma_start3A_332 = tpu.memref_slice %arg5[%and3A_330, %dma_start3A_331] : memref<2x256xi32, #tpu.memory_space<vmem>> -> memref<1x256xi32, #tpu.memory_space<vmem>>
          %dma_start3A_333 = tpu.memref_squeeze %dma_start3A_332 : memref<1x256xi32, #tpu.memory_space<vmem>> -> memref<256xi32, #tpu.memory_space<vmem>>
          %dma_start3A_334 = tpu.memref_slice %arg2[%select_n3A_310, %mul3A_328] : memref<200x4096xi32, #tpu.memory_space<hbm>> -> memref<1x256xi32, #tpu.memory_space<hbm>>
          %dma_start3A_335 = tpu.memref_squeeze %dma_start3A_334 : memref<1x256xi32, #tpu.memory_space<hbm>> -> memref<256xi32, #tpu.memory_space<hbm>>
          %dma_start3A_336 = arith.constant 0 : i32
          %dma_start3A_337 = tpu.memref_slice %arg5[%and3A_330, %dma_start3A_336] : memref<2x256xi32, #tpu.memory_space<vmem>> -> memref<1x256xi32, #tpu.memory_space<vmem>>
          %dma_start3A_338 = tpu.memref_squeeze %dma_start3A_337 : memref<1x256xi32, #tpu.memory_space<vmem>> -> memref<256xi32, #tpu.memory_space<vmem>>
          %dma_start3A_339 = tpu.memref_slice %arg2[%select_n3A_310, %mul3A_328] : memref<200x4096xi32, #tpu.memory_space<hbm>> -> memref<1x256xi32, #tpu.memory_space<hbm>>
          %dma_start3A_340 = tpu.memref_squeeze %dma_start3A_339 : memref<1x256xi32, #tpu.memory_space<hbm>> -> memref<256xi32, #tpu.memory_space<hbm>>
          tpu.enqueue_dma source(%dma_start3A_340 : memref<256xi32, #tpu.memory_space<hbm>>) target(%dma_start3A_338 : memref<256xi32, #tpu.memory_space<vmem>>) target_semaphore(%run_scoped3A : memref<!tpu.dma_semaphore, #tpu.memory_space<semaphore_mem>>)
          %dma_wait3A_341 = arith.constant 0 : i32
          %dma_wait3A_342 = tpu.memref_slice %arg5[%and3A_330, %dma_wait3A_341] : memref<2x256xi32, #tpu.memory_space<vmem>> -> memref<1x256xi32, #tpu.memory_space<vmem>>
          %dma_wait3A_343 = tpu.memref_squeeze %dma_wait3A_342 : memref<1x256xi32, #tpu.memory_space<vmem>> -> memref<256xi32, #tpu.memory_space<vmem>>
          %dma_wait3A_344 = tpu.memref_slice %arg2[%select_n3A_310, %mul3A_328] : memref<200x4096xi32, #tpu.memory_space<hbm>> -> memref<1x256xi32, #tpu.memory_space<hbm>>
          %dma_wait3A_345 = tpu.memref_squeeze %dma_wait3A_344 : memref<1x256xi32, #tpu.memory_space<hbm>> -> memref<256xi32, #tpu.memory_space<hbm>>
          %dma_wait3A_346 = arith.constant 0 : i32
          %dma_wait3A_347 = tpu.memref_slice %arg5[%and3A_330, %dma_wait3A_346] : memref<2x256xi32, #tpu.memory_space<vmem>> -> memref<1x256xi32, #tpu.memory_space<vmem>>
          %dma_wait3A_348 = tpu.memref_squeeze %dma_wait3A_347 : memref<1x256xi32, #tpu.memory_space<vmem>> -> memref<256xi32, #tpu.memory_space<vmem>>
          %dma_wait3A_349 = tpu.memref_slice %arg2[%select_n3A_310, %mul3A_328] : memref<200x4096xi32, #tpu.memory_space<hbm>> -> memref<1x256xi32, #tpu.memory_space<hbm>>
          %dma_wait3A_350 = tpu.memref_squeeze %dma_wait3A_349 : memref<1x256xi32, #tpu.memory_space<hbm>> -> memref<256xi32, #tpu.memory_space<hbm>>
          tpu.wait_dma2 semaphore(%run_scoped3A : memref<!tpu.dma_semaphore, #tpu.memory_space<semaphore_mem>>) src(%dma_wait3A_350 : memref<256xi32, #tpu.memory_space<hbm>>) dst(%dma_wait3A_348 : memref<256xi32, #tpu.memory_space<vmem>>)
          tpu.yield
        }) : () -> ()
      } else {
      }
      %jit3A_215 = arith.constant 16 : i32
      %div3A_216 = arith.divsi %add3A_177, %jit3A_215 : i32
      %sign3A_217 = arith.constant 0 : i32
      %sign3A_218 = arith.cmpi sgt, %add3A_177, %sign3A_217 : i32
      %sign3A_219 = arith.extui %sign3A_218 : i1 to i32
      %sign3A_220 = arith.constant 0 : i32
      %sign3A_221 = arith.cmpi slt, %add3A_177, %sign3A_220 : i32
      %sign3A_222 = arith.extui %sign3A_221 : i1 to i32
      %sign3A_223 = arith.subi %sign3A_219, %sign3A_222 : i32
      %sign3A_224 = arith.constant 0 : i32
      %sign3A_225 = arith.cmpi sgt, %jit3A_215, %sign3A_224 : i32
      %sign3A_226 = arith.extui %sign3A_225 : i1 to i32
      %sign3A_227 = arith.constant 0 : i32
      %sign3A_228 = arith.cmpi slt, %jit3A_215, %sign3A_227 : i32
      %sign3A_229 = arith.extui %sign3A_228 : i1 to i32
      %sign3A_230 = arith.subi %sign3A_226, %sign3A_229 : i32
      %ne3A_231 = arith.cmpi ne, %sign3A_223, %sign3A_230 : i32
      %rem3A_232 = arith.remsi %add3A_177, %jit3A_215 : i32
      %ne3A_233 = arith.constant 0 : i32
      %ne3A_234 = arith.cmpi ne, %rem3A_232, %ne3A_233 : i32
      %and3A_235 = arith.andi %ne3A_231, %ne3A_234 : i1
      %sub3A_236 = arith.constant 1 : i32
      %sub3A_237 = arith.subi %div3A_216, %sub3A_236 : i32
      %select_n3A_238 = arith.select %and3A_235, %sub3A_237, %div3A_216 : i32
      %jit3A_239 = arith.constant 16 : i32
      %eq3A_240 = arith.constant 0 : i32
      %eq3A_241 = arith.cmpi eq, %jit3A_239, %eq3A_240 : i32
      %jit3A_242 = arith.constant 1 : i32
      %select_n3A_243 = arith.select %eq3A_241, %jit3A_242, %jit3A_239 : i32
      %rem3A_244 = arith.remsi %add3A_177, %select_n3A_243 : i32
      %ne3A_245 = arith.constant 0 : i32
      %ne3A_246 = arith.cmpi ne, %rem3A_244, %ne3A_245 : i32
      %lt3A_247 = arith.constant 0 : i32
      %lt3A_248 = arith.cmpi slt, %rem3A_244, %lt3A_247 : i32
      %lt3A_249 = arith.constant 0 : i32
      %lt3A_250 = arith.cmpi slt, %select_n3A_243, %lt3A_249 : i32
      %ne3A_251 = arith.xori %lt3A_248, %lt3A_250 : i1
      %and3A_252 = arith.andi %ne3A_251, %ne3A_246 : i1
      %add3A_253 = arith.addi %rem3A_244, %select_n3A_243 : i32
      %select_n3A_254 = arith.select %and3A_252, %add3A_253, %rem3A_244 : i32
      %mul3A_255 = arith.constant 2 : i32
      %mul3A_256 = arith.muli %select_n3A_254, %mul3A_255 : i32
      %and3A_257 = arith.constant 1 : i32
      %and3A_258 = arith.andi %add3A_177, %and3A_257 : i32
      %and3A_259 = arith.constant 1 : i32
      %and3A_260 = arith.andi %add3A_177, %and3A_259 : i32
      %dma_start3A_261 = arith.constant 0 : i32
      %dma_start3A_262 = arith.constant 0 : i32
      %dma_start3A_263 = arith.constant 0 : i32
      %dma_start3A_264 = arith.constant 0 : i32
      %dma_start3A_265 = tpu.memref_slice %arg7[%and3A_258, %dma_start3A_261, %dma_start3A_262, %dma_start3A_263, %dma_start3A_264] : memref<2x8x2x8x128xf32, #tpu.memory_space<vmem>> -> memref<1x8x2x8x128xf32, #tpu.memory_space<vmem>>
      %dma_start3A_266 = tpu.memref_squeeze %dma_start3A_265 : memref<1x8x2x8x128xf32, #tpu.memory_space<vmem>> -> memref<8x2x8x128xf32, #tpu.memory_space<vmem>>
      %dma_start3A_267 = arith.constant 0 : i32
      %dma_start3A_268 = arith.constant 0 : i32
      %dma_start3A_269 = arith.constant 0 : i32
      %dma_start3A_270 = tpu.memref_slice %arg4[%select_n3A_238, %dma_start3A_267, %mul3A_256, %dma_start3A_268, %dma_start3A_269] : memref<200x8x32x8x128xf32, #tpu.memory_space<hbm>> -> memref<1x8x2x8x128xf32, #tpu.memory_space<hbm>>
      %dma_start3A_271 = tpu.memref_squeeze %dma_start3A_270 : memref<1x8x2x8x128xf32, #tpu.memory_space<hbm>> -> memref<8x2x8x128xf32, #tpu.memory_space<hbm>>
      %dma_start3A_272 = tpu.memref_slice %arg9[%and3A_260] : memref<2x!tpu.dma_semaphore, #tpu.memory_space<semaphore_mem>> -> memref<1x!tpu.dma_semaphore, #tpu.memory_space<semaphore_mem>>
      %dma_start3A_273 = tpu.memref_squeeze %dma_start3A_272 : memref<1x!tpu.dma_semaphore, #tpu.memory_space<semaphore_mem>> -> memref<!tpu.dma_semaphore, #tpu.memory_space<semaphore_mem>>
      %dma_start3A_274 = arith.constant 0 : i32
      %dma_start3A_275 = arith.constant 0 : i32
      %dma_start3A_276 = arith.constant 0 : i32
      %dma_start3A_277 = tpu.memref_slice %arg4[%select_n3A_238, %dma_start3A_274, %mul3A_256, %dma_start3A_275, %dma_start3A_276] : memref<200x8x32x8x128xf32, #tpu.memory_space<hbm>> -> memref<1x8x2x8x128xf32, #tpu.memory_space<hbm>>
      %dma_start3A_278 = tpu.memref_squeeze %dma_start3A_277 : memref<1x8x2x8x128xf32, #tpu.memory_space<hbm>> -> memref<8x2x8x128xf32, #tpu.memory_space<hbm>>
      %dma_start3A_279 = arith.constant 0 : i32
      %dma_start3A_280 = arith.constant 0 : i32
      %dma_start3A_281 = arith.constant 0 : i32
      %dma_start3A_282 = arith.constant 0 : i32
      %dma_start3A_283 = tpu.memref_slice %arg7[%and3A_258, %dma_start3A_279, %dma_start3A_280, %dma_start3A_281, %dma_start3A_282] : memref<2x8x2x8x128xf32, #tpu.memory_space<vmem>> -> memref<1x8x2x8x128xf32, #tpu.memory_space<vmem>>
      %dma_start3A_284 = tpu.memref_squeeze %dma_start3A_283 : memref<1x8x2x8x128xf32, #tpu.memory_space<vmem>> -> memref<8x2x8x128xf32, #tpu.memory_space<vmem>>
      tpu.enqueue_dma source(%dma_start3A_284 : memref<8x2x8x128xf32, #tpu.memory_space<vmem>>) target(%dma_start3A_278 : memref<8x2x8x128xf32, #tpu.memory_space<hbm>>) target_semaphore(%dma_start3A_273 : memref<!tpu.dma_semaphore, #tpu.memory_space<semaphore_mem>>)
    }
    %while3A_117 = arith.constant 1 : i32
    scf.for %while3A_175 = %while3A_115 to %while3A_111 step %while3A_117  : i32 {
      %mul3A_176 = arith.muli %while3A_175, %while3A : i32
      %add3A_177 = arith.addi %mul3A_2, %mul3A_176 : i32
      %sub3A_178 = arith.subi %add3A_177, %mul3A_2 : i32
      %and3A_179 = arith.constant 1 : i32
      %and3A_180 = arith.andi %sub3A_178, %and3A_179 : i32
      %add3A_181 = arith.constant 1 : i32
      %add3A_182 = arith.addi %sub3A_178, %add3A_181 : i32
      %lt3A_183 = arith.constant 100 : i32
      %lt3A_184 = arith.cmpi slt, %add3A_182, %lt3A_183 : i32
      %convert_element_type3A = arith.extui %lt3A_184 : i1 to i32
      %cond3A = arith.constant 0 : i32
      %cond3A_185 = arith.cmpi ne, %convert_element_type3A, %cond3A : i32
      scf.if %cond3A_185 {
        %add3A_285 = arith.constant 1 : i32
        %add3A_286 = arith.addi %add3A_177, %add3A_285 : i32
        %and3A_287 = arith.constant 1 : i32
        %and3A_288 = arith.andi %add3A_286, %and3A_287 : i32
        %and3A_289 = arith.constant 1 : i32
        %and3A_290 = arith.andi %add3A_286, %and3A_289 : i32
        %and3A_291 = arith.constant 1 : i32
        %and3A_292 = arith.andi %add3A_286, %and3A_291 : i32
        %dma_start3A_293 = arith.constant 0 : i32
        %dma_start3A_294 = arith.constant 0 : i32
        %dma_start3A_295 = tpu.memref_slice %arg6[%and3A_290, %dma_start3A_293, %dma_start3A_294] : memref<2x256x64xf32, #tpu.memory_space<vmem>> -> memref<1x256x64xf32, #tpu.memory_space<vmem>>
        %dma_start3A_296 = tpu.memref_squeeze %dma_start3A_295 : memref<1x256x64xf32, #tpu.memory_space<vmem>> -> memref<256x64xf32, #tpu.memory_space<vmem>>
        %dma_start3A_297 = arith.constant 0 : i32
        %dma_start3A_298 = tpu.memref_slice %arg5[%and3A_288, %dma_start3A_297] : memref<2x256xi32, #tpu.memory_space<vmem>> -> memref<1x256xi32, #tpu.memory_space<vmem>>
        %dma_start3A_299 = tpu.memref_squeeze %dma_start3A_298 : memref<1x256xi32, #tpu.memory_space<vmem>> -> memref<256xi32, #tpu.memory_space<vmem>>
        %dma_start3A_300 = arith.constant 0 : i32
        %dma_start3A_301 = arith.constant 0 : i32
        %dma_start3A_302 = tpu.memref_slice %arg3[%dma_start3A_300, %dma_start3A_301] : memref<1000064x64xf32, #tpu.memory_space<hbm>> -> memref<1000064x64xf32, #tpu.memory_space<hbm>>
        %dma_start3A_303 = tpu.memref_slice %arg8[%and3A_292] : memref<2x!tpu.dma_semaphore, #tpu.memory_space<semaphore_mem>> -> memref<1x!tpu.dma_semaphore, #tpu.memory_space<semaphore_mem>>
        %dma_start3A_304 = tpu.memref_squeeze %dma_start3A_303 : memref<1x!tpu.dma_semaphore, #tpu.memory_space<semaphore_mem>> -> memref<!tpu.dma_semaphore, #tpu.memory_space<semaphore_mem>>
        tpu.enqueue_indirect_dma source(%dma_start3A_302 : memref<1000064x64xf32, #tpu.memory_space<hbm>>) target(%dma_start3A_296 : memref<256x64xf32, #tpu.memory_space<vmem>>) offsets(%dma_start3A_299 : memref<256xi32, #tpu.memory_space<vmem>>) semaphore(%dma_start3A_304 : memref<!tpu.dma_semaphore, #tpu.memory_space<semaphore_mem>>)
      } else {
      }
      %dma_wait3A_186 = arith.constant 0 : i32
      %dma_wait3A_187 = arith.constant 0 : i32
      %dma_wait3A_188 = tpu.memref_slice %arg6[%and3A_180, %dma_wait3A_186, %dma_wait3A_187] : memref<2x256x64xf32, #tpu.memory_space<vmem>> -> memref<1x256x64xf32, #tpu.memory_space<vmem>>
      %dma_wait3A_189 = tpu.memref_squeeze %dma_wait3A_188 : memref<1x256x64xf32, #tpu.memory_space<vmem>> -> memref<256x64xf32, #tpu.memory_space<vmem>>
      %dma_wait3A_190 = arith.constant 0 : i32
      %dma_wait3A_191 = arith.constant 0 : i32
      %dma_wait3A_192 = tpu.memref_slice %arg3[%dma_wait3A_190, %dma_wait3A_191] : memref<1000064x64xf32, #tpu.memory_space<hbm>> -> memref<256x64xf32, #tpu.memory_space<hbm>>
      %dma_wait3A_193 = tpu.memref_slice %arg8[%and3A_180] : memref<2x!tpu.dma_semaphore, #tpu.memory_space<semaphore_mem>> -> memref<1x!tpu.dma_semaphore, #tpu.memory_space<semaphore_mem>>
      %dma_wait3A_194 = tpu.memref_squeeze %dma_wait3A_193 : memref<1x!tpu.dma_semaphore, #tpu.memory_space<semaphore_mem>> -> memref<!tpu.dma_semaphore, #tpu.memory_space<semaphore_mem>>
      %dma_wait3A_195 = arith.constant 0 : i32
      %dma_wait3A_196 = arith.constant 0 : i32
      %dma_wait3A_197 = tpu.memref_slice %arg6[%and3A_180, %dma_wait3A_195, %dma_wait3A_196] : memref<2x256x64xf32, #tpu.memory_space<vmem>> -> memref<1x256x64xf32, #tpu.memory_space<vmem>>
      %dma_wait3A_198 = tpu.memref_squeeze %dma_wait3A_197 : memref<1x256x64xf32, #tpu.memory_space<vmem>> -> memref<256x64xf32, #tpu.memory_space<vmem>>
      %dma_wait3A_199 = arith.constant 0 : i32
      %dma_wait3A_200 = arith.constant 0 : i32
      %dma_wait3A_201 = tpu.memref_slice %arg3[%dma_wait3A_199, %dma_wait3A_200] : memref<1000064x64xf32, #tpu.memory_space<hbm>> -> memref<256x64xf32, #tpu.memory_space<hbm>>
      tpu.wait_dma2 semaphore(%dma_wait3A_194 : memref<!tpu.dma_semaphore, #tpu.memory_space<semaphore_mem>>) src(%dma_wait3A_201 : memref<256x64xf32, #tpu.memory_space<hbm>>) dst(%dma_wait3A_198 : memref<256x64xf32, #tpu.memory_space<vmem>>)
      %ge3A = arith.constant 2 : i32
      %ge3A_202 = arith.cmpi sge, %sub3A_178, %ge3A : i32
      %convert_element_type3A_203 = arith.extui %ge3A_202 : i1 to i32
      %cond3A_204 = arith.constant 0 : i32
      %cond3A_205 = arith.cmpi ne, %convert_element_type3A_203, %cond3A_204 : i32
      scf.if %cond3A_205 {
        %dma_wait3A_285 = arith.constant 0 : i32
        %dma_wait3A_286 = arith.constant 0 : i32
        %dma_wait3A_287 = arith.constant 0 : i32
        %dma_wait3A_288 = arith.constant 0 : i32
        %dma_wait3A_289 = arith.constant 0 : i32
        %dma_wait3A_290 = tpu.memref_slice %arg7[%and3A_180, %dma_wait3A_286, %dma_wait3A_287, %dma_wait3A_288, %dma_wait3A_289] : memref<2x8x2x8x128xf32, #tpu.memory_space<vmem>> -> memref<1x8x2x8x128xf32, #tpu.memory_space<vmem>>
        %dma_wait3A_291 = tpu.memref_squeeze %dma_wait3A_290 : memref<1x8x2x8x128xf32, #tpu.memory_space<vmem>> -> memref<8x2x8x128xf32, #tpu.memory_space<vmem>>
        %dma_wait3A_292 = arith.constant 0 : i32
        %dma_wait3A_293 = arith.constant 0 : i32
        %dma_wait3A_294 = arith.constant 0 : i32
        %dma_wait3A_295 = arith.constant 0 : i32
        %dma_wait3A_296 = tpu.memref_slice %arg4[%dma_wait3A_285, %dma_wait3A_292, %dma_wait3A_293, %dma_wait3A_294, %dma_wait3A_295] : memref<200x8x32x8x128xf32, #tpu.memory_space<hbm>> -> memref<1x8x2x8x128xf32, #tpu.memory_space<hbm>>
        %dma_wait3A_297 = tpu.memref_squeeze %dma_wait3A_296 : memref<1x8x2x8x128xf32, #tpu.memory_space<hbm>> -> memref<8x2x8x128xf32, #tpu.memory_space<hbm>>
        %dma_wait3A_298 = tpu.memref_slice %arg9[%and3A_180] : memref<2x!tpu.dma_semaphore, #tpu.memory_space<semaphore_mem>> -> memref<1x!tpu.dma_semaphore, #tpu.memory_space<semaphore_mem>>
        %dma_wait3A_299 = tpu.memref_squeeze %dma_wait3A_298 : memref<1x!tpu.dma_semaphore, #tpu.memory_space<semaphore_mem>> -> memref<!tpu.dma_semaphore, #tpu.memory_space<semaphore_mem>>
        %dma_wait3A_300 = arith.constant 0 : i32
        %dma_wait3A_301 = arith.constant 0 : i32
        %dma_wait3A_302 = arith.constant 0 : i32
        %dma_wait3A_303 = arith.constant 0 : i32
        %dma_wait3A_304 = tpu.memref_slice %arg7[%and3A_180, %dma_wait3A_300, %dma_wait3A_301, %dma_wait3A_302, %dma_wait3A_303] : memref<2x8x2x8x128xf32, #tpu.memory_space<vmem>> -> memref<1x8x2x8x128xf32, #tpu.memory_space<vmem>>
        %dma_wait3A_305 = tpu.memref_squeeze %dma_wait3A_304 : memref<1x8x2x8x128xf32, #tpu.memory_space<vmem>> -> memref<8x2x8x128xf32, #tpu.memory_space<vmem>>
        %dma_wait3A_306 = arith.constant 0 : i32
        %dma_wait3A_307 = arith.constant 0 : i32
        %dma_wait3A_308 = arith.constant 0 : i32
        %dma_wait3A_309 = arith.constant 0 : i32
        %dma_wait3A_310 = tpu.memref_slice %arg4[%dma_wait3A_285, %dma_wait3A_306, %dma_wait3A_307, %dma_wait3A_308, %dma_wait3A_309] : memref<200x8x32x8x128xf32, #tpu.memory_space<hbm>> -> memref<1x8x2x8x128xf32, #tpu.memory_space<hbm>>
        %dma_wait3A_311 = tpu.memref_squeeze %dma_wait3A_310 : memref<1x8x2x8x128xf32, #tpu.memory_space<hbm>> -> memref<8x2x8x128xf32, #tpu.memory_space<hbm>>
        tpu.wait_dma2 semaphore(%dma_wait3A_299 : memref<!tpu.dma_semaphore, #tpu.memory_space<semaphore_mem>>) src(%dma_wait3A_311 : memref<8x2x8x128xf32, #tpu.memory_space<hbm>>) dst(%dma_wait3A_305 : memref<8x2x8x128xf32, #tpu.memory_space<vmem>>)
      } else {
      }
      %parallel_loop3A = arith.constant 0 : i32
      %parallel_loop3A_206 = arith.constant 64 : i32
      %parallel_loop3A_207 = arith.constant 1 : i32
      scf.for %parallel_loop3A_285 = %parallel_loop3A to %parallel_loop3A_206 step %parallel_loop3A_207  : i32 {
        %parallel_loop3A_286 = vector.broadcast %parallel_loop3A_285 : i32 to vector<16xi32>
        %parallel_loop3A_287 = arith.addi %parallel_loop3A_286, %iota3A : vector<16xi32>
        %parallel_loop3A_288 = arith.constant 63 : i32
        %parallel_loop3A_289 = vector.broadcast %parallel_loop3A_288 : i32 to vector<16xi32>
        %parallel_loop3A_290 = arith.andi %parallel_loop3A_287, %parallel_loop3A_289 : vector<16xi32>
        %parallel_loop3A_291 = arith.constant 3 : i32
        %parallel_loop3A_292 = vector.broadcast %parallel_loop3A_291 : i32 to vector<16xi32>
        %parallel_loop3A_293 = arith.shrui %parallel_loop3A_290, %parallel_loop3A_292 : vector<16xi32>
        %parallel_loop3A_294 = arith.constant 7 : i32
        %parallel_loop3A_295 = vector.broadcast %parallel_loop3A_294 : i32 to vector<16xi32>
        %parallel_loop3A_296 = arith.andi %parallel_loop3A_290, %parallel_loop3A_295 : vector<16xi32>
        %parallel_loop3A_297 = arith.constant 0 : i32
        %parallel_loop3A_298 = vector.broadcast %parallel_loop3A_297 : i32 to vector<16xi32>
        %parallel_loop3A_299 = arith.addi %iota3A, %parallel_loop3A_298 : vector<16xi32>
        %parallel_loop3A_300 = arith.constant 0 : i32
        %parallel_loop3A_301 = arith.constant 0 : i32
        %parallel_loop3A_302 = tpu.memref_slice %arg6[%and3A_180, %parallel_loop3A_300, %parallel_loop3A_301] : memref<2x256x64xf32, #tpu.memory_space<vmem>> -> memref<1x256x64xf32, #tpu.memory_space<vmem>>
        %parallel_loop3A_303 = tpu.memref_squeeze %parallel_loop3A_302 : memref<1x256x64xf32, #tpu.memory_space<vmem>> -> memref<256x64xf32, #tpu.memory_space<vmem>>
        %parallel_loop3A_304 = tpu.vector_load_idx %parallel_loop3A_303[%parallel_loop3A_299, %parallel_loop3A_290] : memref<256x64xf32, #tpu.memory_space<vmem>>[vector<16xi32>, vector<16xi32>], vector<16xf32>,
        %parallel_loop3A_305 = arith.constant 7 : i32
        %parallel_loop3A_306 = vector.broadcast %parallel_loop3A_305 : i32 to vector<16xi32>
        %parallel_loop3A_307 = arith.shrui %parallel_loop3A_299, %parallel_loop3A_306 : vector<16xi32>
        %parallel_loop3A_308 = arith.constant 127 : i32
        %parallel_loop3A_309 = vector.broadcast %parallel_loop3A_308 : i32 to vector<16xi32>
        %parallel_loop3A_310 = arith.andi %parallel_loop3A_299, %parallel_loop3A_309 : vector<16xi32>
        %parallel_loop3A_311 = arith.constant 0 : i32
        %parallel_loop3A_312 = arith.constant 0 : i32
        %parallel_loop3A_313 = arith.constant 0 : i32
        %parallel_loop3A_314 = arith.constant 0 : i32
        %parallel_loop3A_315 = tpu.memref_slice %arg7[%and3A_180, %parallel_loop3A_311, %parallel_loop3A_312, %parallel_loop3A_313, %parallel_loop3A_314] : memref<2x8x2x8x128xf32, #tpu.memory_space<vmem>> -> memref<1x8x2x8x128xf32, #tpu.memory_space<vmem>>
        %parallel_loop3A_316 = tpu.memref_squeeze %parallel_loop3A_315 : memref<1x8x2x8x128xf32, #tpu.memory_space<vmem>> -> memref<8x2x8x128xf32, #tpu.memory_space<vmem>>
        tpu.vector_store_idx %parallel_loop3A_316[%parallel_loop3A_293, %parallel_loop3A_307, %parallel_loop3A_296, %parallel_loop3A_310], %parallel_loop3A_304 : memref<8x2x8x128xf32, #tpu.memory_space<vmem>>[vector<16xi32>, vector<16xi32>, vector<16xi32>, vector<16xi32>], vector<16xf32>,
        %parallel_loop3A_317 = arith.constant 16 : i32
        %parallel_loop3A_318 = vector.broadcast %parallel_loop3A_317 : i32 to vector<16xi32>
        %parallel_loop3A_319 = arith.addi %iota3A, %parallel_loop3A_318 : vector<16xi32>
        %parallel_loop3A_320 = arith.constant 0 : i32
        %parallel_loop3A_321 = arith.constant 0 : i32
        %parallel_loop3A_322 = tpu.memref_slice %arg6[%and3A_180, %parallel_loop3A_320, %parallel_loop3A_321] : memref<2x256x64xf32, #tpu.memory_space<vmem>> -> memref<1x256x64xf32, #tpu.memory_space<vmem>>
        %parallel_loop3A_323 = tpu.memref_squeeze %parallel_loop3A_322 : memref<1x256x64xf32, #tpu.memory_space<vmem>> -> memref<256x64xf32, #tpu.memory_space<vmem>>
        %parallel_loop3A_324 = tpu.vector_load_idx %parallel_loop3A_323[%parallel_loop3A_319, %parallel_loop3A_290] : memref<256x64xf32, #tpu.memory_space<vmem>>[vector<16xi32>, vector<16xi32>], vector<16xf32>,
        %parallel_loop3A_325 = arith.constant 7 : i32
        %parallel_loop3A_326 = vector.broadcast %parallel_loop3A_325 : i32 to vector<16xi32>
        %parallel_loop3A_327 = arith.shrui %parallel_loop3A_319, %parallel_loop3A_326 : vector<16xi32>
        %parallel_loop3A_328 = arith.constant 127 : i32
        %parallel_loop3A_329 = vector.broadcast %parallel_loop3A_328 : i32 to vector<16xi32>
        %parallel_loop3A_330 = arith.andi %parallel_loop3A_319, %parallel_loop3A_329 : vector<16xi32>
        %parallel_loop3A_331 = arith.constant 0 : i32
        %parallel_loop3A_332 = arith.constant 0 : i32
        %parallel_loop3A_333 = arith.constant 0 : i32
        %parallel_loop3A_334 = arith.constant 0 : i32
        %parallel_loop3A_335 = tpu.memref_slice %arg7[%and3A_180, %parallel_loop3A_331, %parallel_loop3A_332, %parallel_loop3A_333, %parallel_loop3A_334] : memref<2x8x2x8x128xf32, #tpu.memory_space<vmem>> -> memref<1x8x2x8x128xf32, #tpu.memory_space<vmem>>
        %parallel_loop3A_336 = tpu.memref_squeeze %parallel_loop3A_335 : memref<1x8x2x8x128xf32, #tpu.memory_space<vmem>> -> memref<8x2x8x128xf32, #tpu.memory_space<vmem>>
        tpu.vector_store_idx %parallel_loop3A_336[%parallel_loop3A_293, %parallel_loop3A_327, %parallel_loop3A_296, %parallel_loop3A_330], %parallel_loop3A_324 : memref<8x2x8x128xf32, #tpu.memory_space<vmem>>[vector<16xi32>, vector<16xi32>, vector<16xi32>, vector<16xi32>], vector<16xf32>,
        %parallel_loop3A_337 = arith.constant 32 : i32
        %parallel_loop3A_338 = vector.broadcast %parallel_loop3A_337 : i32 to vector<16xi32>
        %parallel_loop3A_339 = arith.addi %iota3A, %parallel_loop3A_338 : vector<16xi32>
        %parallel_loop3A_340 = arith.constant 0 : i32
        %parallel_loop3A_341 = arith.constant 0 : i32
        %parallel_loop3A_342 = tpu.memref_slice %arg6[%and3A_180, %parallel_loop3A_340, %parallel_loop3A_341] : memref<2x256x64xf32, #tpu.memory_space<vmem>> -> memref<1x256x64xf32, #tpu.memory_space<vmem>>
        %parallel_loop3A_343 = tpu.memref_squeeze %parallel_loop3A_342 : memref<1x256x64xf32, #tpu.memory_space<vmem>> -> memref<256x64xf32, #tpu.memory_space<vmem>>
        %parallel_loop3A_344 = tpu.vector_load_idx %parallel_loop3A_343[%parallel_loop3A_339, %parallel_loop3A_290] : memref<256x64xf32, #tpu.memory_space<vmem>>[vector<16xi32>, vector<16xi32>], vector<16xf32>,
        %parallel_loop3A_345 = arith.constant 7 : i32
        %parallel_loop3A_346 = vector.broadcast %parallel_loop3A_345 : i32 to vector<16xi32>
        %parallel_loop3A_347 = arith.shrui %parallel_loop3A_339, %parallel_loop3A_346 : vector<16xi32>
        %parallel_loop3A_348 = arith.constant 127 : i32
        %parallel_loop3A_349 = vector.broadcast %parallel_loop3A_348 : i32 to vector<16xi32>
        %parallel_loop3A_350 = arith.andi %parallel_loop3A_339, %parallel_loop3A_349 : vector<16xi32>
        %parallel_loop3A_351 = arith.constant 0 : i32
        %parallel_loop3A_352 = arith.constant 0 : i32
        %parallel_loop3A_353 = arith.constant 0 : i32
        %parallel_loop3A_354 = arith.constant 0 : i32
        %parallel_loop3A_355 = tpu.memref_slice %arg7[%and3A_180, %parallel_loop3A_351, %parallel_loop3A_352, %parallel_loop3A_353, %parallel_loop3A_354] : memref<2x8x2x8x128xf32, #tpu.memory_space<vmem>> -> memref<1x8x2x8x128xf32, #tpu.memory_space<vmem>>
        %parallel_loop3A_356 = tpu.memref_squeeze %parallel_loop3A_355 : memref<1x8x2x8x128xf32, #tpu.memory_space<vmem>> -> memref<8x2x8x128xf32, #tpu.memory_space<vmem>>
        tpu.vector_store_idx %parallel_loop3A_356[%parallel_loop3A_293, %parallel_loop3A_347, %parallel_loop3A_296, %parallel_loop3A_350], %parallel_loop3A_344 : memref<8x2x8x128xf32, #tpu.memory_space<vmem>>[vector<16xi32>, vector<16xi32>, vector<16xi32>, vector<16xi32>], vector<16xf32>,
        %parallel_loop3A_357 = arith.constant 48 : i32
        %parallel_loop3A_358 = vector.broadcast %parallel_loop3A_357 : i32 to vector<16xi32>
        %parallel_loop3A_359 = arith.addi %iota3A, %parallel_loop3A_358 : vector<16xi32>
        %parallel_loop3A_360 = arith.constant 0 : i32
        %parallel_loop3A_361 = arith.constant 0 : i32
        %parallel_loop3A_362 = tpu.memref_slice %arg6[%and3A_180, %parallel_loop3A_360, %parallel_loop3A_361] : memref<2x256x64xf32, #tpu.memory_space<vmem>> -> memref<1x256x64xf32, #tpu.memory_space<vmem>>
        %parallel_loop3A_363 = tpu.memref_squeeze %parallel_loop3A_362 : memref<1x256x64xf32, #tpu.memory_space<vmem>> -> memref<256x64xf32, #tpu.memory_space<vmem>>
        %parallel_loop3A_364 = tpu.vector_load_idx %parallel_loop3A_363[%parallel_loop3A_359, %parallel_loop3A_290] : memref<256x64xf32, #tpu.memory_space<vmem>>[vector<16xi32>, vector<16xi32>], vector<16xf32>,
        %parallel_loop3A_365 = arith.constant 7 : i32
        %parallel_loop3A_366 = vector.broadcast %parallel_loop3A_365 : i32 to vector<16xi32>
        %parallel_loop3A_367 = arith.shrui %parallel_loop3A_359, %parallel_loop3A_366 : vector<16xi32>
        %parallel_loop3A_368 = arith.constant 127 : i32
        %parallel_loop3A_369 = vector.broadcast %parallel_loop3A_368 : i32 to vector<16xi32>
        %parallel_loop3A_370 = arith.andi %parallel_loop3A_359, %parallel_loop3A_369 : vector<16xi32>
        %parallel_loop3A_371 = arith.constant 0 : i32
        %parallel_loop3A_372 = arith.constant 0 : i32
        %parallel_loop3A_373 = arith.constant 0 : i32
        %parallel_loop3A_374 = arith.constant 0 : i32
        %parallel_loop3A_375 = tpu.memref_slice %arg7[%and3A_180, %parallel_loop3A_371, %parallel_loop3A_372, %parallel_loop3A_373, %parallel_loop3A_374] : memref<2x8x2x8x128xf32, #tpu.memory_space<vmem>> -> memref<1x8x2x8x128xf32, #tpu.memory_space<vmem>>
        %parallel_loop3A_376 = tpu.memref_squeeze %parallel_loop3A_375 : memref<1x8x2x8x128xf32, #tpu.memory_space<vmem>> -> memref<8x2x8x128xf32, #tpu.memory_space<vmem>>
        tpu.vector_store_idx %parallel_loop3A_376[%parallel_loop3A_293, %parallel_loop3A_367, %parallel_loop3A_296, %parallel_loop3A_370], %parallel_loop3A_364 : memref<8x2x8x128xf32, #tpu.memory_space<vmem>>[vector<16xi32>, vector<16xi32>, vector<16xi32>, vector<16xi32>], vector<16xf32>,
        %parallel_loop3A_377 = arith.constant 64 : i32
        %parallel_loop3A_378 = vector.broadcast %parallel_loop3A_377 : i32 to vector<16xi32>
        %parallel_loop3A_379 = arith.addi %iota3A, %parallel_loop3A_378 : vector<16xi32>
        %parallel_loop3A_380 = arith.constant 0 : i32
        %parallel_loop3A_381 = arith.constant 0 : i32
        %parallel_loop3A_382 = tpu.memref_slice %arg6[%and3A_180, %parallel_loop3A_380, %parallel_loop3A_381] : memref<2x256x64xf32, #tpu.memory_space<vmem>> -> memref<1x256x64xf32, #tpu.memory_space<vmem>>
        %parallel_loop3A_383 = tpu.memref_squeeze %parallel_loop3A_382 : memref<1x256x64xf32, #tpu.memory_space<vmem>> -> memref<256x64xf32, #tpu.memory_space<vmem>>
        %parallel_loop3A_384 = tpu.vector_load_idx %parallel_loop3A_383[%parallel_loop3A_379, %parallel_loop3A_290] : memref<256x64xf32, #tpu.memory_space<vmem>>[vector<16xi32>, vector<16xi32>], vector<16xf32>,
        %parallel_loop3A_385 = arith.constant 7 : i32
        %parallel_loop3A_386 = vector.broadcast %parallel_loop3A_385 : i32 to vector<16xi32>
        %parallel_loop3A_387 = arith.shrui %parallel_loop3A_379, %parallel_loop3A_386 : vector<16xi32>
        %parallel_loop3A_388 = arith.constant 127 : i32
        %parallel_loop3A_389 = vector.broadcast %parallel_loop3A_388 : i32 to vector<16xi32>
        %parallel_loop3A_390 = arith.andi %parallel_loop3A_379, %parallel_loop3A_389 : vector<16xi32>
        %parallel_loop3A_391 = arith.constant 0 : i32
        %parallel_loop3A_392 = arith.constant 0 : i32
        %parallel_loop3A_393 = arith.constant 0 : i32
        %parallel_loop3A_394 = arith.constant 0 : i32
        %parallel_loop3A_395 = tpu.memref_slice %arg7[%and3A_180, %parallel_loop3A_391, %parallel_loop3A_392, %parallel_loop3A_393, %parallel_loop3A_394] : memref<2x8x2x8x128xf32, #tpu.memory_space<vmem>> -> memref<1x8x2x8x128xf32, #tpu.memory_space<vmem>>
        %parallel_loop3A_396 = tpu.memref_squeeze %parallel_loop3A_395 : memref<1x8x2x8x128xf32, #tpu.memory_space<vmem>> -> memref<8x2x8x128xf32, #tpu.memory_space<vmem>>
        tpu.vector_store_idx %parallel_loop3A_396[%parallel_loop3A_293, %parallel_loop3A_387, %parallel_loop3A_296, %parallel_loop3A_390], %parallel_loop3A_384 : memref<8x2x8x128xf32, #tpu.memory_space<vmem>>[vector<16xi32>, vector<16xi32>, vector<16xi32>, vector<16xi32>], vector<16xf32>,
        %parallel_loop3A_397 = arith.constant 80 : i32
        %parallel_loop3A_398 = vector.broadcast %parallel_loop3A_397 : i32 to vector<16xi32>
        %parallel_loop3A_399 = arith.addi %iota3A, %parallel_loop3A_398 : vector<16xi32>
        %parallel_loop3A_400 = arith.constant 0 : i32
        %parallel_loop3A_401 = arith.constant 0 : i32
        %parallel_loop3A_402 = tpu.memref_slice %arg6[%and3A_180, %parallel_loop3A_400, %parallel_loop3A_401] : memref<2x256x64xf32, #tpu.memory_space<vmem>> -> memref<1x256x64xf32, #tpu.memory_space<vmem>>
        %parallel_loop3A_403 = tpu.memref_squeeze %parallel_loop3A_402 : memref<1x256x64xf32, #tpu.memory_space<vmem>> -> memref<256x64xf32, #tpu.memory_space<vmem>>
        %parallel_loop3A_404 = tpu.vector_load_idx %parallel_loop3A_403[%parallel_loop3A_399, %parallel_loop3A_290] : memref<256x64xf32, #tpu.memory_space<vmem>>[vector<16xi32>, vector<16xi32>], vector<16xf32>,
        %parallel_loop3A_405 = arith.constant 7 : i32
        %parallel_loop3A_406 = vector.broadcast %parallel_loop3A_405 : i32 to vector<16xi32>
        %parallel_loop3A_407 = arith.shrui %parallel_loop3A_399, %parallel_loop3A_406 : vector<16xi32>
        %parallel_loop3A_408 = arith.constant 127 : i32
        %parallel_loop3A_409 = vector.broadcast %parallel_loop3A_408 : i32 to vector<16xi32>
        %parallel_loop3A_410 = arith.andi %parallel_loop3A_399, %parallel_loop3A_409 : vector<16xi32>
        %parallel_loop3A_411 = arith.constant 0 : i32
        %parallel_loop3A_412 = arith.constant 0 : i32
        %parallel_loop3A_413 = arith.constant 0 : i32
        %parallel_loop3A_414 = arith.constant 0 : i32
        %parallel_loop3A_415 = tpu.memref_slice %arg7[%and3A_180, %parallel_loop3A_411, %parallel_loop3A_412, %parallel_loop3A_413, %parallel_loop3A_414] : memref<2x8x2x8x128xf32, #tpu.memory_space<vmem>> -> memref<1x8x2x8x128xf32, #tpu.memory_space<vmem>>
        %parallel_loop3A_416 = tpu.memref_squeeze %parallel_loop3A_415 : memref<1x8x2x8x128xf32, #tpu.memory_space<vmem>> -> memref<8x2x8x128xf32, #tpu.memory_space<vmem>>
        tpu.vector_store_idx %parallel_loop3A_416[%parallel_loop3A_293, %parallel_loop3A_407, %parallel_loop3A_296, %parallel_loop3A_410], %parallel_loop3A_404 : memref<8x2x8x128xf32, #tpu.memory_space<vmem>>[vector<16xi32>, vector<16xi32>, vector<16xi32>, vector<16xi32>], vector<16xf32>,
        %parallel_loop3A_417 = arith.constant 96 : i32
        %parallel_loop3A_418 = vector.broadcast %parallel_loop3A_417 : i32 to vector<16xi32>
        %parallel_loop3A_419 = arith.addi %iota3A, %parallel_loop3A_418 : vector<16xi32>
        %parallel_loop3A_420 = arith.constant 0 : i32
        %parallel_loop3A_421 = arith.constant 0 : i32
        %parallel_loop3A_422 = tpu.memref_slice %arg6[%and3A_180, %parallel_loop3A_420, %parallel_loop3A_421] : memref<2x256x64xf32, #tpu.memory_space<vmem>> -> memref<1x256x64xf32, #tpu.memory_space<vmem>>
        %parallel_loop3A_423 = tpu.memref_squeeze %parallel_loop3A_422 : memref<1x256x64xf32, #tpu.memory_space<vmem>> -> memref<256x64xf32, #tpu.memory_space<vmem>>
        %parallel_loop3A_424 = tpu.vector_load_idx %parallel_loop3A_423[%parallel_loop3A_419, %parallel_loop3A_290] : memref<256x64xf32, #tpu.memory_space<vmem>>[vector<16xi32>, vector<16xi32>], vector<16xf32>,
        %parallel_loop3A_425 = arith.constant 7 : i32
        %parallel_loop3A_426 = vector.broadcast %parallel_loop3A_425 : i32 to vector<16xi32>
        %parallel_loop3A_427 = arith.shrui %parallel_loop3A_419, %parallel_loop3A_426 : vector<16xi32>
        %parallel_loop3A_428 = arith.constant 127 : i32
        %parallel_loop3A_429 = vector.broadcast %parallel_loop3A_428 : i32 to vector<16xi32>
        %parallel_loop3A_430 = arith.andi %parallel_loop3A_419, %parallel_loop3A_429 : vector<16xi32>
        %parallel_loop3A_431 = arith.constant 0 : i32
        %parallel_loop3A_432 = arith.constant 0 : i32
        %parallel_loop3A_433 = arith.constant 0 : i32
        %parallel_loop3A_434 = arith.constant 0 : i32
        %parallel_loop3A_435 = tpu.memref_slice %arg7[%and3A_180, %parallel_loop3A_431, %parallel_loop3A_432, %parallel_loop3A_433, %parallel_loop3A_434] : memref<2x8x2x8x128xf32, #tpu.memory_space<vmem>> -> memref<1x8x2x8x128xf32, #tpu.memory_space<vmem>>
        %parallel_loop3A_436 = tpu.memref_squeeze %parallel_loop3A_435 : memref<1x8x2x8x128xf32, #tpu.memory_space<vmem>> -> memref<8x2x8x128xf32, #tpu.memory_space<vmem>>
        tpu.vector_store_idx %parallel_loop3A_436[%parallel_loop3A_293, %parallel_loop3A_427, %parallel_loop3A_296, %parallel_loop3A_430], %parallel_loop3A_424 : memref<8x2x8x128xf32, #tpu.memory_space<vmem>>[vector<16xi32>, vector<16xi32>, vector<16xi32>, vector<16xi32>], vector<16xf32>,
        %parallel_loop3A_437 = arith.constant 112 : i32
        %parallel_loop3A_438 = vector.broadcast %parallel_loop3A_437 : i32 to vector<16xi32>
        %parallel_loop3A_439 = arith.addi %iota3A, %parallel_loop3A_438 : vector<16xi32>
        %parallel_loop3A_440 = arith.constant 0 : i32
        %parallel_loop3A_441 = arith.constant 0 : i32
        %parallel_loop3A_442 = tpu.memref_slice %arg6[%and3A_180, %parallel_loop3A_440, %parallel_loop3A_441] : memref<2x256x64xf32, #tpu.memory_space<vmem>> -> memref<1x256x64xf32, #tpu.memory_space<vmem>>
        %parallel_loop3A_443 = tpu.memref_squeeze %parallel_loop3A_442 : memref<1x256x64xf32, #tpu.memory_space<vmem>> -> memref<256x64xf32, #tpu.memory_space<vmem>>
        %parallel_loop3A_444 = tpu.vector_load_idx %parallel_loop3A_443[%parallel_loop3A_439, %parallel_loop3A_290] : memref<256x64xf32, #tpu.memory_space<vmem>>[vector<16xi32>, vector<16xi32>], vector<16xf32>,
        %parallel_loop3A_445 = arith.constant 7 : i32
        %parallel_loop3A_446 = vector.broadcast %parallel_loop3A_445 : i32 to vector<16xi32>
        %parallel_loop3A_447 = arith.shrui %parallel_loop3A_439, %parallel_loop3A_446 : vector<16xi32>
        %parallel_loop3A_448 = arith.constant 127 : i32
        %parallel_loop3A_449 = vector.broadcast %parallel_loop3A_448 : i32 to vector<16xi32>
        %parallel_loop3A_450 = arith.andi %parallel_loop3A_439, %parallel_loop3A_449 : vector<16xi32>
        %parallel_loop3A_451 = arith.constant 0 : i32
        %parallel_loop3A_452 = arith.constant 0 : i32
        %parallel_loop3A_453 = arith.constant 0 : i32
        %parallel_loop3A_454 = arith.constant 0 : i32
        %parallel_loop3A_455 = tpu.memref_slice %arg7[%and3A_180, %parallel_loop3A_451, %parallel_loop3A_452, %parallel_loop3A_453, %parallel_loop3A_454] : memref<2x8x2x8x128xf32, #tpu.memory_space<vmem>> -> memref<1x8x2x8x128xf32, #tpu.memory_space<vmem>>
        %parallel_loop3A_456 = tpu.memref_squeeze %parallel_loop3A_455 : memref<1x8x2x8x128xf32, #tpu.memory_space<vmem>> -> memref<8x2x8x128xf32, #tpu.memory_space<vmem>>
        tpu.vector_store_idx %parallel_loop3A_456[%parallel_loop3A_293, %parallel_loop3A_447, %parallel_loop3A_296, %parallel_loop3A_450], %parallel_loop3A_444 : memref<8x2x8x128xf32, #tpu.memory_space<vmem>>[vector<16xi32>, vector<16xi32>, vector<16xi32>, vector<16xi32>], vector<16xf32>,
        %parallel_loop3A_457 = arith.constant 128 : i32
        %parallel_loop3A_458 = vector.broadcast %parallel_loop3A_457 : i32 to vector<16xi32>
        %parallel_loop3A_459 = arith.addi %iota3A, %parallel_loop3A_458 : vector<16xi32>
        %parallel_loop3A_460 = arith.constant 0 : i32
        %parallel_loop3A_461 = arith.constant 0 : i32
        %parallel_loop3A_462 = tpu.memref_slice %arg6[%and3A_180, %parallel_loop3A_460, %parallel_loop3A_461] : memref<2x256x64xf32, #tpu.memory_space<vmem>> -> memref<1x256x64xf32, #tpu.memory_space<vmem>>
        %parallel_loop3A_463 = tpu.memref_squeeze %parallel_loop3A_462 : memref<1x256x64xf32, #tpu.memory_space<vmem>> -> memref<256x64xf32, #tpu.memory_space<vmem>>
        %parallel_loop3A_464 = tpu.vector_load_idx %parallel_loop3A_463[%parallel_loop3A_459, %parallel_loop3A_290] : memref<256x64xf32, #tpu.memory_space<vmem>>[vector<16xi32>, vector<16xi32>], vector<16xf32>,
        %parallel_loop3A_465 = arith.constant 7 : i32
        %parallel_loop3A_466 = vector.broadcast %parallel_loop3A_465 : i32 to vector<16xi32>
        %parallel_loop3A_467 = arith.shrui %parallel_loop3A_459, %parallel_loop3A_466 : vector<16xi32>
        %parallel_loop3A_468 = arith.constant 127 : i32
        %parallel_loop3A_469 = vector.broadcast %parallel_loop3A_468 : i32 to vector<16xi32>
        %parallel_loop3A_470 = arith.andi %parallel_loop3A_459, %parallel_loop3A_469 : vector<16xi32>
        %parallel_loop3A_471 = arith.constant 0 : i32
        %parallel_loop3A_472 = arith.constant 0 : i32
        %parallel_loop3A_473 = arith.constant 0 : i32
        %parallel_loop3A_474 = arith.constant 0 : i32
        %parallel_loop3A_475 = tpu.memref_slice %arg7[%and3A_180, %parallel_loop3A_471, %parallel_loop3A_472, %parallel_loop3A_473, %parallel_loop3A_474] : memref<2x8x2x8x128xf32, #tpu.memory_space<vmem>> -> memref<1x8x2x8x128xf32, #tpu.memory_space<vmem>>
        %parallel_loop3A_476 = tpu.memref_squeeze %parallel_loop3A_475 : memref<1x8x2x8x128xf32, #tpu.memory_space<vmem>> -> memref<8x2x8x128xf32, #tpu.memory_space<vmem>>
        tpu.vector_store_idx %parallel_loop3A_476[%parallel_loop3A_293, %parallel_loop3A_467, %parallel_loop3A_296, %parallel_loop3A_470], %parallel_loop3A_464 : memref<8x2x8x128xf32, #tpu.memory_space<vmem>>[vector<16xi32>, vector<16xi32>, vector<16xi32>, vector<16xi32>], vector<16xf32>,
        %parallel_loop3A_477 = arith.constant 144 : i32
        %parallel_loop3A_478 = vector.broadcast %parallel_loop3A_477 : i32 to vector<16xi32>
        %parallel_loop3A_479 = arith.addi %iota3A, %parallel_loop3A_478 : vector<16xi32>
        %parallel_loop3A_480 = arith.constant 0 : i32
        %parallel_loop3A_481 = arith.constant 0 : i32
        %parallel_loop3A_482 = tpu.memref_slice %arg6[%and3A_180, %parallel_loop3A_480, %parallel_loop3A_481] : memref<2x256x64xf32, #tpu.memory_space<vmem>> -> memref<1x256x64xf32, #tpu.memory_space<vmem>>
        %parallel_loop3A_483 = tpu.memref_squeeze %parallel_loop3A_482 : memref<1x256x64xf32, #tpu.memory_space<vmem>> -> memref<256x64xf32, #tpu.memory_space<vmem>>
        %parallel_loop3A_484 = tpu.vector_load_idx %parallel_loop3A_483[%parallel_loop3A_479, %parallel_loop3A_290] : memref<256x64xf32, #tpu.memory_space<vmem>>[vector<16xi32>, vector<16xi32>], vector<16xf32>,
        %parallel_loop3A_485 = arith.constant 7 : i32
        %parallel_loop3A_486 = vector.broadcast %parallel_loop3A_485 : i32 to vector<16xi32>
        %parallel_loop3A_487 = arith.shrui %parallel_loop3A_479, %parallel_loop3A_486 : vector<16xi32>
        %parallel_loop3A_488 = arith.constant 127 : i32
        %parallel_loop3A_489 = vector.broadcast %parallel_loop3A_488 : i32 to vector<16xi32>
        %parallel_loop3A_490 = arith.andi %parallel_loop3A_479, %parallel_loop3A_489 : vector<16xi32>
        %parallel_loop3A_491 = arith.constant 0 : i32
        %parallel_loop3A_492 = arith.constant 0 : i32
        %parallel_loop3A_493 = arith.constant 0 : i32
        %parallel_loop3A_494 = arith.constant 0 : i32
        %parallel_loop3A_495 = tpu.memref_slice %arg7[%and3A_180, %parallel_loop3A_491, %parallel_loop3A_492, %parallel_loop3A_493, %parallel_loop3A_494] : memref<2x8x2x8x128xf32, #tpu.memory_space<vmem>> -> memref<1x8x2x8x128xf32, #tpu.memory_space<vmem>>
        %parallel_loop3A_496 = tpu.memref_squeeze %parallel_loop3A_495 : memref<1x8x2x8x128xf32, #tpu.memory_space<vmem>> -> memref<8x2x8x128xf32, #tpu.memory_space<vmem>>
        tpu.vector_store_idx %parallel_loop3A_496[%parallel_loop3A_293, %parallel_loop3A_487, %parallel_loop3A_296, %parallel_loop3A_490], %parallel_loop3A_484 : memref<8x2x8x128xf32, #tpu.memory_space<vmem>>[vector<16xi32>, vector<16xi32>, vector<16xi32>, vector<16xi32>], vector<16xf32>,
        %parallel_loop3A_497 = arith.constant 160 : i32
        %parallel_loop3A_498 = vector.broadcast %parallel_loop3A_497 : i32 to vector<16xi32>
        %parallel_loop3A_499 = arith.addi %iota3A, %parallel_loop3A_498 : vector<16xi32>
        %parallel_loop3A_500 = arith.constant 0 : i32
        %parallel_loop3A_501 = arith.constant 0 : i32
        %parallel_loop3A_502 = tpu.memref_slice %arg6[%and3A_180, %parallel_loop3A_500, %parallel_loop3A_501] : memref<2x256x64xf32, #tpu.memory_space<vmem>> -> memref<1x256x64xf32, #tpu.memory_space<vmem>>
        %parallel_loop3A_503 = tpu.memref_squeeze %parallel_loop3A_502 : memref<1x256x64xf32, #tpu.memory_space<vmem>> -> memref<256x64xf32, #tpu.memory_space<vmem>>
        %parallel_loop3A_504 = tpu.vector_load_idx %parallel_loop3A_503[%parallel_loop3A_499, %parallel_loop3A_290] : memref<256x64xf32, #tpu.memory_space<vmem>>[vector<16xi32>, vector<16xi32>], vector<16xf32>,
        %parallel_loop3A_505 = arith.constant 7 : i32
        %parallel_loop3A_506 = vector.broadcast %parallel_loop3A_505 : i32 to vector<16xi32>
        %parallel_loop3A_507 = arith.shrui %parallel_loop3A_499, %parallel_loop3A_506 : vector<16xi32>
        %parallel_loop3A_508 = arith.constant 127 : i32
        %parallel_loop3A_509 = vector.broadcast %parallel_loop3A_508 : i32 to vector<16xi32>
        %parallel_loop3A_510 = arith.andi %parallel_loop3A_499, %parallel_loop3A_509 : vector<16xi32>
        %parallel_loop3A_511 = arith.constant 0 : i32
        %parallel_loop3A_512 = arith.constant 0 : i32
        %parallel_loop3A_513 = arith.constant 0 : i32
        %parallel_loop3A_514 = arith.constant 0 : i32
        %parallel_loop3A_515 = tpu.memref_slice %arg7[%and3A_180, %parallel_loop3A_511, %parallel_loop3A_512, %parallel_loop3A_513, %parallel_loop3A_514] : memref<2x8x2x8x128xf32, #tpu.memory_space<vmem>> -> memref<1x8x2x8x128xf32, #tpu.memory_space<vmem>>
        %parallel_loop3A_516 = tpu.memref_squeeze %parallel_loop3A_515 : memref<1x8x2x8x128xf32, #tpu.memory_space<vmem>> -> memref<8x2x8x128xf32, #tpu.memory_space<vmem>>
        tpu.vector_store_idx %parallel_loop3A_516[%parallel_loop3A_293, %parallel_loop3A_507, %parallel_loop3A_296, %parallel_loop3A_510], %parallel_loop3A_504 : memref<8x2x8x128xf32, #tpu.memory_space<vmem>>[vector<16xi32>, vector<16xi32>, vector<16xi32>, vector<16xi32>], vector<16xf32>,
        %parallel_loop3A_517 = arith.constant 176 : i32
        %parallel_loop3A_518 = vector.broadcast %parallel_loop3A_517 : i32 to vector<16xi32>
        %parallel_loop3A_519 = arith.addi %iota3A, %parallel_loop3A_518 : vector<16xi32>
        %parallel_loop3A_520 = arith.constant 0 : i32
        %parallel_loop3A_521 = arith.constant 0 : i32
        %parallel_loop3A_522 = tpu.memref_slice %arg6[%and3A_180, %parallel_loop3A_520, %parallel_loop3A_521] : memref<2x256x64xf32, #tpu.memory_space<vmem>> -> memref<1x256x64xf32, #tpu.memory_space<vmem>>
        %parallel_loop3A_523 = tpu.memref_squeeze %parallel_loop3A_522 : memref<1x256x64xf32, #tpu.memory_space<vmem>> -> memref<256x64xf32, #tpu.memory_space<vmem>>
        %parallel_loop3A_524 = tpu.vector_load_idx %parallel_loop3A_523[%parallel_loop3A_519, %parallel_loop3A_290] : memref<256x64xf32, #tpu.memory_space<vmem>>[vector<16xi32>, vector<16xi32>], vector<16xf32>,
        %parallel_loop3A_525 = arith.constant 7 : i32
        %parallel_loop3A_526 = vector.broadcast %parallel_loop3A_525 : i32 to vector<16xi32>
        %parallel_loop3A_527 = arith.shrui %parallel_loop3A_519, %parallel_loop3A_526 : vector<16xi32>
        %parallel_loop3A_528 = arith.constant 127 : i32
        %parallel_loop3A_529 = vector.broadcast %parallel_loop3A_528 : i32 to vector<16xi32>
        %parallel_loop3A_530 = arith.andi %parallel_loop3A_519, %parallel_loop3A_529 : vector<16xi32>
        %parallel_loop3A_531 = arith.constant 0 : i32
        %parallel_loop3A_532 = arith.constant 0 : i32
        %parallel_loop3A_533 = arith.constant 0 : i32
        %parallel_loop3A_534 = arith.constant 0 : i32
        %parallel_loop3A_535 = tpu.memref_slice %arg7[%and3A_180, %parallel_loop3A_531, %parallel_loop3A_532, %parallel_loop3A_533, %parallel_loop3A_534] : memref<2x8x2x8x128xf32, #tpu.memory_space<vmem>> -> memref<1x8x2x8x128xf32, #tpu.memory_space<vmem>>
        %parallel_loop3A_536 = tpu.memref_squeeze %parallel_loop3A_535 : memref<1x8x2x8x128xf32, #tpu.memory_space<vmem>> -> memref<8x2x8x128xf32, #tpu.memory_space<vmem>>
        tpu.vector_store_idx %parallel_loop3A_536[%parallel_loop3A_293, %parallel_loop3A_527, %parallel_loop3A_296, %parallel_loop3A_530], %parallel_loop3A_524 : memref<8x2x8x128xf32, #tpu.memory_space<vmem>>[vector<16xi32>, vector<16xi32>, vector<16xi32>, vector<16xi32>], vector<16xf32>,
        %parallel_loop3A_537 = arith.constant 192 : i32
        %parallel_loop3A_538 = vector.broadcast %parallel_loop3A_537 : i32 to vector<16xi32>
        %parallel_loop3A_539 = arith.addi %iota3A, %parallel_loop3A_538 : vector<16xi32>
        %parallel_loop3A_540 = arith.constant 0 : i32
        %parallel_loop3A_541 = arith.constant 0 : i32
        %parallel_loop3A_542 = tpu.memref_slice %arg6[%and3A_180, %parallel_loop3A_540, %parallel_loop3A_541] : memref<2x256x64xf32, #tpu.memory_space<vmem>> -> memref<1x256x64xf32, #tpu.memory_space<vmem>>
        %parallel_loop3A_543 = tpu.memref_squeeze %parallel_loop3A_542 : memref<1x256x64xf32, #tpu.memory_space<vmem>> -> memref<256x64xf32, #tpu.memory_space<vmem>>
        %parallel_loop3A_544 = tpu.vector_load_idx %parallel_loop3A_543[%parallel_loop3A_539, %parallel_loop3A_290] : memref<256x64xf32, #tpu.memory_space<vmem>>[vector<16xi32>, vector<16xi32>], vector<16xf32>,
        %parallel_loop3A_545 = arith.constant 7 : i32
        %parallel_loop3A_546 = vector.broadcast %parallel_loop3A_545 : i32 to vector<16xi32>
        %parallel_loop3A_547 = arith.shrui %parallel_loop3A_539, %parallel_loop3A_546 : vector<16xi32>
        %parallel_loop3A_548 = arith.constant 127 : i32
        %parallel_loop3A_549 = vector.broadcast %parallel_loop3A_548 : i32 to vector<16xi32>
        %parallel_loop3A_550 = arith.andi %parallel_loop3A_539, %parallel_loop3A_549 : vector<16xi32>
        %parallel_loop3A_551 = arith.constant 0 : i32
        %parallel_loop3A_552 = arith.constant 0 : i32
        %parallel_loop3A_553 = arith.constant 0 : i32
        %parallel_loop3A_554 = arith.constant 0 : i32
        %parallel_loop3A_555 = tpu.memref_slice %arg7[%and3A_180, %parallel_loop3A_551, %parallel_loop3A_552, %parallel_loop3A_553, %parallel_loop3A_554] : memref<2x8x2x8x128xf32, #tpu.memory_space<vmem>> -> memref<1x8x2x8x128xf32, #tpu.memory_space<vmem>>
        %parallel_loop3A_556 = tpu.memref_squeeze %parallel_loop3A_555 : memref<1x8x2x8x128xf32, #tpu.memory_space<vmem>> -> memref<8x2x8x128xf32, #tpu.memory_space<vmem>>
        tpu.vector_store_idx %parallel_loop3A_556[%parallel_loop3A_293, %parallel_loop3A_547, %parallel_loop3A_296, %parallel_loop3A_550], %parallel_loop3A_544 : memref<8x2x8x128xf32, #tpu.memory_space<vmem>>[vector<16xi32>, vector<16xi32>, vector<16xi32>, vector<16xi32>], vector<16xf32>,
        %parallel_loop3A_557 = arith.constant 208 : i32
        %parallel_loop3A_558 = vector.broadcast %parallel_loop3A_557 : i32 to vector<16xi32>
        %parallel_loop3A_559 = arith.addi %iota3A, %parallel_loop3A_558 : vector<16xi32>
        %parallel_loop3A_560 = arith.constant 0 : i32
        %parallel_loop3A_561 = arith.constant 0 : i32
        %parallel_loop3A_562 = tpu.memref_slice %arg6[%and3A_180, %parallel_loop3A_560, %parallel_loop3A_561] : memref<2x256x64xf32, #tpu.memory_space<vmem>> -> memref<1x256x64xf32, #tpu.memory_space<vmem>>
        %parallel_loop3A_563 = tpu.memref_squeeze %parallel_loop3A_562 : memref<1x256x64xf32, #tpu.memory_space<vmem>> -> memref<256x64xf32, #tpu.memory_space<vmem>>
        %parallel_loop3A_564 = tpu.vector_load_idx %parallel_loop3A_563[%parallel_loop3A_559, %parallel_loop3A_290] : memref<256x64xf32, #tpu.memory_space<vmem>>[vector<16xi32>, vector<16xi32>], vector<16xf32>,
        %parallel_loop3A_565 = arith.constant 7 : i32
        %parallel_loop3A_566 = vector.broadcast %parallel_loop3A_565 : i32 to vector<16xi32>
        %parallel_loop3A_567 = arith.shrui %parallel_loop3A_559, %parallel_loop3A_566 : vector<16xi32>
        %parallel_loop3A_568 = arith.constant 127 : i32
        %parallel_loop3A_569 = vector.broadcast %parallel_loop3A_568 : i32 to vector<16xi32>
        %parallel_loop3A_570 = arith.andi %parallel_loop3A_559, %parallel_loop3A_569 : vector<16xi32>
        %parallel_loop3A_571 = arith.constant 0 : i32
        %parallel_loop3A_572 = arith.constant 0 : i32
        %parallel_loop3A_573 = arith.constant 0 : i32
        %parallel_loop3A_574 = arith.constant 0 : i32
        %parallel_loop3A_575 = tpu.memref_slice %arg7[%and3A_180, %parallel_loop3A_571, %parallel_loop3A_572, %parallel_loop3A_573, %parallel_loop3A_574] : memref<2x8x2x8x128xf32, #tpu.memory_space<vmem>> -> memref<1x8x2x8x128xf32, #tpu.memory_space<vmem>>
        %parallel_loop3A_576 = tpu.memref_squeeze %parallel_loop3A_575 : memref<1x8x2x8x128xf32, #tpu.memory_space<vmem>> -> memref<8x2x8x128xf32, #tpu.memory_space<vmem>>
        tpu.vector_store_idx %parallel_loop3A_576[%parallel_loop3A_293, %parallel_loop3A_567, %parallel_loop3A_296, %parallel_loop3A_570], %parallel_loop3A_564 : memref<8x2x8x128xf32, #tpu.memory_space<vmem>>[vector<16xi32>, vector<16xi32>, vector<16xi32>, vector<16xi32>], vector<16xf32>,
        %parallel_loop3A_577 = arith.constant 224 : i32
        %parallel_loop3A_578 = vector.broadcast %parallel_loop3A_577 : i32 to vector<16xi32>
        %parallel_loop3A_579 = arith.addi %iota3A, %parallel_loop3A_578 : vector<16xi32>
        %parallel_loop3A_580 = arith.constant 0 : i32
        %parallel_loop3A_581 = arith.constant 0 : i32
        %parallel_loop3A_582 = tpu.memref_slice %arg6[%and3A_180, %parallel_loop3A_580, %parallel_loop3A_581] : memref<2x256x64xf32, #tpu.memory_space<vmem>> -> memref<1x256x64xf32, #tpu.memory_space<vmem>>
        %parallel_loop3A_583 = tpu.memref_squeeze %parallel_loop3A_582 : memref<1x256x64xf32, #tpu.memory_space<vmem>> -> memref<256x64xf32, #tpu.memory_space<vmem>>
        %parallel_loop3A_584 = tpu.vector_load_idx %parallel_loop3A_583[%parallel_loop3A_579, %parallel_loop3A_290] : memref<256x64xf32, #tpu.memory_space<vmem>>[vector<16xi32>, vector<16xi32>], vector<16xf32>,
        %parallel_loop3A_585 = arith.constant 7 : i32
        %parallel_loop3A_586 = vector.broadcast %parallel_loop3A_585 : i32 to vector<16xi32>
        %parallel_loop3A_587 = arith.shrui %parallel_loop3A_579, %parallel_loop3A_586 : vector<16xi32>
        %parallel_loop3A_588 = arith.constant 127 : i32
        %parallel_loop3A_589 = vector.broadcast %parallel_loop3A_588 : i32 to vector<16xi32>
        %parallel_loop3A_590 = arith.andi %parallel_loop3A_579, %parallel_loop3A_589 : vector<16xi32>
        %parallel_loop3A_591 = arith.constant 0 : i32
        %parallel_loop3A_592 = arith.constant 0 : i32
        %parallel_loop3A_593 = arith.constant 0 : i32
        %parallel_loop3A_594 = arith.constant 0 : i32
        %parallel_loop3A_595 = tpu.memref_slice %arg7[%and3A_180, %parallel_loop3A_591, %parallel_loop3A_592, %parallel_loop3A_593, %parallel_loop3A_594] : memref<2x8x2x8x128xf32, #tpu.memory_space<vmem>> -> memref<1x8x2x8x128xf32, #tpu.memory_space<vmem>>
        %parallel_loop3A_596 = tpu.memref_squeeze %parallel_loop3A_595 : memref<1x8x2x8x128xf32, #tpu.memory_space<vmem>> -> memref<8x2x8x128xf32, #tpu.memory_space<vmem>>
        tpu.vector_store_idx %parallel_loop3A_596[%parallel_loop3A_293, %parallel_loop3A_587, %parallel_loop3A_296, %parallel_loop3A_590], %parallel_loop3A_584 : memref<8x2x8x128xf32, #tpu.memory_space<vmem>>[vector<16xi32>, vector<16xi32>, vector<16xi32>, vector<16xi32>], vector<16xf32>,
        %parallel_loop3A_597 = arith.constant 240 : i32
        %parallel_loop3A_598 = vector.broadcast %parallel_loop3A_597 : i32 to vector<16xi32>
        %parallel_loop3A_599 = arith.addi %iota3A, %parallel_loop3A_598 : vector<16xi32>
        %parallel_loop3A_600 = arith.constant 0 : i32
        %parallel_loop3A_601 = arith.constant 0 : i32
        %parallel_loop3A_602 = tpu.memref_slice %arg6[%and3A_180, %parallel_loop3A_600, %parallel_loop3A_601] : memref<2x256x64xf32, #tpu.memory_space<vmem>> -> memref<1x256x64xf32, #tpu.memory_space<vmem>>
        %parallel_loop3A_603 = tpu.memref_squeeze %parallel_loop3A_602 : memref<1x256x64xf32, #tpu.memory_space<vmem>> -> memref<256x64xf32, #tpu.memory_space<vmem>>
        %parallel_loop3A_604 = tpu.vector_load_idx %parallel_loop3A_603[%parallel_loop3A_599, %parallel_loop3A_290] : memref<256x64xf32, #tpu.memory_space<vmem>>[vector<16xi32>, vector<16xi32>], vector<16xf32>,
        %parallel_loop3A_605 = arith.constant 7 : i32
        %parallel_loop3A_606 = vector.broadcast %parallel_loop3A_605 : i32 to vector<16xi32>
        %parallel_loop3A_607 = arith.shrui %parallel_loop3A_599, %parallel_loop3A_606 : vector<16xi32>
        %parallel_loop3A_608 = arith.constant 127 : i32
        %parallel_loop3A_609 = vector.broadcast %parallel_loop3A_608 : i32 to vector<16xi32>
        %parallel_loop3A_610 = arith.andi %parallel_loop3A_599, %parallel_loop3A_609 : vector<16xi32>
        %parallel_loop3A_611 = arith.constant 0 : i32
        %parallel_loop3A_612 = arith.constant 0 : i32
        %parallel_loop3A_613 = arith.constant 0 : i32
        %parallel_loop3A_614 = arith.constant 0 : i32
        %parallel_loop3A_615 = tpu.memref_slice %arg7[%and3A_180, %parallel_loop3A_611, %parallel_loop3A_612, %parallel_loop3A_613, %parallel_loop3A_614] : memref<2x8x2x8x128xf32, #tpu.memory_space<vmem>> -> memref<1x8x2x8x128xf32, #tpu.memory_space<vmem>>
        %parallel_loop3A_616 = tpu.memref_squeeze %parallel_loop3A_615 : memref<1x8x2x8x128xf32, #tpu.memory_space<vmem>> -> memref<8x2x8x128xf32, #tpu.memory_space<vmem>>
        tpu.vector_store_idx %parallel_loop3A_616[%parallel_loop3A_293, %parallel_loop3A_607, %parallel_loop3A_296, %parallel_loop3A_610], %parallel_loop3A_604 : memref<8x2x8x128xf32, #tpu.memory_space<vmem>>[vector<16xi32>, vector<16xi32>, vector<16xi32>, vector<16xi32>], vector<16xf32>,
      } {sc.loop_unroll_factor = 8 : i64, sc.parallel_access}
      %add3A_208 = arith.constant 2 : i32
      %add3A_209 = arith.addi %sub3A_178, %add3A_208 : i32
      %lt3A_210 = arith.constant 100 : i32
      %lt3A_211 = arith.cmpi slt, %add3A_209, %lt3A_210 : i32
      %convert_element_type3A_212 = arith.extui %lt3A_211 : i1 to i32
      %cond3A_213 = arith.constant 0 : i32
      %cond3A_214 = arith.cmpi ne, %convert_element_type3A_212, %cond3A_213 : i32
      scf.if %cond3A_214 {
        %add3A_285 = arith.constant 2 : i32
        %add3A_286 = arith.addi %add3A_177, %add3A_285 : i32
        %jit3A_287 = arith.constant 16 : i32
        %div3A_288 = arith.divsi %add3A_286, %jit3A_287 : i32
        %sign3A_289 = arith.constant 0 : i32
        %sign3A_290 = arith.cmpi sgt, %add3A_286, %sign3A_289 : i32
        %sign3A_291 = arith.extui %sign3A_290 : i1 to i32
        %sign3A_292 = arith.constant 0 : i32
        %sign3A_293 = arith.cmpi slt, %add3A_286, %sign3A_292 : i32
        %sign3A_294 = arith.extui %sign3A_293 : i1 to i32
        %sign3A_295 = arith.subi %sign3A_291, %sign3A_294 : i32
        %sign3A_296 = arith.constant 0 : i32
        %sign3A_297 = arith.cmpi sgt, %jit3A_287, %sign3A_296 : i32
        %sign3A_298 = arith.extui %sign3A_297 : i1 to i32
        %sign3A_299 = arith.constant 0 : i32
        %sign3A_300 = arith.cmpi slt, %jit3A_287, %sign3A_299 : i32
        %sign3A_301 = arith.extui %sign3A_300 : i1 to i32
        %sign3A_302 = arith.subi %sign3A_298, %sign3A_301 : i32
        %ne3A_303 = arith.cmpi ne, %sign3A_295, %sign3A_302 : i32
        %rem3A_304 = arith.remsi %add3A_286, %jit3A_287 : i32
        %ne3A_305 = arith.constant 0 : i32
        %ne3A_306 = arith.cmpi ne, %rem3A_304, %ne3A_305 : i32
        %and3A_307 = arith.andi %ne3A_303, %ne3A_306 : i1
        %sub3A_308 = arith.constant 1 : i32
        %sub3A_309 = arith.subi %div3A_288, %sub3A_308 : i32
        %select_n3A_310 = arith.select %and3A_307, %sub3A_309, %div3A_288 : i32
        %jit3A_311 = arith.constant 16 : i32
        %eq3A_312 = arith.constant 0 : i32
        %eq3A_313 = arith.cmpi eq, %jit3A_311, %eq3A_312 : i32
        %jit3A_314 = arith.constant 1 : i32
        %select_n3A_315 = arith.select %eq3A_313, %jit3A_314, %jit3A_311 : i32
        %rem3A_316 = arith.remsi %add3A_286, %select_n3A_315 : i32
        %ne3A_317 = arith.constant 0 : i32
        %ne3A_318 = arith.cmpi ne, %rem3A_316, %ne3A_317 : i32
        %lt3A_319 = arith.constant 0 : i32
        %lt3A_320 = arith.cmpi slt, %rem3A_316, %lt3A_319 : i32
        %lt3A_321 = arith.constant 0 : i32
        %lt3A_322 = arith.cmpi slt, %select_n3A_315, %lt3A_321 : i32
        %ne3A_323 = arith.xori %lt3A_320, %lt3A_322 : i1
        %and3A_324 = arith.andi %ne3A_323, %ne3A_318 : i1
        %add3A_325 = arith.addi %rem3A_316, %select_n3A_315 : i32
        %select_n3A_326 = arith.select %and3A_324, %add3A_325, %rem3A_316 : i32
        %mul3A_327 = arith.constant 256 : i32
        %mul3A_328 = arith.muli %select_n3A_326, %mul3A_327 : i32
        %and3A_329 = arith.constant 1 : i32
        %and3A_330 = arith.andi %add3A_286, %and3A_329 : i32
        "tpu.region"() ({
          %run_scoped3A = tpu.sem_alloc : memref<!tpu.dma_semaphore, #tpu.memory_space<semaphore_mem>>
          %dma_start3A_331 = arith.constant 0 : i32
          %dma_start3A_332 = tpu.memref_slice %arg5[%and3A_330, %dma_start3A_331] : memref<2x256xi32, #tpu.memory_space<vmem>> -> memref<1x256xi32, #tpu.memory_space<vmem>>
          %dma_start3A_333 = tpu.memref_squeeze %dma_start3A_332 : memref<1x256xi32, #tpu.memory_space<vmem>> -> memref<256xi32, #tpu.memory_space<vmem>>
          %dma_start3A_334 = tpu.memref_slice %arg2[%select_n3A_310, %mul3A_328] : memref<200x4096xi32, #tpu.memory_space<hbm>> -> memref<1x256xi32, #tpu.memory_space<hbm>>
          %dma_start3A_335 = tpu.memref_squeeze %dma_start3A_334 : memref<1x256xi32, #tpu.memory_space<hbm>> -> memref<256xi32, #tpu.memory_space<hbm>>
          %dma_start3A_336 = arith.constant 0 : i32
          %dma_start3A_337 = tpu.memref_slice %arg5[%and3A_330, %dma_start3A_336] : memref<2x256xi32, #tpu.memory_space<vmem>> -> memref<1x256xi32, #tpu.memory_space<vmem>>
          %dma_start3A_338 = tpu.memref_squeeze %dma_start3A_337 : memref<1x256xi32, #tpu.memory_space<vmem>> -> memref<256xi32, #tpu.memory_space<vmem>>
          %dma_start3A_339 = tpu.memref_slice %arg2[%select_n3A_310, %mul3A_328] : memref<200x4096xi32, #tpu.memory_space<hbm>> -> memref<1x256xi32, #tpu.memory_space<hbm>>
          %dma_start3A_340 = tpu.memref_squeeze %dma_start3A_339 : memref<1x256xi32, #tpu.memory_space<hbm>> -> memref<256xi32, #tpu.memory_space<hbm>>
          tpu.enqueue_dma source(%dma_start3A_340 : memref<256xi32, #tpu.memory_space<hbm>>) target(%dma_start3A_338 : memref<256xi32, #tpu.memory_space<vmem>>) target_semaphore(%run_scoped3A : memref<!tpu.dma_semaphore, #tpu.memory_space<semaphore_mem>>)
          %dma_wait3A_341 = arith.constant 0 : i32
          %dma_wait3A_342 = tpu.memref_slice %arg5[%and3A_330, %dma_wait3A_341] : memref<2x256xi32, #tpu.memory_space<vmem>> -> memref<1x256xi32, #tpu.memory_space<vmem>>
          %dma_wait3A_343 = tpu.memref_squeeze %dma_wait3A_342 : memref<1x256xi32, #tpu.memory_space<vmem>> -> memref<256xi32, #tpu.memory_space<vmem>>
          %dma_wait3A_344 = tpu.memref_slice %arg2[%select_n3A_310, %mul3A_328] : memref<200x4096xi32, #tpu.memory_space<hbm>> -> memref<1x256xi32, #tpu.memory_space<hbm>>
          %dma_wait3A_345 = tpu.memref_squeeze %dma_wait3A_344 : memref<1x256xi32, #tpu.memory_space<hbm>> -> memref<256xi32, #tpu.memory_space<hbm>>
          %dma_wait3A_346 = arith.constant 0 : i32
          %dma_wait3A_347 = tpu.memref_slice %arg5[%and3A_330, %dma_wait3A_346] : memref<2x256xi32, #tpu.memory_space<vmem>> -> memref<1x256xi32, #tpu.memory_space<vmem>>
          %dma_wait3A_348 = tpu.memref_squeeze %dma_wait3A_347 : memref<1x256xi32, #tpu.memory_space<vmem>> -> memref<256xi32, #tpu.memory_space<vmem>>
          %dma_wait3A_349 = tpu.memref_slice %arg2[%select_n3A_310, %mul3A_328] : memref<200x4096xi32, #tpu.memory_space<hbm>> -> memref<1x256xi32, #tpu.memory_space<hbm>>
          %dma_wait3A_350 = tpu.memref_squeeze %dma_wait3A_349 : memref<1x256xi32, #tpu.memory_space<hbm>> -> memref<256xi32, #tpu.memory_space<hbm>>
          tpu.wait_dma2 semaphore(%run_scoped3A : memref<!tpu.dma_semaphore, #tpu.memory_space<semaphore_mem>>) src(%dma_wait3A_350 : memref<256xi32, #tpu.memory_space<hbm>>) dst(%dma_wait3A_348 : memref<256xi32, #tpu.memory_space<vmem>>)
          tpu.yield
        }) : () -> ()
      } else {
      }
      %jit3A_215 = arith.constant 16 : i32
      %div3A_216 = arith.divsi %add3A_177, %jit3A_215 : i32
      %sign3A_217 = arith.constant 0 : i32
      %sign3A_218 = arith.cmpi sgt, %add3A_177, %sign3A_217 : i32
      %sign3A_219 = arith.extui %sign3A_218 : i1 to i32
      %sign3A_220 = arith.constant 0 : i32
      %sign3A_221 = arith.cmpi slt, %add3A_177, %sign3A_220 : i32
      %sign3A_222 = arith.extui %sign3A_221 : i1 to i32
      %sign3A_223 = arith.subi %sign3A_219, %sign3A_222 : i32
      %sign3A_224 = arith.constant 0 : i32
      %sign3A_225 = arith.cmpi sgt, %jit3A_215, %sign3A_224 : i32
      %sign3A_226 = arith.extui %sign3A_225 : i1 to i32
      %sign3A_227 = arith.constant 0 : i32
      %sign3A_228 = arith.cmpi slt, %jit3A_215, %sign3A_227 : i32
      %sign3A_229 = arith.extui %sign3A_228 : i1 to i32
      %sign3A_230 = arith.subi %sign3A_226, %sign3A_229 : i32
      %ne3A_231 = arith.cmpi ne, %sign3A_223, %sign3A_230 : i32
      %rem3A_232 = arith.remsi %add3A_177, %jit3A_215 : i32
      %ne3A_233 = arith.constant 0 : i32
      %ne3A_234 = arith.cmpi ne, %rem3A_232, %ne3A_233 : i32
      %and3A_235 = arith.andi %ne3A_231, %ne3A_234 : i1
      %sub3A_236 = arith.constant 1 : i32
      %sub3A_237 = arith.subi %div3A_216, %sub3A_236 : i32
      %select_n3A_238 = arith.select %and3A_235, %sub3A_237, %div3A_216 : i32
      %jit3A_239 = arith.constant 16 : i32
      %eq3A_240 = arith.constant 0 : i32
      %eq3A_241 = arith.cmpi eq, %jit3A_239, %eq3A_240 : i32
      %jit3A_242 = arith.constant 1 : i32
      %select_n3A_243 = arith.select %eq3A_241, %jit3A_242, %jit3A_239 : i32
      %rem3A_244 = arith.remsi %add3A_177, %select_n3A_243 : i32
      %ne3A_245 = arith.constant 0 : i32
      %ne3A_246 = arith.cmpi ne, %rem3A_244, %ne3A_245 : i32
      %lt3A_247 = arith.constant 0 : i32
      %lt3A_248 = arith.cmpi slt, %rem3A_244, %lt3A_247 : i32
      %lt3A_249 = arith.constant 0 : i32
      %lt3A_250 = arith.cmpi slt, %select_n3A_243, %lt3A_249 : i32
      %ne3A_251 = arith.xori %lt3A_248, %lt3A_250 : i1
      %and3A_252 = arith.andi %ne3A_251, %ne3A_246 : i1
      %add3A_253 = arith.addi %rem3A_244, %select_n3A_243 : i32
      %select_n3A_254 = arith.select %and3A_252, %add3A_253, %rem3A_244 : i32
      %mul3A_255 = arith.constant 2 : i32
      %mul3A_256 = arith.muli %select_n3A_254, %mul3A_255 : i32
      %and3A_257 = arith.constant 1 : i32
      %and3A_258 = arith.andi %add3A_177, %and3A_257 : i32
      %and3A_259 = arith.constant 1 : i32
      %and3A_260 = arith.andi %add3A_177, %and3A_259 : i32
      %dma_start3A_261 = arith.constant 0 : i32
      %dma_start3A_262 = arith.constant 0 : i32
      %dma_start3A_263 = arith.constant 0 : i32
      %dma_start3A_264 = arith.constant 0 : i32
      %dma_start3A_265 = tpu.memref_slice %arg7[%and3A_258, %dma_start3A_261, %dma_start3A_262, %dma_start3A_263, %dma_start3A_264] : memref<2x8x2x8x128xf32, #tpu.memory_space<vmem>> -> memref<1x8x2x8x128xf32, #tpu.memory_space<vmem>>
      %dma_start3A_266 = tpu.memref_squeeze %dma_start3A_265 : memref<1x8x2x8x128xf32, #tpu.memory_space<vmem>> -> memref<8x2x8x128xf32, #tpu.memory_space<vmem>>
      %dma_start3A_267 = arith.constant 0 : i32
      %dma_start3A_268 = arith.constant 0 : i32
      %dma_start3A_269 = arith.constant 0 : i32
      %dma_start3A_270 = tpu.memref_slice %arg4[%select_n3A_238, %dma_start3A_267, %mul3A_256, %dma_start3A_268, %dma_start3A_269] : memref<200x8x32x8x128xf32, #tpu.memory_space<hbm>> -> memref<1x8x2x8x128xf32, #tpu.memory_space<hbm>>
      %dma_start3A_271 = tpu.memref_squeeze %dma_start3A_270 : memref<1x8x2x8x128xf32, #tpu.memory_space<hbm>> -> memref<8x2x8x128xf32, #tpu.memory_space<hbm>>
      %dma_start3A_272 = tpu.memref_slice %arg9[%and3A_260] : memref<2x!tpu.dma_semaphore, #tpu.memory_space<semaphore_mem>> -> memref<1x!tpu.dma_semaphore, #tpu.memory_space<semaphore_mem>>
      %dma_start3A_273 = tpu.memref_squeeze %dma_start3A_272 : memref<1x!tpu.dma_semaphore, #tpu.memory_space<semaphore_mem>> -> memref<!tpu.dma_semaphore, #tpu.memory_space<semaphore_mem>>
      %dma_start3A_274 = arith.constant 0 : i32
      %dma_start3A_275 = arith.constant 0 : i32
      %dma_start3A_276 = arith.constant 0 : i32
      %dma_start3A_277 = tpu.memref_slice %arg4[%select_n3A_238, %dma_start3A_274, %mul3A_256, %dma_start3A_275, %dma_start3A_276] : memref<200x8x32x8x128xf32, #tpu.memory_space<hbm>> -> memref<1x8x2x8x128xf32, #tpu.memory_space<hbm>>
      %dma_start3A_278 = tpu.memref_squeeze %dma_start3A_277 : memref<1x8x2x8x128xf32, #tpu.memory_space<hbm>> -> memref<8x2x8x128xf32, #tpu.memory_space<hbm>>
      %dma_start3A_279 = arith.constant 0 : i32
      %dma_start3A_280 = arith.constant 0 : i32
      %dma_start3A_281 = arith.constant 0 : i32
      %dma_start3A_282 = arith.constant 0 : i32
      %dma_start3A_283 = tpu.memref_slice %arg7[%and3A_258, %dma_start3A_279, %dma_start3A_280, %dma_start3A_281, %dma_start3A_282] : memref<2x8x2x8x128xf32, #tpu.memory_space<vmem>> -> memref<1x8x2x8x128xf32, #tpu.memory_space<vmem>>
      %dma_start3A_284 = tpu.memref_squeeze %dma_start3A_283 : memref<1x8x2x8x128xf32, #tpu.memory_space<vmem>> -> memref<8x2x8x128xf32, #tpu.memory_space<vmem>>
      tpu.enqueue_dma source(%dma_start3A_284 : memref<8x2x8x128xf32, #tpu.memory_space<vmem>>) target(%dma_start3A_278 : memref<8x2x8x128xf32, #tpu.memory_space<hbm>>) target_semaphore(%dma_start3A_273 : memref<!tpu.dma_semaphore, #tpu.memory_space<semaphore_mem>>)
    }
    %dma_wait3A = arith.constant 0 : i32
    %dma_wait3A_118 = arith.constant 0 : i32
    %dma_wait3A_119 = arith.constant 0 : i32
    %dma_wait3A_120 = arith.constant 0 : i32
    %dma_wait3A_121 = arith.constant 0 : i32
    %dma_wait3A_122 = arith.constant 0 : i32
    %dma_wait3A_123 = arith.constant 0 : i32
    %dma_wait3A_124 = tpu.memref_slice %arg7[%dma_wait3A_118, %dma_wait3A_120, %dma_wait3A_121, %dma_wait3A_122, %dma_wait3A_123] : memref<2x8x2x8x128xf32, #tpu.memory_space<vmem>> -> memref<1x8x2x8x128xf32, #tpu.memory_space<vmem>>
    %dma_wait3A_125 = tpu.memref_squeeze %dma_wait3A_124 : memref<1x8x2x8x128xf32, #tpu.memory_space<vmem>> -> memref<8x2x8x128xf32, #tpu.memory_space<vmem>>
    %dma_wait3A_126 = arith.constant 0 : i32
    %dma_wait3A_127 = arith.constant 0 : i32
    %dma_wait3A_128 = arith.constant 0 : i32
    %dma_wait3A_129 = arith.constant 0 : i32
    %dma_wait3A_130 = tpu.memref_slice %arg4[%dma_wait3A, %dma_wait3A_126, %dma_wait3A_127, %dma_wait3A_128, %dma_wait3A_129] : memref<200x8x32x8x128xf32, #tpu.memory_space<hbm>> -> memref<1x8x2x8x128xf32, #tpu.memory_space<hbm>>
    %dma_wait3A_131 = tpu.memref_squeeze %dma_wait3A_130 : memref<1x8x2x8x128xf32, #tpu.memory_space<hbm>> -> memref<8x2x8x128xf32, #tpu.memory_space<hbm>>
    %dma_wait3A_132 = tpu.memref_slice %arg9[%dma_wait3A_119] : memref<2x!tpu.dma_semaphore, #tpu.memory_space<semaphore_mem>> -> memref<1x!tpu.dma_semaphore, #tpu.memory_space<semaphore_mem>>
    %dma_wait3A_133 = tpu.memref_squeeze %dma_wait3A_132 : memref<1x!tpu.dma_semaphore, #tpu.memory_space<semaphore_mem>> -> memref<!tpu.dma_semaphore, #tpu.memory_space<semaphore_mem>>
    %dma_wait3A_134 = arith.constant 0 : i32
    %dma_wait3A_135 = arith.constant 0 : i32
    %dma_wait3A_136 = arith.constant 0 : i32
    %dma_wait3A_137 = arith.constant 0 : i32
    %dma_wait3A_138 = tpu.memref_slice %arg7[%dma_wait3A_118, %dma_wait3A_134, %dma_wait3A_135, %dma_wait3A_136, %dma_wait3A_137] : memref<2x8x2x8x128xf32, #tpu.memory_space<vmem>> -> memref<1x8x2x8x128xf32, #tpu.memory_space<vmem>>
    %dma_wait3A_139 = tpu.memref_squeeze %dma_wait3A_138 : memref<1x8x2x8x128xf32, #tpu.memory_space<vmem>> -> memref<8x2x8x128xf32, #tpu.memory_space<vmem>>
    %dma_wait3A_140 = arith.constant 0 : i32
    %dma_wait3A_141 = arith.constant 0 : i32
    %dma_wait3A_142 = arith.constant 0 : i32
    %dma_wait3A_143 = arith.constant 0 : i32
    %dma_wait3A_144 = tpu.memref_slice %arg4[%dma_wait3A, %dma_wait3A_140, %dma_wait3A_141, %dma_wait3A_142, %dma_wait3A_143] : memref<200x8x32x8x128xf32, #tpu.memory_space<hbm>> -> memref<1x8x2x8x128xf32, #tpu.memory_space<hbm>>
    %dma_wait3A_145 = tpu.memref_squeeze %dma_wait3A_144 : memref<1x8x2x8x128xf32, #tpu.memory_space<hbm>> -> memref<8x2x8x128xf32, #tpu.memory_space<hbm>>
    tpu.wait_dma2 semaphore(%dma_wait3A_133 : memref<!tpu.dma_semaphore, #tpu.memory_space<semaphore_mem>>) src(%dma_wait3A_145 : memref<8x2x8x128xf32, #tpu.memory_space<hbm>>) dst(%dma_wait3A_139 : memref<8x2x8x128xf32, #tpu.memory_space<vmem>>)
    %dma_wait3A_146 = arith.constant 0 : i32
    %dma_wait3A_147 = arith.constant 1 : i32
    %dma_wait3A_148 = arith.constant 1 : i32
    %dma_wait3A_149 = arith.constant 0 : i32
    %dma_wait3A_150 = arith.constant 0 : i32
    %dma_wait3A_151 = arith.constant 0 : i32
    %dma_wait3A_152 = arith.constant 0 : i32
    %dma_wait3A_153 = tpu.memref_slice %arg7[%dma_wait3A_147, %dma_wait3A_149, %dma_wait3A_150, %dma_wait3A_151, %dma_wait3A_152] : memref<2x8x2x8x128xf32, #tpu.memory_space<vmem>> -> memref<1x8x2x8x128xf32, #tpu.memory_space<vmem>>
    %dma_wait3A_154 = tpu.memref_squeeze %dma_wait3A_153 : memref<1x8x2x8x128xf32, #tpu.memory_space<vmem>> -> memref<8x2x8x128xf32, #tpu.memory_space<vmem>>
    %dma_wait3A_155 = arith.constant 0 : i32
    %dma_wait3A_156 = arith.constant 0 : i32
    %dma_wait3A_157 = arith.constant 0 : i32
    %dma_wait3A_158 = arith.constant 0 : i32
    %dma_wait3A_159 = tpu.memref_slice %arg4[%dma_wait3A_146, %dma_wait3A_155, %dma_wait3A_156, %dma_wait3A_157, %dma_wait3A_158] : memref<200x8x32x8x128xf32, #tpu.memory_space<hbm>> -> memref<1x8x2x8x128xf32, #tpu.memory_space<hbm>>
    %dma_wait3A_160 = tpu.memref_squeeze %dma_wait3A_159 : memref<1x8x2x8x128xf32, #tpu.memory_space<hbm>> -> memref<8x2x8x128xf32, #tpu.memory_space<hbm>>
    %dma_wait3A_161 = tpu.memref_slice %arg9[%dma_wait3A_148] : memref<2x!tpu.dma_semaphore, #tpu.memory_space<semaphore_mem>> -> memref<1x!tpu.dma_semaphore, #tpu.memory_space<semaphore_mem>>
    %dma_wait3A_162 = tpu.memref_squeeze %dma_wait3A_161 : memref<1x!tpu.dma_semaphore, #tpu.memory_space<semaphore_mem>> -> memref<!tpu.dma_semaphore, #tpu.memory_space<semaphore_mem>>
    %dma_wait3A_163 = arith.constant 0 : i32
    %dma_wait3A_164 = arith.constant 0 : i32
    %dma_wait3A_165 = arith.constant 0 : i32
    %dma_wait3A_166 = arith.constant 0 : i32
    %dma_wait3A_167 = tpu.memref_slice %arg7[%dma_wait3A_147, %dma_wait3A_163, %dma_wait3A_164, %dma_wait3A_165, %dma_wait3A_166] : memref<2x8x2x8x128xf32, #tpu.memory_space<vmem>> -> memref<1x8x2x8x128xf32, #tpu.memory_space<vmem>>
    %dma_wait3A_168 = tpu.memref_squeeze %dma_wait3A_167 : memref<1x8x2x8x128xf32, #tpu.memory_space<vmem>> -> memref<8x2x8x128xf32, #tpu.memory_space<vmem>>
    %dma_wait3A_169 = arith.constant 0 : i32
    %dma_wait3A_170 = arith.constant 0 : i32
    %dma_wait3A_171 = arith.constant 0 : i32
    %dma_wait3A_172 = arith.constant 0 : i32
    %dma_wait3A_173 = tpu.memref_slice %arg4[%dma_wait3A_146, %dma_wait3A_169, %dma_wait3A_170, %dma_wait3A_171, %dma_wait3A_172] : memref<200x8x32x8x128xf32, #tpu.memory_space<hbm>> -> memref<1x8x2x8x128xf32, #tpu.memory_space<hbm>>
    %dma_wait3A_174 = tpu.memref_squeeze %dma_wait3A_173 : memref<1x8x2x8x128xf32, #tpu.memory_space<hbm>> -> memref<8x2x8x128xf32, #tpu.memory_space<hbm>>
    tpu.wait_dma2 semaphore(%dma_wait3A_162 : memref<!tpu.dma_semaphore, #tpu.memory_space<semaphore_mem>>) src(%dma_wait3A_174 : memref<8x2x8x128xf32, #tpu.memory_space<hbm>>) dst(%dma_wait3A_168 : memref<8x2x8x128xf32, #tpu.memory_space<vmem>>)
    return
  }
}

</mosaic_0001>

<sc_bundles>
// kernel: kernel.4.cloned.1.call-start
scs
__scs_entry_jumppad:
0x0: {  	(pc) =	sbr.rel $0x88, $3  }
0x1: {  	(tag) =	ssettag $0x0;
	lr =	simm.s32 $0x1  }
0x2: {  	[smem:$0x3F9F] =	sst lr;
	_ =	strace $0xD0000000  }
0x3: {  	_ = 	snop  }
0x4: {  	_ = 	snop  }
0x5: {  	_ = 	snop  }
0x6: {  	_ = 	snop  }
0x7: {  	_ = 	snop  }
__scs_overlays_trampoline_lowered:
0x8: {  	[smem:$0x3FAE] =	sst s0  }
0x9: {  	[smem:$0x3FAF] =	sst s1  }
0xa: {  	[smem:$0x3FB0] =	sst s2  }
0xb: {  	[smem:$0x3FB1] =	sst s3  }
0xc: {  	[smem:$0x3FB2] =	sst s4  }
0xd: {  	[smem:$0x3FB3] =	sst s5  }
0xe: {  	[smem:$0x3FB4] =	sst s6  }
0xf: {  	[smem:$0x3FB5] =	sst s7  }
0x10: {  	[smem:$0x3FB6] =	sst s8  }
0x11: {  	[smem:$0x3FB7] =	sst s9;
	s0 =	simm.s32 @!p0 $0x0  }
0x12: {  	s1 =	sld [smem:$0x3F9D];
	s0 =	simm.s32 @p0 $0x1  }
0x13: {  	[smem:$0x3FB8] =	sst s0;
	s0 =	simm.s32 @!p1 $0x0  }
0x14: {  	s2 =	sld [smem:$0x3F9C];
	s0 =	simm.s32 @p1 $0x1  }
0x15: {  	[smem:$0x3FB9] =	sst s0;
	s0 =	simm.s32 @!p2 $0x0  }
0x16: {  	s3 =	sld [smem:$0x3FDB];
	s0 =	simm.s32 @p2 $0x1  }
0x17: {  	s4 =	simm.s32 $0x1BF5;
	[smem:$0x3FBB] =	sst s0  }
0x18: {  	s0 =	sld [smem:$0x3F9E];
	_ =	swait.ge [sflag:s4], $0x0  }
0x19: {  	s7 =	sld [smem:$0x3F9F]  }
0x1a: {  	s8 =	sadd.s32 $0xFFFFE003, lr  }
0x1b: {  	s9 =	sadd.s32 $0xFFFFFEF7, lr;
	s5 =	simm.s32 $0xFFFFFFFF;
	p2 =	slt.u32 s8, $0xFFFFF086  }
0x1c: {  	p1 =	slt.u32 s9, $0xF7A;
	s5 =	simm.s32 @!p2 $0x0  }
0x1d: {  	s5 =	simm.s32 @p1 $0x1;
	p0 =	seq.s32 s7, s2  }
0x1e: {  	s7 =	smul.u32 @!p0 $0xF7A, s2;
	p2 =	seq.s32 @!p0 s5, $0x0  }
0x1f: {  	s9 =	smul.u32 $0xF7A, s1;
	s8 =	simm.s32 @!p0 $0x1BF5;
	p2 =	por !p2, p0  }
0x20: {  	[sflag:s8] =	ssyncset.s32 @!p0 $0xFFFFF086;
	s6 =	sadd.s32 @!p0 s3, s7;
	s7 =	simm.s32 @!p0 $0x108  }
0x21: {  	s3 =	sadd.s32 s3, s9;
	s6 =	sadd.s32 @!p0 $0x88, s6;
	s7 =	simm.s32 @p2 $0x1082  }
0x22: {  	[simem:s7], [sflag:s8] =	dma.local @!p0 [hbm:s6], $0xF7A  }
0x23: {  	s9 =	sor.u32 $0xD0000000, s2;
	s6 =	simm.s32 $0x108;
	_ =	swait.ge @!p0 [sflag:s8], $0x0  }
0x24: {  	s3 =	sadd.s32 $0x88, s3;
	s6 =	simm.s32 @!p1 $0x1082;
	[sflag:s4] =	ssyncset.s32 $0xFFFFF086  }
0x25: {  	[simem:s6], [sflag:s4] =	dma.local [hbm:s3], $0xF7A  }
0x26: {  	[smem:$0x3F9F] =	sst s1;
	(tag) =	ssettag s2;
	_ =	strace s9  }
0x27: {  	s1 =	sld [smem:$0x3FAF]  }
0x28: {  	s2 =	sld [smem:$0x3FB0]  }
0x29: {  	s4 =	sld [smem:$0x3FB2]  }
0x2a: {  	p0 =	seq.s32 s5, $0x0;
	s5 =	sld [smem:$0x3FB3]  }
0x2b: {  	s6 =	sld [smem:$0x3FB4]  }
0x2c: {  	s7 =	sld [smem:$0x3FB5]  }
0x2d: {  	s3 =	simm.s32 $0x108;
	s8 =	sld [smem:$0x3FB6]  }
0x2e: {  	s3 =	simm.s32 @!p0 $0x1082;
	s9 =	sld [smem:$0x3FB7]  }
0x2f: {  	lr =	sadd.s32 s0, s3;
	s0 =	sld [smem:$0x3FAE]  }
0x30: {  	s3 =	sld [smem:$0x3FB1]  }
0x31: {  	[smem:$0x3FBA] =	sst s10  }
0x32: {  	s10 =	sld [smem:$0x3FB8];
	_ =	sdelay $0x3  }
0x33: {  	p0 =	seq.s32 s10, $0x1;
	s10 =	sld [smem:$0x3FBA];
	_ =	sdelay $0x3  }
0x34: {  	[smem:$0x3FBA] =	sst s10  }
0x35: {  	s10 =	sld [smem:$0x3FB9];
	_ =	sdelay $0x3  }
0x36: {  	p1 =	seq.s32 s10, $0x1;
	s10 =	sld [smem:$0x3FBA];
	_ =	sdelay $0x3  }
0x37: {  	[smem:$0x3FBA] =	sst s10  }
0x38: {  	s10 =	sld [smem:$0x3FBB]  }
0x39: {  	_ = 	snop;
	(pc) =	sbr.ind lr, $3  }
0x3a: {  	_ = 	snop  }
0x3b: {  	_ = 	snop  }
0x3c: {  	p2 =	seq.s32 s10, $0x1;
	s10 =	sld [smem:$0x3FBA]  }
0x3d: {  	_ =	shalt  }
0x3e: {  	_ =	shalt  }
0x3f: {  	_ =	shalt  }
0x40: {  	_ =	shalt  }
0x41: {  	_ =	shalt  }
0x42: {  	_ =	shalt  }
0x43: {  	_ =	shalt  }
0x44: {  	_ =	shalt  }
0x45: {  	_ =	shalt  }
0x46: {  	_ =	shalt  }
0x47: {  	_ =	shalt  }
0x48: {  	_ =	shalt  }
0x49: {  	_ =	shalt  }
0x4a: {  	_ =	shalt  }
0x4b: {  	_ =	shalt  }
0x4c: {  	_ =	shalt  }
0x4d: {  	_ =	shalt  }
0x4e: {  	_ =	shalt  }
0x4f: {  	_ =	shalt  }
0x50: {  	_ =	shalt  }
0x51: {  	_ =	shalt  }
0x52: {  	_ =	shalt  }
0x53: {  	_ =	shalt  }
0x54: {  	_ =	shalt  }
0x55: {  	_ =	shalt  }
0x56: {  	_ =	shalt  }
0x57: {  	_ =	shalt  }
0x58: {  	_ =	shalt  }
0x59: {  	_ =	shalt  }
0x5a: {  	_ =	shalt  }
0x5b: {  	_ =	shalt  }
0x5c: {  	_ =	shalt  }
0x5d: {  	_ =	shalt  }
0x5e: {  	_ =	shalt  }
0x5f: {  	_ =	shalt  }
0x60: {  	_ =	shalt  }
0x61: {  	_ =	shalt  }
0x62: {  	_ =	shalt  }
0x63: {  	_ =	shalt  }
0x64: {  	_ =	shalt  }
0x65: {  	_ =	shalt  }
0x66: {  	_ =	shalt  }
0x67: {  	_ =	shalt  }
0x68: {  	_ =	shalt  }
0x69: {  	_ =	shalt  }
0x6a: {  	_ =	shalt  }
0x6b: {  	_ =	shalt  }
0x6c: {  	_ =	shalt  }
0x6d: {  	_ =	shalt  }
0x6e: {  	_ =	shalt  }
0x6f: {  	_ =	shalt  }
0x70: {  	_ =	shalt  }
0x71: {  	_ =	shalt  }
0x72: {  	_ =	shalt  }
0x73: {  	_ =	shalt  }
0x74: {  	_ =	shalt  }
0x75: {  	_ =	shalt  }
0x76: {  	_ =	shalt  }
0x77: {  	_ =	shalt  }
0x78: {  	_ =	shalt  }
0x79: {  	_ =	shalt  }
0x7a: {  	_ =	shalt  }
0x7b: {  	_ =	shalt  }
0x7c: {  	_ =	shalt  }
0x7d: {  	_ =	shalt  }
0x7e: {  	_ =	shalt  }
0x7f: {  	_ =	shalt  }
0x80: {  	_ =	shalt  }
0x81: {  	_ =	shalt  }
0x82: {  	_ =	shalt  }
0x83: {  	_ =	shalt  }
0x84: {  	_ =	shalt  }
0x85: {  	_ =	shalt  }
0x86: {  	_ =	shalt  }
0x87: {  	_ =	shalt  }
.Lfunc_end0:
.L_simem_size_0:
called_computation_lowered:
.L_overlay_start_0:
0x88: {  	s2 =	sld [smem:$0x3FD9]  }
0x89: {  	s3 =	sld [smem:$0x3FFE];
	_ =	sdelay $0x1  }
0x8a: {  	s1 =	srdreg.scid  }
0x8b: {  	s0 =	sand.u32 $0x1, s1  }
0x8c: {  	s17 =	sshll.u32 s0, $0xA;
	s2 =	sadd.s32 s3, s2  }
0x8d: {  	s2 =	sadd.s32 s2, s17  }
0x8e: {  	[smem:$0x3FC6] =	sst s2  }
0x8f: {  	_ = 	snop  }
0x90: {  	s2 =	sld [smem:$0x3FC8];
	(tm) =	ssettm $0x1  }
0x91: {  	s18 =	sld [smem:$0x3FFB];
	_ =	sdelay $0x3  }
0x92: {  	_ =	strace s18  }
0x93: {  	s3 =	sld [smem:$0x3FFC];
	_ =	sdelay $0x3  }
0x94: {  	_ =	strace s3  }
0x95: {  	s3 =	sld [smem:$0x3FFD];
	_ =	sdelay $0x3  }
0x96: {  	_ =	strace s3  }
0x97: {  	_ =	strace $0x8FFFFFFF  }
0x98: {  	s19 =	sld [smem:$0x3FDB];
	_ =	sdelay $0x1  }
0x99: {  	s4 =	simm.s32 $_scs_section_size  }
0x9a: {  	s5 =	simm.s32 $_size__tile_overlayer_lowered;
	s6 =	simm.s32 $_tile_overlayer_lowered  }
0x9b: {  	s22 =	simm.s32 $0x1BFF;
	s21 =	sshll.u32 s6, $0x1;
	s3 =	sadd.s32 s4, s19  }
0x9c: {  	s7 =	simm.s32 $0x0;
	s20 =	sshll.u32 s5, $0x1;
	s5 =	sadd.s32 s21, s3  }
0x9d: {  	[timem:s7], [sflag:s22] =	dma.local [hbm:s5], s20  }
0x9e: {  	_ =	swait.ge [sflag:s22], s20  }
0x9f: {  	s4 =	ssub.s32 $0x0, s20;
	[sflag:s22] =	ssyncset.done $0x0  }
0xa0: {  	[sflag:s22] =	ssyncadd.s32 s4;
	_ =	sdelay $0x1  }
0xa1: {  	s23 =	simm.s32 $0x1B8B  }
0xa2: {  	_ =	swait.ge [sflag:s23], $0x1  }
0xa3: {  	[sflag:s23] =	ssyncset.done $0x0  }
0xa4: {  	s25 =	simm.s32 $0x1B8E;
	s24 =	sld [smem:$0x3FFE];
	[sflag:s23] =	ssyncadd.s32 $0xFFFFFFFF  }
0xa5: {  	s26 =	simm.s32 $execute0_lowered;
	[smem:$0x3FD2] =	sst s25  }
0xa6: {  	s5 =	sshll.u32 s26, $0x1;
	_ =	strace $0x80000046;
	[dreg:$0x1] =	wrdreg $0xFFFFFFFF  }
0xa7: {  	s28 =	simm.s32 $_size_execute0_lowered;
	s3 =	sadd.s32 s3, s5;
	[dreg:$0x0] =	wrdreg $0x0  }
0xa8: {  	s5 =	sshll.u32 s28, $0x1;
	[dreg:$0x2] =	wrdreg s3  }
0xa9: {  	[dreg:$0x3] =	wrdreg s5  }
0xaa: {  	[dreg:$0x4] =	wrdreg $0xC0  }
0xab: {  	_ =	task [dreg:s7], $0x5FFFF  }
0xac: {  	[dreg:$0x1] =	wrdreg $0xFFFFFFFF  }
0xad: {  	[dreg:$0x0] =	wrdreg $0x60  }
0xae: {  	[dreg:$0x2] =	wrdreg s2  }
0xaf: {  	[dreg:$0x3] =	wrdreg s24  }
0xb0: {  	[dreg:$0x4] =	wrdreg $0x9  }
0xb1: {  	_ =	task.clear_ibuf [dreg:s7], $0x5FFFF;
	_ =	strace $0x90000046  }
0xb2: {  	s29 =	simm.s32 $0x9;
	_ =	strace $0x80000048  }
0xb3: {  	_ =	swait.ge [sflag:s29], $0x1  }
0xb4: {  	[sflag:s29] =	ssyncadd.s32 $0xFFFFFFFF  }
0xb5: {  	_ =	strace $0x90000048  }
0xb6: {  	_ =	sfence  }
0xb7: {  	s30 =	sld [smem:$0x0];
	_ =	sdelay $0x2  }
0xb8: {  	s31 =	sshll.u32 s1, $0xD;
	s1 =	sshrl.u32 s1, $0x2  }
0xb9: {  	s3 =	sand.u32 $0x4000, s31;
	s1 =	sadd.s32 s1, s30  }
0xba: {  	s0 =	sor.u32 s3, s0;
	s1 =	sshll.u32 s1, $0x11  }
0xbb: {  	s0 =	sor.u32 s1, s0  }
0xbc: {  	s0 =	sadd.s32 $0x8F2B, s0  }
0xbd: {  	[sflag:s0] =	ssyncadd.remote.s32 $0x1  }
0xbe: {  	_ =	sfence.sel $0xFFFF  }
0xbf: {  	[dreg:$0x0] =	wrdreg $0xFFFFFFFF;
	(pc) =	sbr.abs _section_cstart, $3  }
0xc0: {  	[dreg:$0x1] =	wrdreg $0xFFFFFFFF  }
0xc1: {  	_ =	task.clear_ibuf [dreg:s7], $0x2FFFF;
	_ =	strace $0x9FFFFFFF  }
0xc2: {  	(tm) =	ssettm $0x7FFFFFFF  }
0xc3: {  	_ =	shalt  }
tec
execute0_lowered:
.L_overlay_start_1:
0x0: {  	(tag) =	ssettag $0x1  }
0x1: {  	v0 =	vimm.s32 $0x38F;
	vm14 =	vcmask $0x300  }
0x2: {  	vm13 =	vcmask $0x704;
	v0 =	vsel vm14, $0x0, v0  }
0x3: {  	vm12 =	vcmask $0xB08;
	v0 =	vsel vm13, $0x81, v0  }
0x4: {  	vm11 =	vcmask $0xF0C;
	vm10 =	vcmask $0x1310;
	v0 =	vsel vm12, $0x102, v0  }
0x5: {  	vm9 =	vcmask $0x1714;
	vm8 =	vcmask $0x1B18;
	v0 =	vsel vm11, $0x183, v0  }
0x6: {  	vm7 =	vcmask $0x1F1C;
	vm6 =	vcmask $0x2320;
	v0 =	vsel vm10, $0x204, v0  }
0x7: {  	vm5 =	vcmask $0x2724;
	vm4 =	vcmask $0x2B28;
	v0 =	vsel vm9, $0x285, v0  }
0x8: {  	vm3 =	vcmask $0x2F2C;
	vm2 =	vcmask $0x3330;
	v0 =	vsel vm8, $0x306, v0  }
0x9: {  	vm1 =	vcmask $0x3734;
	vm0 =	vcmask $0x3B38;
	v0 =	vsel vm7, $0x387, v0  }
0xa: {  	v3 =	vimm.s32 $0x3AF;
	v4 =	vimm.s32 $0x3BF;
	v0 =	vsel vm6, $0x8, v0  }
0xb: {  	v5 =	vimm.s32 $0x3EF;
	v3 =	vsel vm14, $0x20, v3;
	v0 =	vsel vm5, $0x89, v0  }
0xc: {  	v4 =	vsel vm14, $0x30, v4;
	v5 =	vsel vm14, $0x60, v5;
	v0 =	vsel vm4, $0x10A, v0  }
0xd: {  	v3 =	vsel vm13, $0xA1, v3;
	v4 =	vsel vm13, $0xB1, v4;
	v0 =	vsel vm3, $0x18B, v0  }
0xe: {  	v5 =	vsel vm13, $0xE1, v5;
	v3 =	vsel vm12, $0x122, v3;
	v0 =	vsel vm2, $0x20C, v0  }
0xf: {  	v4 =	vsel vm12, $0x132, v4;
	v5 =	vsel vm12, $0x162, v5;
	v1 =	vsel vm1, $0x28D, v0  }
0x10: {  	v3 =	vsel vm11, $0x1A3, v3;
	v16 =	vsel vm0, $0x30E, v1;
	v1 =	vimm.s32 $0x39F  }
0x11: {  	v4 =	vsel vm11, $0x1B3, v4;
	v5 =	vsel vm11, $0x1E3, v5;
	v1 =	vsel vm14, $0x10, v1  }
0x12: {  	v3 =	vsel vm10, $0x224, v3;
	v4 =	vsel vm10, $0x234, v4;
	v1 =	vsel vm13, $0x91, v1  }
0x13: {  	v5 =	vsel vm10, $0x264, v5;
	v3 =	vsel vm9, $0x2A5, v3;
	v1 =	vsel vm12, $0x112, v1  }
0x14: {  	v4 =	vsel vm9, $0x2B5, v4;
	v5 =	vsel vm9, $0x2E5, v5;
	v1 =	vsel vm11, $0x193, v1  }
0x15: {  	v3 =	vsel vm8, $0x326, v3;
	v4 =	vsel vm8, $0x336, v4;
	v1 =	vsel vm10, $0x214, v1  }
0x16: {  	v5 =	vsel vm8, $0x366, v5;
	v3 =	vsel vm7, $0x3A7, v3;
	v1 =	vsel vm9, $0x295, v1  }
0x17: {  	v4 =	vsel vm7, $0x3B7, v4;
	v5 =	vsel vm7, $0x3E7, v5;
	v1 =	vsel vm8, $0x316, v1  }
0x18: {  	v3 =	vsel vm6, $0x28, v3;
	v4 =	vsel vm6, $0x38, v4;
	v1 =	vsel vm7, $0x397, v1  }
0x19: {  	v5 =	vsel vm6, $0x68, v5;
	v3 =	vsel vm5, $0xA9, v3;
	v1 =	vsel vm6, $0x18, v1  }
0x1a: {  	v4 =	vsel vm5, $0xB9, v4;
	v5 =	vsel vm5, $0xE9, v5;
	v1 =	vsel vm5, $0x99, v1  }
0x1b: {  	v3 =	vsel vm4, $0x12A, v3;
	v4 =	vsel vm4, $0x13A, v4;
	v1 =	vsel vm4, $0x11A, v1  }
0x1c: {  	v5 =	vsel vm4, $0x16A, v5;
	v3 =	vsel vm3, $0x1AB, v3;
	v1 =	vsel vm3, $0x19B, v1  }
0x1d: {  	v4 =	vsel vm3, $0x1BB, v4;
	v5 =	vsel vm3, $0x1EB, v5;
	v1 =	vsel vm2, $0x21C, v1  }
0x1e: {  	v3 =	vsel vm2, $0x22C, v3;
	v0 =	vlaneseq.u32;
	v1 =	vsel vm1, $0x29D, v1  }
0x1f: {  	v18 =	vsel vm0, $0x31E, v1;
	v1 =	vsel vm1, $0x2AD, v3;
	v3 =	vsel vm2, $0x23C, v4  }
0x20: {  	v2 =	vmul.u32 $0x40, v0;
	v20 =	vsel vm0, $0x32E, v1;
	v1 =	vsel vm1, $0x2BD, v3  }
0x21: {  	v33 =	vor.u32 $0x10, v0;
	v22 =	vsel vm0, $0x33E, v1;
	v1 =	vimm.s32 $0x3CF  }
0x22: {  	v34 =	vor.u32 $0x20, v0;
	v3 =	vimm.s32 $0x3DF;
	v1 =	vsel vm14, $0x40, v1  }
0x23: {  	v35 =	vor.u32 $0x30, v0;
	v3 =	vsel vm14, $0x50, v3;
	v1 =	vsel vm13, $0xC1, v1  }
0x24: {  	v25 =	vor.u32 $0x40, v0;
	v3 =	vsel vm13, $0xD1, v3;
	v1 =	vsel vm12, $0x142, v1  }
0x25: {  	v27 =	vor.u32 $0x50, v0;
	v3 =	vsel vm12, $0x152, v3;
	v1 =	vsel vm11, $0x1C3, v1  }
0x26: {  	v29 =	vor.u32 $0x60, v0;
	v3 =	vsel vm11, $0x1D3, v3;
	v1 =	vsel vm10, $0x244, v1  }
0x27: {  	v19 =	vor.u32 $0x70, v0;
	v3 =	vsel vm10, $0x254, v3;
	v1 =	vsel vm9, $0x2C5, v1  }
0x28: {  	v21 =	vor.u32 $0x400, v0;
	v3 =	vsel vm9, $0x2D5, v3;
	v1 =	vsel vm8, $0x346, v1  }
0x29: {  	v23 =	vor.u32 $0x410, v0;
	v3 =	vsel vm8, $0x356, v3;
	v1 =	vsel vm7, $0x3C7, v1  }
0x2a: {  	v48 =	vor.u32 $0x420, v0;
	v3 =	vsel vm7, $0x3D7, v3;
	v1 =	vsel vm6, $0x48, v1  }
0x2b: {  	v49 =	vor.u32 $0x430, v0;
	v3 =	vsel vm6, $0x58, v3;
	v1 =	vsel vm5, $0xC9, v1  }
0x2c: {  	v50 =	vor.u32 $0x440, v0;
	v3 =	vsel vm5, $0xD9, v3;
	v1 =	vsel vm4, $0x14A, v1  }
0x2d: {  	v51 =	vor.u32 $0x450, v0;
	v3 =	vsel vm4, $0x15A, v3;
	v1 =	vsel vm3, $0x1CB, v1  }
0x2e: {  	v52 =	vor.u32 $0x460, v0;
	v3 =	vsel vm3, $0x1DB, v3;
	v1 =	vsel vm2, $0x24C, v1  }
0x2f: {  	v54 =	vor.u32 $0x470, v0;
	v3 =	vsel vm2, $0x25C, v3;
	v1 =	vsel vm1, $0x2CD, v1  }
0x30: {  	v24 =	vsel vm0, $0x34E, v1;
	v1 =	vsel vm1, $0x2DD, v3;
	v3 =	vsel vm2, $0x26C, v5  }
0x31: {  	v26 =	vor.u32 $0x1000, v2;
	v31 =	vsel vm0, $0x35E, v1;
	v1 =	vsel vm1, $0x2ED, v3  }
0x32: {  	v36 =	vor.u32 $0x1400, v2;
	v37 =	vsel vm0, $0x36E, v1;
	v1 =	vimm.s32 $0x3FF  }
0x33: {  	v38 =	vor.u32 $0x1800, v2;
	v3 =	vimm.s32 $0x78F;
	v1 =	vsel vm14, $0x70, v1  }
0x34: {  	v5 =	vimm.s32 $0x79F;
	v3 =	vsel vm14, $0x400, v3;
	v1 =	vsel vm13, $0xF1, v1  }
0x35: {  	v5 =	vsel vm14, $0x410, v5;
	v3 =	vsel vm13, $0x481, v3;
	v1 =	vsel vm12, $0x172, v1  }
0x36: {  	v5 =	vsel vm13, $0x491, v5;
	v3 =	vsel vm12, $0x502, v3;
	v1 =	vsel vm11, $0x1F3, v1  }
0x37: {  	v5 =	vsel vm12, $0x512, v5;
	v3 =	vsel vm11, $0x583, v3;
	v1 =	vsel vm10, $0x274, v1  }
0x38: {  	v5 =	vsel vm11, $0x593, v5;
	v3 =	vsel vm10, $0x604, v3;
	v1 =	vsel vm9, $0x2F5, v1  }
0x39: {  	v5 =	vsel vm10, $0x614, v5;
	v3 =	vsel vm9, $0x685, v3;
	v1 =	vsel vm8, $0x376, v1  }
0x3a: {  	v5 =	vsel vm9, $0x695, v5;
	v3 =	vsel vm8, $0x706, v3;
	v1 =	vsel vm7, $0x3F7, v1  }
0x3b: {  	v5 =	vsel vm8, $0x716, v5;
	v3 =	vsel vm7, $0x787, v3;
	v1 =	vsel vm6, $0x78, v1  }
0x3c: {  	v5 =	vsel vm7, $0x797, v5;
	v3 =	vsel vm6, $0x408, v3;
	v1 =	vsel vm5, $0xF9, v1  }
0x3d: {  	v5 =	vsel vm6, $0x418, v5;
	v3 =	vsel vm5, $0x489, v3;
	v1 =	vsel vm4, $0x17A, v1  }
0x3e: {  	v5 =	vsel vm5, $0x499, v5;
	v3 =	vsel vm4, $0x50A, v3;
	v1 =	vsel vm3, $0x1FB, v1  }
0x3f: {  	v5 =	vsel vm4, $0x51A, v5;
	v3 =	vsel vm3, $0x58B, v3;
	v1 =	vsel vm2, $0x27C, v1  }
0x40: {  	s0 =	rddreg [dreg:$0x0];
	s3 =	simm.s32 $0x0;
	v5 =	vsel vm3, $0x59B, v5;
	v3 =	vsel vm2, $0x60C, v3;
	v1 =	vsel vm1, $0x2FD, v1  }
0x41: {  	[smem:$0x7FF] =	sst s3;
	v39 =	vsel vm0, $0x37E, v1;
	v1 =	vsel vm1, $0x68D, v3;
	v3 =	vsel vm2, $0x61C, v5  }
0x42: {  	s13 =	rddreg [dreg:$0x1];
	_ =	strace $0x80000047;
	[tilespmem:$0x1FDD0] =	vst v25;
	v40 =	vor.u32 $0x1C00, v2;
	v41 =	vsel vm0, $0x70E, v1;
	v1 =	vsel vm1, $0x69D, v3  }
0x43: {  	[tilespmem:$0x1FDE0] =	vst v27;
	v42 =	vor.u32 $0x2000, v2;
	v43 =	vsel vm0, $0x71E, v1;
	v1 =	vimm.s32 $0x7AF  }
0x44: {  	[tilespmem:$0x1FDF0] =	vst v29;
	v44 =	vor.u32 $0x2400, v2;
	v3 =	vimm.s32 $0x7BF;
	v1 =	vsel vm14, $0x420, v1  }
0x45: {  	[tilespmem:$0x1FE00] =	vst v19;
	v5 =	vimm.s32 $0x7CF;
	v3 =	vsel vm14, $0x430, v3;
	v1 =	vsel vm13, $0x4A1, v1  }
0x46: {  	[tilespmem:$0x1FE10] =	vst v21;
	v5 =	vsel vm14, $0x440, v5;
	v3 =	vsel vm13, $0x4B1, v3;
	v1 =	vsel vm12, $0x522, v1  }
0x47: {  	[tilespmem:$0x1FE20] =	vst v23;
	v5 =	vsel vm13, $0x4C1, v5;
	v3 =	vsel vm12, $0x532, v3;
	v1 =	vsel vm11, $0x5A3, v1  }
0x48: {  	[tilespmem:$0x1FE30] =	vst v48;
	v5 =	vsel vm12, $0x542, v5;
	v3 =	vsel vm11, $0x5B3, v3;
	v1 =	vsel vm10, $0x624, v1  }
0x49: {  	[tilespmem:$0x1FE40] =	vst v49;
	v5 =	vsel vm11, $0x5C3, v5;
	v3 =	vsel vm10, $0x634, v3;
	v1 =	vsel vm9, $0x6A5, v1  }
0x4a: {  	[tilespmem:$0x1FE50] =	vst v50;
	v5 =	vsel vm10, $0x644, v5;
	v3 =	vsel vm9, $0x6B5, v3;
	v1 =	vsel vm8, $0x726, v1  }
0x4b: {  	[tilespmem:$0x1FE60] =	vst v51;
	v5 =	vsel vm9, $0x6C5, v5;
	v3 =	vsel vm8, $0x736, v3;
	v1 =	vsel vm7, $0x7A7, v1  }
0x4c: {  	[tilespmem:$0x1FE70] =	vst v52;
	v5 =	vsel vm8, $0x746, v5;
	v3 =	vsel vm7, $0x7B7, v3;
	v1 =	vsel vm6, $0x428, v1  }
0x4d: {  	[tilespmem:$0x1FE80] =	vst v54;
	v5 =	vsel vm7, $0x7C7, v5;
	v3 =	vsel vm6, $0x438, v3;
	v1 =	vsel vm5, $0x4A9, v1  }
0x4e: {  	[tilespmem:$0x1FE90] =	vst v16;
	v5 =	vsel vm6, $0x448, v5;
	v3 =	vsel vm5, $0x4B9, v3;
	v1 =	vsel vm4, $0x52A, v1  }
0x4f: {  	[tilespmem:$0x1FEE0] =	vst v26;
	v5 =	vsel vm5, $0x4C9, v5;
	v3 =	vsel vm4, $0x53A, v3;
	v1 =	vsel vm3, $0x5AB, v1  }
0x50: {  	[tilespmem:$0x1FF00] =	vst v36;
	v5 =	vsel vm4, $0x54A, v5;
	v3 =	vsel vm3, $0x5BB, v3;
	v1 =	vsel vm2, $0x62C, v1  }
0x51: {  	[tilespmem:$0x1FF20] =	vst v38;
	v5 =	vsel vm3, $0x5CB, v5;
	v3 =	vsel vm2, $0x63C, v3;
	v1 =	vsel vm1, $0x6AD, v1  }
0x52: {  	[tilespmem:$0x1FF40] =	vst v40;
	v45 =	vsel vm0, $0x72E, v1;
	v1 =	vsel vm1, $0x6BD, v3;
	v3 =	vsel vm2, $0x64C, v5  }
0x53: {  	v46 =	vor.u32 $0x2800, v2;
	[tilespmem:$0x1FF60] =	vst v42;
	v47 =	vsel vm0, $0x73E, v1;
	v1 =	vsel vm1, $0x6CD, v3  }
0x54: {  	v60 =	vor.u32 $0x2C00, v2;
	[tilespmem:$0x1FF80] =	vst v44;
	v61 =	vsel vm0, $0x74E, v1;
	v1 =	vimm.s32 $0x7DF  }
0x55: {  	v62 =	vor.u32 $0x3000, v2;
	[tilespmem:$0x1FFA0] =	vst v46;
	v3 =	vimm.s32 $0x7EF;
	v1 =	vsel vm14, $0x450, v1  }
0x56: {  	[tilespmem:$0x1FFC0] =	vst v60;
	v5 =	vimm.s32 $0x7FF;
	v3 =	vsel vm14, $0x460, v3;
	v1 =	vsel vm13, $0x4D1, v1  }
0x57: {  	[tilespmem:$0x1FFE0] =	vst v62;
	v5 =	vsel vm14, $0x470, v5;
	v3 =	vsel vm13, $0x4E1, v3;
	v1 =	vsel vm12, $0x552, v1  }
0x58: {  	[tilespmem:$0x1FEA0] =	vst v18;
	v5 =	vsel vm13, $0x4F1, v5;
	v3 =	vsel vm12, $0x562, v3;
	v1 =	vsel vm11, $0x5D3, v1  }
0x59: {  	s15 =	simm.s32 $0x800;
	[tilespmem:$0x1FEB0] =	vst v20;
	v5 =	vsel vm12, $0x572, v5;
	v3 =	vsel vm11, $0x5E3, v3;
	v1 =	vsel vm10, $0x654, v1  }
0x5a: {  	s2 =	srdreg.scid;
	s1 =	stileid.u32;
	s16 =	simm.s32 $0x7A1400;
	[tilespmem:$0x1FEC0] =	vst v22;
	v5 =	vsel vm11, $0x5F3, v5;
	v3 =	vsel vm10, $0x664, v3;
	v1 =	vsel vm9, $0x6D5, v1  }
0x5b: {  	s17 =	simm.s32 $0x4000;
	s5 =	sand.u32 $0x1, s2;
	s4 =	sshll.u32 s1, $0x1;
	[tilespmem:$0x1FED0] =	vst v24;
	v5 =	vsel vm10, $0x674, v5;
	v3 =	vsel vm9, $0x6E5, v3;
	v1 =	vsel vm8, $0x756, v1  }
0x5c: {  	s18 =	sor.u32 s5, s4;
	s8 =	ssub.s32 $0x2, s5;
	s5 =	sadd.s32 $0xA00, s13;
	[tilespmem:$0x1FEF0] =	vst v31;
	v5 =	vsel vm9, $0x6F5, v5;
	v3 =	vsel vm8, $0x766, v3;
	v1 =	vsel vm7, $0x7D7, v1  }
0x5d: {  	s13 =	sadd.s32 $0x7A1A00, s13;
	[tilespmem:$0x1FF10] =	vst v37;
	v5 =	vsel vm8, $0x776, v5;
	v3 =	vsel vm7, $0x7E7, v3;
	v1 =	vsel vm6, $0x458, v1  }
0x5e: {  	s19 =	simm.s32 $0x10000;
	s4 =	smul.u32 $0x7B, s18;
	[tilespmem:$0x1FF30] =	vst v39;
	v5 =	vsel vm7, $0x7F7, v5;
	v3 =	vsel vm6, $0x468, v3;
	v1 =	vsel vm5, $0x4D9, v1  }
0x5f: {  	s20 =	simm.s32 $0x5;
	s21 =	simm.s32 $0x8000;
	s7 =	smul.u32 $0x3D800, s18;
	[tilespmem:$0x1FF50] =	vst v41;
	v5 =	vsel vm6, $0x478, v5;
	v3 =	vsel vm5, $0x4E9, v3;
	v1 =	vsel vm4, $0x55A, v1  }
0x60: {  	s22 =	simm.s32 $0x0;
	s10 =	smul.u32 $0x7B00, s18;
	p1 =	sne.s32 s18, $0x1F;
	[tilespmem:$0x1FF70] =	vst v43;
	v5 =	vsel vm5, $0x4F9, v5;
	v3 =	vsel vm4, $0x56A, v3;
	v1 =	vsel vm3, $0x5DB, v1  }
0x61: {  	s9 =	sshrl.u32 s8, $0x1;
	s18 =	simm.s32 $0x400;
	s6 =	smin.u32 s4, $0xEC7;
	[tilespmem:$0x1FF90] =	vst v45;
	v5 =	vsel vm4, $0x57A, v5;
	v3 =	vsel vm3, $0x5EB, v3;
	v1 =	vsel vm2, $0x65C, v1  }
.Ltmp0:
0x62: {  	s14 =	ssub.s32 s8, s9;
	s6 =	sadd.s32 $0x7B, s6;
	[tilespmem:$0x1FFB0] =	vst v47;
	v5 =	vsel vm3, $0x5FB, v5;
	v3 =	vsel vm2, $0x66C, v3;
	v1 =	vsel vm1, $0x6DD, v1;
	(pc) =	sbr.rel .LBB2_1-.Ltmp0, $4  }
0x63: {  	s11 =	sshrl.u32 s7, $0x3;
	s8 =	sadd.s32 s0, s10;
	s7 =	ssub.s32 s6, s4;
	[tilespmem:$0x1FFD0] =	vst v61;
	v63 =	vsel vm0, $0x75E, v1;
	v1 =	vsel vm1, $0x6ED, v3;
	v3 =	vsel vm2, $0x67C, v5  }
0x64: {  	s14 =	smax.u32 s14, $0x1;
	s30 =	sadd.s32 s0, s11;
	s31 =	sand.u32 $0x1, s7;
	v6 =	vor.u32 $0x800, v2;
	v15 =	vsel vm0, $0x76E, v1;
	v1 =	vsel vm1, $0x6FD, v3;
	[tilespmem:$0x1FFF0] =	vst v63  }
0x65: {  	s9 =	sadd.s32 $0x100, s30;
	p0 =	slt.s32 s7, $0x1;
	s12 =	sxor.u32 $0x1, s31;
	v8 =	vor.u32 $0xC00, v2;
	v28 =	vor.u32 $0x3400, v2;
	v17 =	vsel vm0, $0x77E, v1;
	[tilespmem:$0x1FDB0] =	vst v15  }
0x66: {  	s10 =	sadd.s32 $0x3, s31;
	s11 =	sadd.s32 $0x3, s12;
	s12 =	sadd.s32 $0xF4200, s0;
	v30 =	vor.u32 $0x3800, v2;
	v32 =	vor.u32 $0x3C00, v2;
	v4 =	vor.u32 $0x400, v2;
	[tilespmem:$0x1FDC0] =	vst v17  }
.LBB2_9:
0x67: {  	s22 =	sadd.s32 $0x1, s22  }
0x68: {  	p2 =	sne.s32 s22, s14  }
.Ltmp1:
0x69: {  	_ = 	snop;
	(pc) =	sbr.rel @!p2 .LBB2_10-.Ltmp1, $1  }
0x6a: {  	_ =	sdelay $0x3  }
.LBB2_1:
.Ltmp2:
0x6b: {  	(pc) =	sbr.rel @p0 .LBB2_5-.Ltmp2, $4  }
0x6c: {  	_ = 	snop  }
0x6d: {  	[tilespmem:s3], [sflag:$0x1] =	stream.strided.gather [hbm4b:s8+s15], $0x4000, s16, s15, $0x38;
	[tilespmem:$0x12000] =	vst v63  }
0x6e: {  	s23 =	simm.s32 $0x0  }
0x6f: {  	[tilespmem:s17], [sflag:$0x2] =	stream.strided.gather [hbm4b:s9+s15], $0x4000, s16, s15, $0x38;
	[tilespmem:$0x12000] =	vst v63  }
.LBB2_2:
0x70: {  	s24 =	sand.u32 $0x1, s23  }
0x71: {  	s25 =	sadd.s32 $0x1, s24  }
0x72: {  	_ =	swait.ge [sflag:s25], $0x4000  }
0x73: {  	p2 =	slt.u32 s23, $0x2;
	[sflag:s25] =	ssyncset.done $0x0  }
0x74: {  	s28 =	sadd.s32 @!p2 $0x3, s24;
	[sflag:s25] =	ssyncadd.s32 $0xFFFFC000  }
0x75: {  	_ =	swait.ge @!p2 [sflag:s28], $0x4000  }
0x76: {  	s26 =	sadd.s32 s4, s23;
	s29 =	sshll.u32 s24, $0xE;
	[sflag:s28] =	ssyncset.done @!p2 $0x0  }
0x77: {  	s30 =	simm.s32 $0x0;
	[sflag:s28] =	ssyncadd.s32 @!p2 $0xFFFFC000;
	s28 =	sor.u32 $0x8000, s29  }
.LBB2_3:
0x78: {  	s31 =	sadd.s32 $0x1, s30;
	v1 =	vadd.s32 s30, v0  }
0x79: {  	v3 =	vadd.s32 s31, v0;
	v5 =	vshll.u32 v1, $0x8  }
0x7a: {  	v7 =	vshll.u32 v3, $0x8;
	v9 =	vshll.u32 v3, $0x7;
	v5 =	vand.u32 $0x3800, v5  }
0x7b: {  	v7 =	vand.u32 $0x3800, v7;
	v9 =	vand.u32 $0x380, v9;
	v10 =	vor.u32 v16, v5  }
0x7c: {  	v7 =	vor.u32 v9, v7  }
0x7d: {  	v9 =	vor.u32 v0, v7;
	_ =	sdelay $0x1  }
0x7e: {  	v1 =	vand.u32 $0x3F, v1  }
0x7f: {  	v11 =	vor.u32 v2, v1;
	v10 =	vld.idx.msk [tilespmem:v10+s29+$0x0], $0xffff  }
0x80: {  	v3 =	vand.u32 $0x3F, v3;
	v12 =	vor.u32 v18, v5  }
0x81: {  	v13 =	vor.u32 v2, v3;
	v9 =	vld.idx.msk [tilespmem:v9+s29+$0x0], $0xffff  }
0x82: {  	v14 =	vor.u32 v33, v7;
	_ =	sdelay $0x1  }
0x83: {  	[tilespmem:v11+s28+$0x0] =	vst.idx.msk $0xffff, v10  }
0x84: {  	v11 =	vor.u32 v4, v1;
	v10 =	vld.idx.msk [tilespmem:v12+s29+$0x0], $0xffff  }
0x85: {  	[tilespmem:v13+s28+$0x0] =	vst.idx.msk $0xffff, v9;
	v9 =	vor.u32 v20, v5  }
0x86: {  	v13 =	vor.u32 v4, v3;
	v12 =	vld.idx.msk [tilespmem:v14+s29+$0x0], $0xffff  }
0x87: {  	v14 =	vor.u32 v34, v7;
	_ =	sdelay $0x1  }
0x88: {  	[tilespmem:v11+s28+$0x0] =	vst.idx.msk $0xffff, v10  }
0x89: {  	v10 =	vor.u32 v6, v1;
	v9 =	vld.idx.msk [tilespmem:v9+s29+$0x0], $0xffff  }
0x8a: {  	v11 =	vor.u32 v22, v5;
	[tilespmem:v13+s28+$0x0] =	vst.idx.msk $0xffff, v12  }
0x8b: {  	v13 =	vor.u32 v6, v3;
	v12 =	vld.idx.msk [tilespmem:v14+s29+$0x0], $0xffff  }
0x8c: {  	v14 =	vor.u32 v35, v7;
	_ =	sdelay $0x1  }
0x8d: {  	[tilespmem:v10+s28+$0x0] =	vst.idx.msk $0xffff, v9  }
0x8e: {  	v10 =	vor.u32 v8, v1;
	v9 =	vld.idx.msk [tilespmem:v11+s29+$0x0], $0xffff  }
0x8f: {  	v11 =	vor.u32 v24, v5;
	[tilespmem:v13+s28+$0x0] =	vst.idx.msk $0xffff, v12  }
0x90: {  	v13 =	vor.u32 v8, v3;
	v12 =	vld.idx.msk [tilespmem:v14+s29+$0x0], $0xffff  }
0x91: {  	v14 =	vor.u32 v25, v7;
	_ =	sdelay $0x1  }
0x92: {  	[tilespmem:v10+s28+$0x0] =	vst.idx.msk $0xffff, v9  }
0x93: {  	v10 =	vor.u32 v26, v1;
	v9 =	vld.idx.msk [tilespmem:v11+s29+$0x0], $0xffff  }
0x94: {  	v11 =	vor.u32 v31, v5;
	[tilespmem:v13+s28+$0x0] =	vst.idx.msk $0xffff, v12  }
0x95: {  	v13 =	vor.u32 v26, v3;
	v12 =	vld.idx.msk [tilespmem:v14+s29+$0x0], $0xffff  }
0x96: {  	v14 =	vor.u32 v27, v7;
	_ =	sdelay $0x1  }
0x97: {  	[tilespmem:v10+s28+$0x0] =	vst.idx.msk $0xffff, v9  }
0x98: {  	v10 =	vor.u32 v36, v1;
	v9 =	vld.idx.msk [tilespmem:v11+s29+$0x0], $0xffff  }
0x99: {  	v11 =	vor.u32 v37, v5;
	[tilespmem:v13+s28+$0x0] =	vst.idx.msk $0xffff, v12  }
0x9a: {  	v13 =	vor.u32 v36, v3;
	v12 =	vld.idx.msk [tilespmem:v14+s29+$0x0], $0xffff  }
0x9b: {  	v14 =	vor.u32 v29, v7;
	_ =	sdelay $0x1  }
0x9c: {  	[tilespmem:v10+s28+$0x0] =	vst.idx.msk $0xffff, v9  }
0x9d: {  	v10 =	vor.u32 v38, v1;
	v9 =	vld.idx.msk [tilespmem:v11+s29+$0x0], $0xffff  }
0x9e: {  	v11 =	vor.u32 v39, v5;
	[tilespmem:v13+s28+$0x0] =	vst.idx.msk $0xffff, v12  }
0x9f: {  	v13 =	vor.u32 v38, v3;
	v12 =	vld.idx.msk [tilespmem:v14+s29+$0x0], $0xffff  }
0xa0: {  	v14 =	vor.u32 v19, v7;
	_ =	sdelay $0x1  }
0xa1: {  	[tilespmem:v10+s28+$0x0] =	vst.idx.msk $0xffff, v9  }
0xa2: {  	v10 =	vor.u32 v40, v1;
	v9 =	vld.idx.msk [tilespmem:v11+s29+$0x0], $0xffff  }
0xa3: {  	v11 =	vor.u32 v41, v5;
	[tilespmem:v13+s28+$0x0] =	vst.idx.msk $0xffff, v12  }
0xa4: {  	v13 =	vor.u32 v40, v3;
	v12 =	vld.idx.msk [tilespmem:v14+s29+$0x0], $0xffff  }
0xa5: {  	v14 =	vor.u32 v21, v7;
	_ =	sdelay $0x1  }
0xa6: {  	[tilespmem:v10+s28+$0x0] =	vst.idx.msk $0xffff, v9  }
0xa7: {  	v10 =	vor.u32 v42, v1;
	v9 =	vld.idx.msk [tilespmem:v11+s29+$0x0], $0xffff  }
0xa8: {  	v11 =	vor.u32 v43, v5;
	[tilespmem:v13+s28+$0x0] =	vst.idx.msk $0xffff, v12  }
0xa9: {  	v13 =	vor.u32 v42, v3;
	v12 =	vld.idx.msk [tilespmem:v14+s29+$0x0], $0xffff  }
0xaa: {  	v14 =	vor.u32 v23, v7;
	_ =	sdelay $0x1  }
0xab: {  	[tilespmem:v10+s28+$0x0] =	vst.idx.msk $0xffff, v9  }
0xac: {  	v10 =	vor.u32 v44, v1;
	v9 =	vld.idx.msk [tilespmem:v11+s29+$0x0], $0xffff  }
0xad: {  	v11 =	vor.u32 v45, v5;
	[tilespmem:v13+s28+$0x0] =	vst.idx.msk $0xffff, v12  }
0xae: {  	v13 =	vor.u32 v44, v3;
	v12 =	vld.idx.msk [tilespmem:v14+s29+$0x0], $0xffff  }
0xaf: {  	v14 =	vor.u32 v48, v7;
	_ =	sdelay $0x1  }
0xb0: {  	[tilespmem:v10+s28+$0x0] =	vst.idx.msk $0xffff, v9  }
0xb1: {  	v10 =	vor.u32 v46, v1;
	v9 =	vld.idx.msk [tilespmem:v11+s29+$0x0], $0xffff  }
0xb2: {  	v11 =	vor.u32 v47, v5;
	[tilespmem:v13+s28+$0x0] =	vst.idx.msk $0xffff, v12  }
0xb3: {  	v13 =	vor.u32 v46, v3;
	v12 =	vld.idx.msk [tilespmem:v14+s29+$0x0], $0xffff  }
0xb4: {  	v14 =	vor.u32 v49, v7;
	_ =	sdelay $0x1  }
0xb5: {  	[tilespmem:v10+s28+$0x0] =	vst.idx.msk $0xffff, v9  }
0xb6: {  	v10 =	vor.u32 v60, v1;
	v9 =	vld.idx.msk [tilespmem:v11+s29+$0x0], $0xffff  }
0xb7: {  	v11 =	vor.u32 v61, v5;
	[tilespmem:v13+s28+$0x0] =	vst.idx.msk $0xffff, v12  }
0xb8: {  	v13 =	vor.u32 v60, v3;
	v12 =	vld.idx.msk [tilespmem:v14+s29+$0x0], $0xffff  }
0xb9: {  	v14 =	vor.u32 v50, v7;
	_ =	sdelay $0x1  }
0xba: {  	[tilespmem:v10+s28+$0x0] =	vst.idx.msk $0xffff, v9  }
0xbb: {  	v10 =	vor.u32 v62, v1;
	v9 =	vld.idx.msk [tilespmem:v11+s29+$0x0], $0xffff  }
0xbc: {  	v11 =	vor.u32 v63, v5;
	[tilespmem:v13+s28+$0x0] =	vst.idx.msk $0xffff, v12  }
0xbd: {  	v13 =	vor.u32 v62, v3;
	v12 =	vld.idx.msk [tilespmem:v14+s29+$0x0], $0xffff  }
0xbe: {  	v14 =	vor.u32 v51, v7;
	_ =	sdelay $0x1  }
0xbf: {  	[tilespmem:v10+s28+$0x0] =	vst.idx.msk $0xffff, v9  }
0xc0: {  	v10 =	vor.u32 v28, v1;
	v9 =	vld.idx.msk [tilespmem:v11+s29+$0x0], $0xffff  }
0xc1: {  	v11 =	vor.u32 v15, v5;
	[tilespmem:v13+s28+$0x0] =	vst.idx.msk $0xffff, v12  }
0xc2: {  	s2 =	sadd.s32 $0x2, s30;
	v13 =	vor.u32 v28, v3;
	v12 =	vld.idx.msk [tilespmem:v14+s29+$0x0], $0xffff  }
0xc3: {  	v19 =	vadd.s32 s2, v0;
	v14 =	vor.u32 v52, v7  }
0xc4: {  	v15 =	vor.u32 v30, v1;
	v5 =	vor.u32 v17, v5;
	v1 =	vor.u32 v32, v1  }
0xc5: {  	v17 =	vor.u32 v30, v3;
	[tilespmem:v10+s28+$0x0] =	vst.idx.msk $0xffff, v9;
	v9 =	vshll.u32 v19, $0x8;
	v10 =	vshll.u32 v19, $0x7  }
0xc6: {  	s2 =	sadd.s32 $0x3, s30;
	v3 =	vor.u32 v32, v3;
	v11 =	vld.idx.msk [tilespmem:v11+s29+$0x0], $0xffff;
	v9 =	vand.u32 $0x3800, v9;
	v10 =	vand.u32 $0x380, v10  }
0xc7: {  	v7 =	vor.u32 v54, v7;
	[tilespmem:v13+s28+$0x0] =	vst.idx.msk $0xffff, v12;
	v12 =	vadd.s32 s2, v0;
	v48 =	vor.u32 v10, v9;
	s2 =	sadd.s32 $0x4, s30  }
0xc8: {  	v13 =	vld.idx.msk [tilespmem:v14+s29+$0x0], $0xffff;
	v9 =	vshll.u32 v12, $0x8;
	v10 =	vshll.u32 v12, $0x7;
	v14 =	vadd.s32 s2, v0  }
0xc9: {  	v21 =	vor.u32 v0, v48;
	s2 =	sadd.s32 $0x5, s30;
	v9 =	vand.u32 $0x3800, v9;
	v10 =	vand.u32 $0x380, v10  }
0xca: {  	v23 =	vadd.s32 s2, v0;
	v49 =	vor.u32 v10, v9;
	v9 =	vshll.u32 v14, $0x8  }
0xcb: {  	v25 =	vshll.u32 v23, $0x7;
	v10 =	vor.u32 v0, v49;
	[tilespmem:v15+s28+$0x0] =	vst.idx.msk $0xffff, v11;
	v11 =	vshll.u32 v14, $0x7  }
0xcc: {  	v9 =	vand.u32 $0x3800, v9;
	v15 =	vshll.u32 v23, $0x8;
	v11 =	vand.u32 $0x380, v11  }
0xcd: {  	s2 =	sadd.s32 $0x6, s30;
	v5 =	vld.idx.msk [tilespmem:v5+s29+$0x0], $0xffff;
	[tilespmem:v17+s28+$0x0] =	vst.idx.msk $0xffff, v13;
	v13 =	vand.u32 $0x3800, v15;
	v15 =	vand.u32 $0x380, v25;
	v51 =	vor.u32 v11, v9  }
0xce: {  	v9 =	vadd.s32 s2, v0;
	s2 =	sadd.s32 $0x7, s30;
	v7 =	vld.idx.msk [tilespmem:v7+s29+$0x0], $0xffff;
	v50 =	vor.u32 v15, v13;
	v11 =	vor.u32 v0, v51  }
0xcf: {  	v15 =	vshll.u32 v9, $0x8;
	v17 =	vshll.u32 v9, $0x7;
	v25 =	vadd.s32 s2, v0  }
0xd0: {  	v13 =	vor.u32 v0, v50;
	v15 =	vand.u32 $0x3800, v15;
	v17 =	vand.u32 $0x380, v17  }
0xd1: {  	v27 =	vshll.u32 v25, $0x8;
	v29 =	vshll.u32 v25, $0x7;
	v59 =	vand.u32 $0x3F, v25;
	v25 =	vld [tilespmem:$0x1FDD0]  }
0xd2: {  	v54 =	vor.u32 v17, v15;
	v10 =	vld.idx.msk [tilespmem:v10+s29+$0x0], $0xffff;
	[tilespmem:v1+s28+$0x0] =	vst.idx.msk $0xffff, v5;
	v1 =	vand.u32 $0x3800, v27;
	v5 =	vand.u32 $0x380, v29  }
0xd3: {  	v52 =	vand.u32 $0x3F, v19;
	v27 =	vld [tilespmem:$0x1FDE0];
	v55 =	vor.u32 v5, v1;
	[tilespmem:v3+s28+$0x0] =	vst.idx.msk $0xffff, v7;
	v3 =	vor.u32 v0, v54  }
0xd4: {  	v53 =	vand.u32 $0x3F, v12;
	v1 =	vld.idx.msk [tilespmem:v21+s29+$0x0], $0xffff;
	v5 =	vor.u32 v2, v52;
	v7 =	vor.u32 v0, v55  }
0xd5: {  	v12 =	vor.u32 v33, v48;
	v56 =	vand.u32 $0x3F, v14;
	v15 =	vor.u32 v2, v53;
	v29 =	vld [tilespmem:$0x1FDF0]  }
0xd6: {  	v57 =	vand.u32 $0x3F, v23;
	v14 =	vor.u32 v33, v49;
	v17 =	vor.u32 v2, v56;
	v11 =	vld.idx.msk [tilespmem:v11+s29+$0x0], $0xffff  }
0xd7: {  	v19 =	vor.u32 v33, v51;
	v58 =	vand.u32 $0x3F, v9;
	v21 =	vor.u32 v2, v57;
	v13 =	vld.idx.msk [tilespmem:v13+s29+$0x0], $0xffff  }
0xd8: {  	v9 =	vor.u32 v33, v50;
	v23 =	vor.u32 v2, v58;
	v3 =	vld.idx.msk [tilespmem:v3+s29+$0x0], $0xffff  }
0xd9: {  	[tilespmem:v5+s28+$0x0] =	vst.idx.msk $0xffff, v1;
	v1 =	vor.u32 v33, v54;
	v5 =	vld.idx.msk [tilespmem:v7+s29+$0x0], $0xffff;
	v7 =	vor.u32 v2, v59  }
0xda: {  	[tilespmem:v15+s28+$0x0] =	vst.idx.msk $0xffff, v10;
	v10 =	vor.u32 v4, v52;
	v15 =	vor.u32 v33, v55;
	v12 =	vld.idx.msk [tilespmem:v12+s29+$0x0], $0xffff  }
0xdb: {  	v14 =	vld.idx.msk [tilespmem:v14+s29+$0x0], $0xffff;
	[tilespmem:v17+s28+$0x0] =	vst.idx.msk $0xffff, v11;
	v11 =	vor.u32 v34, v48;
	v17 =	vor.u32 v4, v53  }
0xdc: {  	[tilespmem:v21+s28+$0x0] =	vst.idx.msk $0xffff, v13;
	v13 =	vor.u32 v34, v49;
	v19 =	vld.idx.msk [tilespmem:v19+s29+$0x0], $0xffff;
	v21 =	vor.u32 v4, v56  }
0xdd: {  	v9 =	vld.idx.msk [tilespmem:v9+s29+$0x0], $0xffff;
	[tilespmem:v23+s28+$0x0] =	vst.idx.msk $0xffff, v3;
	v3 =	vor.u32 v34, v51;
	v23 =	vor.u32 v4, v57  }
0xde: {  	[tilespmem:v7+s28+$0x0] =	vst.idx.msk $0xffff, v5;
	v5 =	vor.u32 v34, v50;
	v7 =	vor.u32 v4, v58;
	v1 =	vld.idx.msk [tilespmem:v1+s29+$0x0], $0xffff  }
0xdf: {  	[tilespmem:v10+s28+$0x0] =	vst.idx.msk $0xffff, v12;
	v10 =	vor.u32 v34, v54;
	v12 =	vld.idx.msk [tilespmem:v15+s29+$0x0], $0xffff;
	v15 =	vor.u32 v4, v59  }
0xe0: {  	[tilespmem:v17+s28+$0x0] =	vst.idx.msk $0xffff, v14;
	v14 =	vor.u32 v6, v52;
	v17 =	vor.u32 v34, v55;
	v11 =	vld.idx.msk [tilespmem:v11+s29+$0x0], $0xffff  }
0xe1: {  	[tilespmem:v21+s28+$0x0] =	vst.idx.msk $0xffff, v19;
	v19 =	vor.u32 v35, v48;
	v13 =	vld.idx.msk [tilespmem:v13+s29+$0x0], $0xffff;
	v21 =	vor.u32 v6, v53  }
0xe2: {  	[tilespmem:v23+s28+$0x0] =	vst.idx.msk $0xffff, v9;
	v9 =	vor.u32 v35, v49;
	v3 =	vld.idx.msk [tilespmem:v3+s29+$0x0], $0xffff;
	v23 =	vor.u32 v6, v56  }
0xe3: {  	[tilespmem:v7+s28+$0x0] =	vst.idx.msk $0xffff, v1;
	v1 =	vor.u32 v35, v51;
	v5 =	vld.idx.msk [tilespmem:v5+s29+$0x0], $0xffff;
	v7 =	vor.u32 v6, v57  }
0xe4: {  	[tilespmem:v15+s28+$0x0] =	vst.idx.msk $0xffff, v12;
	v12 =	vor.u32 v35, v50;
	v15 =	vor.u32 v6, v58;
	v10 =	vld.idx.msk [tilespmem:v10+s29+$0x0], $0xffff  }
0xe5: {  	[tilespmem:v14+s28+$0x0] =	vst.idx.msk $0xffff, v11;
	v11 =	vor.u32 v35, v54;
	v14 =	vld.idx.msk [tilespmem:v17+s29+$0x0], $0xffff;
	v17 =	vor.u32 v6, v59  }
0xe6: {  	[tilespmem:v21+s28+$0x0] =	vst.idx.msk $0xffff, v13;
	v13 =	vor.u32 v8, v52;
	v21 =	vor.u32 v35, v55;
	v19 =	vld.idx.msk [tilespmem:v19+s29+$0x0], $0xffff  }
0xe7: {  	[tilespmem:v23+s28+$0x0] =	vst.idx.msk $0xffff, v3;
	v3 =	vor.u32 v25, v48;
	v9 =	vld.idx.msk [tilespmem:v9+s29+$0x0], $0xffff;
	v23 =	vor.u32 v8, v53  }
0xe8: {  	[tilespmem:v7+s28+$0x0] =	vst.idx.msk $0xffff, v5;
	v5 =	vor.u32 v25, v49;
	v1 =	vld.idx.msk [tilespmem:v1+s29+$0x0], $0xffff;
	v7 =	vor.u32 v8, v56  }
0xe9: {  	[tilespmem:v15+s28+$0x0] =	vst.idx.msk $0xffff, v10;
	v10 =	vor.u32 v25, v51;
	v12 =	vld.idx.msk [tilespmem:v12+s29+$0x0], $0xffff;
	v15 =	vor.u32 v8, v57  }
0xea: {  	[tilespmem:v17+s28+$0x0] =	vst.idx.msk $0xffff, v14;
	v14 =	vor.u32 v25, v50;
	v17 =	vor.u32 v8, v58;
	v11 =	vld.idx.msk [tilespmem:v11+s29+$0x0], $0xffff  }
0xeb: {  	[tilespmem:v13+s28+$0x0] =	vst.idx.msk $0xffff, v19;
	v13 =	vor.u32 v25, v54;
	v19 =	vld.idx.msk [tilespmem:v21+s29+$0x0], $0xffff;
	v21 =	vor.u32 v8, v59  }
0xec: {  	v3 =	vld.idx.msk [tilespmem:v3+s29+$0x0], $0xffff;
	[tilespmem:v23+s28+$0x0] =	vst.idx.msk $0xffff, v9;
	v9 =	vor.u32 v26, v52;
	v23 =	vor.u32 v25, v55  }
0xed: {  	[tilespmem:v7+s28+$0x0] =	vst.idx.msk $0xffff, v1;
	v1 =	vor.u32 v27, v48;
	v5 =	vld.idx.msk [tilespmem:v5+s29+$0x0], $0xffff;
	v7 =	vor.u32 v26, v53  }
0xee: {  	[tilespmem:v15+s28+$0x0] =	vst.idx.msk $0xffff, v12;
	v12 =	vor.u32 v27, v49;
	v10 =	vld.idx.msk [tilespmem:v10+s29+$0x0], $0xffff;
	v15 =	vor.u32 v26, v56  }
0xef: {  	[tilespmem:v17+s28+$0x0] =	vst.idx.msk $0xffff, v11;
	v11 =	vor.u32 v27, v51;
	v14 =	vld.idx.msk [tilespmem:v14+s29+$0x0], $0xffff;
	v17 =	vor.u32 v26, v57  }
0xf0: {  	[tilespmem:v21+s28+$0x0] =	vst.idx.msk $0xffff, v19;
	v19 =	vor.u32 v27, v50;
	v21 =	vor.u32 v26, v58;
	v13 =	vld.idx.msk [tilespmem:v13+s29+$0x0], $0xffff  }
0xf1: {  	[tilespmem:v9+s28+$0x0] =	vst.idx.msk $0xffff, v3;
	v3 =	vor.u32 v27, v54;
	v9 =	vld.idx.msk [tilespmem:v23+s29+$0x0], $0xffff;
	v23 =	vor.u32 v26, v59  }
0xf2: {  	v1 =	vld.idx.msk [tilespmem:v1+s29+$0x0], $0xffff;
	[tilespmem:v7+s28+$0x0] =	vst.idx.msk $0xffff, v5;
	v5 =	vor.u32 v36, v52;
	v7 =	vor.u32 v27, v55  }
0xf3: {  	[tilespmem:v15+s28+$0x0] =	vst.idx.msk $0xffff, v10;
	v10 =	vor.u32 v29, v48;
	v12 =	vld.idx.msk [tilespmem:v12+s29+$0x0], $0xffff;
	v15 =	vor.u32 v36, v53  }
0xf4: {  	[tilespmem:v17+s28+$0x0] =	vst.idx.msk $0xffff, v14;
	v11 =	vld.idx.msk [tilespmem:v11+s29+$0x0], $0xffff;
	v17 =	vor.u32 v36, v56  }
0xf5: {  	v14 =	vor.u32 v29, v49;
	[tilespmem:v21+s28+$0x0] =	vst.idx.msk $0xffff, v13;
	v19 =	vld.idx.msk [tilespmem:v19+s29+$0x0], $0xffff  }
0xf6: {  	v21 =	vor.u32 v36, v57;
	[tilespmem:v23+s28+$0x0] =	vst.idx.msk $0xffff, v9;
	v3 =	vld.idx.msk [tilespmem:v3+s29+$0x0], $0xffff  }
0xf7: {  	v13 =	vor.u32 v29, v51;
	[tilespmem:v5+s28+$0x0] =	vst.idx.msk $0xffff, v1;
	v5 =	vld.idx.msk [tilespmem:v7+s29+$0x0], $0xffff  }
0xf8: {  	v23 =	vor.u32 v36, v58;
	v10 =	vld.idx.msk [tilespmem:v10+s29+$0x0], $0xffff;
	[tilespmem:v15+s28+$0x0] =	vst.idx.msk $0xffff, v12  }
0xf9: {  	v9 =	vor.u32 v29, v50;
	[tilespmem:v17+s28+$0x0] =	vst.idx.msk $0xffff, v11;
	v11 =	vld [tilespmem:$0x1FE00]  }
0xfa: {  	v7 =	vor.u32 v36, v59;
	v14 =	vld.idx.msk [tilespmem:v14+s29+$0x0], $0xffff  }
0xfb: {  	v1 =	vor.u32 v29, v54;
	[tilespmem:v21+s28+$0x0] =	vst.idx.msk $0xffff, v19;
	v19 =	vld [tilespmem:$0x1FE00]  }
0xfc: {  	v12 =	vor.u32 v38, v52;
	v13 =	vld.idx.msk [tilespmem:v13+s29+$0x0], $0xffff  }
0xfd: {  	v15 =	vor.u32 v29, v55;
	[tilespmem:v23+s28+$0x0] =	vst.idx.msk $0xffff, v3;
	v3 =	vld [tilespmem:$0x1FE00]  }
0xfe: {  	v17 =	vor.u32 v38, v53;
	v9 =	vld.idx.msk [tilespmem:v9+s29+$0x0], $0xffff  }
0xff: {  	v21 =	vor.u32 v38, v56;
	[tilespmem:v7+s28+$0x0] =	vst.idx.msk $0xffff, v5;
	v5 =	vld [tilespmem:$0x1FE00]  }
0x100: {  	v23 =	vor.u32 v38, v57;
	v1 =	vld.idx.msk [tilespmem:v1+s29+$0x0], $0xffff  }
0x101: {  	v7 =	vor.u32 v38, v58;
	[tilespmem:v12+s28+$0x0] =	vst.idx.msk $0xffff, v10;
	v10 =	vld [tilespmem:$0x1FE00]  }
0x102: {  	v12 =	vld.idx.msk [tilespmem:v15+s29+$0x0], $0xffff;
	v15 =	vor.u32 v38, v59  }
0x103: {  	v11 =	vor.u32 v11, v48;
	[tilespmem:v17+s28+$0x0] =	vst.idx.msk $0xffff, v14;
	v17 =	vld [tilespmem:$0x1FE00]  }
0x104: {  	v19 =	vor.u32 v19, v49;
	[tilespmem:v21+s28+$0x0] =	vst.idx.msk $0xffff, v13;
	v13 =	vld [tilespmem:$0x1FE10]  }
0x105: {  	v3 =	vor.u32 v3, v51;
	[tilespmem:v23+s28+$0x0] =	vst.idx.msk $0xffff, v9;
	v9 =	vld [tilespmem:$0x1FE10]  }
0x106: {  	v5 =	vor.u32 v5, v50;
	[tilespmem:v7+s28+$0x0] =	vst.idx.msk $0xffff, v1;
	v1 =	vld [tilespmem:$0x1FE10]  }
0x107: {  	v10 =	vor.u32 v10, v54;
	[tilespmem:v15+s28+$0x0] =	vst.idx.msk $0xffff, v12;
	v12 =	vld [tilespmem:$0x1FE10]  }
0x108: {  	v14 =	vor.u32 v40, v52;
	v11 =	vld.idx.msk [tilespmem:v11+s29+$0x0], $0xffff  }
0x109: {  	v17 =	vor.u32 v17, v55;
	v19 =	vld.idx.msk [tilespmem:v19+s29+$0x0], $0xffff  }
0x10a: {  	v13 =	vor.u32 v13, v48;
	v3 =	vld.idx.msk [tilespmem:v3+s29+$0x0], $0xffff  }
0x10b: {  	v21 =	vor.u32 v40, v53;
	v5 =	vld.idx.msk [tilespmem:v5+s29+$0x0], $0xffff  }
0x10c: {  	v23 =	vor.u32 v40, v56;
	v10 =	vld.idx.msk [tilespmem:v10+s29+$0x0], $0xffff  }
0x10d: {  	v9 =	vor.u32 v9, v49;
	[tilespmem:v14+s28+$0x0] =	vst.idx.msk $0xffff, v11;
	v11 =	vld [tilespmem:$0x1FE10]  }
0x10e: {  	v7 =	vor.u32 v40, v57;
	v14 =	vld.idx.msk [tilespmem:v17+s29+$0x0], $0xffff  }
0x10f: {  	v1 =	vor.u32 v1, v51;
	v13 =	vld.idx.msk [tilespmem:v13+s29+$0x0], $0xffff  }
0x110: {  	v15 =	vor.u32 v40, v58;
	[tilespmem:v21+s28+$0x0] =	vst.idx.msk $0xffff, v19;
	v21 =	vld [tilespmem:$0x1FE10]  }
0x111: {  	v12 =	vor.u32 v12, v50;
	[tilespmem:v23+s28+$0x0] =	vst.idx.msk $0xffff, v3;
	v3 =	vld [tilespmem:$0x1FE20]  }
0x112: {  	v17 =	vor.u32 v40, v59;
	v9 =	vld.idx.msk [tilespmem:v9+s29+$0x0], $0xffff  }
0x113: {  	v19 =	vor.u32 v42, v52;
	[tilespmem:v7+s28+$0x0] =	vst.idx.msk $0xffff, v5;
	v5 =	vld [tilespmem:$0x1FE20]  }
0x114: {  	v23 =	vor.u32 v42, v53;
	v1 =	vld.idx.msk [tilespmem:v1+s29+$0x0], $0xffff  }
0x115: {  	v7 =	vor.u32 v42, v56;
	[tilespmem:v15+s28+$0x0] =	vst.idx.msk $0xffff, v10;
	v10 =	vld [tilespmem:$0x1FE20]  }
0x116: {  	v12 =	vld.idx.msk [tilespmem:v12+s29+$0x0], $0xffff;
	v15 =	vor.u32 v42, v57  }
0x117: {  	v11 =	vor.u32 v11, v54;
	[tilespmem:v17+s28+$0x0] =	vst.idx.msk $0xffff, v14;
	v14 =	vld [tilespmem:$0x1FE20]  }
0x118: {  	v21 =	vor.u32 v21, v55;
	[tilespmem:v19+s28+$0x0] =	vst.idx.msk $0xffff, v13;
	v13 =	vld [tilespmem:$0x1FE20]  }
0x119: {  	v3 =	vor.u32 v3, v48;
	[tilespmem:v23+s28+$0x0] =	vst.idx.msk $0xffff, v9;
	v23 =	vld [tilespmem:$0x1FE20]  }
0x11a: {  	v5 =	vor.u32 v5, v49;
	[tilespmem:v7+s28+$0x0] =	vst.idx.msk $0xffff, v1;
	v1 =	vld [tilespmem:$0x1FE30]  }
0x11b: {  	v10 =	vor.u32 v10, v51;
	[tilespmem:v15+s28+$0x0] =	vst.idx.msk $0xffff, v12;
	v12 =	vld [tilespmem:$0x1FE30]  }
0x11c: {  	v17 =	vor.u32 v42, v58;
	v11 =	vld.idx.msk [tilespmem:v11+s29+$0x0], $0xffff  }
0x11d: {  	v14 =	vor.u32 v14, v50;
	v19 =	vld.idx.msk [tilespmem:v21+s29+$0x0], $0xffff  }
0x11e: {  	v21 =	vor.u32 v42, v59;
	v3 =	vld.idx.msk [tilespmem:v3+s29+$0x0], $0xffff  }
0x11f: {  	v13 =	vor.u32 v13, v54;
	v5 =	vld.idx.msk [tilespmem:v5+s29+$0x0], $0xffff  }
0x120: {  	v9 =	vor.u32 v44, v52;
	v10 =	vld.idx.msk [tilespmem:v10+s29+$0x0], $0xffff  }
0x121: {  	v23 =	vor.u32 v23, v55;
	[tilespmem:v17+s28+$0x0] =	vst.idx.msk $0xffff, v11;
	v11 =	vld [tilespmem:$0x1FE30]  }
0x122: {  	v1 =	vor.u32 v1, v48;
	v14 =	vld.idx.msk [tilespmem:v14+s29+$0x0], $0xffff  }
0x123: {  	v7 =	vor.u32 v44, v53;
	[tilespmem:v21+s28+$0x0] =	vst.idx.msk $0xffff, v19;
	v19 =	vld [tilespmem:$0x1FE30]  }
0x124: {  	v15 =	vor.u32 v44, v56;
	v13 =	vld.idx.msk [tilespmem:v13+s29+$0x0], $0xffff  }
0x125: {  	v12 =	vor.u32 v12, v49;
	[tilespmem:v9+s28+$0x0] =	vst.idx.msk $0xffff, v3;
	v3 =	vld [tilespmem:$0x1FE30]  }
0x126: {  	v17 =	vor.u32 v44, v57;
	v9 =	vld.idx.msk [tilespmem:v23+s29+$0x0], $0xffff  }
0x127: {  	v21 =	vor.u32 v44, v58;
	v1 =	vld.idx.msk [tilespmem:v1+s29+$0x0], $0xffff  }
0x128: {  	v23 =	vor.u32 v44, v59;
	[tilespmem:v7+s28+$0x0] =	vst.idx.msk $0xffff, v5;
	v7 =	vld [tilespmem:$0x1FE30]  }
0x129: {  	v5 =	vor.u32 v46, v52;
	[tilespmem:v15+s28+$0x0] =	vst.idx.msk $0xffff, v10;
	v10 =	vld [tilespmem:$0x1FE40]  }
0x12a: {  	v12 =	vld.idx.msk [tilespmem:v12+s29+$0x0], $0xffff;
	v15 =	vor.u32 v46, v53  }
0x12b: {  	v11 =	vor.u32 v11, v51;
	[tilespmem:v17+s28+$0x0] =	vst.idx.msk $0xffff, v14;
	v14 =	vld [tilespmem:$0x1FE40]  }
0x12c: {  	v19 =	vor.u32 v19, v50;
	[tilespmem:v21+s28+$0x0] =	vst.idx.msk $0xffff, v13;
	v13 =	vld [tilespmem:$0x1FE40]  }
0x12d: {  	v3 =	vor.u32 v3, v54;
	[tilespmem:v23+s28+$0x0] =	vst.idx.msk $0xffff, v9;
	v9 =	vld [tilespmem:$0x1FE40]  }
0x12e: {  	v7 =	vor.u32 v7, v55;
	[tilespmem:v5+s28+$0x0] =	vst.idx.msk $0xffff, v1;
	v1 =	vld [tilespmem:$0x1FE40]  }
0x12f: {  	v10 =	vor.u32 v10, v48;
	[tilespmem:v15+s28+$0x0] =	vst.idx.msk $0xffff, v12;
	v15 =	vld [tilespmem:$0x1FE40]  }
0x130: {  	v17 =	vor.u32 v46, v56;
	v11 =	vld.idx.msk [tilespmem:v11+s29+$0x0], $0xffff  }
0x131: {  	v14 =	vor.u32 v14, v49;
	v19 =	vld.idx.msk [tilespmem:v19+s29+$0x0], $0xffff  }
0x132: {  	v21 =	vor.u32 v46, v57;
	v3 =	vld.idx.msk [tilespmem:v3+s29+$0x0], $0xffff  }
0x133: {  	v13 =	vor.u32 v13, v51;
	v5 =	vld.idx.msk [tilespmem:v7+s29+$0x0], $0xffff  }
0x134: {  	v23 =	vor.u32 v46, v58;
	v10 =	vld.idx.msk [tilespmem:v10+s29+$0x0], $0xffff  }
0x135: {  	v9 =	vor.u32 v9, v50;
	[tilespmem:v17+s28+$0x0] =	vst.idx.msk $0xffff, v11;
	v11 =	vld [tilespmem:$0x1FE50]  }
0x136: {  	v7 =	vor.u32 v46, v59;
	v14 =	vld.idx.msk [tilespmem:v14+s29+$0x0], $0xffff  }
0x137: {  	v1 =	vor.u32 v1, v54;
	[tilespmem:v21+s28+$0x0] =	vst.idx.msk $0xffff, v19;
	v19 =	vld [tilespmem:$0x1FE50]  }
0x138: {  	v12 =	vor.u32 v60, v52;
	v13 =	vld.idx.msk [tilespmem:v13+s29+$0x0], $0xffff  }
0x139: {  	v15 =	vor.u32 v15, v55;
	[tilespmem:v23+s28+$0x0] =	vst.idx.msk $0xffff, v3;
	v3 =	vld [tilespmem:$0x1FE50]  }
0x13a: {  	v17 =	vor.u32 v60, v53;
	v9 =	vld.idx.msk [tilespmem:v9+s29+$0x0], $0xffff  }
0x13b: {  	v21 =	vor.u32 v60, v56;
	[tilespmem:v7+s28+$0x0] =	vst.idx.msk $0xffff, v5;
	v5 =	vld [tilespmem:$0x1FE50]  }
0x13c: {  	v23 =	vor.u32 v60, v57;
	v1 =	vld.idx.msk [tilespmem:v1+s29+$0x0], $0xffff  }
0x13d: {  	v7 =	vor.u32 v60, v58;
	[tilespmem:v12+s28+$0x0] =	vst.idx.msk $0xffff, v10;
	v10 =	vld [tilespmem:$0x1FE50]  }
0x13e: {  	v12 =	vld.idx.msk [tilespmem:v15+s29+$0x0], $0xffff;
	v15 =	vor.u32 v60, v59  }
0x13f: {  	v11 =	vor.u32 v11, v48;
	[tilespmem:v17+s28+$0x0] =	vst.idx.msk $0xffff, v14;
	v17 =	vld [tilespmem:$0x1FE50]  }
0x140: {  	v19 =	vor.u32 v19, v49;
	[tilespmem:v21+s28+$0x0] =	vst.idx.msk $0xffff, v13;
	v13 =	vld [tilespmem:$0x1FE60]  }
0x141: {  	v3 =	vor.u32 v3, v51;
	[tilespmem:v23+s28+$0x0] =	vst.idx.msk $0xffff, v9;
	v9 =	vld [tilespmem:$0x1FE60]  }
0x142: {  	v5 =	vor.u32 v5, v50;
	[tilespmem:v7+s28+$0x0] =	vst.idx.msk $0xffff, v1;
	v1 =	vld [tilespmem:$0x1FE60]  }
0x143: {  	v10 =	vor.u32 v10, v54;
	[tilespmem:v15+s28+$0x0] =	vst.idx.msk $0xffff, v12;
	v12 =	vld [tilespmem:$0x1FE60]  }
0x144: {  	v14 =	vor.u32 v62, v52;
	v11 =	vld.idx.msk [tilespmem:v11+s29+$0x0], $0xffff  }
0x145: {  	v17 =	vor.u32 v17, v55;
	v19 =	vld.idx.msk [tilespmem:v19+s29+$0x0], $0xffff  }
0x146: {  	v13 =	vor.u32 v13, v48;
	v3 =	vld.idx.msk [tilespmem:v3+s29+$0x0], $0xffff  }
0x147: {  	v21 =	vor.u32 v62, v53;
	v5 =	vld.idx.msk [tilespmem:v5+s29+$0x0], $0xffff  }
0x148: {  	v23 =	vor.u32 v62, v56;
	v10 =	vld.idx.msk [tilespmem:v10+s29+$0x0], $0xffff  }
0x149: {  	v9 =	vor.u32 v9, v49;
	[tilespmem:v14+s28+$0x0] =	vst.idx.msk $0xffff, v11;
	v11 =	vld [tilespmem:$0x1FE60]  }
0x14a: {  	v7 =	vor.u32 v62, v57;
	v14 =	vld.idx.msk [tilespmem:v17+s29+$0x0], $0xffff  }
0x14b: {  	v1 =	vor.u32 v1, v51;
	v13 =	vld.idx.msk [tilespmem:v13+s29+$0x0], $0xffff  }
0x14c: {  	v15 =	vor.u32 v62, v58;
	[tilespmem:v21+s28+$0x0] =	vst.idx.msk $0xffff, v19;
	v21 =	vld [tilespmem:$0x1FE60]  }
0x14d: {  	v12 =	vor.u32 v12, v50;
	[tilespmem:v23+s28+$0x0] =	vst.idx.msk $0xffff, v3;
	v3 =	vld [tilespmem:$0x1FE70]  }
0x14e: {  	v17 =	vor.u32 v62, v59;
	v9 =	vld.idx.msk [tilespmem:v9+s29+$0x0], $0xffff  }
0x14f: {  	v19 =	vor.u32 v28, v52;
	[tilespmem:v7+s28+$0x0] =	vst.idx.msk $0xffff, v5;
	v5 =	vld [tilespmem:$0x1FE70]  }
0x150: {  	v23 =	vor.u32 v28, v53;
	v1 =	vld.idx.msk [tilespmem:v1+s29+$0x0], $0xffff  }
0x151: {  	v7 =	vor.u32 v28, v56;
	[tilespmem:v15+s28+$0x0] =	vst.idx.msk $0xffff, v10;
	v10 =	vld [tilespmem:$0x1FE70]  }
0x152: {  	v12 =	vld.idx.msk [tilespmem:v12+s29+$0x0], $0xffff;
	v15 =	vor.u32 v28, v57  }
0x153: {  	v11 =	vor.u32 v11, v54;
	[tilespmem:v17+s28+$0x0] =	vst.idx.msk $0xffff, v14;
	v14 =	vld [tilespmem:$0x1FE70]  }
0x154: {  	v21 =	vor.u32 v21, v55;
	[tilespmem:v19+s28+$0x0] =	vst.idx.msk $0xffff, v13;
	v13 =	vld [tilespmem:$0x1FE70]  }
0x155: {  	v3 =	vor.u32 v3, v48;
	[tilespmem:v23+s28+$0x0] =	vst.idx.msk $0xffff, v9;
	v23 =	vld [tilespmem:$0x1FE70]  }
0x156: {  	[tilespmem:v7+s28+$0x0] =	vst.idx.msk $0xffff, v1;
	v1 =	vld [tilespmem:$0x1FE80]  }
0x157: {  	v5 =	vor.u32 v5, v49;
	[tilespmem:v15+s28+$0x0] =	vst.idx.msk $0xffff, v12;
	v12 =	vld [tilespmem:$0x1FE80]  }
0x158: {  	v11 =	vld.idx.msk [tilespmem:v11+s29+$0x0], $0xffff  }
0x159: {  	v10 =	vor.u32 v10, v51;
	v19 =	vld.idx.msk [tilespmem:v21+s29+$0x0], $0xffff  }
0x15a: {  	v9 =	vor.u32 v30, v52;
	v3 =	vld.idx.msk [tilespmem:v3+s29+$0x0], $0xffff  }
0x15b: {  	v17 =	vor.u32 v28, v58;
	v1 =	vor.u32 v1, v48;
	v48 =	vld [tilespmem:$0x1FE30]  }
0x15c: {  	v14 =	vor.u32 v14, v50;
	v5 =	vld.idx.msk [tilespmem:v5+s29+$0x0], $0xffff  }
0x15d: {  	v21 =	vor.u32 v28, v59;
	v12 =	vor.u32 v12, v49;
	v49 =	vld [tilespmem:$0x1FE40]  }
0x15e: {  	v13 =	vor.u32 v13, v54;
	v10 =	vld.idx.msk [tilespmem:v10+s29+$0x0], $0xffff  }
0x15f: {  	[tilespmem:v9+s28+$0x0] =	vst.idx.msk $0xffff, v3;
	v3 =	vld [tilespmem:$0x1FE80]  }
0x160: {  	v23 =	vor.u32 v23, v55;
	[tilespmem:v17+s28+$0x0] =	vst.idx.msk $0xffff, v11;
	v11 =	vld [tilespmem:$0x1FE80]  }
0x161: {  	v14 =	vld.idx.msk [tilespmem:v14+s29+$0x0], $0xffff  }
0x162: {  	v7 =	vor.u32 v30, v53;
	[tilespmem:v21+s28+$0x0] =	vst.idx.msk $0xffff, v19;
	v19 =	vld [tilespmem:$0x1FE80]  }
0x163: {  	v15 =	vor.u32 v30, v56;
	v13 =	vld.idx.msk [tilespmem:v13+s29+$0x0], $0xffff  }
0x164: {  	v3 =	vor.u32 v3, v54;
	v54 =	vld [tilespmem:$0x1FE80]  }
0x165: {  	v17 =	vor.u32 v30, v57;
	v9 =	vld.idx.msk [tilespmem:v23+s29+$0x0], $0xffff  }
0x166: {  	v21 =	vor.u32 v30, v58;
	v1 =	vld.idx.msk [tilespmem:v1+s29+$0x0], $0xffff;
	v11 =	vor.u32 v11, v51  }
0x167: {  	[tilespmem:v7+s28+$0x0] =	vst.idx.msk $0xffff, v5;
	v5 =	vor.u32 v32, v52;
	v52 =	vld [tilespmem:$0x1FE70];
	v19 =	vor.u32 v19, v50  }
0x168: {  	v23 =	vor.u32 v30, v59;
	[tilespmem:v15+s28+$0x0] =	vst.idx.msk $0xffff, v10;
	v10 =	vld.idx.msk [tilespmem:v12+s29+$0x0], $0xffff  }
0x169: {  	v51 =	vld [tilespmem:$0x1FE60];
	v7 =	vor.u32 v54, v55  }
0x16a: {  	v12 =	vor.u32 v32, v53;
	[tilespmem:v17+s28+$0x0] =	vst.idx.msk $0xffff, v14;
	v17 =	vld [tilespmem:$0x1FDC0]  }
0x16b: {  	v14 =	vor.u32 v32, v56;
	v11 =	vld.idx.msk [tilespmem:v11+s29+$0x0], $0xffff  }
0x16c: {  	v15 =	vor.u32 v32, v57;
	[tilespmem:v21+s28+$0x0] =	vst.idx.msk $0xffff, v13;
	v13 =	vld.idx.msk [tilespmem:v19+s29+$0x0], $0xffff  }
0x16d: {  	[tilespmem:v23+s28+$0x0] =	vst.idx.msk $0xffff, v9;
	v9 =	vor.u32 v32, v58;
	v3 =	vld.idx.msk [tilespmem:v3+s29+$0x0], $0xffff  }
0x16e: {  	p2 =	slt.u32 s30, $0x38;
	[tilespmem:v5+s28+$0x0] =	vst.idx.msk $0xffff, v1;
	v5 =	vor.u32 v32, v59;
	v1 =	vld.idx.msk [tilespmem:v7+s29+$0x0], $0xffff  }
.Ltmp3:
0x16f: {  	v50 =	vld [tilespmem:$0x1FE50];
	[tilespmem:v12+s28+$0x0] =	vst.idx.msk $0xffff, v10;
	(pc) =	sbr.rel @p2 .LBB2_3-.Ltmp3, $4  }
0x170: {  	v21 =	vld [tilespmem:$0x1FE10];
	[tilespmem:v14+s28+$0x0] =	vst.idx.msk $0xffff, v11  }
0x171: {  	v23 =	vld [tilespmem:$0x1FE20];
	[tilespmem:v15+s28+$0x0] =	vst.idx.msk $0xffff, v13  }
0x172: {  	v19 =	vld [tilespmem:$0x1FE00];
	[tilespmem:v9+s28+$0x0] =	vst.idx.msk $0xffff, v3  }
0x173: {  	s30 =	sadd.s32 $0x8, s30;
	v15 =	vld [tilespmem:$0x1FDB0];
	[tilespmem:v5+s28+$0x0] =	vst.idx.msk $0xffff, v1  }
0x174: {  	s30 =	sadd.s32 $0x2, s26  }
0x175: {  	p2 =	sge.u32 s30, s6  }
0x176: {  	s30 =	sshll.u32 @!p2 s30, $0x8  }
0x177: {  	s23 =	sadd.s32 $0x1, s23;
	s30 =	sand.u32 @!p2 $0x1FFFFF00, s30  }
0x178: {  	s31 =	simm.s32 @!p2 $0x800;
	s2 =	simm.s32 @!p2 $0x7A1400;
	s30 =	sadd.s32 @!p2 s0, s30  }
0x179: {  	[tilespmem:s29], [sflag:s25] =	stream.strided.gather @!p2 [hbm4b:s30+s31], $0x4000, s2, s31, $0x38;
	[tilespmem:$0x12000] =	vst v63  }
0x17a: {  	p2 =	slt.s32 s23, s7  }
.Ltmp4:
0x17b: {  	_ = 	snop;
	(pc) =	sbr.rel @p2 .LBB2_2-.Ltmp4, $4  }
0x17c: {  	_ = 	snop  }
0x17d: {  	s31 =	sshll.u32 s26, $0xB  }
0x17e: {  	s24 =	sadd.s32 $0x3, s24;
	s2 =	sadd.s32 s5, s31  }
0x17f: {  	[hbm4b:s2+s3] =	stream.linear.scatter [tilespmem:s28], [sflag:s24], $0x4000, $0x38;
	[tilespmem:$0x12000] =	vst v63  }
.LBB2_5:
0x180: {  	_ =	swait.ge [sflag:s10], $0x4000  }
.Ltmp5:
0x181: {  	[sflag:s10] =	ssyncset.done $0x0;
	(pc) =	sbr.rel @p1 .LBB2_9-.Ltmp5, $4  }
0x182: {  	[sflag:s10] =	ssyncadd.s32 $0xFFFFC000  }
0x183: {  	_ =	swait.ge [sflag:s11], $0x4000  }
0x184: {  	[sflag:s11] =	ssyncset.done $0x0  }
0x185: {  	[sflag:s11] =	ssyncadd.s32 $0xFFFFC000  }
0x186: {  	s2 =	simm.s32 $0x0  }
0x187: {  	s23 =	simm.s32 $0x7;
	s25 =	simm.s32 $0x2;
	v1 =	vadd.s32 s2, v0  }
0x188: {  	s31 =	simm.s32 $0x4;
	v31 =	vadd.s32 s23, v0;
	v10 =	vadd.s32 s25, v0;
	v1 =	vand.u32 $0x3F, v1  }
0x189: {  	s26 =	simm.s32 $0x1;
	v5 =	vadd.s32 s31, v0;
	v10 =	vand.u32 $0x3F, v10;
	v19 =	vshll.u32 v1, $0x7  }
0x18a: {  	s24 =	simm.s32 $0x5;
	s29 =	simm.s32 $0x3;
	v9 =	vadd.s32 s26, v0;
	v14 =	vshll.u32 v10, $0x7;
	v53 =	vor.u32 v0, v19  }
0x18b: {  	[tilespmem:s19], [sflag:$0x5] =	stream.strided.gather [hbm4b:s12+s18], $0x2000, s16, s18, $0x38;
	v7 =	vadd.s32 s24, v0;
	v11 =	vand.u32 $0x3F, v9;
	v17 =	vor.u32 v0, v14;
	[tilespmem:$0x12000] =	vst v63  }
0x18c: {  	_ =	swait.ge [sflag:s20], $0x2000;
	v9 =	vadd.s32 s29, v0;
	v27 =	vand.u32 $0x3F, v7;
	v13 =	vshll.u32 v11, $0x7  }
0x18d: {  	s30 =	simm.s32 $0x6;
	[sflag:s20] =	ssyncset.done $0x0;
	v60 =	vand.u32 $0x3F, v9;
	v29 =	vshll.u32 v27, $0x7;
	v9 =	vor.u32 v0, v13  }
0x18e: {  	v7 =	vadd.s32 s30, v0;
	[sflag:s20] =	ssyncadd.s32 $0xFFFFE000;
	v21 =	vshll.u32 v60, $0x7;
	v25 =	vor.u32 v0, v29  }
0x18f: {  	v31 =	vand.u32 $0x3F, v31;
	v40 =	vor.u32 v2, v1;
	v57 =	vor.u32 v0, v21;
	v3 =	vld.idx.msk [tilespmem:v53+s19+$0x0], $0xffff  }
0x190: {  	v48 =	vor.u32 v8, v1;
	v37 =	vor.u32 v2, v10;
	v15 =	vor.u32 v33, v19;
	v43 =	vld.idx.msk [tilespmem:v17+s19+$0x0], $0xffff  }
0x191: {  	v49 =	vor.u32 v6, v1;
	v59 =	vshll.u32 v31, $0x7;
	v38 =	vor.u32 v33, v14  }
0x192: {  	v18 =	vor.u32 v4, v1;
	v20 =	vor.u32 v2, v11;
	v55 =	vor.u32 v0, v59;
	v9 =	vld.idx.msk [tilespmem:v9+s19+$0x0], $0xffff  }
0x193: {  	v7 =	vand.u32 $0x3F, v7;
	v58 =	vor.u32 v2, v27;
	v54 =	vor.u32 v33, v13;
	v25 =	vld.idx.msk [tilespmem:v25+s19+$0x0], $0xffff  }
0x194: {  	v5 =	vand.u32 $0x3F, v5;
	v12 =	vshll.u32 v7, $0x7;
	v1 =	vor.u32 v33, v29;
	v41 =	vld.idx.msk [tilespmem:v57+s19+$0x0], $0xffff;
	[tilespmem:v40+s21+$0x0] =	vst.idx.msk $0xffff, v3  }
0x195: {  	v16 =	vshll.u32 v5, $0x7;
	v63 =	vor.u32 v0, v12;
	[tilespmem:v37+s21+$0x0] =	vst.idx.msk $0xffff, v43;
	v61 =	vld.idx.msk [tilespmem:v15+s19+$0x0], $0xffff  }
0x196: {  	v42 =	vor.u32 v0, v16;
	v15 =	vld.idx.msk [tilespmem:v38+s19+$0x0], $0xffff  }
0x197: {  	v44 =	vor.u32 v2, v31;
	v57 =	vld.idx.msk [tilespmem:v55+s19+$0x0], $0xffff;
	[tilespmem:v20+s21+$0x0] =	vst.idx.msk $0xffff, v9  }
0x198: {  	v45 =	vor.u32 v4, v11;
	[tilespmem:v58+s21+$0x0] =	vst.idx.msk $0xffff, v25;
	v23 =	vld.idx.msk [tilespmem:v54+s19+$0x0], $0xffff  }
0x199: {  	v17 =	vor.u32 v4, v27;
	v56 =	vld.idx.msk [tilespmem:v1+s19+$0x0], $0xffff  }
0x19a: {  	v50 =	vor.u32 v8, v5;
	v52 =	vor.u32 v8, v31;
	v62 =	vor.u32 v2, v7;
	v63 =	vld.idx.msk [tilespmem:v63+s19+$0x0], $0xffff  }
0x19b: {  	v26 =	vor.u32 v4, v10;
	v24 =	vor.u32 v2, v60;
	v40 =	vld.idx.msk [tilespmem:v42+s19+$0x0], $0xffff;
	[tilespmem:$0x1FDA0] =	vst v15  }
0x19c: {  	v39 =	vor.u32 v2, v5;
	v46 =	vor.u32 v34, v13;
	[tilespmem:v44+s21+$0x0] =	vst.idx.msk $0xffff, v57  }
0x19d: {  	v51 =	vor.u32 v8, v7;
	v36 =	vor.u32 v34, v14;
	[tilespmem:v45+s21+$0x0] =	vst.idx.msk $0xffff, v23  }
0x19e: {  	v47 =	vor.u32 v34, v19;
	v25 =	vor.u32 v33, v59;
	[tilespmem:v17+s21+$0x0] =	vst.idx.msk $0xffff, v56  }
0x19f: {  	v22 =	vor.u32 v33, v21;
	v1 =	vor.u32 v34, v29;
	[tilespmem:v62+s21+$0x0] =	vst.idx.msk $0xffff, v63  }
0x1a0: {  	v53 =	vor.u32 v35, v16;
	v3 =	vor.u32 v33, v12;
	[tilespmem:v24+s21+$0x0] =	vst.idx.msk $0xffff, v41  }
0x1a1: {  	v55 =	vor.u32 v6, v7;
	v20 =	vor.u32 v4, v60;
	[tilespmem:v18+s21+$0x0] =	vst.idx.msk $0xffff, v61;
	v45 =	vld.idx.msk [tilespmem:v46+s19+$0x0], $0xffff  }
0x1a2: {  	v9 =	vor.u32 v34, v21;
	v42 =	vor.u32 v6, v11;
	v46 =	vor.u32 v4, v7;
	v7 =	vld [tilespmem:$0x1FDA0]  }
0x1a3: {  	v58 =	vor.u32 v35, v14;
	v54 =	vor.u32 v6, v5;
	v17 =	vor.u32 v33, v16;
	v23 =	vld.idx.msk [tilespmem:v25+s19+$0x0], $0xffff  }
0x1a4: {  	v38 =	vor.u32 v35, v13;
	v13 =	vor.u32 v35, v19;
	v14 =	vld.idx.msk [tilespmem:v1+s19+$0x0], $0xffff;
	v1 =	vor.u32 v6, v27  }
0x1a5: {  	v15 =	vor.u32 v6, v10;
	v57 =	vor.u32 v35, v12;
	v62 =	vor.u32 v6, v60;
	v3 =	vld.idx.msk [tilespmem:v3+s19+$0x0], $0xffff  }
0x1a6: {  	v25 =	vor.u32 v4, v5;
	v18 =	vld.idx.msk [tilespmem:v22+s19+$0x0], $0xffff;
	v5 =	vor.u32 v35, v29;
	[tilespmem:v39+s21+$0x0] =	vst.idx.msk $0xffff, v40  }
0x1a7: {  	v61 =	vor.u32 v35, v21;
	v63 =	vld.idx.msk [tilespmem:v47+s19+$0x0], $0xffff;
	v22 =	vor.u32 v34, v12;
	[tilespmem:v26+s21+$0x0] =	vst.idx.msk $0xffff, v7  }
0x1a8: {  	v56 =	vor.u32 v8, v10;
	v10 =	vor.u32 v34, v16;
	v17 =	vld.idx.msk [tilespmem:v17+s19+$0x0], $0xffff;
	[tilespmem:v42+s21+$0x0] =	vst.idx.msk $0xffff, v45  }
0x1a9: {  	v12 =	vor.u32 v4, v31;
	v29 =	vor.u32 v8, v11;
	[tilespmem:v1+s21+$0x0] =	vst.idx.msk $0xffff, v14;
	v7 =	vld.idx.msk [tilespmem:v36+s19+$0x0], $0xffff  }
0x1aa: {  	s23 =	simm.s32 $0x8;
	v11 =	vor.u32 v6, v31;
	v31 =	vor.u32 v34, v59;
	[tilespmem:v46+s21+$0x0] =	vst.idx.msk $0xffff, v3;
	v19 =	vld.idx.msk [tilespmem:v38+s19+$0x0], $0xffff  }
0x1ab: {  	s28 =	simm.s32 $0xD;
	s31 =	simm.s32 $0xF;
	v59 =	vor.u32 v35, v59;
	v3 =	vadd.s32 s23, v0;
	[tilespmem:v20+s21+$0x0] =	vst.idx.msk $0xffff, v18;
	v21 =	vld.idx.msk [tilespmem:v5+s19+$0x0], $0xffff  }
0x1ac: {  	s24 =	simm.s32 $0x10;
	s26 =	simm.s32 $0xC;
	s25 =	simm.s32 $0xE;
	v1 =	vor.u32 v8, v60;
	v5 =	vor.u32 v8, v27;
	v27 =	vadd.s32 s31, v0;
	v14 =	vld.idx.msk [tilespmem:v22+s19+$0x0], $0xffff  }
.LBB2_7:
0x1ad: {  	v36 =	vand.u32 $0x3F, v3;
	s2 =	sadd.s32 $0x1, s23;
	v37 =	vadd.s32 s26, v0;
	v38 =	vadd.s32 s28, v0  }
0x1ae: {  	s29 =	sadd.s32 $0x2, s23;
	s30 =	sadd.s32 $0x3, s23;
	v9 =	vld.idx.msk [tilespmem:v9+s19+$0x0], $0xffff;
	[tilespmem:v12+s21+$0x0] =	vst.idx.msk $0xffff, v23;
	v12 =	vmovc v48;
	v23 =	vmov v50;
	v39 =	vmov v51;
	v40 =	vmov v52;
	s23 =	smov.u32 s24  }
0x1af: {  	p2 =	slt.u32 s24, $0x38;
	s24 =	sadd.s32 $0x8, s24;
	v48 =	vor.u32 v8, v36;
	v3 =	vadd.s32 s2, v0;
	v50 =	vadd.s32 s29, v0;
	[tilespmem:v15+s21+$0x0] =	vst.idx.msk $0xffff, v7  }
0x1b0: {  	v15 =	vor.u32 v6, v36;
	v7 =	vand.u32 $0x3F, v3;
	v3 =	vand.u32 $0x3F, v50;
	[tilespmem:v25+s21+$0x0] =	vst.idx.msk $0xffff, v17;
	v25 =	vld.idx.msk [tilespmem:v31+s19+$0x0], $0xffff  }
0x1b1: {  	v17 =	vor.u32 v4, v36;
	v31 =	vshll.u32 v7, $0x7;
	v41 =	vshll.u32 v3, $0x7;
	[tilespmem:v29+s21+$0x0] =	vst.idx.msk $0xffff, v19;
	v10 =	vld.idx.msk [tilespmem:v10+s19+$0x0], $0xffff  }
0x1b2: {  	v29 =	vor.u32 v2, v7;
	v19 =	vadd.s32 s30, v0;
	v42 =	vor.u32 v0, v41;
	[tilespmem:v5+s21+$0x0] =	vst.idx.msk $0xffff, v21  }
0x1b3: {  	v60 =	vand.u32 $0x3F, v19;
	v5 =	vand.u32 $0x3F, v38;
	v38 =	vadd.s32 s25, v0;
	v52 =	vld.idx.msk [tilespmem:v58+s19+$0x0], $0xffff;
	[tilespmem:v55+s21+$0x0] =	vst.idx.msk $0xffff, v14  }
0x1b4: {  	v19 =	vshll.u32 v36, $0x7;
	v14 =	vor.u32 v0, v31;
	v43 =	vshll.u32 v60, $0x7;
	[tilespmem:v62+s21+$0x0] =	vst.idx.msk $0xffff, v9;
	v9 =	vld.idx.msk [tilespmem:v57+s19+$0x0], $0xffff  }
0x1b5: {  	v37 =	vand.u32 $0x3F, v37;
	v44 =	vshll.u32 v5, $0x7;
	v55 =	vor.u32 v0, v43;
	[tilespmem:v49+s21+$0x0] =	vst.idx.msk $0xffff, v63;
	v49 =	vld.idx.msk [tilespmem:v61+s19+$0x0], $0xffff  }
0x1b6: {  	v21 =	vshll.u32 v37, $0x7;
	v38 =	vand.u32 $0x3F, v38;
	v57 =	vor.u32 v0, v44;
	v13 =	vld.idx.msk [tilespmem:v13+s19+$0x0], $0xffff;
	[tilespmem:v11+s21+$0x0] =	vst.idx.msk $0xffff, v25  }
0x1b7: {  	v27 =	vand.u32 $0x3F, v27;
	v50 =	vor.u32 v8, v37;
	v11 =	vor.u32 v0, v19;
	[tilespmem:v54+s21+$0x0] =	vst.idx.msk $0xffff, v10  }
0x1b8: {  	v51 =	vor.u32 v8, v38;
	v25 =	vor.u32 v2, v3;
	v10 =	vor.u32 v2, v36;
	v36 =	vld.idx.msk [tilespmem:v53+s19+$0x0], $0xffff  }
0x1b9: {  	v58 =	vor.u32 v33, v41;
	v53 =	vor.u32 v33, v31;
	[tilespmem:v56+s21+$0x0] =	vst.idx.msk $0xffff, v52;
	v54 =	vld.idx.msk [tilespmem:v59+s19+$0x0], $0xffff  }
0x1ba: {  	v45 =	vshll.u32 v27, $0x7;
	v56 =	vor.u32 v2, v5;
	v59 =	vshll.u32 v38, $0x7;
	v14 =	vld.idx.msk [tilespmem:v14+s19+$0x0], $0xffff;
	[tilespmem:v39+s21+$0x0] =	vst.idx.msk $0xffff, v9  }
0x1bb: {  	v61 =	vor.u32 v0, v45;
	v39 =	vor.u32 v0, v21;
	v9 =	vld.idx.msk [tilespmem:v57+s19+$0x0], $0xffff;
	v57 =	vor.u32 v0, v59  }
0x1bc: {  	v62 =	vor.u32 v2, v60;
	v52 =	vor.u32 v8, v27;
	[tilespmem:v1+s21+$0x0] =	vst.idx.msk $0xffff, v49;
	v49 =	vmov v15  }
0x1bd: {  	v15 =	vor.u32 v33, v44;
	v1 =	vld.idx.msk [tilespmem:v42+s19+$0x0], $0xffff;
	v42 =	vor.u32 v33, v43;
	[tilespmem:v12+s21+$0x0] =	vst.idx.msk $0xffff, v13  }
0x1be: {  	v12 =	vor.u32 v33, v19;
	v13 =	vor.u32 v2, v27;
	v11 =	vld.idx.msk [tilespmem:v11+s19+$0x0], $0xffff;
	[tilespmem:v23+s21+$0x0] =	vst.idx.msk $0xffff, v36  }
0x1bf: {  	v23 =	vor.u32 v4, v7;
	v36 =	vor.u32 v4, v3;
	v63 =	vld.idx.msk [tilespmem:v55+s19+$0x0], $0xffff;
	[tilespmem:v40+s21+$0x0] =	vst.idx.msk $0xffff, v54  }
0x1c0: {  	v40 =	vor.u32 v34, v41;
	[tilespmem:v29+s21+$0x0] =	vst.idx.msk $0xffff, v14;
	v14 =	vor.u32 v34, v31;
	v29 =	vld.idx.msk [tilespmem:v61+s19+$0x0], $0xffff  }
0x1c1: {  	v55 =	vor.u32 v6, v38;
	v61 =	vld.idx.msk [tilespmem:v53+s19+$0x0], $0xffff;
	[tilespmem:v56+s21+$0x0] =	vst.idx.msk $0xffff, v9;
	v56 =	vor.u32 v33, v45  }
0x1c2: {  	v47 =	vor.u32 v4, v5;
	v16 =	vor.u32 v2, v38;
	v53 =	vor.u32 v35, v21;
	v46 =	vld.idx.msk [tilespmem:v15+s19+$0x0], $0xffff  }
0x1c3: {  	v20 =	vor.u32 v2, v37;
	v18 =	vor.u32 v4, v60;
	v54 =	vor.u32 v6, v37;
	v22 =	vld.idx.msk [tilespmem:v57+s19+$0x0], $0xffff  }
0x1c4: {  	v9 =	vor.u32 v34, v43;
	[tilespmem:v10+s21+$0x0] =	vst.idx.msk $0xffff, v11;
	v10 =	vld.idx.msk [tilespmem:v39+s19+$0x0], $0xffff;
	v11 =	vor.u32 v34, v44  }
0x1c5: {  	v39 =	vor.u32 v34, v19;
	v12 =	vld.idx.msk [tilespmem:v12+s19+$0x0], $0xffff;
	[tilespmem:v25+s21+$0x0] =	vst.idx.msk $0xffff, v1;
	v1 =	vor.u32 v33, v59  }
0x1c6: {  	v24 =	vor.u32 v6, v7;
	v15 =	vor.u32 v6, v3;
	v26 =	vld.idx.msk [tilespmem:v58+s19+$0x0], $0xffff;
	[tilespmem:v13+s21+$0x0] =	vst.idx.msk $0xffff, v29  }
0x1c7: {  	v31 =	vor.u32 v35, v31;
	v58 =	vor.u32 v35, v41;
	[tilespmem:v23+s21+$0x0] =	vst.idx.msk $0xffff, v61;
	v23 =	vld.idx.msk [tilespmem:v56+s19+$0x0], $0xffff  }
0x1c8: {  	v38 =	vor.u32 v4, v38;
	v57 =	vor.u32 v35, v59;
	v14 =	vld.idx.msk [tilespmem:v14+s19+$0x0], $0xffff;
	[tilespmem:v47+s21+$0x0] =	vst.idx.msk $0xffff, v46  }
0x1c9: {  	v41 =	vor.u32 v33, v21;
	v47 =	vor.u32 v6, v5;
	v46 =	vld.idx.msk [tilespmem:v11+s19+$0x0], $0xffff;
	[tilespmem:v16+s21+$0x0] =	vst.idx.msk $0xffff, v22  }
0x1ca: {  	v25 =	vor.u32 v4, v37;
	[tilespmem:v62+s21+$0x0] =	vst.idx.msk $0xffff, v63;
	v62 =	vor.u32 v6, v60;
	v1 =	vld.idx.msk [tilespmem:v1+s19+$0x0], $0xffff  }
0x1cb: {  	v61 =	vor.u32 v35, v43;
	v22 =	vor.u32 v35, v44;
	[tilespmem:v17+s21+$0x0] =	vst.idx.msk $0xffff, v12;
	v16 =	vld.idx.msk [tilespmem:v42+s19+$0x0], $0xffff  }
0x1cc: {  	v12 =	vor.u32 v4, v27;
	v63 =	vld.idx.msk [tilespmem:v39+s19+$0x0], $0xffff;
	[tilespmem:v36+s21+$0x0] =	vst.idx.msk $0xffff, v26;
	v26 =	vor.u32 v34, v59  }
.Ltmp6:
0x1cd: {  	v29 =	vor.u32 v8, v7;
	v56 =	vor.u32 v8, v3;
	v7 =	vld.idx.msk [tilespmem:v40+s19+$0x0], $0xffff;
	[tilespmem:v20+s21+$0x0] =	vst.idx.msk $0xffff, v10;
	(pc) =	sbr.rel @p2 .LBB2_7-.Ltmp6, $4  }
0x1ce: {  	v13 =	vor.u32 v35, v19;
	v11 =	vor.u32 v6, v27;
	[tilespmem:v24+s21+$0x0] =	vst.idx.msk $0xffff, v14;
	v17 =	vld.idx.msk [tilespmem:v41+s19+$0x0], $0xffff  }
0x1cf: {  	v59 =	vor.u32 v35, v45;
	v19 =	vld.idx.msk [tilespmem:v31+s19+$0x0], $0xffff;
	[tilespmem:v47+s21+$0x0] =	vst.idx.msk $0xffff, v46;
	v31 =	vor.u32 v34, v45  }
0x1d0: {  	s2 =	sadd.s32 $0x7, s23;
	v5 =	vor.u32 v8, v5;
	v10 =	vor.u32 v34, v21;
	v21 =	vld.idx.msk [tilespmem:v22+s19+$0x0], $0xffff;
	[tilespmem:v38+s21+$0x0] =	vst.idx.msk $0xffff, v1  }
0x1d1: {  	s26 =	sadd.s32 $0x4, s23;
	s28 =	sadd.s32 $0x5, s23;
	s25 =	sadd.s32 $0x6, s23;
	v3 =	vadd.s32 s23, v0;
	v27 =	vadd.s32 s2, v0;
	v1 =	vor.u32 v8, v60;
	[tilespmem:v18+s21+$0x0] =	vst.idx.msk $0xffff, v16;
	v14 =	vld.idx.msk [tilespmem:v26+s19+$0x0], $0xffff  }
0x1d2: {  	_ =	sdelay $0x3  }
0x1d3: {  	[tilespmem:v12+s21+$0x0] =	vst.idx.msk $0xffff, v23  }
0x1d4: {  	[tilespmem:v15+s21+$0x0] =	vst.idx.msk $0xffff, v7  }
0x1d5: {  	s2 =	sadd.s32 $0x1, s23;
	v9 =	vld.idx.msk [tilespmem:v9+s19+$0x0], $0xffff;
	s24 =	sadd.s32 $0x2, s23;
	v7 =	vadd.s32 s28, v0;
	[tilespmem:v49+s21+$0x0] =	vst.idx.msk $0xffff, v63  }
0x1d6: {  	v60 =	vand.u32 $0x3F, v3;
	v3 =	vadd.s32 s2, v0;
	[tilespmem:v25+s21+$0x0] =	vst.idx.msk $0xffff, v17;
	v12 =	vadd.s32 s24, v0;
	v16 =	vld.idx.msk [tilespmem:v31+s19+$0x0], $0xffff  }
0x1d7: {  	v24 =	vshll.u32 v60, $0x7;
	v15 =	vand.u32 $0x3F, v3;
	[tilespmem:v29+s21+$0x0] =	vst.idx.msk $0xffff, v19;
	v10 =	vld.idx.msk [tilespmem:v10+s19+$0x0], $0xffff;
	v19 =	vand.u32 $0x3F, v7  }
0x1d8: {  	v3 =	vand.u32 $0x3F, v12;
	v12 =	vld.idx.msk [tilespmem:v58+s19+$0x0], $0xffff;
	v29 =	vor.u32 v0, v24;
	v17 =	vshll.u32 v15, $0x7;
	[tilespmem:v5+s21+$0x0] =	vst.idx.msk $0xffff, v21  }
0x1d9: {  	s31 =	sadd.s32 $0x3, s23;
	v18 =	vor.u32 v2, v15;
	v21 =	vshll.u32 v3, $0x7;
	[tilespmem:v55+s21+$0x0] =	vst.idx.msk $0xffff, v14;
	v14 =	vor.u32 v0, v17  }
0x1da: {  	v13 =	vld.idx.msk [tilespmem:v13+s19+$0x0], $0xffff;
	v20 =	vshll.u32 v19, $0x7;
	v5 =	vadd.s32 s31, v0;
	v23 =	vor.u32 v0, v21  }
0x1db: {  	v37 =	vor.u32 v2, v19;
	v22 =	vor.u32 v0, v20;
	[tilespmem:v62+s21+$0x0] =	vst.idx.msk $0xffff, v9;
	v9 =	vld.idx.msk [tilespmem:v57+s19+$0x0], $0xffff  }
0x1dc: {  	v40 =	vor.u32 v2, v3;
	v7 =	vand.u32 $0x3F, v5;
	v5 =	vand.u32 $0x3F, v27;
	v25 =	vld.idx.msk [tilespmem:v61+s19+$0x0], $0xffff;
	[tilespmem:v54+s21+$0x0] =	vst.idx.msk $0xffff, v10  }
0x1dd: {  	v36 =	vor.u32 v33, v17;
	[tilespmem:v11+s21+$0x0] =	vst.idx.msk $0xffff, v16;
	v16 =	vshll.u32 v5, $0x7;
	v10 =	vadd.s32 s25, v0;
	v11 =	vld.idx.msk [tilespmem:v53+s19+$0x0], $0xffff  }
0x1de: {  	[tilespmem:v56+s21+$0x0] =	vst.idx.msk $0xffff, v12;
	v10 =	vand.u32 $0x3F, v10;
	v12 =	vld.idx.msk [tilespmem:v14+s19+$0x0], $0xffff;
	v14 =	vor.u32 v0, v16  }
0x1df: {  	v31 =	vadd.s32 s26, v0;
	v55 =	vor.u32 v34, v17;
	[tilespmem:v48+s21+$0x0] =	vst.idx.msk $0xffff, v13;
	v38 =	vshll.u32 v10, $0x7;
	v23 =	vld.idx.msk [tilespmem:v23+s19+$0x0], $0xffff  }
0x1e0: {  	v41 =	vor.u32 v2, v5;
	[tilespmem:v51+s21+$0x0] =	vst.idx.msk $0xffff, v9;
	v9 =	vld.idx.msk [tilespmem:v22+s19+$0x0], $0xffff;
	v39 =	vor.u32 v0, v38  }
0x1e1: {  	v26 =	vshll.u32 v7, $0x7;
	v22 =	vand.u32 $0x3F, v31;
	v31 =	vld.idx.msk [tilespmem:v59+s19+$0x0], $0xffff;
	[tilespmem:v1+s21+$0x0] =	vst.idx.msk $0xffff, v25;
	v1 =	vor.u32 v33, v20  }
0x1e2: {  	v27 =	vor.u32 v0, v26;
	v13 =	vld.idx.msk [tilespmem:v29+s19+$0x0], $0xffff;
	v25 =	vor.u32 v2, v60;
	[tilespmem:v50+s21+$0x0] =	vst.idx.msk $0xffff, v11  }
0x1e3: {  	v29 =	vshll.u32 v22, $0x7;
	v11 =	vor.u32 v33, v24;
	[tilespmem:v18+s21+$0x0] =	vst.idx.msk $0xffff, v12;
	v12 =	vld.idx.msk [tilespmem:v14+s19+$0x0], $0xffff  }
0x1e4: {  	v14 =	vor.u32 v33, v21;
	v18 =	vor.u32 v4, v15;
	[tilespmem:v40+s21+$0x0] =	vst.idx.msk $0xffff, v23;
	v36 =	vld.idx.msk [tilespmem:v36+s19+$0x0], $0xffff  }
0x1e5: {  	v42 =	vor.u32 v2, v10;
	[tilespmem:v37+s21+$0x0] =	vst.idx.msk $0xffff, v9;
	v9 =	vor.u32 v0, v29;
	v39 =	vld.idx.msk [tilespmem:v39+s19+$0x0], $0xffff  }
0x1e6: {  	v57 =	vor.u32 v4, v3;
	[tilespmem:v52+s21+$0x0] =	vst.idx.msk $0xffff, v31;
	v31 =	vor.u32 v4, v19;
	v1 =	vld.idx.msk [tilespmem:v1+s19+$0x0], $0xffff  }
0x1e7: {  	v56 =	vor.u32 v33, v38;
	[tilespmem:v25+s21+$0x0] =	vst.idx.msk $0xffff, v13;
	v13 =	vor.u32 v2, v7;
	v25 =	vld.idx.msk [tilespmem:v27+s19+$0x0], $0xffff  }
0x1e8: {  	v23 =	vor.u32 v4, v60;
	v27 =	vor.u32 v34, v20;
	v11 =	vld.idx.msk [tilespmem:v11+s19+$0x0], $0xffff;
	[tilespmem:v41+s21+$0x0] =	vst.idx.msk $0xffff, v12  }
0x1e9: {  	v58 =	vor.u32 v2, v22;
	v12 =	vor.u32 v33, v26;
	v14 =	vld.idx.msk [tilespmem:v14+s19+$0x0], $0xffff;
	[tilespmem:v18+s21+$0x0] =	vst.idx.msk $0xffff, v36  }
0x1ea: {  	v59 =	vor.u32 v33, v29;
	v18 =	vor.u32 v33, v16;
	v9 =	vld.idx.msk [tilespmem:v9+s19+$0x0], $0xffff;
	[tilespmem:v42+s21+$0x0] =	vst.idx.msk $0xffff, v39  }
0x1eb: {  	[tilespmem:v31+s21+$0x0] =	vst.idx.msk $0xffff, v1;
	v1 =	vor.u32 v34, v21;
	v31 =	vor.u32 v6, v15;
	v37 =	vld.idx.msk [tilespmem:v55+s19+$0x0], $0xffff  }
0x1ec: {  	[tilespmem:v13+s21+$0x0] =	vst.idx.msk $0xffff, v25;
	v13 =	vor.u32 v35, v17;
	v17 =	vor.u32 v4, v10;
	v25 =	vld.idx.msk [tilespmem:v56+s19+$0x0], $0xffff  }
0x1ed: {  	v61 =	vor.u32 v6, v19;
	v27 =	vld.idx.msk [tilespmem:v27+s19+$0x0], $0xffff;
	[tilespmem:v23+s21+$0x0] =	vst.idx.msk $0xffff, v11  }
0x1ee: {  	v20 =	vor.u32 v35, v20;
	v11 =	vor.u32 v4, v7;
	v12 =	vld.idx.msk [tilespmem:v12+s19+$0x0], $0xffff;
	[tilespmem:v57+s21+$0x0] =	vst.idx.msk $0xffff, v14  }
0x1ef: {  	v23 =	vor.u32 v4, v5;
	v14 =	vld.idx.msk [tilespmem:v18+s19+$0x0], $0xffff;
	v18 =	vor.u32 v34, v38;
	[tilespmem:v58+s21+$0x0] =	vst.idx.msk $0xffff, v9  }
0x1f0: {  	v62 =	vor.u32 v6, v3;
	v9 =	vor.u32 v34, v26;
	v1 =	vld.idx.msk [tilespmem:v1+s19+$0x0], $0xffff;
	[tilespmem:v31+s21+$0x0] =	vst.idx.msk $0xffff, v37  }
0x1f1: {  	v63 =	vor.u32 v4, v22;
	v31 =	vor.u32 v34, v24;
	v39 =	vld.idx.msk [tilespmem:v59+s19+$0x0], $0xffff;
	[tilespmem:v17+s21+$0x0] =	vst.idx.msk $0xffff, v25  }
0x1f2: {  	v15 =	vor.u32 v8, v15;
	[tilespmem:v61+s21+$0x0] =	vst.idx.msk $0xffff, v27;
	v13 =	vld.idx.msk [tilespmem:v13+s19+$0x0], $0xffff;
	v27 =	vor.u32 v34, v29  }
0x1f3: {  	v19 =	vor.u32 v8, v19;
	v17 =	vor.u32 v34, v16;
	v20 =	vld.idx.msk [tilespmem:v20+s19+$0x0], $0xffff;
	[tilespmem:v11+s21+$0x0] =	vst.idx.msk $0xffff, v12  }
0x1f4: {  	v11 =	vor.u32 v6, v10;
	v12 =	vor.u32 v35, v21;
	v18 =	vld.idx.msk [tilespmem:v18+s19+$0x0], $0xffff;
	[tilespmem:v23+s21+$0x0] =	vst.idx.msk $0xffff, v14  }
0x1f5: {  	v21 =	vor.u32 v6, v7;
	v14 =	vor.u32 v35, v38;
	v9 =	vld.idx.msk [tilespmem:v9+s19+$0x0], $0xffff;
	[tilespmem:v62+s21+$0x0] =	vst.idx.msk $0xffff, v1  }
0x1f6: {  	v23 =	vor.u32 v35, v26;
	v1 =	vor.u32 v6, v60;
	v25 =	vld.idx.msk [tilespmem:v31+s19+$0x0], $0xffff;
	[tilespmem:v63+s21+$0x0] =	vst.idx.msk $0xffff, v39  }
0x1f7: {  	v24 =	vor.u32 v35, v24;
	v26 =	vor.u32 v6, v22;
	[tilespmem:v15+s21+$0x0] =	vst.idx.msk $0xffff, v13;
	v13 =	vld.idx.msk [tilespmem:v27+s19+$0x0], $0xffff  }
0x1f8: {  	v17 =	vld.idx.msk [tilespmem:v17+s19+$0x0], $0xffff;
	v15 =	vor.u32 v35, v29;
	v27 =	vor.u32 v6, v5;
	[tilespmem:v19+s21+$0x0] =	vst.idx.msk $0xffff, v20  }
0x1f9: {  	v3 =	vor.u32 v8, v3;
	v16 =	vor.u32 v35, v16;
	v12 =	vld.idx.msk [tilespmem:v12+s19+$0x0], $0xffff;
	[tilespmem:v11+s21+$0x0] =	vst.idx.msk $0xffff, v18  }
0x1fa: {  	v10 =	vor.u32 v8, v10;
	[tilespmem:v21+s21+$0x0] =	vst.idx.msk $0xffff, v9;
	v9 =	vld.idx.msk [tilespmem:v14+s19+$0x0], $0xffff  }
0x1fb: {  	v7 =	vor.u32 v8, v7;
	[tilespmem:v1+s21+$0x0] =	vst.idx.msk $0xffff, v25;
	v1 =	vld.idx.msk [tilespmem:v23+s19+$0x0], $0xffff  }
0x1fc: {  	v11 =	vor.u32 v8, v60;
	v14 =	vld.idx.msk [tilespmem:v24+s19+$0x0], $0xffff;
	[tilespmem:v26+s21+$0x0] =	vst.idx.msk $0xffff, v13  }
0x1fd: {  	v13 =	vor.u32 v8, v22;
	[tilespmem:v27+s21+$0x0] =	vst.idx.msk $0xffff, v17;
	v15 =	vld.idx.msk [tilespmem:v15+s19+$0x0], $0xffff  }
0x1fe: {  	v5 =	vor.u32 v8, v5;
	[tilespmem:v3+s21+$0x0] =	vst.idx.msk $0xffff, v12;
	v3 =	vld.idx.msk [tilespmem:v16+s19+$0x0], $0xffff  }
0x1ff: {  	[tilespmem:v10+s21+$0x0] =	vst.idx.msk $0xffff, v9  }
0x200: {  	[tilespmem:v7+s21+$0x0] =	vst.idx.msk $0xffff, v1  }
0x201: {  	[tilespmem:v11+s21+$0x0] =	vst.idx.msk $0xffff, v14  }
0x202: {  	[tilespmem:v13+s21+$0x0] =	vst.idx.msk $0xffff, v15  }
0x203: {  	[tilespmem:v5+s21+$0x0] =	vst.idx.msk $0xffff, v3  }
0x204: {  	[hbm4b:s13+s3] =	stream.linear.scatter [tilespmem:s21], [sflag:$0x5], $0x1000, $0x38;
	[tilespmem:$0x12000] =	vst v63  }
0x205: {  	_ =	swait.ge [sflag:s20], $0x1000  }
0x206: {  	v16 =	vld [tilespmem:$0x1FE90]  }
0x207: {  	v18 =	vld [tilespmem:$0x1FEA0]  }
0x208: {  	v20 =	vld [tilespmem:$0x1FEB0]  }
0x209: {  	v22 =	vld [tilespmem:$0x1FEC0]  }
0x20a: {  	v24 =	vld [tilespmem:$0x1FED0]  }
0x20b: {  	v26 =	vld [tilespmem:$0x1FEE0]  }
0x20c: {  	v31 =	vld [tilespmem:$0x1FEF0]  }
0x20d: {  	v36 =	vld [tilespmem:$0x1FF00]  }
0x20e: {  	v37 =	vld [tilespmem:$0x1FF10]  }
0x20f: {  	v38 =	vld [tilespmem:$0x1FF20]  }
0x210: {  	v39 =	vld [tilespmem:$0x1FF30]  }
0x211: {  	v40 =	vld [tilespmem:$0x1FF40]  }
0x212: {  	v41 =	vld [tilespmem:$0x1FF50]  }
0x213: {  	v42 =	vld [tilespmem:$0x1FF60]  }
0x214: {  	v43 =	vld [tilespmem:$0x1FF70]  }
0x215: {  	v44 =	vld [tilespmem:$0x1FF80]  }
0x216: {  	v45 =	vld [tilespmem:$0x1FF90]  }
0x217: {  	v46 =	vld [tilespmem:$0x1FFA0]  }
0x218: {  	v47 =	vld [tilespmem:$0x1FFB0]  }
0x219: {  	v60 =	vld [tilespmem:$0x1FFC0]  }
0x21a: {  	v61 =	vld [tilespmem:$0x1FFD0]  }
0x21b: {  	v62 =	vld [tilespmem:$0x1FFE0]  }
0x21c: {  	v63 =	vld [tilespmem:$0x1FFF0]  }
0x21d: {  	v15 =	vld [tilespmem:$0x1FDB0]  }
0x21e: {  	v17 =	vld [tilespmem:$0x1FDC0]  }
0x21f: {  	v25 =	vld [tilespmem:$0x1FDD0]  }
0x220: {  	v27 =	vld [tilespmem:$0x1FDE0]  }
0x221: {  	v29 =	vld [tilespmem:$0x1FDF0]  }
0x222: {  	v19 =	vld [tilespmem:$0x1FE00]  }
0x223: {  	v21 =	vld [tilespmem:$0x1FE10]  }
0x224: {  	v23 =	vld [tilespmem:$0x1FE20]  }
0x225: {  	v48 =	vld [tilespmem:$0x1FE30]  }
.Ltmp7:
0x226: {  	v49 =	vld [tilespmem:$0x1FE40];
	(pc) =	sbr.rel .LBB2_9-.Ltmp7, $4  }
0x227: {  	v50 =	vld [tilespmem:$0x1FE50]  }
0x228: {  	v51 =	vld [tilespmem:$0x1FE60]  }
0x229: {  	[sflag:s20] =	ssyncset.done $0x0;
	v52 =	vld [tilespmem:$0x1FE70]  }
0x22a: {  	v54 =	vld [tilespmem:$0x1FE80];
	[sflag:s20] =	ssyncadd.s32 $0xFFFFF000  }
.LBB2_10:
0x22b: {  	_ =	sfence.sel $0x180000  }
0x22c: {  	[bflag:$0x0] =	sbarrier.arrive $0xFFFF  }
0x22d: {  	_ =	strace $0x90000047  }
0x22e: {  	[bflag:$0x2] =	sbarrier.arrive $0xFFFF  }
0x22f: {  	p0 =	sne.s32 s1, $0x0;
	s0 =	rddreg [dreg:$0x2]  }
0x230: {  	s0 =	sadd.s32 @!p0 $0x100000, s0  }
0x231: {  	[sflag:s0] =	ssyncadd.tile.s32 @!p0 $0x1;
	_ =	shalt  }
.Lfunc_end2:
_tile_overlayer_lowered:
.L_overlay_start_2:
0x232: {  	(tag) =	ssettag $0x2  }
0x233: {  	s0 =	rddreg [dreg:$0x0];
	s2 =	stileid.u32  }
0x234: {  	s1 =	rddreg [dreg:$0x1];
	p0 =	sne.s32 s2, $0x0  }
0x235: {  	s3 =	rddreg [dreg:$0x2];
	[bflag:$0x3] =	sbarrier.arrive $0xFFFF;
	s2 =	simm.s32 @!p0 $0x1C05  }
0x236: {  	[timem:s3], [sflag:s2] =	dma.local @!p0 [hbm:s0], s1  }
0x237: {  	s0 =	simm.s32 @!p0 $0x5  }
0x238: {  	_ =	swait.ge @!p0 [sflag:s0], s1  }
0x239: {  	s1 =	ssub.s32 @!p0 $0x0, s1;
	[sflag:s0] =	ssyncset.done @!p0 $0x0  }
0x23a: {  	[sflag:s0] =	ssyncadd.s32 @!p0 s1  }
0x23b: {  	[bflag:$0x3] =	sbarrier.arrive $0xFFFF  }
0x23c: {  	_ =	shalt  }

// kernel: kernel.7.cloned.1.call-start
scs
__scs_entry_jumppad:
0x0: {  	(pc) =	sbr.rel $0x88, $3  }
0x1: {  	(tag) =	ssettag $0x0;
	lr =	simm.s32 $0x1  }
0x2: {  	[smem:$0x3F9F] =	sst lr;
	_ =	strace $0xD0000000  }
0x3: {  	_ = 	snop  }
0x4: {  	_ = 	snop  }
0x5: {  	_ = 	snop  }
0x6: {  	_ = 	snop  }
0x7: {  	_ = 	snop  }
__scs_overlays_trampoline_lowered:
0x8: {  	[smem:$0x3FAE] =	sst s0  }
0x9: {  	[smem:$0x3FAF] =	sst s1  }
0xa: {  	[smem:$0x3FB0] =	sst s2  }
0xb: {  	[smem:$0x3FB1] =	sst s3  }
0xc: {  	[smem:$0x3FB2] =	sst s4  }
0xd: {  	[smem:$0x3FB3] =	sst s5  }
0xe: {  	[smem:$0x3FB4] =	sst s6  }
0xf: {  	[smem:$0x3FB5] =	sst s7  }
0x10: {  	[smem:$0x3FB6] =	sst s8  }
0x11: {  	[smem:$0x3FB7] =	sst s9;
	s0 =	simm.s32 @!p0 $0x0  }
0x12: {  	s1 =	sld [smem:$0x3F9D];
	s0 =	simm.s32 @p0 $0x1  }
0x13: {  	[smem:$0x3FB8] =	sst s0;
	s0 =	simm.s32 @!p1 $0x0  }
0x14: {  	s2 =	sld [smem:$0x3F9C];
	s0 =	simm.s32 @p1 $0x1  }
0x15: {  	[smem:$0x3FB9] =	sst s0;
	s0 =	simm.s32 @!p2 $0x0  }
0x16: {  	s3 =	sld [smem:$0x3FDB];
	s0 =	simm.s32 @p2 $0x1  }
0x17: {  	s4 =	simm.s32 $0x1BF5;
	[smem:$0x3FBB] =	sst s0  }
0x18: {  	s0 =	sld [smem:$0x3F9E];
	_ =	swait.ge [sflag:s4], $0x0  }
0x19: {  	s7 =	sld [smem:$0x3F9F]  }
0x1a: {  	s8 =	sadd.s32 $0xFFFFE003, lr  }
0x1b: {  	s9 =	sadd.s32 $0xFFFFFEF7, lr;
	s5 =	simm.s32 $0xFFFFFFFF;
	p2 =	slt.u32 s8, $0xFFFFF086  }
0x1c: {  	p1 =	slt.u32 s9, $0xF7A;
	s5 =	simm.s32 @!p2 $0x0  }
0x1d: {  	s5 =	simm.s32 @p1 $0x1;
	p0 =	seq.s32 s7, s2  }
0x1e: {  	s7 =	smul.u32 @!p0 $0xF7A, s2;
	p2 =	seq.s32 @!p0 s5, $0x0  }
0x1f: {  	s9 =	smul.u32 $0xF7A, s1;
	s8 =	simm.s32 @!p0 $0x1BF5;
	p2 =	por !p2, p0  }
0x20: {  	[sflag:s8] =	ssyncset.s32 @!p0 $0xFFFFF086;
	s6 =	sadd.s32 @!p0 s3, s7;
	s7 =	simm.s32 @!p0 $0x108  }
0x21: {  	s3 =	sadd.s32 s3, s9;
	s6 =	sadd.s32 @!p0 $0x88, s6;
	s7 =	simm.s32 @p2 $0x1082  }
0x22: {  	[simem:s7], [sflag:s8] =	dma.local @!p0 [hbm:s6], $0xF7A  }
0x23: {  	s9 =	sor.u32 $0xD0000000, s2;
	s6 =	simm.s32 $0x108;
	_ =	swait.ge @!p0 [sflag:s8], $0x0  }
0x24: {  	s3 =	sadd.s32 $0x88, s3;
	s6 =	simm.s32 @!p1 $0x1082;
	[sflag:s4] =	ssyncset.s32 $0xFFFFF086  }
0x25: {  	[simem:s6], [sflag:s4] =	dma.local [hbm:s3], $0xF7A  }
0x26: {  	[smem:$0x3F9F] =	sst s1;
	(tag) =	ssettag s2;
	_ =	strace s9  }
0x27: {  	s1 =	sld [smem:$0x3FAF]  }
0x28: {  	s2 =	sld [smem:$0x3FB0]  }
0x29: {  	s4 =	sld [smem:$0x3FB2]  }
0x2a: {  	p0 =	seq.s32 s5, $0x0;
	s5 =	sld [smem:$0x3FB3]  }
0x2b: {  	s6 =	sld [smem:$0x3FB4]  }
0x2c: {  	s7 =	sld [smem:$0x3FB5]  }
0x2d: {  	s3 =	simm.s32 $0x108;
	s8 =	sld [smem:$0x3FB6]  }
0x2e: {  	s3 =	simm.s32 @!p0 $0x1082;
	s9 =	sld [smem:$0x3FB7]  }
0x2f: {  	lr =	sadd.s32 s0, s3;
	s0 =	sld [smem:$0x3FAE]  }
0x30: {  	s3 =	sld [smem:$0x3FB1]  }
0x31: {  	[smem:$0x3FBA] =	sst s10  }
0x32: {  	s10 =	sld [smem:$0x3FB8];
	_ =	sdelay $0x3  }
0x33: {  	p0 =	seq.s32 s10, $0x1;
	s10 =	sld [smem:$0x3FBA];
	_ =	sdelay $0x3  }
0x34: {  	[smem:$0x3FBA] =	sst s10  }
0x35: {  	s10 =	sld [smem:$0x3FB9];
	_ =	sdelay $0x3  }
0x36: {  	p1 =	seq.s32 s10, $0x1;
	s10 =	sld [smem:$0x3FBA];
	_ =	sdelay $0x3  }
0x37: {  	[smem:$0x3FBA] =	sst s10  }
0x38: {  	s10 =	sld [smem:$0x3FBB]  }
0x39: {  	_ = 	snop;
	(pc) =	sbr.ind lr, $3  }
0x3a: {  	_ = 	snop  }
0x3b: {  	_ = 	snop  }
0x3c: {  	p2 =	seq.s32 s10, $0x1;
	s10 =	sld [smem:$0x3FBA]  }
0x3d: {  	_ =	shalt  }
0x3e: {  	_ =	shalt  }
0x3f: {  	_ =	shalt  }
0x40: {  	_ =	shalt  }
0x41: {  	_ =	shalt  }
0x42: {  	_ =	shalt  }
0x43: {  	_ =	shalt  }
0x44: {  	_ =	shalt  }
0x45: {  	_ =	shalt  }
0x46: {  	_ =	shalt  }
0x47: {  	_ =	shalt  }
0x48: {  	_ =	shalt  }
0x49: {  	_ =	shalt  }
0x4a: {  	_ =	shalt  }
0x4b: {  	_ =	shalt  }
0x4c: {  	_ =	shalt  }
0x4d: {  	_ =	shalt  }
0x4e: {  	_ =	shalt  }
0x4f: {  	_ =	shalt  }
0x50: {  	_ =	shalt  }
0x51: {  	_ =	shalt  }
0x52: {  	_ =	shalt  }
0x53: {  	_ =	shalt  }
0x54: {  	_ =	shalt  }
0x55: {  	_ =	shalt  }
0x56: {  	_ =	shalt  }
0x57: {  	_ =	shalt  }
0x58: {  	_ =	shalt  }
0x59: {  	_ =	shalt  }
0x5a: {  	_ =	shalt  }
0x5b: {  	_ =	shalt  }
0x5c: {  	_ =	shalt  }
0x5d: {  	_ =	shalt  }
0x5e: {  	_ =	shalt  }
0x5f: {  	_ =	shalt  }
0x60: {  	_ =	shalt  }
0x61: {  	_ =	shalt  }
0x62: {  	_ =	shalt  }
0x63: {  	_ =	shalt  }
0x64: {  	_ =	shalt  }
0x65: {  	_ =	shalt  }
0x66: {  	_ =	shalt  }
0x67: {  	_ =	shalt  }
0x68: {  	_ =	shalt  }
0x69: {  	_ =	shalt  }
0x6a: {  	_ =	shalt  }
0x6b: {  	_ =	shalt  }
0x6c: {  	_ =	shalt  }
0x6d: {  	_ =	shalt  }
0x6e: {  	_ =	shalt  }
0x6f: {  	_ =	shalt  }
0x70: {  	_ =	shalt  }
0x71: {  	_ =	shalt  }
0x72: {  	_ =	shalt  }
0x73: {  	_ =	shalt  }
0x74: {  	_ =	shalt  }
0x75: {  	_ =	shalt  }
0x76: {  	_ =	shalt  }
0x77: {  	_ =	shalt  }
0x78: {  	_ =	shalt  }
0x79: {  	_ =	shalt  }
0x7a: {  	_ =	shalt  }
0x7b: {  	_ =	shalt  }
0x7c: {  	_ =	shalt  }
0x7d: {  	_ =	shalt  }
0x7e: {  	_ =	shalt  }
0x7f: {  	_ =	shalt  }
0x80: {  	_ =	shalt  }
0x81: {  	_ =	shalt  }
0x82: {  	_ =	shalt  }
0x83: {  	_ =	shalt  }
0x84: {  	_ =	shalt  }
0x85: {  	_ =	shalt  }
0x86: {  	_ =	shalt  }
0x87: {  	_ =	shalt  }
.Lfunc_end0:
.L_simem_size_0:
called_computation.1_lowered:
.L_overlay_start_0:
0x88: {  	s2 =	sld [smem:$0x3FD9]  }
0x89: {  	s3 =	sld [smem:$0x3FFE];
	_ =	sdelay $0x1  }
0x8a: {  	s1 =	srdreg.scid  }
0x8b: {  	s0 =	sand.u32 $0x1, s1  }
0x8c: {  	s17 =	sshll.u32 s0, $0xA;
	s2 =	sadd.s32 s3, s2  }
0x8d: {  	s2 =	sadd.s32 s2, s17  }
0x8e: {  	[smem:$0x3FC6] =	sst s2  }
0x8f: {  	_ = 	snop  }
0x90: {  	s2 =	sld [smem:$0x3FD0];
	(tm) =	ssettm $0x1  }
0x91: {  	s18 =	sld [smem:$0x3FFB];
	_ =	sdelay $0x3  }
0x92: {  	_ =	strace s18  }
0x93: {  	s3 =	sld [smem:$0x3FFC];
	_ =	sdelay $0x3  }
0x94: {  	_ =	strace s3  }
0x95: {  	s3 =	sld [smem:$0x3FFD];
	_ =	sdelay $0x3  }
0x96: {  	_ =	strace s3  }
0x97: {  	_ =	strace $0x8FFFFFFF  }
0x98: {  	s19 =	sld [smem:$0x3FDB];
	_ =	sdelay $0x1  }
0x99: {  	s4 =	simm.s32 $_scs_section_size  }
0x9a: {  	s5 =	simm.s32 $_size__tile_overlayer_lowered;
	s6 =	simm.s32 $_tile_overlayer_lowered  }
0x9b: {  	s22 =	simm.s32 $0x1BFF;
	s21 =	sshll.u32 s6, $0x1;
	s3 =	sadd.s32 s4, s19  }
0x9c: {  	s7 =	simm.s32 $0x0;
	s20 =	sshll.u32 s5, $0x1;
	s5 =	sadd.s32 s21, s3  }
0x9d: {  	[timem:s7], [sflag:s22] =	dma.local [hbm:s5], s20  }
0x9e: {  	_ =	swait.ge [sflag:s22], s20  }
0x9f: {  	s4 =	ssub.s32 $0x0, s20;
	[sflag:s22] =	ssyncset.done $0x0  }
0xa0: {  	[sflag:s22] =	ssyncadd.s32 s4;
	_ =	sdelay $0x1  }
0xa1: {  	s23 =	simm.s32 $0x1B8B  }
0xa2: {  	_ =	swait.ge [sflag:s23], $0x1  }
0xa3: {  	[sflag:s23] =	ssyncset.done $0x0  }
0xa4: {  	s25 =	simm.s32 $0x1B8E;
	s24 =	sld [smem:$0x3FFE];
	[sflag:s23] =	ssyncadd.s32 $0xFFFFFFFF  }
0xa5: {  	s26 =	simm.s32 $execute0_lowered;
	[smem:$0x3FD2] =	sst s25  }
0xa6: {  	s5 =	sshll.u32 s26, $0x1;
	_ =	strace $0x80000049;
	[dreg:$0x1] =	wrdreg $0xFFFFFFFF  }
0xa7: {  	s28 =	simm.s32 $_size_execute0_lowered;
	s3 =	sadd.s32 s3, s5;
	[dreg:$0x0] =	wrdreg $0x0  }
0xa8: {  	s5 =	sshll.u32 s28, $0x1;
	[dreg:$0x2] =	wrdreg s3  }
0xa9: {  	[dreg:$0x3] =	wrdreg s5  }
0xaa: {  	[dreg:$0x4] =	wrdreg $0xC0  }
0xab: {  	_ =	task [dreg:s7], $0x5FFFF  }
0xac: {  	[dreg:$0x1] =	wrdreg $0xFFFFFFFF  }
0xad: {  	[dreg:$0x0] =	wrdreg $0x60  }
0xae: {  	[dreg:$0x2] =	wrdreg s24  }
0xaf: {  	[dreg:$0x3] =	wrdreg s2  }
0xb0: {  	[dreg:$0x4] =	wrdreg $0x9  }
0xb1: {  	_ =	task.clear_ibuf [dreg:s7], $0x5FFFF;
	_ =	strace $0x90000049  }
0xb2: {  	s29 =	simm.s32 $0x9;
	_ =	strace $0x8000004B  }
0xb3: {  	_ =	swait.ge [sflag:s29], $0x1  }
0xb4: {  	[sflag:s29] =	ssyncadd.s32 $0xFFFFFFFF  }
0xb5: {  	_ =	strace $0x9000004B  }
0xb6: {  	_ =	sfence  }
0xb7: {  	s30 =	sld [smem:$0x0];
	_ =	sdelay $0x2  }
0xb8: {  	s31 =	sshll.u32 s1, $0xD;
	s1 =	sshrl.u32 s1, $0x2  }
0xb9: {  	s3 =	sand.u32 $0x4000, s31;
	s1 =	sadd.s32 s1, s30  }
0xba: {  	s0 =	sor.u32 s3, s0;
	s1 =	sshll.u32 s1, $0x11  }
0xbb: {  	s0 =	sor.u32 s1, s0  }
0xbc: {  	s0 =	sadd.s32 $0x8F2B, s0  }
0xbd: {  	[sflag:s0] =	ssyncadd.remote.s32 $0x1  }
0xbe: {  	_ =	sfence.sel $0xFFFF  }
0xbf: {  	[dreg:$0x0] =	wrdreg $0xFFFFFFFF;
	(pc) =	sbr.abs _section_cstart, $3  }
0xc0: {  	[dreg:$0x1] =	wrdreg $0xFFFFFFFF  }
0xc1: {  	_ =	task.clear_ibuf [dreg:s7], $0x2FFFF;
	_ =	strace $0x9FFFFFFF  }
0xc2: {  	(tm) =	ssettm $0x7FFFFFFF  }
0xc3: {  	_ =	shalt  }
tec
execute0_lowered:
.L_overlay_start_1:
0x0: {  	(tag) =	ssettag $0x1  }
0x1: {  	v0 =	vimm.s32 $0xC3824100;
	v2 =	vimm.s32 $0x38F  }
0x2: {  	vm11 =	vcmask $0x300;
	vm12 =	vcmask $0x704;
	v1 =	vunpack.c.0.s8.s32 v0  }
0x3: {  	vm13 =	vcmask $0xB08;
	vm0 =	vcmask $0xF00;
	v2 =	vsel vm11, $0x0, v2  }
0x4: {  	vm14 =	vcmask $0xF0C;
	v2 =	vsel vm12, $0x81, v2;
	v1 =	vand.u32 $0xFF, v1  }
0x5: {  	vm4 =	vcmask $0x1310;
	v2 =	vsel vm13, $0x102, v2;
	v1 =	vnsel vm0, $0x3C7, v1  }
0x6: {  	vm5 =	vcmask $0x1714;
	v2 =	vsel vm14, $0x183, v2;
	v1 =	vsel vm4, $0x104, v1  }
0x7: {  	vm6 =	vcmask $0x1B18;
	v2 =	vsel vm4, $0x204, v2;
	v1 =	vsel vm5, $0x145, v1  }
0x8: {  	vm7 =	vcmask $0x1F1C;
	v2 =	vsel vm5, $0x285, v2;
	v1 =	vsel vm6, $0x186, v1  }
0x9: {  	vm8 =	vcmask $0x2320;
	v2 =	vsel vm6, $0x306, v2;
	v1 =	vsel vm7, $0x1C7, v1  }
0xa: {  	vm9 =	vcmask $0x2724;
	v2 =	vsel vm7, $0x387, v2;
	v1 =	vsel vm8, $0x200, v1  }
0xb: {  	vm10 =	vcmask $0x2B28;
	v2 =	vsel vm8, $0x8, v2;
	v1 =	vsel vm9, $0x241, v1  }
0xc: {  	vm3 =	vcmask $0x2F2C;
	v2 =	vsel vm9, $0x89, v2;
	v1 =	vsel vm10, $0x282, v1  }
0xd: {  	vm1 =	vcmask $0x3330;
	v2 =	vsel vm10, $0x10A, v2;
	v1 =	vsel vm3, $0x2C3, v1  }
0xe: {  	vm2 =	vcmask $0x3734;
	v2 =	vsel vm3, $0x18B, v2;
	v1 =	vsel vm1, $0x304, v1  }
0xf: {  	vm15 =	vcmask $0x3B38;
	v2 =	vsel vm1, $0x20C, v2;
	v1 =	vsel vm2, $0x345, v1  }
0x10: {  	v2 =	vsel vm2, $0x28D, v2;
	v4 =	vsel vm15, $0x386, v1;
	v1 =	vimm.s32 $0x7C7  }
0x11: {  	v5 =	vsel vm15, $0x30E, v2;
	v2 =	vimm.s32 $0x39F;
	v1 =	vsel vm11, $0x400, v1  }
0x12: {  	v3 =	vimm.s32 $0xBC7;
	v2 =	vsel vm11, $0x10, v2;
	v1 =	vsel vm12, $0x441, v1  }
0x13: {  	v3 =	vsel vm11, $0x800, v3;
	v2 =	vsel vm12, $0x91, v2;
	v1 =	vsel vm13, $0x482, v1  }
0x14: {  	v3 =	vsel vm12, $0x841, v3;
	v2 =	vsel vm13, $0x112, v2;
	v1 =	vsel vm14, $0x4C3, v1  }
0x15: {  	v3 =	vsel vm13, $0x882, v3;
	v2 =	vsel vm14, $0x193, v2;
	v1 =	vsel vm4, $0x504, v1  }
0x16: {  	v3 =	vsel vm14, $0x8C3, v3;
	v2 =	vsel vm4, $0x214, v2;
	v1 =	vsel vm5, $0x545, v1  }
0x17: {  	v3 =	vsel vm4, $0x904, v3;
	v2 =	vsel vm5, $0x295, v2;
	v1 =	vsel vm6, $0x586, v1  }
0x18: {  	v3 =	vsel vm5, $0x945, v3;
	v2 =	vsel vm6, $0x316, v2;
	v1 =	vsel vm7, $0x5C7, v1  }
0x19: {  	v3 =	vsel vm6, $0x986, v3;
	v2 =	vsel vm7, $0x397, v2;
	v1 =	vsel vm8, $0x600, v1  }
0x1a: {  	v3 =	vsel vm7, $0x9C7, v3;
	v2 =	vsel vm8, $0x18, v2;
	v1 =	vsel vm9, $0x641, v1  }
0x1b: {  	v3 =	vsel vm8, $0xA00, v3;
	v2 =	vsel vm9, $0x99, v2;
	v1 =	vsel vm10, $0x682, v1  }
0x1c: {  	v3 =	vsel vm9, $0xA41, v3;
	v2 =	vsel vm10, $0x11A, v2;
	v1 =	vsel vm3, $0x6C3, v1  }
0x1d: {  	v3 =	vsel vm10, $0xA82, v3;
	v2 =	vsel vm3, $0x19B, v2;
	v1 =	vsel vm1, $0x704, v1  }
0x1e: {  	v3 =	vsel vm3, $0xAC3, v3;
	v2 =	vsel vm1, $0x21C, v2;
	v1 =	vsel vm2, $0x745, v1  }
0x1f: {  	v3 =	vsel vm1, $0xB04, v3;
	v9 =	vsel vm15, $0x786, v1;
	v1 =	vsel vm2, $0x29D, v2  }
0x20: {  	v2 =	vsel vm2, $0xB45, v3;
	v11 =	vsel vm15, $0x31E, v1;
	v1 =	vimm.s32 $0x3AF  }
0x21: {  	v12 =	vsel vm15, $0xB86, v2;
	v2 =	vimm.s32 $0xFC7;
	v1 =	vsel vm11, $0x20, v1  }
0x22: {  	v3 =	vimm.s32 $0x3BF;
	v2 =	vsel vm11, $0xC00, v2;
	v1 =	vsel vm12, $0xA1, v1  }
0x23: {  	v3 =	vsel vm11, $0x30, v3;
	v2 =	vsel vm12, $0xC41, v2;
	v1 =	vsel vm13, $0x122, v1  }
0x24: {  	v3 =	vsel vm12, $0xB1, v3;
	v2 =	vsel vm13, $0xC82, v2;
	v1 =	vsel vm14, $0x1A3, v1  }
0x25: {  	v3 =	vsel vm13, $0x132, v3;
	v2 =	vsel vm14, $0xCC3, v2;
	v1 =	vsel vm4, $0x224, v1  }
0x26: {  	v3 =	vsel vm14, $0x1B3, v3;
	v2 =	vsel vm4, $0xD04, v2;
	v1 =	vsel vm5, $0x2A5, v1  }
0x27: {  	v3 =	vsel vm4, $0x234, v3;
	v2 =	vsel vm5, $0xD45, v2;
	v1 =	vsel vm6, $0x326, v1  }
0x28: {  	v3 =	vsel vm5, $0x2B5, v3;
	v2 =	vsel vm6, $0xD86, v2;
	v1 =	vsel vm7, $0x3A7, v1  }
0x29: {  	v3 =	vsel vm6, $0x336, v3;
	v2 =	vsel vm7, $0xDC7, v2;
	v1 =	vsel vm8, $0x28, v1  }
0x2a: {  	v3 =	vsel vm7, $0x3B7, v3;
	v2 =	vsel vm8, $0xE00, v2;
	v1 =	vsel vm9, $0xA9, v1  }
0x2b: {  	v3 =	vsel vm8, $0x38, v3;
	v2 =	vsel vm9, $0xE41, v2;
	v1 =	vsel vm10, $0x12A, v1  }
0x2c: {  	v3 =	vsel vm9, $0xB9, v3;
	v2 =	vsel vm10, $0xE82, v2;
	v1 =	vsel vm3, $0x1AB, v1  }
0x2d: {  	v3 =	vsel vm10, $0x13A, v3;
	v2 =	vsel vm3, $0xEC3, v2;
	v1 =	vsel vm1, $0x22C, v1  }
0x2e: {  	v3 =	vsel vm3, $0x1BB, v3;
	v2 =	vsel vm1, $0xF04, v2;
	v1 =	vsel vm2, $0x2AD, v1  }
0x2f: {  	v3 =	vsel vm1, $0x23C, v3;
	v13 =	vsel vm15, $0x32E, v1;
	v1 =	vsel vm2, $0xF45, v2  }
0x30: {  	v2 =	vsel vm2, $0x2BD, v3;
	v14 =	vsel vm15, $0xF86, v1;
	v1 =	vimm.s32 $0x13C7  }
0x31: {  	v15 =	vsel vm15, $0x33E, v2;
	v2 =	vimm.s32 $0x3CF;
	v1 =	vsel vm11, $0x1000, v1  }
0x32: {  	v3 =	vimm.s32 $0x17C7;
	v2 =	vsel vm11, $0x40, v2;
	v1 =	vsel vm12, $0x1041, v1  }
0x33: {  	v3 =	vsel vm11, $0x1400, v3;
	v2 =	vsel vm12, $0xC1, v2;
	v1 =	vsel vm13, $0x1082, v1  }
0x34: {  	v3 =	vsel vm12, $0x1441, v3;
	v2 =	vsel vm13, $0x142, v2;
	v1 =	vsel vm14, $0x10C3, v1  }
0x35: {  	v3 =	vsel vm13, $0x1482, v3;
	v2 =	vsel vm14, $0x1C3, v2;
	v1 =	vsel vm4, $0x1104, v1  }
0x36: {  	v3 =	vsel vm14, $0x14C3, v3;
	v2 =	vsel vm4, $0x244, v2;
	v1 =	vsel vm5, $0x1145, v1  }
0x37: {  	v3 =	vsel vm4, $0x1504, v3;
	v2 =	vsel vm5, $0x2C5, v2;
	v1 =	vsel vm6, $0x1186, v1  }
0x38: {  	v3 =	vsel vm5, $0x1545, v3;
	v2 =	vsel vm6, $0x346, v2;
	v1 =	vsel vm7, $0x11C7, v1  }
0x39: {  	v3 =	vsel vm6, $0x1586, v3;
	v2 =	vsel vm7, $0x3C7, v2;
	v1 =	vsel vm8, $0x1200, v1  }
0x3a: {  	v3 =	vsel vm7, $0x15C7, v3;
	v2 =	vsel vm8, $0x48, v2;
	v1 =	vsel vm9, $0x1241, v1  }
0x3b: {  	v3 =	vsel vm8, $0x1600, v3;
	v2 =	vsel vm9, $0xC9, v2;
	v1 =	vsel vm10, $0x1282, v1  }
0x3c: {  	v3 =	vsel vm9, $0x1641, v3;
	v2 =	vsel vm10, $0x14A, v2;
	v1 =	vsel vm3, $0x12C3, v1  }
0x3d: {  	v3 =	vsel vm10, $0x1682, v3;
	v2 =	vsel vm3, $0x1CB, v2;
	v1 =	vsel vm1, $0x1304, v1  }
0x3e: {  	v3 =	vsel vm3, $0x16C3, v3;
	v2 =	vsel vm1, $0x24C, v2;
	v1 =	vsel vm2, $0x1345, v1  }
0x3f: {  	v3 =	vsel vm1, $0x1704, v3;
	v16 =	vsel vm15, $0x1386, v1;
	v1 =	vsel vm2, $0x2CD, v2  }
0x40: {  	v2 =	vsel vm2, $0x1745, v3;
	v17 =	vsel vm15, $0x34E, v1;
	v1 =	vimm.s32 $0x3DF  }
0x41: {  	v18 =	vsel vm15, $0x1786, v2;
	v2 =	vimm.s32 $0x1BC7;
	v1 =	vsel vm11, $0x50, v1  }
0x42: {  	v3 =	vimm.s32 $0x3EF;
	v2 =	vsel vm11, $0x1800, v2;
	v1 =	vsel vm12, $0xD1, v1  }
0x43: {  	v3 =	vsel vm11, $0x60, v3;
	v2 =	vsel vm12, $0x1841, v2;
	v1 =	vsel vm13, $0x152, v1  }
0x44: {  	v3 =	vsel vm12, $0xE1, v3;
	v2 =	vsel vm13, $0x1882, v2;
	v1 =	vsel vm14, $0x1D3, v1  }
0x45: {  	v3 =	vsel vm13, $0x162, v3;
	v2 =	vsel vm14, $0x18C3, v2;
	v1 =	vsel vm4, $0x254, v1  }
0x46: {  	v3 =	vsel vm14, $0x1E3, v3;
	v2 =	vsel vm4, $0x1904, v2;
	v1 =	vsel vm5, $0x2D5, v1  }
0x47: {  	v3 =	vsel vm4, $0x264, v3;
	v2 =	vsel vm5, $0x1945, v2;
	v1 =	vsel vm6, $0x356, v1  }
0x48: {  	v3 =	vsel vm5, $0x2E5, v3;
	v2 =	vsel vm6, $0x1986, v2;
	v1 =	vsel vm7, $0x3D7, v1  }
0x49: {  	v3 =	vsel vm6, $0x366, v3;
	v2 =	vsel vm7, $0x19C7, v2;
	v1 =	vsel vm8, $0x58, v1  }
0x4a: {  	v3 =	vsel vm7, $0x3E7, v3;
	v2 =	vsel vm8, $0x1A00, v2;
	v1 =	vsel vm9, $0xD9, v1  }
0x4b: {  	v3 =	vsel vm8, $0x68, v3;
	v2 =	vsel vm9, $0x1A41, v2;
	v1 =	vsel vm10, $0x15A, v1  }
0x4c: {  	v3 =	vsel vm9, $0xE9, v3;
	v2 =	vsel vm10, $0x1A82, v2;
	v1 =	vsel vm3, $0x1DB, v1  }
0x4d: {  	v3 =	vsel vm10, $0x16A, v3;
	v2 =	vsel vm3, $0x1AC3, v2;
	v1 =	vsel vm1, $0x25C, v1  }
0x4e: {  	v3 =	vsel vm3, $0x1EB, v3;
	v2 =	vsel vm1, $0x1B04, v2;
	v1 =	vsel vm2, $0x2DD, v1  }
0x4f: {  	v3 =	vsel vm1, $0x26C, v3;
	v19 =	vsel vm15, $0x35E, v1;
	v1 =	vsel vm2, $0x1B45, v2  }
0x50: {  	v2 =	vsel vm2, $0x2ED, v3;
	v20 =	vsel vm15, $0x1B86, v1;
	v1 =	vimm.s32 $0x1FC7  }
0x51: {  	v21 =	vsel vm15, $0x36E, v2;
	v2 =	vimm.s32 $0x3FF;
	v1 =	vsel vm11, $0x1C00, v1  }
0x52: {  	v3 =	vimm.s32 $0x23C7;
	v2 =	vsel vm11, $0x70, v2;
	v1 =	vsel vm12, $0x1C41, v1  }
0x53: {  	v3 =	vsel vm11, $0x2000, v3;
	v2 =	vsel vm12, $0xF1, v2;
	v1 =	vsel vm13, $0x1C82, v1  }
0x54: {  	v3 =	vsel vm12, $0x2041, v3;
	v2 =	vsel vm13, $0x172, v2;
	v1 =	vsel vm14, $0x1CC3, v1  }
0x55: {  	v3 =	vsel vm13, $0x2082, v3;
	v2 =	vsel vm14, $0x1F3, v2;
	v1 =	vsel vm4, $0x1D04, v1  }
0x56: {  	v3 =	vsel vm14, $0x20C3, v3;
	v2 =	vsel vm4, $0x274, v2;
	v1 =	vsel vm5, $0x1D45, v1  }
0x57: {  	v3 =	vsel vm4, $0x2104, v3;
	v2 =	vsel vm5, $0x2F5, v2;
	v1 =	vsel vm6, $0x1D86, v1  }
0x58: {  	v3 =	vsel vm5, $0x2145, v3;
	v2 =	vsel vm6, $0x376, v2;
	v1 =	vsel vm7, $0x1DC7, v1  }
0x59: {  	v3 =	vsel vm6, $0x2186, v3;
	v2 =	vsel vm7, $0x3F7, v2;
	v1 =	vsel vm8, $0x1E00, v1  }
0x5a: {  	v3 =	vsel vm7, $0x21C7, v3;
	v2 =	vsel vm8, $0x78, v2;
	v1 =	vsel vm9, $0x1E41, v1  }
0x5b: {  	v3 =	vsel vm8, $0x2200, v3;
	v2 =	vsel vm9, $0xF9, v2;
	v1 =	vsel vm10, $0x1E82, v1  }
0x5c: {  	v3 =	vsel vm9, $0x2241, v3;
	v2 =	vsel vm10, $0x17A, v2;
	v1 =	vsel vm3, $0x1EC3, v1  }
0x5d: {  	v3 =	vsel vm10, $0x2282, v3;
	v2 =	vsel vm3, $0x1FB, v2;
	v1 =	vsel vm1, $0x1F04, v1  }
0x5e: {  	v3 =	vsel vm3, $0x22C3, v3;
	v2 =	vsel vm1, $0x27C, v2;
	v1 =	vsel vm2, $0x1F45, v1  }
0x5f: {  	v3 =	vsel vm1, $0x2304, v3;
	v22 =	vsel vm15, $0x1F86, v1;
	v1 =	vsel vm2, $0x2FD, v2  }
0x60: {  	v2 =	vsel vm2, $0x2345, v3;
	v23 =	vsel vm15, $0x37E, v1;
	v1 =	vimm.s32 $0x78F  }
0x61: {  	v24 =	vsel vm15, $0x2386, v2;
	v2 =	vimm.s32 $0x27C7;
	v1 =	vsel vm11, $0x400, v1  }
0x62: {  	v2 =	vsel vm11, $0x2400, v2;
	v1 =	vsel vm12, $0x481, v1  }
0x63: {  	v3 =	vimm.s32 $0x79F;
	v2 =	vsel vm12, $0x2441, v2;
	v1 =	vsel vm13, $0x502, v1  }
0x64: {  	v3 =	vsel vm11, $0x410, v3;
	v2 =	vsel vm13, $0x2482, v2;
	v1 =	vsel vm14, $0x583, v1  }
0x65: {  	v3 =	vsel vm12, $0x491, v3;
	v2 =	vsel vm14, $0x24C3, v2;
	v1 =	vsel vm4, $0x604, v1  }
0x66: {  	v3 =	vsel vm13, $0x512, v3;
	v2 =	vsel vm4, $0x2504, v2;
	v1 =	vsel vm5, $0x685, v1  }
0x67: {  	v3 =	vsel vm14, $0x593, v3;
	v2 =	vsel vm5, $0x2545, v2;
	v1 =	vsel vm6, $0x706, v1  }
0x68: {  	v3 =	vsel vm4, $0x614, v3;
	v2 =	vsel vm6, $0x2586, v2;
	v1 =	vsel vm7, $0x787, v1  }
0x69: {  	v3 =	vsel vm5, $0x695, v3;
	v2 =	vsel vm7, $0x25C7, v2;
	v1 =	vsel vm8, $0x408, v1  }
0x6a: {  	v3 =	vsel vm6, $0x716, v3;
	v2 =	vsel vm8, $0x2600, v2;
	v1 =	vsel vm9, $0x489, v1  }
0x6b: {  	v3 =	vsel vm7, $0x797, v3;
	v2 =	vsel vm9, $0x2641, v2;
	v1 =	vsel vm10, $0x50A, v1  }
0x6c: {  	v3 =	vsel vm8, $0x418, v3;
	v2 =	vsel vm10, $0x2682, v2;
	v1 =	vsel vm3, $0x58B, v1  }
0x6d: {  	v3 =	vsel vm9, $0x499, v3;
	v2 =	vsel vm3, $0x26C3, v2;
	v1 =	vsel vm1, $0x60C, v1  }
0x6e: {  	v3 =	vsel vm10, $0x51A, v3;
	v2 =	vsel vm1, $0x2704, v2;
	v1 =	vsel vm2, $0x68D, v1  }
0x6f: {  	v3 =	vsel vm3, $0x59B, v3;
	v25 =	vsel vm15, $0x70E, v1;
	v1 =	vsel vm2, $0x2745, v2  }
0x70: {  	v3 =	vsel vm1, $0x61C, v3;
	v26 =	vsel vm15, $0x2786, v1;
	v1 =	vimm.s32 $0x2BC7  }
0x71: {  	v2 =	vsel vm2, $0x69D, v3;
	v3 =	vimm.s32 $0x2FC7;
	v1 =	vsel vm11, $0x2800, v1  }
0x72: {  	v0 =	vsel vm15, $0x71E, v2;
	v2 =	vimm.s32 $0x7AF;
	v1 =	vsel vm12, $0x2841, v1  }
0x73: {  	v3 =	vsel vm11, $0x2C00, v3;
	v2 =	vsel vm11, $0x420, v2;
	v1 =	vsel vm13, $0x2882, v1  }
0x74: {  	v3 =	vsel vm12, $0x2C41, v3;
	v2 =	vsel vm12, $0x4A1, v2;
	v1 =	vsel vm14, $0x28C3, v1  }
0x75: {  	v3 =	vsel vm13, $0x2C82, v3;
	v2 =	vsel vm13, $0x522, v2;
	v1 =	vsel vm4, $0x2904, v1  }
0x76: {  	v3 =	vsel vm14, $0x2CC3, v3;
	v2 =	vsel vm14, $0x5A3, v2;
	v1 =	vsel vm5, $0x2945, v1  }
0x77: {  	v3 =	vsel vm4, $0x2D04, v3;
	v2 =	vsel vm4, $0x624, v2;
	v1 =	vsel vm6, $0x2986, v1  }
0x78: {  	v3 =	vsel vm5, $0x2D45, v3;
	v2 =	vsel vm5, $0x6A5, v2;
	v1 =	vsel vm7, $0x29C7, v1  }
0x79: {  	v3 =	vsel vm6, $0x2D86, v3;
	v2 =	vsel vm6, $0x726, v2;
	v1 =	vsel vm8, $0x2A00, v1  }
0x7a: {  	v3 =	vsel vm7, $0x2DC7, v3;
	v2 =	vsel vm7, $0x7A7, v2;
	v1 =	vsel vm9, $0x2A41, v1  }
0x7b: {  	v3 =	vsel vm8, $0x2E00, v3;
	v2 =	vsel vm8, $0x428, v2;
	v1 =	vsel vm10, $0x2A82, v1  }
0x7c: {  	v3 =	vsel vm9, $0x2E41, v3;
	v2 =	vsel vm9, $0x4A9, v2;
	v1 =	vsel vm3, $0x2AC3, v1  }
0x7d: {  	v3 =	vsel vm10, $0x2E82, v3;
	v2 =	vsel vm10, $0x52A, v2;
	v1 =	vsel vm1, $0x2B04, v1  }
0x7e: {  	v3 =	vsel vm3, $0x2EC3, v3;
	v2 =	vsel vm3, $0x5AB, v2;
	v1 =	vsel vm2, $0x2B45, v1  }
0x7f: {  	v3 =	vsel vm1, $0x2F04, v3;
	v2 =	vsel vm1, $0x62C, v2;
	v1 =	vsel vm15, $0x2B86, v1  }
0x80: {  	[tilespmem:$0x1FDF0] =	vst v1;
	v1 =	vsel vm2, $0x6AD, v2;
	v2 =	vsel vm2, $0x2F45, v3  }
0x81: {  	v27 =	vsel vm15, $0x72E, v1;
	v1 =	vsel vm15, $0x2F86, v2  }
0x82: {  	[tilespmem:$0x1FE00] =	vst v1;
	v1 =	vimm.s32 $0x7BF  }
0x83: {  	v1 =	vsel vm11, $0x430, v1  }
0x84: {  	v3 =	vimm.s32 $0x7CF;
	v2 =	vimm.s32 $0x33C7;
	v1 =	vsel vm12, $0x4B1, v1  }
0x85: {  	v3 =	vsel vm11, $0x440, v3;
	v2 =	vsel vm11, $0x3000, v2;
	v1 =	vsel vm13, $0x532, v1  }
0x86: {  	v3 =	vsel vm12, $0x4C1, v3;
	v2 =	vsel vm12, $0x3041, v2;
	v1 =	vsel vm14, $0x5B3, v1  }
0x87: {  	v3 =	vsel vm13, $0x542, v3;
	v2 =	vsel vm13, $0x3082, v2;
	v1 =	vsel vm4, $0x634, v1  }
0x88: {  	v3 =	vsel vm14, $0x5C3, v3;
	v2 =	vsel vm14, $0x30C3, v2;
	v1 =	vsel vm5, $0x6B5, v1  }
0x89: {  	v3 =	vsel vm4, $0x644, v3;
	v2 =	vsel vm4, $0x3104, v2;
	v1 =	vsel vm6, $0x736, v1  }
0x8a: {  	v3 =	vsel vm5, $0x6C5, v3;
	v2 =	vsel vm5, $0x3145, v2;
	v1 =	vsel vm7, $0x7B7, v1  }
0x8b: {  	v3 =	vsel vm6, $0x746, v3;
	v2 =	vsel vm6, $0x3186, v2;
	v1 =	vsel vm8, $0x438, v1  }
0x8c: {  	v3 =	vsel vm7, $0x7C7, v3;
	v2 =	vsel vm7, $0x31C7, v2;
	v1 =	vsel vm9, $0x4B9, v1  }
0x8d: {  	v3 =	vsel vm8, $0x448, v3;
	v2 =	vsel vm8, $0x3200, v2;
	v1 =	vsel vm10, $0x53A, v1  }
0x8e: {  	v3 =	vsel vm9, $0x4C9, v3;
	v2 =	vsel vm9, $0x3241, v2;
	v1 =	vsel vm3, $0x5BB, v1  }
0x8f: {  	v3 =	vsel vm10, $0x54A, v3;
	v2 =	vsel vm10, $0x3282, v2;
	v1 =	vsel vm1, $0x63C, v1  }
0x90: {  	v3 =	vsel vm3, $0x5CB, v3;
	v2 =	vsel vm3, $0x32C3, v2;
	v1 =	vsel vm2, $0x6BD, v1  }
0x91: {  	v3 =	vsel vm1, $0x64C, v3;
	v2 =	vsel vm1, $0x3304, v2;
	v1 =	vsel vm15, $0x73E, v1  }
0x92: {  	[tilespmem:$0x1FE10] =	vst v1;
	v1 =	vsel vm2, $0x3345, v2;
	v2 =	vsel vm2, $0x6CD, v3  }
0x93: {  	v30 =	vsel vm15, $0x3386, v1;
	v1 =	vsel vm15, $0x74E, v2  }
0x94: {  	[tilespmem:$0x1FE20] =	vst v1;
	v1 =	vimm.s32 $0x37C7  }
0x95: {  	v2 =	vimm.s32 $0x7DF;
	v1 =	vsel vm11, $0x3400, v1  }
0x96: {  	v2 =	vsel vm11, $0x450, v2;
	v1 =	vsel vm12, $0x3441, v1  }
0x97: {  	v2 =	vsel vm12, $0x4D1, v2;
	v1 =	vsel vm13, $0x3482, v1  }
0x98: {  	v2 =	vsel vm13, $0x552, v2;
	v1 =	vsel vm14, $0x34C3, v1  }
0x99: {  	v2 =	vsel vm14, $0x5D3, v2;
	v1 =	vsel vm4, $0x3504, v1  }
0x9a: {  	v2 =	vsel vm4, $0x654, v2;
	v1 =	vsel vm5, $0x3545, v1  }
0x9b: {  	v2 =	vsel vm5, $0x6D5, v2;
	v1 =	vsel vm6, $0x3586, v1  }
0x9c: {  	v33 =	vlaneseq.u32;
	v2 =	vsel vm6, $0x756, v2;
	v1 =	vsel vm7, $0x35C7, v1  }
0x9d: {  	v37 =	vmul.u32 $0x40, v33;
	v2 =	vsel vm7, $0x7D7, v2;
	v1 =	vsel vm8, $0x3600, v1  }
0x9e: {  	v41 =	vor.u32 $0x10, v33;
	v2 =	vsel vm8, $0x458, v2;
	v1 =	vsel vm9, $0x3641, v1  }
0x9f: {  	v44 =	vor.u32 $0x20, v33;
	v2 =	vsel vm9, $0x4D9, v2;
	v1 =	vsel vm10, $0x3682, v1  }
0xa0: {  	s1 =	srdreg.scid;
	s0 =	stileid.u32;
	v46 =	vor.u32 $0x30, v33;
	v2 =	vsel vm10, $0x55A, v2;
	v1 =	vsel vm3, $0x36C3, v1  }
0xa1: {  	s4 =	sand.u32 $0x1, s1;
	s29 =	sshll.u32 s0, $0x1;
	v48 =	vor.u32 $0x40, v33;
	v2 =	vsel vm3, $0x5DB, v2;
	v1 =	vsel vm1, $0x3704, v1  }
0xa2: {  	s9 =	rddreg [dreg:$0x0];
	s6 =	sor.u32 s4, s29;
	v3 =	vimm.s32 $0x3BC7;
	v2 =	vsel vm1, $0x65C, v2;
	v1 =	vsel vm2, $0x3745, v1  }
0xa3: {  	s2 =	rddreg [dreg:$0x1];
	s3 =	sshll.u32 s6, $0xA;
	v3 =	vsel vm11, $0x3800, v3;
	v34 =	vsel vm15, $0x3786, v1;
	v1 =	vsel vm2, $0x6DD, v2  }
0xa4: {  	v50 =	vor.u32 $0x50, v33;
	s1 =	smul.u32 $0x6400, s6;
	s7 =	sand.u32 $0xC00, s3;
	s3 =	simm.s32 $0x0;
	v3 =	vsel vm12, $0x3841, v3;
	v1 =	vsel vm15, $0x75E, v1  }
0xa5: {  	v52 =	vor.u32 $0x60, v33;
	v54 =	vor.u32 $0x70, v33;
	[smem:$0x7FF] =	sst s3;
	v3 =	vsel vm13, $0x3882, v3;
	[tilespmem:$0x1FE30] =	vst v1  }
0xa6: {  	v56 =	vor.u32 $0x400, v33;
	s5 =	sand.u32 $0xFF000, s1;
	s1 =	rddreg [dreg:$0x2];
	v3 =	vsel vm14, $0x38C3, v3;
	_ =	strace $0x8000004A;
	[tilespmem:$0x1FEB0] =	vst v4  }
0xa7: {  	v58 =	vor.u32 $0x410, v33;
	v60 =	vor.u32 $0x420, v33;
	v3 =	vsel vm4, $0x3904, v3;
	[tilespmem:$0x1FEC0] =	vst v11  }
0xa8: {  	v62 =	vor.u32 $0x430, v33;
	v42 =	vor.u32 $0x400, v37;
	v3 =	vsel vm5, $0x3945, v3;
	[tilespmem:$0x1FED0] =	vst v12  }
0xa9: {  	v43 =	vor.u32 $0x800, v37;
	v45 =	vor.u32 $0xC00, v37;
	v3 =	vsel vm6, $0x3986, v3;
	[tilespmem:$0x1FEE0] =	vst v13  }
0xaa: {  	v47 =	vor.u32 $0x1000, v37;
	v49 =	vor.u32 $0x1400, v37;
	v3 =	vsel vm7, $0x39C7, v3;
	[tilespmem:$0x1FEF0] =	vst v14  }
0xab: {  	v51 =	vor.u32 $0x1800, v37;
	v3 =	vsel vm8, $0x3A00, v3;
	v1 =	vimm.s32 $0x7EF;
	[tilespmem:$0x1FF00] =	vst v15  }
0xac: {  	v53 =	vor.u32 $0x1C00, v37;
	v3 =	vsel vm9, $0x3A41, v3;
	v1 =	vsel vm11, $0x460, v1;
	[tilespmem:$0x1FF10] =	vst v16  }
0xad: {  	v55 =	vor.u32 $0x2000, v37;
	v3 =	vsel vm10, $0x3A82, v3;
	[tilespmem:$0x1FF20] =	vst v17;
	v1 =	vsel vm12, $0x4E1, v1  }
0xae: {  	v57 =	vor.u32 $0x2400, v37;
	v3 =	vsel vm3, $0x3AC3, v3;
	[tilespmem:$0x1FF30] =	vst v18;
	v1 =	vsel vm13, $0x562, v1  }
0xaf: {  	v59 =	vor.u32 $0x2800, v37;
	v3 =	vsel vm1, $0x3B04, v3;
	[tilespmem:$0x1FF40] =	vst v19;
	v1 =	vsel vm14, $0x5E3, v1  }
0xb0: {  	v61 =	vor.u32 $0x2C00, v37;
	v2 =	vsel vm2, $0x3B45, v3;
	[tilespmem:$0x1FF50] =	vst v20;
	v1 =	vsel vm4, $0x664, v1  }
0xb1: {  	v3 =	vimm.s32 $0x7FF;
	v36 =	vsel vm15, $0x3B86, v2;
	[tilespmem:$0x1FF60] =	vst v21;
	v1 =	vsel vm5, $0x6E5, v1  }
0xb2: {  	v2 =	vimm.s32 $0x3FC7;
	v3 =	vsel vm11, $0x470, v3;
	[tilespmem:$0x1FF70] =	vst v22;
	v1 =	vsel vm6, $0x766, v1  }
0xb3: {  	v2 =	vsel vm11, $0x3C00, v2;
	v3 =	vsel vm12, $0x4F1, v3;
	[tilespmem:$0x1FF80] =	vst v23;
	v1 =	vsel vm7, $0x7E7, v1  }
0xb4: {  	v2 =	vsel vm12, $0x3C41, v2;
	v3 =	vsel vm13, $0x572, v3;
	[tilespmem:$0x1FF90] =	vst v24;
	v1 =	vsel vm8, $0x468, v1  }
0xb5: {  	[tilespmem:$0x1FFA0] =	vst v25;
	v2 =	vsel vm13, $0x3C82, v2;
	v3 =	vsel vm14, $0x5F3, v3;
	v1 =	vsel vm9, $0x4E9, v1  }
0xb6: {  	[tilespmem:$0x1FFB0] =	vst v5;
	v2 =	vsel vm14, $0x3CC3, v2;
	v3 =	vsel vm4, $0x674, v3;
	v1 =	vsel vm10, $0x56A, v1  }
0xb7: {  	[tilespmem:$0x1FFC0] =	vst v9;
	v2 =	vsel vm4, $0x3D04, v2;
	v3 =	vsel vm5, $0x6F5, v3;
	v1 =	vsel vm3, $0x5EB, v1  }
0xb8: {  	[tilespmem:$0x1FFD0] =	vst v0;
	v2 =	vsel vm5, $0x3D45, v2;
	v3 =	vsel vm6, $0x776, v3;
	v1 =	vsel vm1, $0x66C, v1  }
0xb9: {  	[tilespmem:$0x1FFE0] =	vst v27;
	v2 =	vsel vm6, $0x3D86, v2;
	v3 =	vsel vm7, $0x7F7, v3;
	v1 =	vsel vm2, $0x6ED, v1  }
0xba: {  	[tilespmem:$0x1FFF0] =	vst v26;
	v2 =	vsel vm7, $0x3DC7, v2;
	v38 =	vsel vm15, $0x76E, v1;
	v1 =	vor.u32 $0x440, v33  }
0xbb: {  	s11 =	simm.s32 $0x100;
	s12 =	simm.s32 $0x200;
	v3 =	vsel vm8, $0x478, v3;
	v2 =	vsel vm8, $0x3E00, v2;
	[tilespmem:$0x1FE40] =	vst v1;
	v1 =	vor.u32 $0x3400, v37  }
0xbc: {  	s13 =	simm.s32 $0x800;
	s14 =	simm.s32 $0x8000;
	s15 =	simm.s32 $0x3;
	v3 =	vsel vm9, $0x4F9, v3;
	v2 =	vsel vm9, $0x3E41, v2;
	[tilespmem:$0x1FE50] =	vst v1;
	v1 =	vor.u32 $0x450, v33  }
0xbd: {  	s16 =	simm.s32 $0x4;
	s30 =	ssub.s32 $0x2, s4;
	s5 =	sor.u32 s7, s5;
	v3 =	vsel vm10, $0x57A, v3;
	v2 =	vsel vm10, $0x3E82, v2;
	[tilespmem:$0x1FE60] =	vst v1;
	v1 =	vor.u32 $0x3800, v37  }
0xbe: {  	s4 =	sadd.s32 $0xA00, s9;
	s6 =	smul.u32 $0x64, s6;
	s5 =	sshrl.u32 s5, $0x3;
	v3 =	vsel vm3, $0x5FB, v3;
	v2 =	vsel vm3, $0x3EC3, v2;
	[tilespmem:$0x1FE70] =	vst v1;
	v1 =	vor.u32 $0x460, v33  }
0xbf: {  	s31 =	sshrl.u32 s30, $0x1;
	s8 =	sadd.s32 s5, s9;
	s9 =	sadd.s32 $0x7A1E40, s9;
	v3 =	vsel vm1, $0x67C, v3;
	v2 =	vsel vm1, $0x3F04, v2;
	[tilespmem:$0x1FE80] =	vst v1;
	v1 =	vor.u32 $0x3C00, v37  }
0xc0: {  	s17 =	simm.s32 $0x0;
	s10 =	ssub.s32 s30, s31;
	s5 =	sadd.s32 $0x7A1E00, s8;
	v3 =	vsel vm2, $0x6FD, v3;
	v2 =	vsel vm2, $0x3F45, v2;
	[tilespmem:$0x1FE90] =	vst v1;
	v1 =	vor.u32 $0x470, v33  }
0xc1: {  	v63 =	vor.u32 $0x3000, v37;
	s7 =	sadd.s32 $0x7A1E20, s8;
	s8 =	smax.u32 s10, $0x1;
	s10 =	simm.s32 $0x5;
	v40 =	vsel vm15, $0x77E, v3;
	v39 =	vsel vm15, $0x3F86, v2;
	[tilespmem:$0x1FEA0] =	vst v1  }
.LBB2_1:
0xc2: {  	[tilespmem:s3], [sflag:$0x5] =	stream.linear.gather [hbm4b:s5+s3], $0x100, $0x38;
	[tilespmem:$0x10200] =	vst v63  }
0xc3: {  	_ =	swait.ge [sflag:s10], $0x100  }
0xc4: {  	[sflag:s10] =	ssyncset.done $0x0  }
0xc5: {  	[sflag:s10] =	ssyncadd.s32 $0xFFFFFF00  }
0xc6: {  	[tilespmem:s12], [sflag:$0x1] =	stream.indirect.gather [hbm4b:s4+s11], $0x40, s3, s11, $0xb8;
	[tilespmem:$0x10200] =	vst v63  }
0xc7: {  	_ = 	snop  }
0xc8: {  	[tilespmem:s11], [sflag:$0x5] =	stream.linear.gather [hbm4b:s7+s3], $0x100, $0x38;
	[tilespmem:$0x10200] =	vst v63  }
0xc9: {  	_ =	swait.ge [sflag:s10], $0x100  }
0xca: {  	[sflag:s10] =	ssyncset.done $0x0  }
0xcb: {  	s19 =	simm.s32 $0x0;
	[sflag:s10] =	ssyncadd.s32 $0xFFFFFF00  }
.LBB2_2:
0xcc: {  	s18 =	sand.u32 $0x1, s19;
	p0 =	seq.s32 s19, $0x63  }
0xcd: {  	s20 =	sxor.u32 @!p0 $0x1, s18  }
0xce: {  	s23 =	simm.s32 @!p0 $0x100;
	s31 =	sadd.s32 $0x1, s18;
	s21 =	sshll.u32 @!p0 s20, $0xE  }
0xcf: {  	s22 =	sshll.u32 @!p0 s20, $0x8;
	s20 =	sadd.s32 @!p0 $0x1, s20;
	s21 =	sor.u32 @!p0 $0x200, s21  }
0xd0: {  	[tilespmem:s21], [sflag:s20] =	stream.indirect.gather @!p0 [hbm4b:s4+s23], $0x40, s22, s23, $0xb8;
	[tilespmem:$0x10200] =	vst v63  }
0xd1: {  	_ =	swait.ge [sflag:s31], $0x4000  }
0xd2: {  	p0 =	slt.u32 s19, $0x2;
	[sflag:s31] =	ssyncset.done $0x0  }
0xd3: {  	s24 =	sadd.s32 @!p0 $0x3, s18;
	[sflag:s31] =	ssyncadd.s32 $0xFFFFC000  }
0xd4: {  	s25 =	simm.s32 $0x0;
	s22 =	sadd.s32 s6, s19;
	_ =	swait.ge @!p0 [sflag:s24], $0x4000  }
0xd5: {  	s21 =	sshll.u32 s18, $0xE;
	s20 =	sadd.s32 $0x1, s19;
	[sflag:s24] =	ssyncset.done @!p0 $0x0  }
0xd6: {  	s23 =	sor.u32 $0x200, s21;
	[sflag:s24] =	ssyncadd.s32 @!p0 $0xFFFFC000;
	s24 =	sadd.s32 $0x8200, s21  }
.LBB2_3:
0xd7: {  	_ = 	snop  }
0xd8: {  	v1 =	vadd.s32 s25, v33  }
0xd9: {  	v2 =	vand.u32 $0x38, v1  }
0xda: {  	v7 =	vld [tilespmem:$0x1FFB0];
	v3 =	vor.u32 v4, v2  }
0xdb: {  	v9 =	vld [tilespmem:$0x1FFC0];
	_ =	sdelay $0x1  }
0xdc: {  	v1 =	vshll.u32 v1, $0x8  }
0xdd: {  	v1 =	vand.u32 $0x3800, v1  }
0xde: {  	v7 =	vor.u32 v7, v1;
	v3 =	vld.idx.msk [tilespmem:v3+s23+$0x0], $0xffff  }
0xdf: {  	v9 =	vor.u32 v9, v2;
	_ =	sdelay $0x1  }
0xe0: {  	s26 =	sadd.s32 $0x1, s25  }
0xe1: {  	v4 =	vadd.s32 s26, v33  }
0xe2: {  	v5 =	vand.u32 $0x3F, v4;
	[tilespmem:v7+s24+$0x0] =	vst.idx.msk $0xffff, v3  }
0xe3: {  	v6 =	vor.u32 v37, v5;
	v7 =	vor.u32 v11, v1;
	v3 =	vld.idx.msk [tilespmem:v9+s23+$0x0], $0xffff  }
0xe4: {  	v9 =	vor.u32 v12, v2  }
0xe5: {  	v8 =	vshll.u32 v4, $0x8;
	v4 =	vshll.u32 v4, $0x7  }
0xe6: {  	v8 =	vand.u32 $0x3800, v8;
	v4 =	vand.u32 $0x380, v4  }
0xe7: {  	v4 =	vor.u32 v4, v8  }
0xe8: {  	v8 =	vor.u32 v33, v4;
	v6 =	vld.idx.msk [tilespmem:v6+s23+$0x0], $0xffff;
	[tilespmem:v7+s24+$0x0] =	vst.idx.msk $0xffff, v3  }
0xe9: {  	v10 =	vor.u32 v42, v5;
	v7 =	vor.u32 v13, v1;
	v3 =	vld.idx.msk [tilespmem:v9+s23+$0x0], $0xffff  }
0xea: {  	v9 =	vor.u32 v14, v2;
	_ =	sdelay $0x2  }
0xeb: {  	[tilespmem:v8+s24+$0x0] =	vst.idx.msk $0xffff, v6  }
0xec: {  	v8 =	vor.u32 v41, v4;
	v6 =	vld.idx.msk [tilespmem:v10+s23+$0x0], $0xffff;
	[tilespmem:v7+s24+$0x0] =	vst.idx.msk $0xffff, v3  }
0xed: {  	v10 =	vor.u32 v43, v5;
	v7 =	vor.u32 v15, v1;
	v3 =	vld.idx.msk [tilespmem:v9+s23+$0x0], $0xffff  }
0xee: {  	v9 =	vor.u32 v16, v2;
	_ =	sdelay $0x2  }
0xef: {  	[tilespmem:v8+s24+$0x0] =	vst.idx.msk $0xffff, v6  }
0xf0: {  	v8 =	vor.u32 v44, v4;
	v6 =	vld.idx.msk [tilespmem:v10+s23+$0x0], $0xffff;
	[tilespmem:v7+s24+$0x0] =	vst.idx.msk $0xffff, v3  }
0xf1: {  	v10 =	vor.u32 v45, v5;
	v7 =	vor.u32 v17, v1;
	v3 =	vld.idx.msk [tilespmem:v9+s23+$0x0], $0xffff  }
0xf2: {  	v9 =	vor.u32 v18, v2;
	_ =	sdelay $0x2  }
0xf3: {  	[tilespmem:v8+s24+$0x0] =	vst.idx.msk $0xffff, v6  }
0xf4: {  	v8 =	vor.u32 v46, v4;
	v6 =	vld.idx.msk [tilespmem:v10+s23+$0x0], $0xffff;
	[tilespmem:v7+s24+$0x0] =	vst.idx.msk $0xffff, v3  }
0xf5: {  	v10 =	vor.u32 v47, v5;
	v7 =	vor.u32 v19, v1;
	v3 =	vld.idx.msk [tilespmem:v9+s23+$0x0], $0xffff  }
0xf6: {  	v9 =	vor.u32 v20, v2;
	_ =	sdelay $0x2  }
0xf7: {  	[tilespmem:v8+s24+$0x0] =	vst.idx.msk $0xffff, v6  }
0xf8: {  	v8 =	vor.u32 v48, v4;
	v6 =	vld.idx.msk [tilespmem:v10+s23+$0x0], $0xffff;
	[tilespmem:v7+s24+$0x0] =	vst.idx.msk $0xffff, v3  }
0xf9: {  	v10 =	vor.u32 v49, v5;
	v7 =	vor.u32 v21, v1;
	v3 =	vld.idx.msk [tilespmem:v9+s23+$0x0], $0xffff  }
0xfa: {  	v9 =	vor.u32 v22, v2;
	_ =	sdelay $0x2  }
0xfb: {  	[tilespmem:v8+s24+$0x0] =	vst.idx.msk $0xffff, v6  }
0xfc: {  	v8 =	vor.u32 v50, v4;
	v6 =	vld.idx.msk [tilespmem:v10+s23+$0x0], $0xffff;
	[tilespmem:v7+s24+$0x0] =	vst.idx.msk $0xffff, v3  }
0xfd: {  	v10 =	vor.u32 v51, v5;
	v7 =	vor.u32 v23, v1;
	v3 =	vld.idx.msk [tilespmem:v9+s23+$0x0], $0xffff  }
0xfe: {  	v9 =	vor.u32 v24, v2;
	_ =	sdelay $0x2  }
0xff: {  	[tilespmem:v8+s24+$0x0] =	vst.idx.msk $0xffff, v6  }
0x100: {  	v8 =	vor.u32 v52, v4;
	v6 =	vld.idx.msk [tilespmem:v10+s23+$0x0], $0xffff;
	[tilespmem:v7+s24+$0x0] =	vst.idx.msk $0xffff, v3  }
0x101: {  	v7 =	vor.u32 v25, v1;
	v3 =	vld.idx.msk [tilespmem:v9+s23+$0x0], $0xffff  }
0x102: {  	v10 =	vor.u32 v53, v5;
	_ =	sdelay $0x2  }
0x103: {  	[tilespmem:v8+s24+$0x0] =	vst.idx.msk $0xffff, v6;
	v9 =	vor.u32 v26, v2  }
0x104: {  	[tilespmem:v7+s24+$0x0] =	vst.idx.msk $0xffff, v3;
	v7 =	vor.u32 v0, v1;
	v0 =	vld [tilespmem:$0x1FDF0]  }
0x105: {  	v8 =	vor.u32 v54, v4;
	v6 =	vld.idx.msk [tilespmem:v10+s23+$0x0], $0xffff  }
0x106: {  	v10 =	vor.u32 v55, v5;
	_ =	sdelay $0x1  }
0x107: {  	v3 =	vld.idx.msk [tilespmem:v9+s23+$0x0], $0xffff  }
0x108: {  	v9 =	vor.u32 v0, v2  }
0x109: {  	[tilespmem:v8+s24+$0x0] =	vst.idx.msk $0xffff, v6;
	v0 =	vld [tilespmem:$0x1FE00]  }
0x10a: {  	v8 =	vor.u32 v56, v4;
	v6 =	vld.idx.msk [tilespmem:v10+s23+$0x0], $0xffff  }
0x10b: {  	v10 =	vor.u32 v57, v5  }
0x10c: {  	[tilespmem:v7+s24+$0x0] =	vst.idx.msk $0xffff, v3  }
0x10d: {  	v3 =	vld.idx.msk [tilespmem:v9+s23+$0x0], $0xffff  }
0x10e: {  	v7 =	vor.u32 v27, v1;
	v9 =	vor.u32 v0, v2;
	v0 =	vld [tilespmem:$0x1FE10]  }
0x10f: {  	[tilespmem:v8+s24+$0x0] =	vst.idx.msk $0xffff, v6  }
0x110: {  	v8 =	vor.u32 v58, v4;
	v6 =	vld.idx.msk [tilespmem:v10+s23+$0x0], $0xffff  }
0x111: {  	v10 =	vor.u32 v59, v5;
	_ =	sdelay $0x1  }
0x112: {  	[tilespmem:v7+s24+$0x0] =	vst.idx.msk $0xffff, v3;
	v7 =	vor.u32 v0, v1;
	v0 =	vld [tilespmem:$0x1FE20]  }
0x113: {  	v3 =	vld.idx.msk [tilespmem:v9+s23+$0x0], $0xffff  }
0x114: {  	[tilespmem:v8+s24+$0x0] =	vst.idx.msk $0xffff, v6;
	v9 =	vor.u32 v30, v2  }
0x115: {  	v8 =	vor.u32 v60, v4;
	v6 =	vld.idx.msk [tilespmem:v10+s23+$0x0], $0xffff  }
0x116: {  	v10 =	vor.u32 v61, v5;
	_ =	sdelay $0x1  }
0x117: {  	[tilespmem:v7+s24+$0x0] =	vst.idx.msk $0xffff, v3;
	v7 =	vor.u32 v0, v1;
	v0 =	vld [tilespmem:$0x1FE30]  }
0x118: {  	v3 =	vld.idx.msk [tilespmem:v9+s23+$0x0], $0xffff  }
0x119: {  	[tilespmem:v8+s24+$0x0] =	vst.idx.msk $0xffff, v6  }
0x11a: {  	v8 =	vor.u32 v62, v4;
	v6 =	vld.idx.msk [tilespmem:v10+s23+$0x0], $0xffff  }
0x11b: {  	v32 =	vld [tilespmem:$0x1FE40];
	v10 =	vor.u32 v63, v5  }
0x11c: {  	v35 =	vld [tilespmem:$0x1FE50];
	v12 =	vor.u32 v38, v1  }
0x11d: {  	v14 =	vor.u32 v40, v1;
	[tilespmem:v7+s24+$0x0] =	vst.idx.msk $0xffff, v3;
	v7 =	vor.u32 v0, v1;
	v1 =	vld [tilespmem:$0x1FE70];
	_ =	sdelay $0x1  }
0x11e: {  	[tilespmem:v8+s24+$0x0] =	vst.idx.msk $0xffff, v6;
	v9 =	vor.u32 v34, v2  }
0x11f: {  	v8 =	vor.u32 v32, v4;
	v6 =	vld.idx.msk [tilespmem:v10+s23+$0x0], $0xffff  }
0x120: {  	v10 =	vor.u32 v35, v5;
	v0 =	vld [tilespmem:$0x1FE60]  }
0x121: {  	v15 =	vor.u32 v1, v5;
	v1 =	vld [tilespmem:$0x1FE80];
	_ =	sdelay $0x1  }
0x122: {  	v11 =	vor.u32 v36, v2;
	v13 =	vor.u32 v39, v2;
	v2 =	vld.idx.msk [tilespmem:v9+s23+$0x0], $0xffff  }
0x123: {  	[tilespmem:v8+s24+$0x0] =	vst.idx.msk $0xffff, v6  }
0x124: {  	v6 =	vld.idx.msk [tilespmem:v10+s23+$0x0], $0xffff;
	v9 =	vor.u32 v0, v4  }
0x125: {  	v16 =	vor.u32 v1, v4;
	v1 =	vld [tilespmem:$0x1FE90]  }
0x126: {  	v3 =	vld [tilespmem:$0x1FEA0]  }
0x127: {  	[tilespmem:v7+s24+$0x0] =	vst.idx.msk $0xffff, v2  }
0x128: {  	v7 =	vld.idx.msk [tilespmem:v11+s23+$0x0], $0xffff  }
0x129: {  	s30 =	sadd.s32 $0x2, s25;
	[tilespmem:v9+s24+$0x0] =	vst.idx.msk $0xffff, v6  }
0x12a: {  	v9 =	vld.idx.msk [tilespmem:v15+s23+$0x0], $0xffff;
	v17 =	vor.u32 v1, v5;
	v1 =	vadd.s32 s30, v33  }
0x12b: {  	v18 =	vor.u32 v3, v4;
	v4 =	vshll.u32 v1, $0x8;
	v5 =	vshll.u32 v1, $0x7  }
0x12c: {  	s31 =	sadd.s32 $0x3, s25;
	s28 =	sadd.s32 $0x4, s25;
	v3 =	vand.u32 $0x3F, v1;
	v1 =	vand.u32 $0x3800, v4;
	v4 =	vand.u32 $0x380, v5  }
0x12d: {  	v6 =	vadd.s32 s28, v33;
	[tilespmem:v12+s24+$0x0] =	vst.idx.msk $0xffff, v7;
	v1 =	vor.u32 v4, v1;
	v4 =	vadd.s32 s31, v33  }
0x12e: {  	v8 =	vshll.u32 v6, $0x7;
	v12 =	vld.idx.msk [tilespmem:v13+s23+$0x0], $0xffff;
	s30 =	sadd.s32 $0x6, s25;
	v5 =	vand.u32 $0x3F, v4  }
0x12f: {  	v8 =	vand.u32 $0x380, v8;
	[tilespmem:v16+s24+$0x0] =	vst.idx.msk $0xffff, v9;
	v16 =	vadd.s32 s30, v33;
	v22 =	vor.u32 v37, v5  }
0x130: {  	v19 =	vor.u32 v37, v3;
	v21 =	vor.u32 v42, v3;
	s31 =	sadd.s32 $0x7, s25;
	v20 =	vor.u32 v33, v1  }
0x131: {  	v2 =	vshll.u32 v4, $0x8;
	v4 =	vshll.u32 v4, $0x7;
	v26 =	vadd.s32 s31, v33  }
0x132: {  	v2 =	vand.u32 $0x3800, v2;
	v4 =	vand.u32 $0x380, v4;
	v10 =	vor.u32 v42, v5  }
0x133: {  	s29 =	sadd.s32 $0x5, s25;
	[tilespmem:v14+s24+$0x0] =	vst.idx.msk $0xffff, v12;
	v12 =	vshll.u32 v26, $0x8;
	v2 =	vor.u32 v4, v2;
	v4 =	vshll.u32 v6, $0x8  }
0x134: {  	[tilespmem:$0x1FDE0] =	vst v10;
	v6 =	vand.u32 $0x3F, v6;
	v10 =	vadd.s32 s29, v33;
	v23 =	vor.u32 v33, v2;
	v22 =	vld.idx.msk [tilespmem:v22+s23+$0x0], $0xffff  }
0x135: {  	v12 =	vand.u32 $0x3800, v12;
	v4 =	vand.u32 $0x3800, v4;
	v11 =	vor.u32 v37, v6;
	v19 =	vld.idx.msk [tilespmem:v19+s23+$0x0], $0xffff  }
0x136: {  	v7 =	vshll.u32 v10, $0x8;
	v4 =	vor.u32 v8, v4;
	v8 =	vand.u32 $0x3F, v10  }
0x137: {  	v9 =	vshll.u32 v10, $0x7;
	v10 =	vand.u32 $0x3F, v16;
	v13 =	vor.u32 v37, v8  }
0x138: {  	v17 =	vld.idx.msk [tilespmem:v17+s23+$0x0], $0xffff;
	v27 =	vand.u32 $0x380, v9;
	v9 =	vand.u32 $0x3F, v26;
	v28 =	vor.u32 v37, v10  }
0x139: {  	v25 =	vor.u32 v42, v6;
	v7 =	vand.u32 $0x3800, v7;
	v29 =	vor.u32 v37, v9;
	[tilespmem:v23+s24+$0x0] =	vst.idx.msk $0xffff, v22;
	v23 =	vld [tilespmem:$0x1FDE0]  }
0x13a: {  	v15 =	vlaneseq.u32;
	v24 =	vor.u32 v33, v4;
	v7 =	vor.u32 v27, v7;
	v14 =	vld.idx.msk [tilespmem:v11+s23+$0x0], $0xffff;
	[tilespmem:v20+s24+$0x0] =	vst.idx.msk $0xffff, v19  }
0x13b: {  	v27 =	vshll.u32 v16, $0x8;
	v16 =	vshll.u32 v16, $0x7;
	v31 =	vor.u32 v15, v7;
	v21 =	vld.idx.msk [tilespmem:v21+s23+$0x0], $0xffff  }
0x13c: {  	v27 =	vand.u32 $0x3800, v27;
	v11 =	vand.u32 $0x380, v16;
	v16 =	vshll.u32 v26, $0x7;
	v13 =	vld.idx.msk [tilespmem:v13+s23+$0x0], $0xffff  }
0x13d: {  	v33 =	vlaneseq.u32;
	[tilespmem:v18+s24+$0x0] =	vst.idx.msk $0xffff, v17;
	v11 =	vor.u32 v11, v27;
	v16 =	vand.u32 $0x380, v16;
	v18 =	vld.idx.msk [tilespmem:v28+s23+$0x0], $0xffff  }
0x13e: {  	v17 =	vor.u32 v42, v8;
	v12 =	vor.u32 v16, v12;
	v16 =	vor.u32 v15, v11;
	v20 =	vld.idx.msk [tilespmem:v29+s23+$0x0], $0xffff  }
0x13f: {  	v19 =	vor.u32 v42, v10;
	v29 =	vld [tilespmem:$0x1FE80];
	v26 =	vor.u32 v33, v12  }
0x140: {  	v15 =	vor.u32 v41, v1;
	v28 =	vld [tilespmem:$0x1FEA0];
	v22 =	vor.u32 v42, v9  }
0x141: {  	[tilespmem:v24+s24+$0x0] =	vst.idx.msk $0xffff, v14;
	v14 =	vor.u32 v43, v3;
	v24 =	vor.u32 v41, v2;
	v23 =	vld.idx.msk [tilespmem:v23+s23+$0x0], $0xffff  }
0x142: {  	v27 =	vor.u32 v41, v4;
	v25 =	vld.idx.msk [tilespmem:v25+s23+$0x0], $0xffff;
	[tilespmem:v31+s24+$0x0] =	vst.idx.msk $0xffff, v13;
	v13 =	vor.u32 v43, v5  }
0x143: {  	[tilespmem:v16+s24+$0x0] =	vst.idx.msk $0xffff, v18;
	v16 =	vor.u32 v43, v6;
	v18 =	vor.u32 v41, v7;
	v17 =	vld.idx.msk [tilespmem:v17+s23+$0x0], $0xffff  }
0x144: {  	[tilespmem:v26+s24+$0x0] =	vst.idx.msk $0xffff, v20;
	v20 =	vor.u32 v43, v8;
	v19 =	vld.idx.msk [tilespmem:v19+s23+$0x0], $0xffff;
	v26 =	vor.u32 v41, v11  }
0x145: {  	[tilespmem:v15+s24+$0x0] =	vst.idx.msk $0xffff, v21;
	v15 =	vor.u32 v43, v10;
	v21 =	vld.idx.msk [tilespmem:v22+s23+$0x0], $0xffff;
	v22 =	vor.u32 v41, v12  }
0x146: {  	v14 =	vld.idx.msk [tilespmem:v14+s23+$0x0], $0xffff;
	[tilespmem:v24+s24+$0x0] =	vst.idx.msk $0xffff, v23;
	v23 =	vor.u32 v44, v1;
	v24 =	vor.u32 v43, v9  }
0x147: {  	[tilespmem:v27+s24+$0x0] =	vst.idx.msk $0xffff, v25;
	v25 =	vor.u32 v45, v3;
	v27 =	vor.u32 v44, v2;
	v13 =	vld.idx.msk [tilespmem:v13+s23+$0x0], $0xffff  }
0x148: {  	v16 =	vld.idx.msk [tilespmem:v16+s23+$0x0], $0xffff;
	[tilespmem:v18+s24+$0x0] =	vst.idx.msk $0xffff, v17;
	v17 =	vor.u32 v45, v5;
	v18 =	vor.u32 v44, v4  }
0x149: {  	[tilespmem:v26+s24+$0x0] =	vst.idx.msk $0xffff, v19;
	v19 =	vor.u32 v45, v6;
	v26 =	vor.u32 v44, v7;
	v20 =	vld.idx.msk [tilespmem:v20+s23+$0x0], $0xffff  }
0x14a: {  	[tilespmem:v22+s24+$0x0] =	vst.idx.msk $0xffff, v21;
	v21 =	vor.u32 v45, v8;
	v15 =	vld.idx.msk [tilespmem:v15+s23+$0x0], $0xffff;
	v22 =	vor.u32 v44, v11  }
0x14b: {  	[tilespmem:v23+s24+$0x0] =	vst.idx.msk $0xffff, v14;
	v14 =	vor.u32 v45, v10;
	v23 =	vld.idx.msk [tilespmem:v24+s23+$0x0], $0xffff;
	v24 =	vor.u32 v44, v12  }
0x14c: {  	v25 =	vld.idx.msk [tilespmem:v25+s23+$0x0], $0xffff;
	[tilespmem:v27+s24+$0x0] =	vst.idx.msk $0xffff, v13;
	v13 =	vor.u32 v46, v1;
	v27 =	vor.u32 v45, v9  }
0x14d: {  	[tilespmem:v18+s24+$0x0] =	vst.idx.msk $0xffff, v16;
	v16 =	vor.u32 v47, v3;
	v18 =	vor.u32 v46, v2;
	v17 =	vld.idx.msk [tilespmem:v17+s23+$0x0], $0xffff  }
0x14e: {  	[tilespmem:v26+s24+$0x0] =	vst.idx.msk $0xffff, v20;
	v20 =	vor.u32 v47, v5;
	v19 =	vld.idx.msk [tilespmem:v19+s23+$0x0], $0xffff;
	v26 =	vor.u32 v46, v4  }
0x14f: {  	[tilespmem:v22+s24+$0x0] =	vst.idx.msk $0xffff, v15;
	v15 =	vor.u32 v47, v6;
	v22 =	vor.u32 v46, v7;
	v21 =	vld.idx.msk [tilespmem:v21+s23+$0x0], $0xffff  }
0x150: {  	[tilespmem:v24+s24+$0x0] =	vst.idx.msk $0xffff, v23;
	v23 =	vor.u32 v47, v8;
	v14 =	vld.idx.msk [tilespmem:v14+s23+$0x0], $0xffff;
	v24 =	vor.u32 v46, v11  }
0x151: {  	[tilespmem:v13+s24+$0x0] =	vst.idx.msk $0xffff, v25;
	v13 =	vor.u32 v47, v10;
	v25 =	vld.idx.msk [tilespmem:v27+s23+$0x0], $0xffff;
	v27 =	vor.u32 v46, v12  }
0x152: {  	v16 =	vld.idx.msk [tilespmem:v16+s23+$0x0], $0xffff;
	[tilespmem:v18+s24+$0x0] =	vst.idx.msk $0xffff, v17;
	v17 =	vor.u32 v48, v1;
	v18 =	vor.u32 v47, v9  }
0x153: {  	[tilespmem:v26+s24+$0x0] =	vst.idx.msk $0xffff, v19;
	v19 =	vor.u32 v49, v3;
	v26 =	vor.u32 v48, v2;
	v20 =	vld.idx.msk [tilespmem:v20+s23+$0x0], $0xffff  }
0x154: {  	[tilespmem:v22+s24+$0x0] =	vst.idx.msk $0xffff, v21;
	v21 =	vor.u32 v49, v5;
	v15 =	vld.idx.msk [tilespmem:v15+s23+$0x0], $0xffff;
	v22 =	vor.u32 v48, v4  }
0x155: {  	[tilespmem:v24+s24+$0x0] =	vst.idx.msk $0xffff, v14;
	v14 =	vor.u32 v49, v6;
	v23 =	vld.idx.msk [tilespmem:v23+s23+$0x0], $0xffff;
	v24 =	vor.u32 v48, v7  }
0x156: {  	[tilespmem:v27+s24+$0x0] =	vst.idx.msk $0xffff, v25;
	v25 =	vor.u32 v49, v8;
	v13 =	vld.idx.msk [tilespmem:v13+s23+$0x0], $0xffff;
	v27 =	vor.u32 v48, v11  }
0x157: {  	[tilespmem:v17+s24+$0x0] =	vst.idx.msk $0xffff, v16;
	v16 =	vor.u32 v49, v10;
	v17 =	vld.idx.msk [tilespmem:v18+s23+$0x0], $0xffff;
	v18 =	vor.u32 v48, v12  }
0x158: {  	v19 =	vld.idx.msk [tilespmem:v19+s23+$0x0], $0xffff;
	[tilespmem:v26+s24+$0x0] =	vst.idx.msk $0xffff, v20;
	v20 =	vor.u32 v50, v1;
	v26 =	vor.u32 v49, v9  }
0x159: {  	[tilespmem:v22+s24+$0x0] =	vst.idx.msk $0xffff, v15;
	v15 =	vor.u32 v51, v3;
	v22 =	vor.u32 v50, v2;
	v21 =	vld.idx.msk [tilespmem:v21+s23+$0x0], $0xffff  }
0x15a: {  	[tilespmem:v24+s24+$0x0] =	vst.idx.msk $0xffff, v23;
	v23 =	vor.u32 v51, v5;
	v14 =	vld.idx.msk [tilespmem:v14+s23+$0x0], $0xffff;
	v24 =	vor.u32 v50, v4  }
0x15b: {  	[tilespmem:v27+s24+$0x0] =	vst.idx.msk $0xffff, v13;
	v13 =	vor.u32 v51, v6;
	v25 =	vld.idx.msk [tilespmem:v25+s23+$0x0], $0xffff;
	v27 =	vor.u32 v50, v7  }
0x15c: {  	[tilespmem:v18+s24+$0x0] =	vst.idx.msk $0xffff, v17;
	v17 =	vor.u32 v51, v8;
	v16 =	vld.idx.msk [tilespmem:v16+s23+$0x0], $0xffff;
	v18 =	vor.u32 v50, v11  }
0x15d: {  	[tilespmem:v20+s24+$0x0] =	vst.idx.msk $0xffff, v19;
	v19 =	vor.u32 v51, v10;
	v20 =	vld.idx.msk [tilespmem:v26+s23+$0x0], $0xffff;
	v26 =	vor.u32 v50, v12  }
0x15e: {  	v15 =	vld.idx.msk [tilespmem:v15+s23+$0x0], $0xffff;
	[tilespmem:v22+s24+$0x0] =	vst.idx.msk $0xffff, v21;
	v21 =	vor.u32 v52, v1;
	v22 =	vor.u32 v51, v9  }
0x15f: {  	[tilespmem:v24+s24+$0x0] =	vst.idx.msk $0xffff, v14;
	v14 =	vor.u32 v53, v3;
	v23 =	vld.idx.msk [tilespmem:v23+s23+$0x0], $0xffff;
	v24 =	vor.u32 v52, v2  }
0x160: {  	[tilespmem:v27+s24+$0x0] =	vst.idx.msk $0xffff, v25;
	v25 =	vor.u32 v53, v5;
	v13 =	vld.idx.msk [tilespmem:v13+s23+$0x0], $0xffff;
	v27 =	vor.u32 v52, v4  }
0x161: {  	[tilespmem:v18+s24+$0x0] =	vst.idx.msk $0xffff, v16;
	v16 =	vor.u32 v53, v6;
	v17 =	vld.idx.msk [tilespmem:v17+s23+$0x0], $0xffff;
	v18 =	vor.u32 v52, v7  }
0x162: {  	[tilespmem:v26+s24+$0x0] =	vst.idx.msk $0xffff, v20;
	v20 =	vor.u32 v53, v8;
	v19 =	vld.idx.msk [tilespmem:v19+s23+$0x0], $0xffff;
	v26 =	vor.u32 v52, v11  }
0x163: {  	[tilespmem:v21+s24+$0x0] =	vst.idx.msk $0xffff, v15;
	v15 =	vor.u32 v53, v10;
	v21 =	vld.idx.msk [tilespmem:v22+s23+$0x0], $0xffff;
	v22 =	vor.u32 v52, v12  }
0x164: {  	v14 =	vld.idx.msk [tilespmem:v14+s23+$0x0], $0xffff;
	[tilespmem:v24+s24+$0x0] =	vst.idx.msk $0xffff, v23;
	v23 =	vor.u32 v54, v1;
	v24 =	vor.u32 v53, v9  }
0x165: {  	[tilespmem:v27+s24+$0x0] =	vst.idx.msk $0xffff, v13;
	v13 =	vor.u32 v55, v3;
	v25 =	vld.idx.msk [tilespmem:v25+s23+$0x0], $0xffff;
	v27 =	vor.u32 v54, v2  }
0x166: {  	[tilespmem:v18+s24+$0x0] =	vst.idx.msk $0xffff, v17;
	v17 =	vor.u32 v55, v5;
	v16 =	vld.idx.msk [tilespmem:v16+s23+$0x0], $0xffff;
	v18 =	vor.u32 v54, v4  }
0x167: {  	[tilespmem:v26+s24+$0x0] =	vst.idx.msk $0xffff, v19;
	v19 =	vor.u32 v55, v6;
	v20 =	vld.idx.msk [tilespmem:v20+s23+$0x0], $0xffff;
	v26 =	vor.u32 v54, v7  }
0x168: {  	[tilespmem:v22+s24+$0x0] =	vst.idx.msk $0xffff, v21;
	v21 =	vor.u32 v55, v8;
	v15 =	vld.idx.msk [tilespmem:v15+s23+$0x0], $0xffff;
	v22 =	vor.u32 v54, v11  }
0x169: {  	[tilespmem:v23+s24+$0x0] =	vst.idx.msk $0xffff, v14;
	v14 =	vor.u32 v55, v10;
	v23 =	vld.idx.msk [tilespmem:v24+s23+$0x0], $0xffff;
	v24 =	vor.u32 v54, v12  }
0x16a: {  	v13 =	vld.idx.msk [tilespmem:v13+s23+$0x0], $0xffff;
	[tilespmem:v27+s24+$0x0] =	vst.idx.msk $0xffff, v25;
	v25 =	vor.u32 v56, v1;
	v27 =	vor.u32 v55, v9  }
0x16b: {  	[tilespmem:v18+s24+$0x0] =	vst.idx.msk $0xffff, v16;
	v16 =	vor.u32 v57, v3;
	v17 =	vld.idx.msk [tilespmem:v17+s23+$0x0], $0xffff;
	v18 =	vor.u32 v56, v2  }
0x16c: {  	[tilespmem:v26+s24+$0x0] =	vst.idx.msk $0xffff, v20;
	v20 =	vor.u32 v57, v5;
	v19 =	vld.idx.msk [tilespmem:v19+s23+$0x0], $0xffff;
	v26 =	vor.u32 v56, v4  }
0x16d: {  	[tilespmem:v22+s24+$0x0] =	vst.idx.msk $0xffff, v15;
	v15 =	vor.u32 v57, v6;
	v21 =	vld.idx.msk [tilespmem:v21+s23+$0x0], $0xffff;
	v22 =	vor.u32 v56, v7  }
0x16e: {  	[tilespmem:v24+s24+$0x0] =	vst.idx.msk $0xffff, v23;
	v23 =	vor.u32 v57, v8;
	v14 =	vld.idx.msk [tilespmem:v14+s23+$0x0], $0xffff;
	v24 =	vor.u32 v56, v11  }
0x16f: {  	[tilespmem:v25+s24+$0x0] =	vst.idx.msk $0xffff, v13;
	v13 =	vor.u32 v57, v10;
	v25 =	vld.idx.msk [tilespmem:v27+s23+$0x0], $0xffff;
	v27 =	vor.u32 v56, v12  }
0x170: {  	v16 =	vld.idx.msk [tilespmem:v16+s23+$0x0], $0xffff;
	[tilespmem:v18+s24+$0x0] =	vst.idx.msk $0xffff, v17;
	v17 =	vor.u32 v58, v1;
	v18 =	vor.u32 v57, v9  }
0x171: {  	[tilespmem:v26+s24+$0x0] =	vst.idx.msk $0xffff, v19;
	v19 =	vor.u32 v59, v3;
	v20 =	vld.idx.msk [tilespmem:v20+s23+$0x0], $0xffff;
	v26 =	vor.u32 v58, v2  }
0x172: {  	[tilespmem:v22+s24+$0x0] =	vst.idx.msk $0xffff, v21;
	v21 =	vor.u32 v59, v5;
	v15 =	vld.idx.msk [tilespmem:v15+s23+$0x0], $0xffff;
	v22 =	vor.u32 v58, v4  }
0x173: {  	[tilespmem:v24+s24+$0x0] =	vst.idx.msk $0xffff, v14;
	v14 =	vor.u32 v59, v6;
	v23 =	vld.idx.msk [tilespmem:v23+s23+$0x0], $0xffff;
	v24 =	vor.u32 v58, v7  }
0x174: {  	[tilespmem:v27+s24+$0x0] =	vst.idx.msk $0xffff, v25;
	v25 =	vor.u32 v59, v8;
	v13 =	vld.idx.msk [tilespmem:v13+s23+$0x0], $0xffff;
	v27 =	vor.u32 v58, v11  }
0x175: {  	[tilespmem:v17+s24+$0x0] =	vst.idx.msk $0xffff, v16;
	v16 =	vor.u32 v59, v10;
	v17 =	vld.idx.msk [tilespmem:v18+s23+$0x0], $0xffff;
	v18 =	vor.u32 v58, v12  }
0x176: {  	v19 =	vld.idx.msk [tilespmem:v19+s23+$0x0], $0xffff;
	[tilespmem:v26+s24+$0x0] =	vst.idx.msk $0xffff, v20;
	v20 =	vor.u32 v60, v1;
	v26 =	vor.u32 v59, v9  }
0x177: {  	[tilespmem:v22+s24+$0x0] =	vst.idx.msk $0xffff, v15;
	v15 =	vor.u32 v61, v3;
	v21 =	vld.idx.msk [tilespmem:v21+s23+$0x0], $0xffff;
	v22 =	vor.u32 v60, v2  }
0x178: {  	[tilespmem:v24+s24+$0x0] =	vst.idx.msk $0xffff, v23;
	v23 =	vor.u32 v61, v5;
	v14 =	vld.idx.msk [tilespmem:v14+s23+$0x0], $0xffff;
	v24 =	vor.u32 v60, v4  }
0x179: {  	[tilespmem:v27+s24+$0x0] =	vst.idx.msk $0xffff, v13;
	v13 =	vor.u32 v61, v6;
	v25 =	vld.idx.msk [tilespmem:v25+s23+$0x0], $0xffff;
	v27 =	vor.u32 v60, v7  }
0x17a: {  	[tilespmem:v18+s24+$0x0] =	vst.idx.msk $0xffff, v17;
	v17 =	vor.u32 v61, v8;
	v16 =	vld.idx.msk [tilespmem:v16+s23+$0x0], $0xffff;
	v18 =	vor.u32 v60, v11  }
0x17b: {  	[tilespmem:v20+s24+$0x0] =	vst.idx.msk $0xffff, v19;
	v19 =	vor.u32 v61, v10;
	v20 =	vld.idx.msk [tilespmem:v26+s23+$0x0], $0xffff;
	v26 =	vor.u32 v60, v12  }
0x17c: {  	v15 =	vld.idx.msk [tilespmem:v15+s23+$0x0], $0xffff;
	[tilespmem:v22+s24+$0x0] =	vst.idx.msk $0xffff, v21;
	v21 =	vor.u32 v62, v1;
	v22 =	vor.u32 v61, v9  }
0x17d: {  	[tilespmem:v24+s24+$0x0] =	vst.idx.msk $0xffff, v14;
	v14 =	vor.u32 v63, v3;
	v23 =	vld.idx.msk [tilespmem:v23+s23+$0x0], $0xffff;
	v24 =	vor.u32 v62, v2  }
0x17e: {  	[tilespmem:v27+s24+$0x0] =	vst.idx.msk $0xffff, v25;
	v25 =	vor.u32 v63, v5;
	v13 =	vld.idx.msk [tilespmem:v13+s23+$0x0], $0xffff;
	v27 =	vor.u32 v62, v4  }
0x17f: {  	[tilespmem:v18+s24+$0x0] =	vst.idx.msk $0xffff, v16;
	v16 =	vor.u32 v63, v6;
	v17 =	vld.idx.msk [tilespmem:v17+s23+$0x0], $0xffff;
	v18 =	vor.u32 v62, v7  }
0x180: {  	[tilespmem:v26+s24+$0x0] =	vst.idx.msk $0xffff, v20;
	v20 =	vor.u32 v63, v8;
	v19 =	vld.idx.msk [tilespmem:v19+s23+$0x0], $0xffff;
	v26 =	vor.u32 v62, v11  }
0x181: {  	[tilespmem:v21+s24+$0x0] =	vst.idx.msk $0xffff, v15;
	v15 =	vor.u32 v63, v10;
	v21 =	vld.idx.msk [tilespmem:v22+s23+$0x0], $0xffff;
	v22 =	vor.u32 v62, v12  }
0x182: {  	v14 =	vld.idx.msk [tilespmem:v14+s23+$0x0], $0xffff;
	[tilespmem:v24+s24+$0x0] =	vst.idx.msk $0xffff, v23;
	v23 =	vor.u32 v32, v1;
	v24 =	vor.u32 v63, v9  }
0x183: {  	[tilespmem:v27+s24+$0x0] =	vst.idx.msk $0xffff, v13;
	v25 =	vld.idx.msk [tilespmem:v25+s23+$0x0], $0xffff  }
0x184: {  	[tilespmem:v18+s24+$0x0] =	vst.idx.msk $0xffff, v17;
	v16 =	vld.idx.msk [tilespmem:v16+s23+$0x0], $0xffff  }
0x185: {  	v13 =	vor.u32 v35, v3;
	v27 =	vor.u32 v32, v2;
	[tilespmem:v26+s24+$0x0] =	vst.idx.msk $0xffff, v19;
	v20 =	vld.idx.msk [tilespmem:v20+s23+$0x0], $0xffff  }
0x186: {  	v17 =	vor.u32 v35, v5;
	v18 =	vor.u32 v32, v4;
	[tilespmem:v22+s24+$0x0] =	vst.idx.msk $0xffff, v21;
	v15 =	vld.idx.msk [tilespmem:v15+s23+$0x0], $0xffff  }
0x187: {  	v19 =	vor.u32 v35, v6;
	v26 =	vor.u32 v32, v7;
	[tilespmem:v23+s24+$0x0] =	vst.idx.msk $0xffff, v14;
	v23 =	vld.idx.msk [tilespmem:v24+s23+$0x0], $0xffff  }
0x188: {  	v21 =	vor.u32 v35, v8;
	v22 =	vor.u32 v32, v11;
	v24 =	vor.u32 v32, v12;
	v32 =	vld [tilespmem:$0x1FE70]  }
0x189: {  	v31 =	vld [tilespmem:$0x1FE90];
	v14 =	vor.u32 v35, v10  }
0x18a: {  	v13 =	vld.idx.msk [tilespmem:v13+s23+$0x0], $0xffff;
	[tilespmem:v27+s24+$0x0] =	vst.idx.msk $0xffff, v25;
	v25 =	vor.u32 v0, v1;
	v27 =	vor.u32 v35, v9  }
0x18b: {  	[tilespmem:v18+s24+$0x0] =	vst.idx.msk $0xffff, v16;
	v17 =	vld.idx.msk [tilespmem:v17+s23+$0x0], $0xffff  }
0x18c: {  	[tilespmem:v26+s24+$0x0] =	vst.idx.msk $0xffff, v20;
	v19 =	vld.idx.msk [tilespmem:v19+s23+$0x0], $0xffff;
	v26 =	vor.u32 v0, v4  }
0x18d: {  	v18 =	vor.u32 v0, v2;
	[tilespmem:v22+s24+$0x0] =	vst.idx.msk $0xffff, v15;
	v21 =	vld.idx.msk [tilespmem:v21+s23+$0x0], $0xffff;
	v16 =	vor.u32 v32, v3  }
0x18e: {  	v20 =	vor.u32 v32, v5;
	[tilespmem:v24+s24+$0x0] =	vst.idx.msk $0xffff, v23;
	v14 =	vld.idx.msk [tilespmem:v14+s23+$0x0], $0xffff  }
0x18f: {  	v22 =	vor.u32 v0, v7;
	v15 =	vor.u32 v32, v6;
	[tilespmem:v25+s24+$0x0] =	vst.idx.msk $0xffff, v13;
	v25 =	vld.idx.msk [tilespmem:v27+s23+$0x0], $0xffff  }
0x190: {  	v24 =	vor.u32 v0, v11;
	v27 =	vor.u32 v0, v12;
	v0 =	vld [tilespmem:$0x1FFD0]  }
0x191: {  	v23 =	vor.u32 v32, v8;
	[tilespmem:v26+s24+$0x0] =	vst.idx.msk $0xffff, v19;
	v26 =	vld [tilespmem:$0x1FFF0]  }
0x192: {  	[tilespmem:v18+s24+$0x0] =	vst.idx.msk $0xffff, v17;
	v16 =	vld.idx.msk [tilespmem:v16+s23+$0x0], $0xffff  }
0x193: {  	v19 =	vld.idx.msk [tilespmem:v20+s23+$0x0], $0xffff  }
0x194: {  	v13 =	vor.u32 v32, v10;
	[tilespmem:v22+s24+$0x0] =	vst.idx.msk $0xffff, v21;
	v15 =	vld.idx.msk [tilespmem:v15+s23+$0x0], $0xffff  }
0x195: {  	v17 =	vor.u32 v29, v1;
	v18 =	vor.u32 v32, v9;
	[tilespmem:v24+s24+$0x0] =	vst.idx.msk $0xffff, v14;
	v24 =	vld [tilespmem:$0x1FF90]  }
0x196: {  	v14 =	vld.idx.msk [tilespmem:v23+s23+$0x0], $0xffff  }
0x197: {  	v20 =	vor.u32 v29, v2;
	[tilespmem:v27+s24+$0x0] =	vst.idx.msk $0xffff, v25;
	v27 =	vld [tilespmem:$0x1FFE0]  }
0x198: {  	v25 =	vld [tilespmem:$0x1FFA0]  }
0x199: {  	v21 =	vor.u32 v29, v4;
	v13 =	vld.idx.msk [tilespmem:v13+s23+$0x0], $0xffff  }
0x19a: {  	[tilespmem:v17+s24+$0x0] =	vst.idx.msk $0xffff, v16;
	v16 =	vld.idx.msk [tilespmem:v18+s23+$0x0], $0xffff  }
0x19b: {  	v22 =	vor.u32 v29, v7;
	v18 =	vld [tilespmem:$0x1FF30]  }
0x19c: {  	[tilespmem:v20+s24+$0x0] =	vst.idx.msk $0xffff, v19;
	v20 =	vld [tilespmem:$0x1FF50]  }
0x19d: {  	v3 =	vor.u32 v31, v3;
	v19 =	vld [tilespmem:$0x1FF40]  }
0x19e: {  	v5 =	vor.u32 v31, v5;
	[tilespmem:v21+s24+$0x0] =	vst.idx.msk $0xffff, v15;
	v21 =	vld [tilespmem:$0x1FF60]  }
0x19f: {  	v6 =	vor.u32 v31, v6;
	v15 =	vld [tilespmem:$0x1FF00]  }
0x1a0: {  	v23 =	vor.u32 v29, v11;
	[tilespmem:v22+s24+$0x0] =	vst.idx.msk $0xffff, v14;
	v22 =	vld [tilespmem:$0x1FF70]  }
0x1a1: {  	v14 =	vld [tilespmem:$0x1FEF0]  }
0x1a2: {  	v8 =	vor.u32 v31, v8;
	v3 =	vld.idx.msk [tilespmem:v3+s23+$0x0], $0xffff  }
0x1a3: {  	v10 =	vor.u32 v31, v10;
	v17 =	vor.u32 v29, v12;
	v5 =	vld.idx.msk [tilespmem:v5+s23+$0x0], $0xffff  }
0x1a4: {  	v1 =	vor.u32 v28, v1;
	v9 =	vor.u32 v31, v9;
	v6 =	vld.idx.msk [tilespmem:v6+s23+$0x0], $0xffff  }
0x1a5: {  	v2 =	vor.u32 v28, v2;
	[tilespmem:v23+s24+$0x0] =	vst.idx.msk $0xffff, v13;
	v23 =	vld [tilespmem:$0x1FF80]  }
0x1a6: {  	v4 =	vor.u32 v28, v4;
	v13 =	vld [tilespmem:$0x1FEE0]  }
0x1a7: {  	v7 =	vor.u32 v28, v7;
	v8 =	vld.idx.msk [tilespmem:v8+s23+$0x0], $0xffff  }
0x1a8: {  	v11 =	vor.u32 v28, v11;
	v10 =	vld.idx.msk [tilespmem:v10+s23+$0x0], $0xffff;
	[tilespmem:v17+s24+$0x0] =	vst.idx.msk $0xffff, v16  }
0x1a9: {  	p0 =	slt.u32 s25, $0x38;
	[tilespmem:v1+s24+$0x0] =	vst.idx.msk $0xffff, v3;
	v1 =	vld.idx.msk [tilespmem:v9+s23+$0x0], $0xffff;
	v3 =	vor.u32 v28, v12  }
.Ltmp0:
0x1aa: {  	v17 =	vld [tilespmem:$0x1FF20];
	[tilespmem:v2+s24+$0x0] =	vst.idx.msk $0xffff, v5;
	(pc) =	sbr.rel @p0 .LBB2_3-.Ltmp0, $4  }
0x1ab: {  	v16 =	vld [tilespmem:$0x1FF10];
	[tilespmem:v4+s24+$0x0] =	vst.idx.msk $0xffff, v6  }
0x1ac: {  	v12 =	vld [tilespmem:$0x1FED0];
	[tilespmem:v7+s24+$0x0] =	vst.idx.msk $0xffff, v8  }
0x1ad: {  	v4 =	vld [tilespmem:$0x1FEB0];
	[tilespmem:v11+s24+$0x0] =	vst.idx.msk $0xffff, v10  }
0x1ae: {  	s25 =	sadd.s32 $0x8, s25;
	v11 =	vld [tilespmem:$0x1FEC0];
	[tilespmem:v3+s24+$0x0] =	vst.idx.msk $0xffff, v1  }
0x1af: {  	p0 =	sgt.u32 s19, $0x61  }
0x1b0: {  	s23 =	sshll.u32 @!p0 s22, $0x5;
	s19 =	sshll.u32 @!p0 s19, $0x8  }
0x1b1: {  	s24 =	simm.s32 @!p0 $0x0;
	s19 =	sand.u32 @!p0 $0x100, s19;
	s23 =	sadd.s32 @!p0 s9, s23  }
0x1b2: {  	[tilespmem:s19], [sflag:$0x5] =	stream.linear.gather @!p0 [hbm4b:s23+s24], $0x100, $0x38;
	[tilespmem:$0x10200] =	vst v63  }
0x1b3: {  	s19 =	simm.s32 @!p0 $0x5  }
0x1b4: {  	_ =	swait.ge @!p0 [sflag:s19], $0x100  }
0x1b5: {  	[sflag:s19] =	ssyncset.done @!p0 $0x0  }
0x1b6: {  	s28 =	sshll.u32 s22, $0x8;
	[sflag:s19] =	ssyncadd.s32 @!p0 $0xFFFFFF00;
	p0 =	sne.s32 s20, $0x64  }
.Ltmp1:
0x1b7: {  	s29 =	sshll.u32 s22, $0xB;
	s23 =	sand.u32 $0xF00, s28;
	(pc) =	sbr.rel @p0 .LBB2_2-.Ltmp1, $4  }
0x1b8: {  	s30 =	sand.u32 $0xFFF8000, s29;
	s31 =	sadd.s32 s2, s23  }
0x1b9: {  	s18 =	sadd.s32 $0x3, s18;
	s21 =	sor.u32 $0x8200, s21;
	s19 =	sadd.s32 s30, s31  }
0x1ba: {  	[hbm4b:s19+s13] =	stream.strided.scatter [tilespmem:s21], [sflag:s18], $0x4000, s14, s13, $0x38;
	[tilespmem:$0x10200] =	vst v63  }
0x1bb: {  	s19 =	smov.u32 s20  }
0x1bc: {  	s17 =	sadd.s32 $0x1, s17  }
0x1bd: {  	_ =	swait.ge [sflag:s15], $0x4000;
	p0 =	sne.s32 s17, s8  }
.Ltmp2:
0x1be: {  	[sflag:s15] =	ssyncset.done $0x0;
	(pc) =	sbr.rel @p0 .LBB2_1-.Ltmp2, $4  }
0x1bf: {  	[sflag:s15] =	ssyncadd.s32 $0xFFFFC000  }
0x1c0: {  	_ =	swait.ge [sflag:s16], $0x4000  }
0x1c1: {  	[sflag:s16] =	ssyncset.done $0x0  }
0x1c2: {  	[sflag:s16] =	ssyncadd.s32 $0xFFFFC000  }
0x1c3: {  	_ =	sfence.sel $0x180000  }
0x1c4: {  	[bflag:$0x0] =	sbarrier.arrive $0xFFFF  }
0x1c5: {  	p0 =	sne.s32 s0, $0x0;
	_ =	strace $0x9000004A  }
0x1c6: {  	s0 =	sadd.s32 @!p0 $0x100000, s1;
	[bflag:$0x2] =	sbarrier.arrive $0xFFFF  }
0x1c7: {  	[sflag:s0] =	ssyncadd.tile.s32 @!p0 $0x1;
	_ =	shalt  }
.Lfunc_end2:
_tile_overlayer_lowered:
.L_overlay_start_2:
0x1c8: {  	(tag) =	ssettag $0x2  }
0x1c9: {  	s0 =	rddreg [dreg:$0x0];
	s2 =	stileid.u32  }
0x1ca: {  	s1 =	rddreg [dreg:$0x1];
	p0 =	sne.s32 s2, $0x0  }
0x1cb: {  	s3 =	rddreg [dreg:$0x2];
	[bflag:$0x3] =	sbarrier.arrive $0xFFFF;
	s2 =	simm.s32 @!p0 $0x1C05  }
0x1cc: {  	[timem:s3], [sflag:s2] =	dma.local @!p0 [hbm:s0], s1  }
0x1cd: {  	s0 =	simm.s32 @!p0 $0x5  }
0x1ce: {  	_ =	swait.ge @!p0 [sflag:s0], s1  }
0x1cf: {  	s1 =	ssub.s32 @!p0 $0x0, s1;
	[sflag:s0] =	ssyncset.done @!p0 $0x0  }
0x1d0: {  	[sflag:s0] =	ssyncadd.s32 @!p0 s1  }
0x1d1: {  	[bflag:$0x3] =	sbarrier.arrive $0xFFFF  }
0x1d2: {  	_ =	shalt  }

</sc_bundles>
